<compile_context>
chip_gen: v7x
topology: tpu7x:2x2x1
jax: 0.10.2.dev20260603
libtpu: 0.0.44.dev20260713+nightly
codegen_flags: <defaults>
</compile_context>

<pallas_src>
import jax
import jax.numpy as jnp
from jax import lax
from jax.experimental import pallas as pl
from jax.experimental.pallas import tpu as pltpu
from jax.experimental.pallas import tpu_sc as plsc

_POOL = 1024
_K = 8
_D = 768
_B = 256
_S = 196
_BLK = 16
_GRID = _B // _BLK


_CB = 8
_NCHUNK = _B // _CB
_NBUF = 4


def _stream_body(x_any, pe_ref, xsum_ref, bufs, insems, outsems):
    def in_copy(c, buf):
        return pltpu.make_async_copy(
            x_any.at[pl.ds(c * _CB, _CB)], bufs.at[buf],
            insems.at[buf])

    def out_copy(c, buf):
        return pltpu.make_async_copy(
            bufs.at[buf],
            pe_ref.at[pl.ds(c * _CB, _CB), pl.ds(_K, _S), :],
            outsems.at[buf])

    for b in range(_NBUF - 1):
        in_copy(b, b).start()
    for i in range(_NCHUNK):
        if i + _NBUF - 1 < _NCHUNK:
            if i >= 1:
                out_copy(i - 1, (i - 1) % _NBUF).wait()
            in_copy(i + _NBUF - 1, (i + _NBUF - 1) % _NBUF).start()
        in_copy(i, i % _NBUF).wait()
        xsum_ref[pl.ds(i * _CB, _CB), :] = jnp.sum(bufs[i % _NBUF], axis=1)
        out_copy(i, i % _NBUF).start()
    for c in range(_NCHUNK - _NBUF, _NCHUNK):
        out_copy(c, c % _NBUF).wait()


def _head_body(xsum_ref, p_ref, sim_ref, idx_ref, rs_ref):
    xm = xsum_ref[...] * (1.0 / _S)
    xn = xm * jax.lax.rsqrt(jnp.maximum(
        jnp.sum(xm * xm, axis=1, keepdims=True), 1e-12))
    p = p_ref[...]
    pn = p * jax.lax.rsqrt(jnp.maximum(
        jnp.sum(p * p, axis=1, keepdims=True), 1e-12))
    sim = jax.lax.dot_general(
        xn, pn, (((1,), (1,)), ((), ())),
        preferred_element_type=jnp.float32)
    sim_ref[...] = sim

    iota = jax.lax.broadcasted_iota(jnp.int32, (_B, _POOL), 1)
    w = sim
    cols = []
    vsum = jnp.float32(0.0)
    for _ in range(_K):
        m = jnp.max(w, axis=1, keepdims=True)
        amax = jnp.min(jnp.where(w == m, iota, _POOL), axis=1,
                       keepdims=True)
        cols.append(amax)
        vsum = vsum + jnp.sum(m)
        w = jnp.where(iota == amax, -jnp.inf, w)
    idx_ref[...] = jnp.concatenate(cols, axis=1)
    rs_ref[0, 0] = vsum * (1.0 / _B)


_SC_NC = 2
_SC_BPW = _B // 32


def _sc_gather_body(idx_hbm, p_hbm, pe_hbm, idxbuf, rows, isem, gsem, wsems):
    wid = lax.axis_index("s") * _SC_NC + lax.axis_index("c")
    b0 = wid * _SC_BPW
    nrows = _SC_BPW * _K

    cp = pltpu.make_async_copy(
        idx_hbm.at[pl.ds(wid * nrows, nrows)], idxbuf, isem)
    cp.start()
    cp.wait()

    g = pltpu.make_async_copy(p_hbm.at[idxbuf], rows, gsem)
    g.start()
    g.wait()

    def write_copy(j):
        return pltpu.make_async_copy(
            rows.at[pl.ds(j * _K, _K)],
            pe_hbm.at[b0 + j, pl.ds(0, _K), :], wsems.at[j])

    for j in range(_SC_BPW):
        write_copy(j).start()
    for j in range(_SC_BPW):
        write_copy(j).wait()


def _sc_gather(idx, prompt, pe_ref):
    mesh = plsc.VectorSubcoreMesh(core_axis_name="c", subcore_axis_name="s")
    f = pl.kernel(
        _sc_gather_body,
        out_type=(),
        mesh=mesh,
        scratch_types=[
            pltpu.VMEM((_SC_BPW * _K,), jnp.int32),
            pltpu.VMEM((_SC_BPW * _K, _D), jnp.float32),
            pltpu.SemaphoreType.DMA,
            pltpu.SemaphoreType.DMA,
            pltpu.SemaphoreType.DMA((_SC_BPW,)),
        ],
    )
    f(idx.reshape(-1), prompt, pe_ref)


def kernel(x_embed, prompt):
    pe_partial, xsum = pl.pallas_call(
        _stream_body,
        in_specs=[pl.BlockSpec(memory_space=pl.ANY)],
        out_specs=[
            pl.BlockSpec(memory_space=pl.ANY),
            pl.BlockSpec((_B, _D), lambda: (0, 0)),
        ],
        out_shape=[
            jax.ShapeDtypeStruct((_B, _K + _S, _D), jnp.float32),
            jax.ShapeDtypeStruct((_B, _D), jnp.float32),
        ],
        scratch_shapes=[
            pltpu.VMEM((_NBUF, _CB, _S, _D), jnp.float32),
            pltpu.SemaphoreType.DMA((_NBUF,)),
            pltpu.SemaphoreType.DMA((_NBUF,)),
        ],
    )(x_embed)

    sim, idx, rs = pl.pallas_call(
        _head_body,
        in_specs=[
            pl.BlockSpec((_B, _D), lambda: (0, 0)),
            pl.BlockSpec((_POOL, _D), lambda: (0, 0)),
        ],
        out_specs=[
            pl.BlockSpec((_B, _POOL), lambda: (0, 0)),
            pl.BlockSpec((_B, _K), lambda: (0, 0)),
            pl.BlockSpec(block_shape=(1, 1), index_map=lambda: (0, 0),
                         memory_space=pltpu.SMEM),
        ],
        out_shape=[
            jax.ShapeDtypeStruct((_B, _POOL), jnp.float32),
            jax.ShapeDtypeStruct((_B, _K), jnp.int32),
            jax.ShapeDtypeStruct((1, 1), jnp.float32),
        ],
    )(xsum, prompt)

    pe_ref = jax.new_ref(pe_partial)
    _sc_gather(idx, prompt, pe_ref)
    pe = pe_ref[...]

    return pe, sim, rs.reshape(()), idx

# --- scband reference (transcript-rebuilt; emitter-appended) ---
"""Pipeline reference for scband-prompt-12094627905989 (READ-ONLY COPY).

The authoritative reference and input builder live on the scoring server;
editing this copy changes nothing except your own understanding.
"""

import jax, jax.numpy as jnp
import numpy as np

POOL_SIZE = 1024
TOP_K = 8
EMBED_DIM = 768
BATCH = 256
SEQ = 196


def l2_normalize(x, axis):
    square_sum = jnp.sum(x ** 2, axis=axis, keepdims=True)
    x_inv_norm = jax.lax.rsqrt(jnp.maximum(square_sum, 1e-12))
    return x * x_inv_norm


def setup_inputs(seed: int = 0) -> dict:
    key = jax.random.key(seed)
    k1, k2 = jax.random.split(key)
    x_embed = jax.random.normal(k1, (BATCH, SEQ, EMBED_DIM), dtype=jnp.float32)
    # prompt key parameter: uniform init in [-5, 5] per prompt_key_init='uniform'
    prompt = jax.random.uniform(k2, (POOL_SIZE, EMBED_DIM), minval=-5.0, maxval=5.0, dtype=jnp.float32)
    return {"x_embed": x_embed, "prompt": prompt}


def reference(x_embed, prompt):
    # embedding_key == 'mean'
    x_embed_mean = jnp.mean(x_embed, axis=1)
    prompt_key = prompt
    prompt_norm = l2_normalize(prompt_key, axis=1)
    x_embed_norm = l2_normalize(x_embed_mean, axis=1)
    similarity = jnp.matmul(x_embed_norm, prompt_norm.T)
    # prompt_mask is None, batchwise_prompt False -> plain top-k per example
    _, idx = jax.lax.top_k(similarity, TOP_K)
    batched_prompt_raw = jnp.take(prompt_key, idx, axis=0)  # (B, top_k, D)
    b, k, c = batched_prompt_raw.shape
    # unsqueeze(2) gives length dim = 1, reshape to (B, top_k*1, D)
    batched_prompt = batched_prompt_raw.reshape(b, k * 1, c)
    batched_key_norm = jnp.take(prompt_norm, idx, axis=0)  # (B, top_k, D)
    sim = batched_key_norm * x_embed_norm[:, None, :]
    reduce_sim = jnp.sum(sim) / x_embed.shape[0]
    prompted_embedding = jnp.concatenate([batched_prompt, x_embed], axis=1)
    return prompted_embedding, similarity, reduce_sim, idx

if __name__ == "__main__":
    import jax
    _d = setup_inputs()
    print(jax.jit(kernel)(*tuple(_d.values())))

</pallas_src>

<mosaic_0001>
#map = affine_map<(d0, d1) -> (0)>
#map1 = affine_map<(d0, d1) -> (0, 0)>
#map2 = affine_map<(d0, d1) -> (0, 0, 0)>
module attributes {stable_mosaic.version = 14 : i64} {
  func.func @new_body(%arg0: i32, %arg1: i32, %arg2: memref<2048xi32, #tpu.memory_space<hbm>>, %arg3: memref<1024x768xf32, #tpu.memory_space<hbm>>, %arg4: memref<256x204x768xf32, #tpu.memory_space<hbm>>, %arg5: memref<256x204x768xf32, #tpu.memory_space<hbm>>, %arg6: memref<64xi32, #tpu.memory_space<vmem>>, %arg7: memref<64x768xf32, #tpu.memory_space<vmem>>, %arg8: memref<!tpu.dma_semaphore, #tpu.memory_space<semaphore_mem>>, %arg9: memref<!tpu.dma_semaphore, #tpu.memory_space<semaphore_mem>>, %arg10: memref<8x!tpu.dma_semaphore, #tpu.memory_space<semaphore_mem>>) attributes {dimension_semantics = [#tpu.dimension_semantics<core_parallel>, #tpu.dimension_semantics<subcore_parallel>], iteration_bounds = array<i64: 2, 16>, scalar_prefetch = 0 : i64, scratch_operands = 5 : i64, tpu.core_type = #tpu.core_type<sc_vector_subcore>, window_params = [{transform_indices = #map}, {transform_indices = #map1}, {transform_indices = #map2}, {transform_indices = #map2}]} {
    %mul3A = arith.constant 2 : i32
    %mul3A_0 = arith.muli %arg1, %mul3A : i32
    %add3A = arith.addi %mul3A_0, %arg0 : i32
    %mul3A_1 = arith.constant 8 : i32
    %mul3A_2 = arith.muli %add3A, %mul3A_1 : i32
    %mul3A_3 = arith.constant 64 : i32
    %mul3A_4 = arith.muli %add3A, %mul3A_3 : i32
    %dma_start3A = tpu.memref_slice %arg2[%mul3A_4] : memref<2048xi32, #tpu.memory_space<hbm>> -> memref<64xi32, #tpu.memory_space<hbm>>
    %dma_start3A_5 = tpu.memref_slice %arg2[%mul3A_4] : memref<2048xi32, #tpu.memory_space<hbm>> -> memref<64xi32, #tpu.memory_space<hbm>>
    tpu.enqueue_dma source(%dma_start3A_5 : memref<64xi32, #tpu.memory_space<hbm>>) target(%arg6 : memref<64xi32, #tpu.memory_space<vmem>>) target_semaphore(%arg8 : memref<!tpu.dma_semaphore, #tpu.memory_space<semaphore_mem>>)
    %dma_wait3A = tpu.memref_slice %arg2[%mul3A_4] : memref<2048xi32, #tpu.memory_space<hbm>> -> memref<64xi32, #tpu.memory_space<hbm>>
    %dma_wait3A_6 = tpu.memref_slice %arg2[%mul3A_4] : memref<2048xi32, #tpu.memory_space<hbm>> -> memref<64xi32, #tpu.memory_space<hbm>>
    tpu.wait_dma2 semaphore(%arg8 : memref<!tpu.dma_semaphore, #tpu.memory_space<semaphore_mem>>) src(%dma_wait3A_6 : memref<64xi32, #tpu.memory_space<hbm>>) dst(%arg6 : memref<64xi32, #tpu.memory_space<vmem>>)
    %dma_start3A_7 = arith.constant 0 : i32
    %dma_start3A_8 = arith.constant 0 : i32
    %dma_start3A_9 = tpu.memref_slice %arg3[%dma_start3A_7, %dma_start3A_8] : memref<1024x768xf32, #tpu.memory_space<hbm>> -> memref<1024x768xf32, #tpu.memory_space<hbm>>
    tpu.enqueue_indirect_dma source(%dma_start3A_9 : memref<1024x768xf32, #tpu.memory_space<hbm>>) target(%arg7 : memref<64x768xf32, #tpu.memory_space<vmem>>) offsets(%arg6 : memref<64xi32, #tpu.memory_space<vmem>>) semaphore(%arg9 : memref<!tpu.dma_semaphore, #tpu.memory_space<semaphore_mem>>)
    %dma_wait3A_10 = arith.constant 0 : i32
    %dma_wait3A_11 = arith.constant 0 : i32
    %dma_wait3A_12 = tpu.memref_slice %arg3[%dma_wait3A_10, %dma_wait3A_11] : memref<1024x768xf32, #tpu.memory_space<hbm>> -> memref<1024x768xf32, #tpu.memory_space<hbm>>
    tpu.wait_indirect_dma semaphore(%arg9 : memref<!tpu.dma_semaphore, #tpu.memory_space<semaphore_mem>>) src(%dma_wait3A_12 : memref<1024x768xf32, #tpu.memory_space<hbm>>) dst(%arg7 : memref<64x768xf32, #tpu.memory_space<vmem>>)
    %add3A_13 = arith.constant 0 : i32
    %add3A_14 = arith.addi %mul3A_2, %add3A_13 : i32
    %dma_start3A_15 = arith.constant 0 : i32
    %dma_start3A_16 = arith.constant 0 : i32
    %dma_start3A_17 = arith.constant 0 : i32
    %dma_start3A_18 = tpu.memref_slice %arg7[%dma_start3A_16, %dma_start3A_17] : memref<64x768xf32, #tpu.memory_space<vmem>> -> memref<8x768xf32, #tpu.memory_space<vmem>>
    %dma_start3A_19 = arith.constant 0 : i32
    %dma_start3A_20 = arith.constant 0 : i32
    %dma_start3A_21 = tpu.memref_slice %arg4[%add3A_14, %dma_start3A_19, %dma_start3A_20] : memref<256x204x768xf32, #tpu.memory_space<hbm>> -> memref<1x8x768xf32, #tpu.memory_space<hbm>>
    %dma_start3A_22 = tpu.memref_squeeze %dma_start3A_21 : memref<1x8x768xf32, #tpu.memory_space<hbm>> -> memref<8x768xf32, #tpu.memory_space<hbm>>
    %dma_start3A_23 = tpu.memref_slice %arg10[%dma_start3A_15] : memref<8x!tpu.dma_semaphore, #tpu.memory_space<semaphore_mem>> -> memref<1x!tpu.dma_semaphore, #tpu.memory_space<semaphore_mem>>
    %dma_start3A_24 = tpu.memref_squeeze %dma_start3A_23 : memref<1x!tpu.dma_semaphore, #tpu.memory_space<semaphore_mem>> -> memref<!tpu.dma_semaphore, #tpu.memory_space<semaphore_mem>>
    %dma_start3A_25 = arith.constant 0 : i32
    %dma_start3A_26 = arith.constant 0 : i32
    %dma_start3A_27 = tpu.memref_slice %arg4[%add3A_14, %dma_start3A_25, %dma_start3A_26] : memref<256x204x768xf32, #tpu.memory_space<hbm>> -> memref<1x8x768xf32, #tpu.memory_space<hbm>>
    %dma_start3A_28 = tpu.memref_squeeze %dma_start3A_27 : memref<1x8x768xf32, #tpu.memory_space<hbm>> -> memref<8x768xf32, #tpu.memory_space<hbm>>
    %dma_start3A_29 = arith.constant 0 : i32
    %dma_start3A_30 = arith.constant 0 : i32
    %dma_start3A_31 = tpu.memref_slice %arg7[%dma_start3A_29, %dma_start3A_30] : memref<64x768xf32, #tpu.memory_space<vmem>> -> memref<8x768xf32, #tpu.memory_space<vmem>>
    tpu.enqueue_dma source(%dma_start3A_31 : memref<8x768xf32, #tpu.memory_space<vmem>>) target(%dma_start3A_28 : memref<8x768xf32, #tpu.memory_space<hbm>>) target_semaphore(%dma_start3A_24 : memref<!tpu.dma_semaphore, #tpu.memory_space<semaphore_mem>>)
    %add3A_32 = arith.constant 1 : i32
    %add3A_33 = arith.addi %mul3A_2, %add3A_32 : i32
    %dma_start3A_34 = arith.constant 1 : i32
    %dma_start3A_35 = arith.constant 8 : i32
    %dma_start3A_36 = arith.constant 0 : i32
    %dma_start3A_37 = tpu.memref_slice %arg7[%dma_start3A_35, %dma_start3A_36] : memref<64x768xf32, #tpu.memory_space<vmem>> -> memref<8x768xf32, #tpu.memory_space<vmem>>
    %dma_start3A_38 = arith.constant 0 : i32
    %dma_start3A_39 = arith.constant 0 : i32
    %dma_start3A_40 = tpu.memref_slice %arg4[%add3A_33, %dma_start3A_38, %dma_start3A_39] : memref<256x204x768xf32, #tpu.memory_space<hbm>> -> memref<1x8x768xf32, #tpu.memory_space<hbm>>
    %dma_start3A_41 = tpu.memref_squeeze %dma_start3A_40 : memref<1x8x768xf32, #tpu.memory_space<hbm>> -> memref<8x768xf32, #tpu.memory_space<hbm>>
    %dma_start3A_42 = tpu.memref_slice %arg10[%dma_start3A_34] : memref<8x!tpu.dma_semaphore, #tpu.memory_space<semaphore_mem>> -> memref<1x!tpu.dma_semaphore, #tpu.memory_space<semaphore_mem>>
    %dma_start3A_43 = tpu.memref_squeeze %dma_start3A_42 : memref<1x!tpu.dma_semaphore, #tpu.memory_space<semaphore_mem>> -> memref<!tpu.dma_semaphore, #tpu.memory_space<semaphore_mem>>
    %dma_start3A_44 = arith.constant 0 : i32
    %dma_start3A_45 = arith.constant 0 : i32
    %dma_start3A_46 = tpu.memref_slice %arg4[%add3A_33, %dma_start3A_44, %dma_start3A_45] : memref<256x204x768xf32, #tpu.memory_space<hbm>> -> memref<1x8x768xf32, #tpu.memory_space<hbm>>
    %dma_start3A_47 = tpu.memref_squeeze %dma_start3A_46 : memref<1x8x768xf32, #tpu.memory_space<hbm>> -> memref<8x768xf32, #tpu.memory_space<hbm>>
    %dma_start3A_48 = arith.constant 8 : i32
    %dma_start3A_49 = arith.constant 0 : i32
    %dma_start3A_50 = tpu.memref_slice %arg7[%dma_start3A_48, %dma_start3A_49] : memref<64x768xf32, #tpu.memory_space<vmem>> -> memref<8x768xf32, #tpu.memory_space<vmem>>
    tpu.enqueue_dma source(%dma_start3A_50 : memref<8x768xf32, #tpu.memory_space<vmem>>) target(%dma_start3A_47 : memref<8x768xf32, #tpu.memory_space<hbm>>) target_semaphore(%dma_start3A_43 : memref<!tpu.dma_semaphore, #tpu.memory_space<semaphore_mem>>)
    %add3A_51 = arith.constant 2 : i32
    %add3A_52 = arith.addi %mul3A_2, %add3A_51 : i32
    %dma_start3A_53 = arith.constant 2 : i32
    %dma_start3A_54 = arith.constant 16 : i32
    %dma_start3A_55 = arith.constant 0 : i32
    %dma_start3A_56 = tpu.memref_slice %arg7[%dma_start3A_54, %dma_start3A_55] : memref<64x768xf32, #tpu.memory_space<vmem>> -> memref<8x768xf32, #tpu.memory_space<vmem>>
    %dma_start3A_57 = arith.constant 0 : i32
    %dma_start3A_58 = arith.constant 0 : i32
    %dma_start3A_59 = tpu.memref_slice %arg4[%add3A_52, %dma_start3A_57, %dma_start3A_58] : memref<256x204x768xf32, #tpu.memory_space<hbm>> -> memref<1x8x768xf32, #tpu.memory_space<hbm>>
    %dma_start3A_60 = tpu.memref_squeeze %dma_start3A_59 : memref<1x8x768xf32, #tpu.memory_space<hbm>> -> memref<8x768xf32, #tpu.memory_space<hbm>>
    %dma_start3A_61 = tpu.memref_slice %arg10[%dma_start3A_53] : memref<8x!tpu.dma_semaphore, #tpu.memory_space<semaphore_mem>> -> memref<1x!tpu.dma_semaphore, #tpu.memory_space<semaphore_mem>>
    %dma_start3A_62 = tpu.memref_squeeze %dma_start3A_61 : memref<1x!tpu.dma_semaphore, #tpu.memory_space<semaphore_mem>> -> memref<!tpu.dma_semaphore, #tpu.memory_space<semaphore_mem>>
    %dma_start3A_63 = arith.constant 0 : i32
    %dma_start3A_64 = arith.constant 0 : i32
    %dma_start3A_65 = tpu.memref_slice %arg4[%add3A_52, %dma_start3A_63, %dma_start3A_64] : memref<256x204x768xf32, #tpu.memory_space<hbm>> -> memref<1x8x768xf32, #tpu.memory_space<hbm>>
    %dma_start3A_66 = tpu.memref_squeeze %dma_start3A_65 : memref<1x8x768xf32, #tpu.memory_space<hbm>> -> memref<8x768xf32, #tpu.memory_space<hbm>>
    %dma_start3A_67 = arith.constant 16 : i32
    %dma_start3A_68 = arith.constant 0 : i32
    %dma_start3A_69 = tpu.memref_slice %arg7[%dma_start3A_67, %dma_start3A_68] : memref<64x768xf32, #tpu.memory_space<vmem>> -> memref<8x768xf32, #tpu.memory_space<vmem>>
    tpu.enqueue_dma source(%dma_start3A_69 : memref<8x768xf32, #tpu.memory_space<vmem>>) target(%dma_start3A_66 : memref<8x768xf32, #tpu.memory_space<hbm>>) target_semaphore(%dma_start3A_62 : memref<!tpu.dma_semaphore, #tpu.memory_space<semaphore_mem>>)
    %add3A_70 = arith.constant 3 : i32
    %add3A_71 = arith.addi %mul3A_2, %add3A_70 : i32
    %dma_start3A_72 = arith.constant 3 : i32
    %dma_start3A_73 = arith.constant 24 : i32
    %dma_start3A_74 = arith.constant 0 : i32
    %dma_start3A_75 = tpu.memref_slice %arg7[%dma_start3A_73, %dma_start3A_74] : memref<64x768xf32, #tpu.memory_space<vmem>> -> memref<8x768xf32, #tpu.memory_space<vmem>>
    %dma_start3A_76 = arith.constant 0 : i32
    %dma_start3A_77 = arith.constant 0 : i32
    %dma_start3A_78 = tpu.memref_slice %arg4[%add3A_71, %dma_start3A_76, %dma_start3A_77] : memref<256x204x768xf32, #tpu.memory_space<hbm>> -> memref<1x8x768xf32, #tpu.memory_space<hbm>>
    %dma_start3A_79 = tpu.memref_squeeze %dma_start3A_78 : memref<1x8x768xf32, #tpu.memory_space<hbm>> -> memref<8x768xf32, #tpu.memory_space<hbm>>
    %dma_start3A_80 = tpu.memref_slice %arg10[%dma_start3A_72] : memref<8x!tpu.dma_semaphore, #tpu.memory_space<semaphore_mem>> -> memref<1x!tpu.dma_semaphore, #tpu.memory_space<semaphore_mem>>
    %dma_start3A_81 = tpu.memref_squeeze %dma_start3A_80 : memref<1x!tpu.dma_semaphore, #tpu.memory_space<semaphore_mem>> -> memref<!tpu.dma_semaphore, #tpu.memory_space<semaphore_mem>>
    %dma_start3A_82 = arith.constant 0 : i32
    %dma_start3A_83 = arith.constant 0 : i32
    %dma_start3A_84 = tpu.memref_slice %arg4[%add3A_71, %dma_start3A_82, %dma_start3A_83] : memref<256x204x768xf32, #tpu.memory_space<hbm>> -> memref<1x8x768xf32, #tpu.memory_space<hbm>>
    %dma_start3A_85 = tpu.memref_squeeze %dma_start3A_84 : memref<1x8x768xf32, #tpu.memory_space<hbm>> -> memref<8x768xf32, #tpu.memory_space<hbm>>
    %dma_start3A_86 = arith.constant 24 : i32
    %dma_start3A_87 = arith.constant 0 : i32
    %dma_start3A_88 = tpu.memref_slice %arg7[%dma_start3A_86, %dma_start3A_87] : memref<64x768xf32, #tpu.memory_space<vmem>> -> memref<8x768xf32, #tpu.memory_space<vmem>>
    tpu.enqueue_dma source(%dma_start3A_88 : memref<8x768xf32, #tpu.memory_space<vmem>>) target(%dma_start3A_85 : memref<8x768xf32, #tpu.memory_space<hbm>>) target_semaphore(%dma_start3A_81 : memref<!tpu.dma_semaphore, #tpu.memory_space<semaphore_mem>>)
    %add3A_89 = arith.constant 4 : i32
    %add3A_90 = arith.addi %mul3A_2, %add3A_89 : i32
    %dma_start3A_91 = arith.constant 4 : i32
    %dma_start3A_92 = arith.constant 32 : i32
    %dma_start3A_93 = arith.constant 0 : i32
    %dma_start3A_94 = tpu.memref_slice %arg7[%dma_start3A_92, %dma_start3A_93] : memref<64x768xf32, #tpu.memory_space<vmem>> -> memref<8x768xf32, #tpu.memory_space<vmem>>
    %dma_start3A_95 = arith.constant 0 : i32
    %dma_start3A_96 = arith.constant 0 : i32
    %dma_start3A_97 = tpu.memref_slice %arg4[%add3A_90, %dma_start3A_95, %dma_start3A_96] : memref<256x204x768xf32, #tpu.memory_space<hbm>> -> memref<1x8x768xf32, #tpu.memory_space<hbm>>
    %dma_start3A_98 = tpu.memref_squeeze %dma_start3A_97 : memref<1x8x768xf32, #tpu.memory_space<hbm>> -> memref<8x768xf32, #tpu.memory_space<hbm>>
    %dma_start3A_99 = tpu.memref_slice %arg10[%dma_start3A_91] : memref<8x!tpu.dma_semaphore, #tpu.memory_space<semaphore_mem>> -> memref<1x!tpu.dma_semaphore, #tpu.memory_space<semaphore_mem>>
    %dma_start3A_100 = tpu.memref_squeeze %dma_start3A_99 : memref<1x!tpu.dma_semaphore, #tpu.memory_space<semaphore_mem>> -> memref<!tpu.dma_semaphore, #tpu.memory_space<semaphore_mem>>
    %dma_start3A_101 = arith.constant 0 : i32
    %dma_start3A_102 = arith.constant 0 : i32
    %dma_start3A_103 = tpu.memref_slice %arg4[%add3A_90, %dma_start3A_101, %dma_start3A_102] : memref<256x204x768xf32, #tpu.memory_space<hbm>> -> memref<1x8x768xf32, #tpu.memory_space<hbm>>
    %dma_start3A_104 = tpu.memref_squeeze %dma_start3A_103 : memref<1x8x768xf32, #tpu.memory_space<hbm>> -> memref<8x768xf32, #tpu.memory_space<hbm>>
    %dma_start3A_105 = arith.constant 32 : i32
    %dma_start3A_106 = arith.constant 0 : i32
    %dma_start3A_107 = tpu.memref_slice %arg7[%dma_start3A_105, %dma_start3A_106] : memref<64x768xf32, #tpu.memory_space<vmem>> -> memref<8x768xf32, #tpu.memory_space<vmem>>
    tpu.enqueue_dma source(%dma_start3A_107 : memref<8x768xf32, #tpu.memory_space<vmem>>) target(%dma_start3A_104 : memref<8x768xf32, #tpu.memory_space<hbm>>) target_semaphore(%dma_start3A_100 : memref<!tpu.dma_semaphore, #tpu.memory_space<semaphore_mem>>)
    %add3A_108 = arith.constant 5 : i32
    %add3A_109 = arith.addi %mul3A_2, %add3A_108 : i32
    %dma_start3A_110 = arith.constant 5 : i32
    %dma_start3A_111 = arith.constant 40 : i32
    %dma_start3A_112 = arith.constant 0 : i32
    %dma_start3A_113 = tpu.memref_slice %arg7[%dma_start3A_111, %dma_start3A_112] : memref<64x768xf32, #tpu.memory_space<vmem>> -> memref<8x768xf32, #tpu.memory_space<vmem>>
    %dma_start3A_114 = arith.constant 0 : i32
    %dma_start3A_115 = arith.constant 0 : i32
    %dma_start3A_116 = tpu.memref_slice %arg4[%add3A_109, %dma_start3A_114, %dma_start3A_115] : memref<256x204x768xf32, #tpu.memory_space<hbm>> -> memref<1x8x768xf32, #tpu.memory_space<hbm>>
    %dma_start3A_117 = tpu.memref_squeeze %dma_start3A_116 : memref<1x8x768xf32, #tpu.memory_space<hbm>> -> memref<8x768xf32, #tpu.memory_space<hbm>>
    %dma_start3A_118 = tpu.memref_slice %arg10[%dma_start3A_110] : memref<8x!tpu.dma_semaphore, #tpu.memory_space<semaphore_mem>> -> memref<1x!tpu.dma_semaphore, #tpu.memory_space<semaphore_mem>>
    %dma_start3A_119 = tpu.memref_squeeze %dma_start3A_118 : memref<1x!tpu.dma_semaphore, #tpu.memory_space<semaphore_mem>> -> memref<!tpu.dma_semaphore, #tpu.memory_space<semaphore_mem>>
    %dma_start3A_120 = arith.constant 0 : i32
    %dma_start3A_121 = arith.constant 0 : i32
    %dma_start3A_122 = tpu.memref_slice %arg4[%add3A_109, %dma_start3A_120, %dma_start3A_121] : memref<256x204x768xf32, #tpu.memory_space<hbm>> -> memref<1x8x768xf32, #tpu.memory_space<hbm>>
    %dma_start3A_123 = tpu.memref_squeeze %dma_start3A_122 : memref<1x8x768xf32, #tpu.memory_space<hbm>> -> memref<8x768xf32, #tpu.memory_space<hbm>>
    %dma_start3A_124 = arith.constant 40 : i32
    %dma_start3A_125 = arith.constant 0 : i32
    %dma_start3A_126 = tpu.memref_slice %arg7[%dma_start3A_124, %dma_start3A_125] : memref<64x768xf32, #tpu.memory_space<vmem>> -> memref<8x768xf32, #tpu.memory_space<vmem>>
    tpu.enqueue_dma source(%dma_start3A_126 : memref<8x768xf32, #tpu.memory_space<vmem>>) target(%dma_start3A_123 : memref<8x768xf32, #tpu.memory_space<hbm>>) target_semaphore(%dma_start3A_119 : memref<!tpu.dma_semaphore, #tpu.memory_space<semaphore_mem>>)
    %add3A_127 = arith.constant 6 : i32
    %add3A_128 = arith.addi %mul3A_2, %add3A_127 : i32
    %dma_start3A_129 = arith.constant 6 : i32
    %dma_start3A_130 = arith.constant 48 : i32
    %dma_start3A_131 = arith.constant 0 : i32
    %dma_start3A_132 = tpu.memref_slice %arg7[%dma_start3A_130, %dma_start3A_131] : memref<64x768xf32, #tpu.memory_space<vmem>> -> memref<8x768xf32, #tpu.memory_space<vmem>>
    %dma_start3A_133 = arith.constant 0 : i32
    %dma_start3A_134 = arith.constant 0 : i32
    %dma_start3A_135 = tpu.memref_slice %arg4[%add3A_128, %dma_start3A_133, %dma_start3A_134] : memref<256x204x768xf32, #tpu.memory_space<hbm>> -> memref<1x8x768xf32, #tpu.memory_space<hbm>>
    %dma_start3A_136 = tpu.memref_squeeze %dma_start3A_135 : memref<1x8x768xf32, #tpu.memory_space<hbm>> -> memref<8x768xf32, #tpu.memory_space<hbm>>
    %dma_start3A_137 = tpu.memref_slice %arg10[%dma_start3A_129] : memref<8x!tpu.dma_semaphore, #tpu.memory_space<semaphore_mem>> -> memref<1x!tpu.dma_semaphore, #tpu.memory_space<semaphore_mem>>
    %dma_start3A_138 = tpu.memref_squeeze %dma_start3A_137 : memref<1x!tpu.dma_semaphore, #tpu.memory_space<semaphore_mem>> -> memref<!tpu.dma_semaphore, #tpu.memory_space<semaphore_mem>>
    %dma_start3A_139 = arith.constant 0 : i32
    %dma_start3A_140 = arith.constant 0 : i32
    %dma_start3A_141 = tpu.memref_slice %arg4[%add3A_128, %dma_start3A_139, %dma_start3A_140] : memref<256x204x768xf32, #tpu.memory_space<hbm>> -> memref<1x8x768xf32, #tpu.memory_space<hbm>>
    %dma_start3A_142 = tpu.memref_squeeze %dma_start3A_141 : memref<1x8x768xf32, #tpu.memory_space<hbm>> -> memref<8x768xf32, #tpu.memory_space<hbm>>
    %dma_start3A_143 = arith.constant 48 : i32
    %dma_start3A_144 = arith.constant 0 : i32
    %dma_start3A_145 = tpu.memref_slice %arg7[%dma_start3A_143, %dma_start3A_144] : memref<64x768xf32, #tpu.memory_space<vmem>> -> memref<8x768xf32, #tpu.memory_space<vmem>>
    tpu.enqueue_dma source(%dma_start3A_145 : memref<8x768xf32, #tpu.memory_space<vmem>>) target(%dma_start3A_142 : memref<8x768xf32, #tpu.memory_space<hbm>>) target_semaphore(%dma_start3A_138 : memref<!tpu.dma_semaphore, #tpu.memory_space<semaphore_mem>>)
    %add3A_146 = arith.constant 7 : i32
    %add3A_147 = arith.addi %mul3A_2, %add3A_146 : i32
    %dma_start3A_148 = arith.constant 7 : i32
    %dma_start3A_149 = arith.constant 56 : i32
    %dma_start3A_150 = arith.constant 0 : i32
    %dma_start3A_151 = tpu.memref_slice %arg7[%dma_start3A_149, %dma_start3A_150] : memref<64x768xf32, #tpu.memory_space<vmem>> -> memref<8x768xf32, #tpu.memory_space<vmem>>
    %dma_start3A_152 = arith.constant 0 : i32
    %dma_start3A_153 = arith.constant 0 : i32
    %dma_start3A_154 = tpu.memref_slice %arg4[%add3A_147, %dma_start3A_152, %dma_start3A_153] : memref<256x204x768xf32, #tpu.memory_space<hbm>> -> memref<1x8x768xf32, #tpu.memory_space<hbm>>
    %dma_start3A_155 = tpu.memref_squeeze %dma_start3A_154 : memref<1x8x768xf32, #tpu.memory_space<hbm>> -> memref<8x768xf32, #tpu.memory_space<hbm>>
    %dma_start3A_156 = tpu.memref_slice %arg10[%dma_start3A_148] : memref<8x!tpu.dma_semaphore, #tpu.memory_space<semaphore_mem>> -> memref<1x!tpu.dma_semaphore, #tpu.memory_space<semaphore_mem>>
    %dma_start3A_157 = tpu.memref_squeeze %dma_start3A_156 : memref<1x!tpu.dma_semaphore, #tpu.memory_space<semaphore_mem>> -> memref<!tpu.dma_semaphore, #tpu.memory_space<semaphore_mem>>
    %dma_start3A_158 = arith.constant 0 : i32
    %dma_start3A_159 = arith.constant 0 : i32
    %dma_start3A_160 = tpu.memref_slice %arg4[%add3A_147, %dma_start3A_158, %dma_start3A_159] : memref<256x204x768xf32, #tpu.memory_space<hbm>> -> memref<1x8x768xf32, #tpu.memory_space<hbm>>
    %dma_start3A_161 = tpu.memref_squeeze %dma_start3A_160 : memref<1x8x768xf32, #tpu.memory_space<hbm>> -> memref<8x768xf32, #tpu.memory_space<hbm>>
    %dma_start3A_162 = arith.constant 56 : i32
    %dma_start3A_163 = arith.constant 0 : i32
    %dma_start3A_164 = tpu.memref_slice %arg7[%dma_start3A_162, %dma_start3A_163] : memref<64x768xf32, #tpu.memory_space<vmem>> -> memref<8x768xf32, #tpu.memory_space<vmem>>
    tpu.enqueue_dma source(%dma_start3A_164 : memref<8x768xf32, #tpu.memory_space<vmem>>) target(%dma_start3A_161 : memref<8x768xf32, #tpu.memory_space<hbm>>) target_semaphore(%dma_start3A_157 : memref<!tpu.dma_semaphore, #tpu.memory_space<semaphore_mem>>)
    %add3A_165 = arith.constant 0 : i32
    %add3A_166 = arith.addi %mul3A_2, %add3A_165 : i32
    %dma_wait3A_167 = arith.constant 0 : i32
    %dma_wait3A_168 = arith.constant 0 : i32
    %dma_wait3A_169 = arith.constant 0 : i32
    %dma_wait3A_170 = tpu.memref_slice %arg7[%dma_wait3A_168, %dma_wait3A_169] : memref<64x768xf32, #tpu.memory_space<vmem>> -> memref<8x768xf32, #tpu.memory_space<vmem>>
    %dma_wait3A_171 = arith.constant 0 : i32
    %dma_wait3A_172 = arith.constant 0 : i32
    %dma_wait3A_173 = tpu.memref_slice %arg4[%add3A_166, %dma_wait3A_171, %dma_wait3A_172] : memref<256x204x768xf32, #tpu.memory_space<hbm>> -> memref<1x8x768xf32, #tpu.memory_space<hbm>>
    %dma_wait3A_174 = tpu.memref_squeeze %dma_wait3A_173 : memref<1x8x768xf32, #tpu.memory_space<hbm>> -> memref<8x768xf32, #tpu.memory_space<hbm>>
    %dma_wait3A_175 = tpu.memref_slice %arg10[%dma_wait3A_167] : memref<8x!tpu.dma_semaphore, #tpu.memory_space<semaphore_mem>> -> memref<1x!tpu.dma_semaphore, #tpu.memory_space<semaphore_mem>>
    %dma_wait3A_176 = tpu.memref_squeeze %dma_wait3A_175 : memref<1x!tpu.dma_semaphore, #tpu.memory_space<semaphore_mem>> -> memref<!tpu.dma_semaphore, #tpu.memory_space<semaphore_mem>>
    %dma_wait3A_177 = arith.constant 0 : i32
    %dma_wait3A_178 = arith.constant 0 : i32
    %dma_wait3A_179 = tpu.memref_slice %arg4[%add3A_166, %dma_wait3A_177, %dma_wait3A_178] : memref<256x204x768xf32, #tpu.memory_space<hbm>> -> memref<1x8x768xf32, #tpu.memory_space<hbm>>
    %dma_wait3A_180 = tpu.memref_squeeze %dma_wait3A_179 : memref<1x8x768xf32, #tpu.memory_space<hbm>> -> memref<8x768xf32, #tpu.memory_space<hbm>>
    %dma_wait3A_181 = arith.constant 0 : i32
    %dma_wait3A_182 = arith.constant 0 : i32
    %dma_wait3A_183 = tpu.memref_slice %arg7[%dma_wait3A_181, %dma_wait3A_182] : memref<64x768xf32, #tpu.memory_space<vmem>> -> memref<8x768xf32, #tpu.memory_space<vmem>>
    tpu.wait_dma2 semaphore(%dma_wait3A_176 : memref<!tpu.dma_semaphore, #tpu.memory_space<semaphore_mem>>) src(%dma_wait3A_183 : memref<8x768xf32, #tpu.memory_space<vmem>>) dst(%dma_wait3A_180 : memref<8x768xf32, #tpu.memory_space<hbm>>)
    %add3A_184 = arith.constant 1 : i32
    %add3A_185 = arith.addi %mul3A_2, %add3A_184 : i32
    %dma_wait3A_186 = arith.constant 1 : i32
    %dma_wait3A_187 = arith.constant 8 : i32
    %dma_wait3A_188 = arith.constant 0 : i32
    %dma_wait3A_189 = tpu.memref_slice %arg7[%dma_wait3A_187, %dma_wait3A_188] : memref<64x768xf32, #tpu.memory_space<vmem>> -> memref<8x768xf32, #tpu.memory_space<vmem>>
    %dma_wait3A_190 = arith.constant 0 : i32
    %dma_wait3A_191 = arith.constant 0 : i32
    %dma_wait3A_192 = tpu.memref_slice %arg4[%add3A_185, %dma_wait3A_190, %dma_wait3A_191] : memref<256x204x768xf32, #tpu.memory_space<hbm>> -> memref<1x8x768xf32, #tpu.memory_space<hbm>>
    %dma_wait3A_193 = tpu.memref_squeeze %dma_wait3A_192 : memref<1x8x768xf32, #tpu.memory_space<hbm>> -> memref<8x768xf32, #tpu.memory_space<hbm>>
    %dma_wait3A_194 = tpu.memref_slice %arg10[%dma_wait3A_186] : memref<8x!tpu.dma_semaphore, #tpu.memory_space<semaphore_mem>> -> memref<1x!tpu.dma_semaphore, #tpu.memory_space<semaphore_mem>>
    %dma_wait3A_195 = tpu.memref_squeeze %dma_wait3A_194 : memref<1x!tpu.dma_semaphore, #tpu.memory_space<semaphore_mem>> -> memref<!tpu.dma_semaphore, #tpu.memory_space<semaphore_mem>>
    %dma_wait3A_196 = arith.constant 0 : i32
    %dma_wait3A_197 = arith.constant 0 : i32
    %dma_wait3A_198 = tpu.memref_slice %arg4[%add3A_185, %dma_wait3A_196, %dma_wait3A_197] : memref<256x204x768xf32, #tpu.memory_space<hbm>> -> memref<1x8x768xf32, #tpu.memory_space<hbm>>
    %dma_wait3A_199 = tpu.memref_squeeze %dma_wait3A_198 : memref<1x8x768xf32, #tpu.memory_space<hbm>> -> memref<8x768xf32, #tpu.memory_space<hbm>>
    %dma_wait3A_200 = arith.constant 8 : i32
    %dma_wait3A_201 = arith.constant 0 : i32
    %dma_wait3A_202 = tpu.memref_slice %arg7[%dma_wait3A_200, %dma_wait3A_201] : memref<64x768xf32, #tpu.memory_space<vmem>> -> memref<8x768xf32, #tpu.memory_space<vmem>>
    tpu.wait_dma2 semaphore(%dma_wait3A_195 : memref<!tpu.dma_semaphore, #tpu.memory_space<semaphore_mem>>) src(%dma_wait3A_202 : memref<8x768xf32, #tpu.memory_space<vmem>>) dst(%dma_wait3A_199 : memref<8x768xf32, #tpu.memory_space<hbm>>)
    %add3A_203 = arith.constant 2 : i32
    %add3A_204 = arith.addi %mul3A_2, %add3A_203 : i32
    %dma_wait3A_205 = arith.constant 2 : i32
    %dma_wait3A_206 = arith.constant 16 : i32
    %dma_wait3A_207 = arith.constant 0 : i32
    %dma_wait3A_208 = tpu.memref_slice %arg7[%dma_wait3A_206, %dma_wait3A_207] : memref<64x768xf32, #tpu.memory_space<vmem>> -> memref<8x768xf32, #tpu.memory_space<vmem>>
    %dma_wait3A_209 = arith.constant 0 : i32
    %dma_wait3A_210 = arith.constant 0 : i32
    %dma_wait3A_211 = tpu.memref_slice %arg4[%add3A_204, %dma_wait3A_209, %dma_wait3A_210] : memref<256x204x768xf32, #tpu.memory_space<hbm>> -> memref<1x8x768xf32, #tpu.memory_space<hbm>>
    %dma_wait3A_212 = tpu.memref_squeeze %dma_wait3A_211 : memref<1x8x768xf32, #tpu.memory_space<hbm>> -> memref<8x768xf32, #tpu.memory_space<hbm>>
    %dma_wait3A_213 = tpu.memref_slice %arg10[%dma_wait3A_205] : memref<8x!tpu.dma_semaphore, #tpu.memory_space<semaphore_mem>> -> memref<1x!tpu.dma_semaphore, #tpu.memory_space<semaphore_mem>>
    %dma_wait3A_214 = tpu.memref_squeeze %dma_wait3A_213 : memref<1x!tpu.dma_semaphore, #tpu.memory_space<semaphore_mem>> -> memref<!tpu.dma_semaphore, #tpu.memory_space<semaphore_mem>>
    %dma_wait3A_215 = arith.constant 0 : i32
    %dma_wait3A_216 = arith.constant 0 : i32
    %dma_wait3A_217 = tpu.memref_slice %arg4[%add3A_204, %dma_wait3A_215, %dma_wait3A_216] : memref<256x204x768xf32, #tpu.memory_space<hbm>> -> memref<1x8x768xf32, #tpu.memory_space<hbm>>
    %dma_wait3A_218 = tpu.memref_squeeze %dma_wait3A_217 : memref<1x8x768xf32, #tpu.memory_space<hbm>> -> memref<8x768xf32, #tpu.memory_space<hbm>>
    %dma_wait3A_219 = arith.constant 16 : i32
    %dma_wait3A_220 = arith.constant 0 : i32
    %dma_wait3A_221 = tpu.memref_slice %arg7[%dma_wait3A_219, %dma_wait3A_220] : memref<64x768xf32, #tpu.memory_space<vmem>> -> memref<8x768xf32, #tpu.memory_space<vmem>>
    tpu.wait_dma2 semaphore(%dma_wait3A_214 : memref<!tpu.dma_semaphore, #tpu.memory_space<semaphore_mem>>) src(%dma_wait3A_221 : memref<8x768xf32, #tpu.memory_space<vmem>>) dst(%dma_wait3A_218 : memref<8x768xf32, #tpu.memory_space<hbm>>)
    %add3A_222 = arith.constant 3 : i32
    %add3A_223 = arith.addi %mul3A_2, %add3A_222 : i32
    %dma_wait3A_224 = arith.constant 3 : i32
    %dma_wait3A_225 = arith.constant 24 : i32
    %dma_wait3A_226 = arith.constant 0 : i32
    %dma_wait3A_227 = tpu.memref_slice %arg7[%dma_wait3A_225, %dma_wait3A_226] : memref<64x768xf32, #tpu.memory_space<vmem>> -> memref<8x768xf32, #tpu.memory_space<vmem>>
    %dma_wait3A_228 = arith.constant 0 : i32
    %dma_wait3A_229 = arith.constant 0 : i32
    %dma_wait3A_230 = tpu.memref_slice %arg4[%add3A_223, %dma_wait3A_228, %dma_wait3A_229] : memref<256x204x768xf32, #tpu.memory_space<hbm>> -> memref<1x8x768xf32, #tpu.memory_space<hbm>>
    %dma_wait3A_231 = tpu.memref_squeeze %dma_wait3A_230 : memref<1x8x768xf32, #tpu.memory_space<hbm>> -> memref<8x768xf32, #tpu.memory_space<hbm>>
    %dma_wait3A_232 = tpu.memref_slice %arg10[%dma_wait3A_224] : memref<8x!tpu.dma_semaphore, #tpu.memory_space<semaphore_mem>> -> memref<1x!tpu.dma_semaphore, #tpu.memory_space<semaphore_mem>>
    %dma_wait3A_233 = tpu.memref_squeeze %dma_wait3A_232 : memref<1x!tpu.dma_semaphore, #tpu.memory_space<semaphore_mem>> -> memref<!tpu.dma_semaphore, #tpu.memory_space<semaphore_mem>>
    %dma_wait3A_234 = arith.constant 0 : i32
    %dma_wait3A_235 = arith.constant 0 : i32
    %dma_wait3A_236 = tpu.memref_slice %arg4[%add3A_223, %dma_wait3A_234, %dma_wait3A_235] : memref<256x204x768xf32, #tpu.memory_space<hbm>> -> memref<1x8x768xf32, #tpu.memory_space<hbm>>
    %dma_wait3A_237 = tpu.memref_squeeze %dma_wait3A_236 : memref<1x8x768xf32, #tpu.memory_space<hbm>> -> memref<8x768xf32, #tpu.memory_space<hbm>>
    %dma_wait3A_238 = arith.constant 24 : i32
    %dma_wait3A_239 = arith.constant 0 : i32
    %dma_wait3A_240 = tpu.memref_slice %arg7[%dma_wait3A_238, %dma_wait3A_239] : memref<64x768xf32, #tpu.memory_space<vmem>> -> memref<8x768xf32, #tpu.memory_space<vmem>>
    tpu.wait_dma2 semaphore(%dma_wait3A_233 : memref<!tpu.dma_semaphore, #tpu.memory_space<semaphore_mem>>) src(%dma_wait3A_240 : memref<8x768xf32, #tpu.memory_space<vmem>>) dst(%dma_wait3A_237 : memref<8x768xf32, #tpu.memory_space<hbm>>)
    %add3A_241 = arith.constant 4 : i32
    %add3A_242 = arith.addi %mul3A_2, %add3A_241 : i32
    %dma_wait3A_243 = arith.constant 4 : i32
    %dma_wait3A_244 = arith.constant 32 : i32
    %dma_wait3A_245 = arith.constant 0 : i32
    %dma_wait3A_246 = tpu.memref_slice %arg7[%dma_wait3A_244, %dma_wait3A_245] : memref<64x768xf32, #tpu.memory_space<vmem>> -> memref<8x768xf32, #tpu.memory_space<vmem>>
    %dma_wait3A_247 = arith.constant 0 : i32
    %dma_wait3A_248 = arith.constant 0 : i32
    %dma_wait3A_249 = tpu.memref_slice %arg4[%add3A_242, %dma_wait3A_247, %dma_wait3A_248] : memref<256x204x768xf32, #tpu.memory_space<hbm>> -> memref<1x8x768xf32, #tpu.memory_space<hbm>>
    %dma_wait3A_250 = tpu.memref_squeeze %dma_wait3A_249 : memref<1x8x768xf32, #tpu.memory_space<hbm>> -> memref<8x768xf32, #tpu.memory_space<hbm>>
    %dma_wait3A_251 = tpu.memref_slice %arg10[%dma_wait3A_243] : memref<8x!tpu.dma_semaphore, #tpu.memory_space<semaphore_mem>> -> memref<1x!tpu.dma_semaphore, #tpu.memory_space<semaphore_mem>>
    %dma_wait3A_252 = tpu.memref_squeeze %dma_wait3A_251 : memref<1x!tpu.dma_semaphore, #tpu.memory_space<semaphore_mem>> -> memref<!tpu.dma_semaphore, #tpu.memory_space<semaphore_mem>>
    %dma_wait3A_253 = arith.constant 0 : i32
    %dma_wait3A_254 = arith.constant 0 : i32
    %dma_wait3A_255 = tpu.memref_slice %arg4[%add3A_242, %dma_wait3A_253, %dma_wait3A_254] : memref<256x204x768xf32, #tpu.memory_space<hbm>> -> memref<1x8x768xf32, #tpu.memory_space<hbm>>
    %dma_wait3A_256 = tpu.memref_squeeze %dma_wait3A_255 : memref<1x8x768xf32, #tpu.memory_space<hbm>> -> memref<8x768xf32, #tpu.memory_space<hbm>>
    %dma_wait3A_257 = arith.constant 32 : i32
    %dma_wait3A_258 = arith.constant 0 : i32
    %dma_wait3A_259 = tpu.memref_slice %arg7[%dma_wait3A_257, %dma_wait3A_258] : memref<64x768xf32, #tpu.memory_space<vmem>> -> memref<8x768xf32, #tpu.memory_space<vmem>>
    tpu.wait_dma2 semaphore(%dma_wait3A_252 : memref<!tpu.dma_semaphore, #tpu.memory_space<semaphore_mem>>) src(%dma_wait3A_259 : memref<8x768xf32, #tpu.memory_space<vmem>>) dst(%dma_wait3A_256 : memref<8x768xf32, #tpu.memory_space<hbm>>)
    %add3A_260 = arith.constant 5 : i32
    %add3A_261 = arith.addi %mul3A_2, %add3A_260 : i32
    %dma_wait3A_262 = arith.constant 5 : i32
    %dma_wait3A_263 = arith.constant 40 : i32
    %dma_wait3A_264 = arith.constant 0 : i32
    %dma_wait3A_265 = tpu.memref_slice %arg7[%dma_wait3A_263, %dma_wait3A_264] : memref<64x768xf32, #tpu.memory_space<vmem>> -> memref<8x768xf32, #tpu.memory_space<vmem>>
    %dma_wait3A_266 = arith.constant 0 : i32
    %dma_wait3A_267 = arith.constant 0 : i32
    %dma_wait3A_268 = tpu.memref_slice %arg4[%add3A_261, %dma_wait3A_266, %dma_wait3A_267] : memref<256x204x768xf32, #tpu.memory_space<hbm>> -> memref<1x8x768xf32, #tpu.memory_space<hbm>>
    %dma_wait3A_269 = tpu.memref_squeeze %dma_wait3A_268 : memref<1x8x768xf32, #tpu.memory_space<hbm>> -> memref<8x768xf32, #tpu.memory_space<hbm>>
    %dma_wait3A_270 = tpu.memref_slice %arg10[%dma_wait3A_262] : memref<8x!tpu.dma_semaphore, #tpu.memory_space<semaphore_mem>> -> memref<1x!tpu.dma_semaphore, #tpu.memory_space<semaphore_mem>>
    %dma_wait3A_271 = tpu.memref_squeeze %dma_wait3A_270 : memref<1x!tpu.dma_semaphore, #tpu.memory_space<semaphore_mem>> -> memref<!tpu.dma_semaphore, #tpu.memory_space<semaphore_mem>>
    %dma_wait3A_272 = arith.constant 0 : i32
    %dma_wait3A_273 = arith.constant 0 : i32
    %dma_wait3A_274 = tpu.memref_slice %arg4[%add3A_261, %dma_wait3A_272, %dma_wait3A_273] : memref<256x204x768xf32, #tpu.memory_space<hbm>> -> memref<1x8x768xf32, #tpu.memory_space<hbm>>
    %dma_wait3A_275 = tpu.memref_squeeze %dma_wait3A_274 : memref<1x8x768xf32, #tpu.memory_space<hbm>> -> memref<8x768xf32, #tpu.memory_space<hbm>>
    %dma_wait3A_276 = arith.constant 40 : i32
    %dma_wait3A_277 = arith.constant 0 : i32
    %dma_wait3A_278 = tpu.memref_slice %arg7[%dma_wait3A_276, %dma_wait3A_277] : memref<64x768xf32, #tpu.memory_space<vmem>> -> memref<8x768xf32, #tpu.memory_space<vmem>>
    tpu.wait_dma2 semaphore(%dma_wait3A_271 : memref<!tpu.dma_semaphore, #tpu.memory_space<semaphore_mem>>) src(%dma_wait3A_278 : memref<8x768xf32, #tpu.memory_space<vmem>>) dst(%dma_wait3A_275 : memref<8x768xf32, #tpu.memory_space<hbm>>)
    %add3A_279 = arith.constant 6 : i32
    %add3A_280 = arith.addi %mul3A_2, %add3A_279 : i32
    %dma_wait3A_281 = arith.constant 6 : i32
    %dma_wait3A_282 = arith.constant 48 : i32
    %dma_wait3A_283 = arith.constant 0 : i32
    %dma_wait3A_284 = tpu.memref_slice %arg7[%dma_wait3A_282, %dma_wait3A_283] : memref<64x768xf32, #tpu.memory_space<vmem>> -> memref<8x768xf32, #tpu.memory_space<vmem>>
    %dma_wait3A_285 = arith.constant 0 : i32
    %dma_wait3A_286 = arith.constant 0 : i32
    %dma_wait3A_287 = tpu.memref_slice %arg4[%add3A_280, %dma_wait3A_285, %dma_wait3A_286] : memref<256x204x768xf32, #tpu.memory_space<hbm>> -> memref<1x8x768xf32, #tpu.memory_space<hbm>>
    %dma_wait3A_288 = tpu.memref_squeeze %dma_wait3A_287 : memref<1x8x768xf32, #tpu.memory_space<hbm>> -> memref<8x768xf32, #tpu.memory_space<hbm>>
    %dma_wait3A_289 = tpu.memref_slice %arg10[%dma_wait3A_281] : memref<8x!tpu.dma_semaphore, #tpu.memory_space<semaphore_mem>> -> memref<1x!tpu.dma_semaphore, #tpu.memory_space<semaphore_mem>>
    %dma_wait3A_290 = tpu.memref_squeeze %dma_wait3A_289 : memref<1x!tpu.dma_semaphore, #tpu.memory_space<semaphore_mem>> -> memref<!tpu.dma_semaphore, #tpu.memory_space<semaphore_mem>>
    %dma_wait3A_291 = arith.constant 0 : i32
    %dma_wait3A_292 = arith.constant 0 : i32
    %dma_wait3A_293 = tpu.memref_slice %arg4[%add3A_280, %dma_wait3A_291, %dma_wait3A_292] : memref<256x204x768xf32, #tpu.memory_space<hbm>> -> memref<1x8x768xf32, #tpu.memory_space<hbm>>
    %dma_wait3A_294 = tpu.memref_squeeze %dma_wait3A_293 : memref<1x8x768xf32, #tpu.memory_space<hbm>> -> memref<8x768xf32, #tpu.memory_space<hbm>>
    %dma_wait3A_295 = arith.constant 48 : i32
    %dma_wait3A_296 = arith.constant 0 : i32
    %dma_wait3A_297 = tpu.memref_slice %arg7[%dma_wait3A_295, %dma_wait3A_296] : memref<64x768xf32, #tpu.memory_space<vmem>> -> memref<8x768xf32, #tpu.memory_space<vmem>>
    tpu.wait_dma2 semaphore(%dma_wait3A_290 : memref<!tpu.dma_semaphore, #tpu.memory_space<semaphore_mem>>) src(%dma_wait3A_297 : memref<8x768xf32, #tpu.memory_space<vmem>>) dst(%dma_wait3A_294 : memref<8x768xf32, #tpu.memory_space<hbm>>)
    %add3A_298 = arith.constant 7 : i32
    %add3A_299 = arith.addi %mul3A_2, %add3A_298 : i32
    %dma_wait3A_300 = arith.constant 7 : i32
    %dma_wait3A_301 = arith.constant 56 : i32
    %dma_wait3A_302 = arith.constant 0 : i32
    %dma_wait3A_303 = tpu.memref_slice %arg7[%dma_wait3A_301, %dma_wait3A_302] : memref<64x768xf32, #tpu.memory_space<vmem>> -> memref<8x768xf32, #tpu.memory_space<vmem>>
    %dma_wait3A_304 = arith.constant 0 : i32
    %dma_wait3A_305 = arith.constant 0 : i32
    %dma_wait3A_306 = tpu.memref_slice %arg4[%add3A_299, %dma_wait3A_304, %dma_wait3A_305] : memref<256x204x768xf32, #tpu.memory_space<hbm>> -> memref<1x8x768xf32, #tpu.memory_space<hbm>>
    %dma_wait3A_307 = tpu.memref_squeeze %dma_wait3A_306 : memref<1x8x768xf32, #tpu.memory_space<hbm>> -> memref<8x768xf32, #tpu.memory_space<hbm>>
    %dma_wait3A_308 = tpu.memref_slice %arg10[%dma_wait3A_300] : memref<8x!tpu.dma_semaphore, #tpu.memory_space<semaphore_mem>> -> memref<1x!tpu.dma_semaphore, #tpu.memory_space<semaphore_mem>>
    %dma_wait3A_309 = tpu.memref_squeeze %dma_wait3A_308 : memref<1x!tpu.dma_semaphore, #tpu.memory_space<semaphore_mem>> -> memref<!tpu.dma_semaphore, #tpu.memory_space<semaphore_mem>>
    %dma_wait3A_310 = arith.constant 0 : i32
    %dma_wait3A_311 = arith.constant 0 : i32
    %dma_wait3A_312 = tpu.memref_slice %arg4[%add3A_299, %dma_wait3A_310, %dma_wait3A_311] : memref<256x204x768xf32, #tpu.memory_space<hbm>> -> memref<1x8x768xf32, #tpu.memory_space<hbm>>
    %dma_wait3A_313 = tpu.memref_squeeze %dma_wait3A_312 : memref<1x8x768xf32, #tpu.memory_space<hbm>> -> memref<8x768xf32, #tpu.memory_space<hbm>>
    %dma_wait3A_314 = arith.constant 56 : i32
    %dma_wait3A_315 = arith.constant 0 : i32
    %dma_wait3A_316 = tpu.memref_slice %arg7[%dma_wait3A_314, %dma_wait3A_315] : memref<64x768xf32, #tpu.memory_space<vmem>> -> memref<8x768xf32, #tpu.memory_space<vmem>>
    tpu.wait_dma2 semaphore(%dma_wait3A_309 : memref<!tpu.dma_semaphore, #tpu.memory_space<semaphore_mem>>) src(%dma_wait3A_316 : memref<8x768xf32, #tpu.memory_space<vmem>>) dst(%dma_wait3A_313 : memref<8x768xf32, #tpu.memory_space<hbm>>)
    return
  }
}

module attributes {stable_mosaic.version = 14 : i64} {
  func.func @_head_body(%arg0: memref<256x768xf32, #tpu.memory_space<vmem>>, %arg1: memref<1024x768xf32, #tpu.memory_space<vmem>>, %arg2: memref<256x1024xf32, #tpu.memory_space<vmem>>, %arg3: memref<256x8xi32, #tpu.memory_space<vmem>>, %arg4: memref<1x1xf32, #tpu.memory_space<smem>>) attributes {dimension_semantics = [], scalar_prefetch = 0 : i64, scratch_operands = 0 : i64, tpu.core_type = #tpu.core_type<tc>} {
    %get3A = arith.constant 0 : index
    %get3A_0 = arith.constant 0 : index
    %get3A_1 = vector.load %arg0[%get3A, %get3A_0] : memref<256x768xf32, #tpu.memory_space<vmem>>, vector<256x768xf32>
    %mul3A = arith.constant 0.00510204071 : f32
    %mul3A_2 = vector.broadcast %mul3A : f32 to vector<256x768xf32>
    %mul3A_3 = arith.mulf %get3A_1, %mul3A_2 : vector<256x768xf32>
    %mul3A_4 = arith.mulf %mul3A_3, %mul3A_3 : vector<256x768xf32>
    %reduce_sum3A = arith.constant dense<0.000000e+00> : vector<256xf32>
    %reduce_sum3A_5 = vector.multi_reduction <add>, %mul3A_4, %reduce_sum3A [1] : vector<256x768xf32> to vector<256xf32>
    %broadcast_in_dim3A = vector.shape_cast %reduce_sum3A_5 : vector<256xf32> to vector<256x1xf32>
    %max3A = arith.constant 9.99999996E-13 : f32
    %max3A_6 = vector.broadcast %max3A : f32 to vector<256x1xf32>
    %max3A_7 = arith.maximumf %broadcast_in_dim3A, %max3A_6 : vector<256x1xf32>
    %rsqrt3A = math.rsqrt %max3A_7 : vector<256x1xf32>
    %mul3A_8 = vector.broadcast %rsqrt3A : vector<256x1xf32> to vector<256x768xf32>
    %mul3A_9 = arith.mulf %mul3A_3, %mul3A_8 : vector<256x768xf32>
    %get3A_10 = arith.constant 0 : index
    %get3A_11 = arith.constant 0 : index
    %get3A_12 = vector.load %arg1[%get3A_10, %get3A_11] : memref<1024x768xf32, #tpu.memory_space<vmem>>, vector<1024x768xf32>
    %mul3A_13 = arith.mulf %get3A_12, %get3A_12 : vector<1024x768xf32>
    %reduce_sum3A_14 = arith.constant dense<0.000000e+00> : vector<1024xf32>
    %reduce_sum3A_15 = vector.multi_reduction <add>, %mul3A_13, %reduce_sum3A_14 [1] : vector<1024x768xf32> to vector<1024xf32>
    %broadcast_in_dim3A_16 = vector.shape_cast %reduce_sum3A_15 : vector<1024xf32> to vector<1024x1xf32>
    %max3A_17 = arith.constant 9.99999996E-13 : f32
    %max3A_18 = vector.broadcast %max3A_17 : f32 to vector<1024x1xf32>
    %max3A_19 = arith.maximumf %broadcast_in_dim3A_16, %max3A_18 : vector<1024x1xf32>
    %rsqrt3A_20 = math.rsqrt %max3A_19 : vector<1024x1xf32>
    %mul3A_21 = vector.broadcast %rsqrt3A_20 : vector<1024x1xf32> to vector<1024x768xf32>
    %mul3A_22 = arith.mulf %get3A_12, %mul3A_21 : vector<1024x768xf32>
    %dot_general3A = arith.constant dense<0.000000e+00> : vector<256x1024xf32>
    %dot_general3A_23 = tpu.matmul %mul3A_9, %mul3A_22, %dot_general3A {dimension_numbers = #tpu.dot_dimension_numbers<[1], [1], [0], [0], [0, 0, 1, 0], [], []>, transpose_lhs_hint = false} : vector<256x768xf32>, vector<1024x768xf32>, vector<256x1024xf32> -> vector<256x1024xf32>
    %swap3A = arith.constant 0 : index
    %swap3A_24 = arith.constant 0 : index
    %swap3A_25 = vector.load %arg2[%swap3A, %swap3A_24] : memref<256x1024xf32, #tpu.memory_space<vmem>>, vector<256x1024xf32>
    tpu.vector_store %arg2[%swap3A, %swap3A_24], %dot_general3A_23 {strides = array<i32>} : memref<256x1024xf32, #tpu.memory_space<vmem>>, vector<256x1024xf32>,
    %iota3A = tpu.iota {dimensions = array<i32: 1>} : vector<256x1024xi32>
    %reduce_max3A = arith.constant dense<0xFF800000> : vector<256xf32>
    %reduce_max3A_26 = vector.multi_reduction <maximumf>, %dot_general3A_23, %reduce_max3A [1] : vector<256x1024xf32> to vector<256xf32>
    %broadcast_in_dim3A_27 = vector.shape_cast %reduce_max3A_26 : vector<256xf32> to vector<256x1xf32>
    %eq3A = vector.broadcast %broadcast_in_dim3A_27 : vector<256x1xf32> to vector<256x1024xf32>
    %eq3A_28 = arith.cmpf oeq, %dot_general3A_23, %eq3A : vector<256x1024xf32>
    %jit3A = arith.constant 1024 : i32
    %broadcast_in_dim3A_29 = vector.broadcast %jit3A : i32 to vector<256x1024xi32>
    %select_n3A = arith.select %eq3A_28, %iota3A, %broadcast_in_dim3A_29 : vector<256x1024xi1>, vector<256x1024xi32>
    %reduce_min3A = arith.constant dense<2147483647> : vector<256xi32>
    %reduce_min3A_30 = vector.multi_reduction <minsi>, %select_n3A, %reduce_min3A [1] : vector<256x1024xi32> to vector<256xi32>
    %broadcast_in_dim3A_31 = vector.shape_cast %reduce_min3A_30 : vector<256xi32> to vector<256x1xi32>
    %reduce_sum3A_32 = vector.shape_cast %broadcast_in_dim3A_27 : vector<256x1xf32> to vector<1x256x1xf32>
    %reduce_sum3A_33 = arith.constant dense<0.000000e+00> : vector<1xf32>
    %reduce_sum3A_34 = vector.multi_reduction <add>, %reduce_sum3A_32, %reduce_sum3A_33 [1, 2] : vector<1x256x1xf32> to vector<1xf32>
    %reduce_sum3A_35 = vector.shape_cast %reduce_sum3A_34 : vector<1xf32> to vector<1x1x1xf32>
    %reduce_sum3A_36 = vector.extract %reduce_sum3A_35[0, 0, 0] : f32 from vector<1x1x1xf32>
    %add3A = arith.constant 0.000000e+00 : f32
    %add3A_37 = arith.addf %add3A, %reduce_sum3A_36 : f32
    %eq3A_38 = vector.broadcast %broadcast_in_dim3A_31 : vector<256x1xi32> to vector<256x1024xi32>
    %eq3A_39 = arith.cmpi eq, %iota3A, %eq3A_38 : vector<256x1024xi32>
    %jit3A_40 = arith.constant 0xFF800000 : f32
    %broadcast_in_dim3A_41 = vector.broadcast %jit3A_40 : f32 to vector<256x1024xf32>
    %select_n3A_42 = arith.select %eq3A_39, %broadcast_in_dim3A_41, %dot_general3A_23 : vector<256x1024xi1>, vector<256x1024xf32>
    %reduce_max3A_43 = arith.constant dense<0xFF800000> : vector<256xf32>
    %reduce_max3A_44 = vector.multi_reduction <maximumf>, %select_n3A_42, %reduce_max3A_43 [1] : vector<256x1024xf32> to vector<256xf32>
    %broadcast_in_dim3A_45 = vector.shape_cast %reduce_max3A_44 : vector<256xf32> to vector<256x1xf32>
    %eq3A_46 = vector.broadcast %broadcast_in_dim3A_45 : vector<256x1xf32> to vector<256x1024xf32>
    %eq3A_47 = arith.cmpf oeq, %select_n3A_42, %eq3A_46 : vector<256x1024xf32>
    %jit3A_48 = arith.constant 1024 : i32
    %broadcast_in_dim3A_49 = vector.broadcast %jit3A_48 : i32 to vector<256x1024xi32>
    %select_n3A_50 = arith.select %eq3A_47, %iota3A, %broadcast_in_dim3A_49 : vector<256x1024xi1>, vector<256x1024xi32>
    %reduce_min3A_51 = arith.constant dense<2147483647> : vector<256xi32>
    %reduce_min3A_52 = vector.multi_reduction <minsi>, %select_n3A_50, %reduce_min3A_51 [1] : vector<256x1024xi32> to vector<256xi32>
    %broadcast_in_dim3A_53 = vector.shape_cast %reduce_min3A_52 : vector<256xi32> to vector<256x1xi32>
    %reduce_sum3A_54 = vector.shape_cast %broadcast_in_dim3A_45 : vector<256x1xf32> to vector<1x256x1xf32>
    %reduce_sum3A_55 = arith.constant dense<0.000000e+00> : vector<1xf32>
    %reduce_sum3A_56 = vector.multi_reduction <add>, %reduce_sum3A_54, %reduce_sum3A_55 [1, 2] : vector<1x256x1xf32> to vector<1xf32>
    %reduce_sum3A_57 = vector.shape_cast %reduce_sum3A_56 : vector<1xf32> to vector<1x1x1xf32>
    %reduce_sum3A_58 = vector.extract %reduce_sum3A_57[0, 0, 0] : f32 from vector<1x1x1xf32>
    %add3A_59 = arith.addf %add3A_37, %reduce_sum3A_58 : f32
    %eq3A_60 = vector.broadcast %broadcast_in_dim3A_53 : vector<256x1xi32> to vector<256x1024xi32>
    %eq3A_61 = arith.cmpi eq, %iota3A, %eq3A_60 : vector<256x1024xi32>
    %jit3A_62 = arith.constant 0xFF800000 : f32
    %broadcast_in_dim3A_63 = vector.broadcast %jit3A_62 : f32 to vector<256x1024xf32>
    %select_n3A_64 = arith.select %eq3A_61, %broadcast_in_dim3A_63, %select_n3A_42 : vector<256x1024xi1>, vector<256x1024xf32>
    %reduce_max3A_65 = arith.constant dense<0xFF800000> : vector<256xf32>
    %reduce_max3A_66 = vector.multi_reduction <maximumf>, %select_n3A_64, %reduce_max3A_65 [1] : vector<256x1024xf32> to vector<256xf32>
    %broadcast_in_dim3A_67 = vector.shape_cast %reduce_max3A_66 : vector<256xf32> to vector<256x1xf32>
    %eq3A_68 = vector.broadcast %broadcast_in_dim3A_67 : vector<256x1xf32> to vector<256x1024xf32>
    %eq3A_69 = arith.cmpf oeq, %select_n3A_64, %eq3A_68 : vector<256x1024xf32>
    %jit3A_70 = arith.constant 1024 : i32
    %broadcast_in_dim3A_71 = vector.broadcast %jit3A_70 : i32 to vector<256x1024xi32>
    %select_n3A_72 = arith.select %eq3A_69, %iota3A, %broadcast_in_dim3A_71 : vector<256x1024xi1>, vector<256x1024xi32>
    %reduce_min3A_73 = arith.constant dense<2147483647> : vector<256xi32>
    %reduce_min3A_74 = vector.multi_reduction <minsi>, %select_n3A_72, %reduce_min3A_73 [1] : vector<256x1024xi32> to vector<256xi32>
    %broadcast_in_dim3A_75 = vector.shape_cast %reduce_min3A_74 : vector<256xi32> to vector<256x1xi32>
    %reduce_sum3A_76 = vector.shape_cast %broadcast_in_dim3A_67 : vector<256x1xf32> to vector<1x256x1xf32>
    %reduce_sum3A_77 = arith.constant dense<0.000000e+00> : vector<1xf32>
    %reduce_sum3A_78 = vector.multi_reduction <add>, %reduce_sum3A_76, %reduce_sum3A_77 [1, 2] : vector<1x256x1xf32> to vector<1xf32>
    %reduce_sum3A_79 = vector.shape_cast %reduce_sum3A_78 : vector<1xf32> to vector<1x1x1xf32>
    %reduce_sum3A_80 = vector.extract %reduce_sum3A_79[0, 0, 0] : f32 from vector<1x1x1xf32>
    %add3A_81 = arith.addf %add3A_59, %reduce_sum3A_80 : f32
    %eq3A_82 = vector.broadcast %broadcast_in_dim3A_75 : vector<256x1xi32> to vector<256x1024xi32>
    %eq3A_83 = arith.cmpi eq, %iota3A, %eq3A_82 : vector<256x1024xi32>
    %jit3A_84 = arith.constant 0xFF800000 : f32
    %broadcast_in_dim3A_85 = vector.broadcast %jit3A_84 : f32 to vector<256x1024xf32>
    %select_n3A_86 = arith.select %eq3A_83, %broadcast_in_dim3A_85, %select_n3A_64 : vector<256x1024xi1>, vector<256x1024xf32>
    %reduce_max3A_87 = arith.constant dense<0xFF800000> : vector<256xf32>
    %reduce_max3A_88 = vector.multi_reduction <maximumf>, %select_n3A_86, %reduce_max3A_87 [1] : vector<256x1024xf32> to vector<256xf32>
    %broadcast_in_dim3A_89 = vector.shape_cast %reduce_max3A_88 : vector<256xf32> to vector<256x1xf32>
    %eq3A_90 = vector.broadcast %broadcast_in_dim3A_89 : vector<256x1xf32> to vector<256x1024xf32>
    %eq3A_91 = arith.cmpf oeq, %select_n3A_86, %eq3A_90 : vector<256x1024xf32>
    %jit3A_92 = arith.constant 1024 : i32
    %broadcast_in_dim3A_93 = vector.broadcast %jit3A_92 : i32 to vector<256x1024xi32>
    %select_n3A_94 = arith.select %eq3A_91, %iota3A, %broadcast_in_dim3A_93 : vector<256x1024xi1>, vector<256x1024xi32>
    %reduce_min3A_95 = arith.constant dense<2147483647> : vector<256xi32>
    %reduce_min3A_96 = vector.multi_reduction <minsi>, %select_n3A_94, %reduce_min3A_95 [1] : vector<256x1024xi32> to vector<256xi32>
    %broadcast_in_dim3A_97 = vector.shape_cast %reduce_min3A_96 : vector<256xi32> to vector<256x1xi32>
    %reduce_sum3A_98 = vector.shape_cast %broadcast_in_dim3A_89 : vector<256x1xf32> to vector<1x256x1xf32>
    %reduce_sum3A_99 = arith.constant dense<0.000000e+00> : vector<1xf32>
    %reduce_sum3A_100 = vector.multi_reduction <add>, %reduce_sum3A_98, %reduce_sum3A_99 [1, 2] : vector<1x256x1xf32> to vector<1xf32>
    %reduce_sum3A_101 = vector.shape_cast %reduce_sum3A_100 : vector<1xf32> to vector<1x1x1xf32>
    %reduce_sum3A_102 = vector.extract %reduce_sum3A_101[0, 0, 0] : f32 from vector<1x1x1xf32>
    %add3A_103 = arith.addf %add3A_81, %reduce_sum3A_102 : f32
    %eq3A_104 = vector.broadcast %broadcast_in_dim3A_97 : vector<256x1xi32> to vector<256x1024xi32>
    %eq3A_105 = arith.cmpi eq, %iota3A, %eq3A_104 : vector<256x1024xi32>
    %jit3A_106 = arith.constant 0xFF800000 : f32
    %broadcast_in_dim3A_107 = vector.broadcast %jit3A_106 : f32 to vector<256x1024xf32>
    %select_n3A_108 = arith.select %eq3A_105, %broadcast_in_dim3A_107, %select_n3A_86 : vector<256x1024xi1>, vector<256x1024xf32>
    %reduce_max3A_109 = arith.constant dense<0xFF800000> : vector<256xf32>
    %reduce_max3A_110 = vector.multi_reduction <maximumf>, %select_n3A_108, %reduce_max3A_109 [1] : vector<256x1024xf32> to vector<256xf32>
    %broadcast_in_dim3A_111 = vector.shape_cast %reduce_max3A_110 : vector<256xf32> to vector<256x1xf32>
    %eq3A_112 = vector.broadcast %broadcast_in_dim3A_111 : vector<256x1xf32> to vector<256x1024xf32>
    %eq3A_113 = arith.cmpf oeq, %select_n3A_108, %eq3A_112 : vector<256x1024xf32>
    %jit3A_114 = arith.constant 1024 : i32
    %broadcast_in_dim3A_115 = vector.broadcast %jit3A_114 : i32 to vector<256x1024xi32>
    %select_n3A_116 = arith.select %eq3A_113, %iota3A, %broadcast_in_dim3A_115 : vector<256x1024xi1>, vector<256x1024xi32>
    %reduce_min3A_117 = arith.constant dense<2147483647> : vector<256xi32>
    %reduce_min3A_118 = vector.multi_reduction <minsi>, %select_n3A_116, %reduce_min3A_117 [1] : vector<256x1024xi32> to vector<256xi32>
    %broadcast_in_dim3A_119 = vector.shape_cast %reduce_min3A_118 : vector<256xi32> to vector<256x1xi32>
    %reduce_sum3A_120 = vector.shape_cast %broadcast_in_dim3A_111 : vector<256x1xf32> to vector<1x256x1xf32>
    %reduce_sum3A_121 = arith.constant dense<0.000000e+00> : vector<1xf32>
    %reduce_sum3A_122 = vector.multi_reduction <add>, %reduce_sum3A_120, %reduce_sum3A_121 [1, 2] : vector<1x256x1xf32> to vector<1xf32>
    %reduce_sum3A_123 = vector.shape_cast %reduce_sum3A_122 : vector<1xf32> to vector<1x1x1xf32>
    %reduce_sum3A_124 = vector.extract %reduce_sum3A_123[0, 0, 0] : f32 from vector<1x1x1xf32>
    %add3A_125 = arith.addf %add3A_103, %reduce_sum3A_124 : f32
    %eq3A_126 = vector.broadcast %broadcast_in_dim3A_119 : vector<256x1xi32> to vector<256x1024xi32>
    %eq3A_127 = arith.cmpi eq, %iota3A, %eq3A_126 : vector<256x1024xi32>
    %jit3A_128 = arith.constant 0xFF800000 : f32
    %broadcast_in_dim3A_129 = vector.broadcast %jit3A_128 : f32 to vector<256x1024xf32>
    %select_n3A_130 = arith.select %eq3A_127, %broadcast_in_dim3A_129, %select_n3A_108 : vector<256x1024xi1>, vector<256x1024xf32>
    %reduce_max3A_131 = arith.constant dense<0xFF800000> : vector<256xf32>
    %reduce_max3A_132 = vector.multi_reduction <maximumf>, %select_n3A_130, %reduce_max3A_131 [1] : vector<256x1024xf32> to vector<256xf32>
    %broadcast_in_dim3A_133 = vector.shape_cast %reduce_max3A_132 : vector<256xf32> to vector<256x1xf32>
    %eq3A_134 = vector.broadcast %broadcast_in_dim3A_133 : vector<256x1xf32> to vector<256x1024xf32>
    %eq3A_135 = arith.cmpf oeq, %select_n3A_130, %eq3A_134 : vector<256x1024xf32>
    %jit3A_136 = arith.constant 1024 : i32
    %broadcast_in_dim3A_137 = vector.broadcast %jit3A_136 : i32 to vector<256x1024xi32>
    %select_n3A_138 = arith.select %eq3A_135, %iota3A, %broadcast_in_dim3A_137 : vector<256x1024xi1>, vector<256x1024xi32>
    %reduce_min3A_139 = arith.constant dense<2147483647> : vector<256xi32>
    %reduce_min3A_140 = vector.multi_reduction <minsi>, %select_n3A_138, %reduce_min3A_139 [1] : vector<256x1024xi32> to vector<256xi32>
    %broadcast_in_dim3A_141 = vector.shape_cast %reduce_min3A_140 : vector<256xi32> to vector<256x1xi32>
    %reduce_sum3A_142 = vector.shape_cast %broadcast_in_dim3A_133 : vector<256x1xf32> to vector<1x256x1xf32>
    %reduce_sum3A_143 = arith.constant dense<0.000000e+00> : vector<1xf32>
    %reduce_sum3A_144 = vector.multi_reduction <add>, %reduce_sum3A_142, %reduce_sum3A_143 [1, 2] : vector<1x256x1xf32> to vector<1xf32>
    %reduce_sum3A_145 = vector.shape_cast %reduce_sum3A_144 : vector<1xf32> to vector<1x1x1xf32>
    %reduce_sum3A_146 = vector.extract %reduce_sum3A_145[0, 0, 0] : f32 from vector<1x1x1xf32>
    %add3A_147 = arith.addf %add3A_125, %reduce_sum3A_146 : f32
    %eq3A_148 = vector.broadcast %broadcast_in_dim3A_141 : vector<256x1xi32> to vector<256x1024xi32>
    %eq3A_149 = arith.cmpi eq, %iota3A, %eq3A_148 : vector<256x1024xi32>
    %jit3A_150 = arith.constant 0xFF800000 : f32
    %broadcast_in_dim3A_151 = vector.broadcast %jit3A_150 : f32 to vector<256x1024xf32>
    %select_n3A_152 = arith.select %eq3A_149, %broadcast_in_dim3A_151, %select_n3A_130 : vector<256x1024xi1>, vector<256x1024xf32>
    %reduce_max3A_153 = arith.constant dense<0xFF800000> : vector<256xf32>
    %reduce_max3A_154 = vector.multi_reduction <maximumf>, %select_n3A_152, %reduce_max3A_153 [1] : vector<256x1024xf32> to vector<256xf32>
    %broadcast_in_dim3A_155 = vector.shape_cast %reduce_max3A_154 : vector<256xf32> to vector<256x1xf32>
    %eq3A_156 = vector.broadcast %broadcast_in_dim3A_155 : vector<256x1xf32> to vector<256x1024xf32>
    %eq3A_157 = arith.cmpf oeq, %select_n3A_152, %eq3A_156 : vector<256x1024xf32>
    %jit3A_158 = arith.constant 1024 : i32
    %broadcast_in_dim3A_159 = vector.broadcast %jit3A_158 : i32 to vector<256x1024xi32>
    %select_n3A_160 = arith.select %eq3A_157, %iota3A, %broadcast_in_dim3A_159 : vector<256x1024xi1>, vector<256x1024xi32>
    %reduce_min3A_161 = arith.constant dense<2147483647> : vector<256xi32>
    %reduce_min3A_162 = vector.multi_reduction <minsi>, %select_n3A_160, %reduce_min3A_161 [1] : vector<256x1024xi32> to vector<256xi32>
    %broadcast_in_dim3A_163 = vector.shape_cast %reduce_min3A_162 : vector<256xi32> to vector<256x1xi32>
    %reduce_sum3A_164 = vector.shape_cast %broadcast_in_dim3A_155 : vector<256x1xf32> to vector<1x256x1xf32>
    %reduce_sum3A_165 = arith.constant dense<0.000000e+00> : vector<1xf32>
    %reduce_sum3A_166 = vector.multi_reduction <add>, %reduce_sum3A_164, %reduce_sum3A_165 [1, 2] : vector<1x256x1xf32> to vector<1xf32>
    %reduce_sum3A_167 = vector.shape_cast %reduce_sum3A_166 : vector<1xf32> to vector<1x1x1xf32>
    %reduce_sum3A_168 = vector.extract %reduce_sum3A_167[0, 0, 0] : f32 from vector<1x1x1xf32>
    %add3A_169 = arith.addf %add3A_147, %reduce_sum3A_168 : f32
    %eq3A_170 = vector.broadcast %broadcast_in_dim3A_163 : vector<256x1xi32> to vector<256x1024xi32>
    %eq3A_171 = arith.cmpi eq, %iota3A, %eq3A_170 : vector<256x1024xi32>
    %jit3A_172 = arith.constant 0xFF800000 : f32
    %broadcast_in_dim3A_173 = vector.broadcast %jit3A_172 : f32 to vector<256x1024xf32>
    %select_n3A_174 = arith.select %eq3A_171, %broadcast_in_dim3A_173, %select_n3A_152 : vector<256x1024xi1>, vector<256x1024xf32>
    %reduce_max3A_175 = arith.constant dense<0xFF800000> : vector<256xf32>
    %reduce_max3A_176 = vector.multi_reduction <maximumf>, %select_n3A_174, %reduce_max3A_175 [1] : vector<256x1024xf32> to vector<256xf32>
    %broadcast_in_dim3A_177 = vector.shape_cast %reduce_max3A_176 : vector<256xf32> to vector<256x1xf32>
    %eq3A_178 = vector.broadcast %broadcast_in_dim3A_177 : vector<256x1xf32> to vector<256x1024xf32>
    %eq3A_179 = arith.cmpf oeq, %select_n3A_174, %eq3A_178 : vector<256x1024xf32>
    %jit3A_180 = arith.constant 1024 : i32
    %broadcast_in_dim3A_181 = vector.broadcast %jit3A_180 : i32 to vector<256x1024xi32>
    %select_n3A_182 = arith.select %eq3A_179, %iota3A, %broadcast_in_dim3A_181 : vector<256x1024xi1>, vector<256x1024xi32>
    %reduce_min3A_183 = arith.constant dense<2147483647> : vector<256xi32>
    %reduce_min3A_184 = vector.multi_reduction <minsi>, %select_n3A_182, %reduce_min3A_183 [1] : vector<256x1024xi32> to vector<256xi32>
    %broadcast_in_dim3A_185 = vector.shape_cast %reduce_min3A_184 : vector<256xi32> to vector<256x1xi32>
    %reduce_sum3A_186 = vector.shape_cast %broadcast_in_dim3A_177 : vector<256x1xf32> to vector<1x256x1xf32>
    %reduce_sum3A_187 = arith.constant dense<0.000000e+00> : vector<1xf32>
    %reduce_sum3A_188 = vector.multi_reduction <add>, %reduce_sum3A_186, %reduce_sum3A_187 [1, 2] : vector<1x256x1xf32> to vector<1xf32>
    %reduce_sum3A_189 = vector.shape_cast %reduce_sum3A_188 : vector<1xf32> to vector<1x1x1xf32>
    %reduce_sum3A_190 = vector.extract %reduce_sum3A_189[0, 0, 0] : f32 from vector<1x1x1xf32>
    %add3A_191 = arith.addf %add3A_169, %reduce_sum3A_190 : f32
    %concatenate3A = tpu.concatenate %broadcast_in_dim3A_31, %broadcast_in_dim3A_53, %broadcast_in_dim3A_75, %broadcast_in_dim3A_97, %broadcast_in_dim3A_119, %broadcast_in_dim3A_141, %broadcast_in_dim3A_163, %broadcast_in_dim3A_185 in 1 : vector<256x1xi32>, vector<256x1xi32>, vector<256x1xi32>, vector<256x1xi32>, vector<256x1xi32>, vector<256x1xi32>, vector<256x1xi32>, vector<256x1xi32> -> vector<256x8xi32>
    %swap3A_192 = arith.constant 0 : index
    %swap3A_193 = arith.constant 0 : index
    %swap3A_194 = vector.load %arg3[%swap3A_192, %swap3A_193] : memref<256x8xi32, #tpu.memory_space<vmem>>, vector<256x8xi32>
    tpu.vector_store %arg3[%swap3A_192, %swap3A_193], %concatenate3A {strides = array<i32>} : memref<256x8xi32, #tpu.memory_space<vmem>>, vector<256x8xi32>,
    %mul3A_195 = arith.constant 3.906250e-03 : f32
    %mul3A_196 = arith.mulf %add3A_191, %mul3A_195 : f32
    %swap3A_197 = arith.constant 0 : index
    %swap3A_198 = arith.constant 0 : index
    %swap3A_199 = memref.load %arg4[%swap3A_197, %swap3A_198] : memref<1x1xf32, #tpu.memory_space<smem>>
    memref.store %mul3A_196, %arg4[%swap3A_197, %swap3A_198] : memref<1x1xf32, #tpu.memory_space<smem>>
    return
  }
}

module attributes {stable_mosaic.version = 14 : i64} {
  func.func @_stream_body(%arg0: memref<256x196x768xf32, #tpu.memory_space<any>>, %arg1: memref<256x204x768xf32, #tpu.memory_space<any>>, %arg2: memref<256x768xf32, #tpu.memory_space<vmem>>, %arg3: memref<4x8x196x768xf32, #tpu.memory_space<vmem>>, %arg4: memref<4x!tpu.dma_semaphore, #tpu.memory_space<semaphore_mem>>, %arg5: memref<4x!tpu.dma_semaphore, #tpu.memory_space<semaphore_mem>>) attributes {dimension_semantics = [], scalar_prefetch = 0 : i64, scratch_operands = 3 : i64, tpu.core_type = #tpu.core_type<tc>} {
    %dma_start3A = arith.constant 0 : i32
    %dma_start3A_0 = arith.constant 0 : i32
    %dma_start3A_1 = tpu.memref_slice %arg4[%dma_start3A_0] : memref<4x!tpu.dma_semaphore, #tpu.memory_space<semaphore_mem>> -> memref<1x!tpu.dma_semaphore, #tpu.memory_space<semaphore_mem>>
    %dma_start3A_2 = tpu.memref_squeeze %dma_start3A_1 : memref<1x!tpu.dma_semaphore, #tpu.memory_space<semaphore_mem>> -> memref<!tpu.dma_semaphore, #tpu.memory_space<semaphore_mem>>
    %dma_start3A_3 = arith.constant 0 : i32
    %dma_start3A_4 = arith.constant 0 : i32
    %dma_start3A_5 = arith.constant 0 : i32
    %dma_start3A_6 = tpu.memref_slice %arg3[%dma_start3A, %dma_start3A_3, %dma_start3A_4, %dma_start3A_5] : memref<4x8x196x768xf32, #tpu.memory_space<vmem>> -> memref<1x8x196x768xf32, #tpu.memory_space<vmem>>
    %dma_start3A_7 = tpu.memref_squeeze %dma_start3A_6 : memref<1x8x196x768xf32, #tpu.memory_space<vmem>> -> memref<8x196x768xf32, #tpu.memory_space<vmem>>
    %dma_start3A_8 = arith.constant 0 : i32
    %dma_start3A_9 = arith.constant 0 : i32
    %dma_start3A_10 = arith.constant 0 : i32
    %dma_start3A_11 = tpu.memref_slice %arg0[%dma_start3A_8, %dma_start3A_9, %dma_start3A_10] : memref<256x196x768xf32, #tpu.memory_space<any>> -> memref<8x196x768xf32, #tpu.memory_space<any>>
    tpu.enqueue_dma source(%dma_start3A_11 : memref<8x196x768xf32, #tpu.memory_space<any>>) target(%dma_start3A_7 : memref<8x196x768xf32, #tpu.memory_space<vmem>>) target_semaphore(%dma_start3A_2 : memref<!tpu.dma_semaphore, #tpu.memory_space<semaphore_mem>>)
    %dma_start3A_12 = arith.constant 1 : i32
    %dma_start3A_13 = arith.constant 1 : i32
    %dma_start3A_14 = tpu.memref_slice %arg4[%dma_start3A_13] : memref<4x!tpu.dma_semaphore, #tpu.memory_space<semaphore_mem>> -> memref<1x!tpu.dma_semaphore, #tpu.memory_space<semaphore_mem>>
    %dma_start3A_15 = tpu.memref_squeeze %dma_start3A_14 : memref<1x!tpu.dma_semaphore, #tpu.memory_space<semaphore_mem>> -> memref<!tpu.dma_semaphore, #tpu.memory_space<semaphore_mem>>
    %dma_start3A_16 = arith.constant 0 : i32
    %dma_start3A_17 = arith.constant 0 : i32
    %dma_start3A_18 = arith.constant 0 : i32
    %dma_start3A_19 = tpu.memref_slice %arg3[%dma_start3A_12, %dma_start3A_16, %dma_start3A_17, %dma_start3A_18] : memref<4x8x196x768xf32, #tpu.memory_space<vmem>> -> memref<1x8x196x768xf32, #tpu.memory_space<vmem>>
    %dma_start3A_20 = tpu.memref_squeeze %dma_start3A_19 : memref<1x8x196x768xf32, #tpu.memory_space<vmem>> -> memref<8x196x768xf32, #tpu.memory_space<vmem>>
    %dma_start3A_21 = arith.constant 8 : i32
    %dma_start3A_22 = arith.constant 0 : i32
    %dma_start3A_23 = arith.constant 0 : i32
    %dma_start3A_24 = tpu.memref_slice %arg0[%dma_start3A_21, %dma_start3A_22, %dma_start3A_23] : memref<256x196x768xf32, #tpu.memory_space<any>> -> memref<8x196x768xf32, #tpu.memory_space<any>>
    tpu.enqueue_dma source(%dma_start3A_24 : memref<8x196x768xf32, #tpu.memory_space<any>>) target(%dma_start3A_20 : memref<8x196x768xf32, #tpu.memory_space<vmem>>) target_semaphore(%dma_start3A_15 : memref<!tpu.dma_semaphore, #tpu.memory_space<semaphore_mem>>)
    %dma_start3A_25 = arith.constant 2 : i32
    %dma_start3A_26 = arith.constant 2 : i32
    %dma_start3A_27 = tpu.memref_slice %arg4[%dma_start3A_26] : memref<4x!tpu.dma_semaphore, #tpu.memory_space<semaphore_mem>> -> memref<1x!tpu.dma_semaphore, #tpu.memory_space<semaphore_mem>>
    %dma_start3A_28 = tpu.memref_squeeze %dma_start3A_27 : memref<1x!tpu.dma_semaphore, #tpu.memory_space<semaphore_mem>> -> memref<!tpu.dma_semaphore, #tpu.memory_space<semaphore_mem>>
    %dma_start3A_29 = arith.constant 0 : i32
    %dma_start3A_30 = arith.constant 0 : i32
    %dma_start3A_31 = arith.constant 0 : i32
    %dma_start3A_32 = tpu.memref_slice %arg3[%dma_start3A_25, %dma_start3A_29, %dma_start3A_30, %dma_start3A_31] : memref<4x8x196x768xf32, #tpu.memory_space<vmem>> -> memref<1x8x196x768xf32, #tpu.memory_space<vmem>>
    %dma_start3A_33 = tpu.memref_squeeze %dma_start3A_32 : memref<1x8x196x768xf32, #tpu.memory_space<vmem>> -> memref<8x196x768xf32, #tpu.memory_space<vmem>>
    %dma_start3A_34 = arith.constant 16 : i32
    %dma_start3A_35 = arith.constant 0 : i32
    %dma_start3A_36 = arith.constant 0 : i32
    %dma_start3A_37 = tpu.memref_slice %arg0[%dma_start3A_34, %dma_start3A_35, %dma_start3A_36] : memref<256x196x768xf32, #tpu.memory_space<any>> -> memref<8x196x768xf32, #tpu.memory_space<any>>
    tpu.enqueue_dma source(%dma_start3A_37 : memref<8x196x768xf32, #tpu.memory_space<any>>) target(%dma_start3A_33 : memref<8x196x768xf32, #tpu.memory_space<vmem>>) target_semaphore(%dma_start3A_28 : memref<!tpu.dma_semaphore, #tpu.memory_space<semaphore_mem>>)
    %dma_start3A_38 = arith.constant 3 : i32
    %dma_start3A_39 = arith.constant 3 : i32
    %dma_start3A_40 = tpu.memref_slice %arg4[%dma_start3A_39] : memref<4x!tpu.dma_semaphore, #tpu.memory_space<semaphore_mem>> -> memref<1x!tpu.dma_semaphore, #tpu.memory_space<semaphore_mem>>
    %dma_start3A_41 = tpu.memref_squeeze %dma_start3A_40 : memref<1x!tpu.dma_semaphore, #tpu.memory_space<semaphore_mem>> -> memref<!tpu.dma_semaphore, #tpu.memory_space<semaphore_mem>>
    %dma_start3A_42 = arith.constant 0 : i32
    %dma_start3A_43 = arith.constant 0 : i32
    %dma_start3A_44 = arith.constant 0 : i32
    %dma_start3A_45 = tpu.memref_slice %arg3[%dma_start3A_38, %dma_start3A_42, %dma_start3A_43, %dma_start3A_44] : memref<4x8x196x768xf32, #tpu.memory_space<vmem>> -> memref<1x8x196x768xf32, #tpu.memory_space<vmem>>
    %dma_start3A_46 = tpu.memref_squeeze %dma_start3A_45 : memref<1x8x196x768xf32, #tpu.memory_space<vmem>> -> memref<8x196x768xf32, #tpu.memory_space<vmem>>
    %dma_start3A_47 = arith.constant 24 : i32
    %dma_start3A_48 = arith.constant 0 : i32
    %dma_start3A_49 = arith.constant 0 : i32
    %dma_start3A_50 = tpu.memref_slice %arg0[%dma_start3A_47, %dma_start3A_48, %dma_start3A_49] : memref<256x196x768xf32, #tpu.memory_space<any>> -> memref<8x196x768xf32, #tpu.memory_space<any>>
    tpu.enqueue_dma source(%dma_start3A_50 : memref<8x196x768xf32, #tpu.memory_space<any>>) target(%dma_start3A_46 : memref<8x196x768xf32, #tpu.memory_space<vmem>>) target_semaphore(%dma_start3A_41 : memref<!tpu.dma_semaphore, #tpu.memory_space<semaphore_mem>>)
    %dma_wait3A = arith.constant 0 : i32
    %dma_wait3A_51 = arith.constant 0 : i32
    %dma_wait3A_52 = tpu.memref_slice %arg4[%dma_wait3A_51] : memref<4x!tpu.dma_semaphore, #tpu.memory_space<semaphore_mem>> -> memref<1x!tpu.dma_semaphore, #tpu.memory_space<semaphore_mem>>
    %dma_wait3A_53 = tpu.memref_squeeze %dma_wait3A_52 : memref<1x!tpu.dma_semaphore, #tpu.memory_space<semaphore_mem>> -> memref<!tpu.dma_semaphore, #tpu.memory_space<semaphore_mem>>
    %dma_wait3A_54 = arith.constant 0 : i32
    %dma_wait3A_55 = arith.constant 0 : i32
    %dma_wait3A_56 = arith.constant 0 : i32
    %dma_wait3A_57 = tpu.memref_slice %arg3[%dma_wait3A, %dma_wait3A_54, %dma_wait3A_55, %dma_wait3A_56] : memref<4x8x196x768xf32, #tpu.memory_space<vmem>> -> memref<1x8x196x768xf32, #tpu.memory_space<vmem>>
    %dma_wait3A_58 = tpu.memref_squeeze %dma_wait3A_57 : memref<1x8x196x768xf32, #tpu.memory_space<vmem>> -> memref<8x196x768xf32, #tpu.memory_space<vmem>>
    %dma_wait3A_59 = arith.constant 0 : i32
    %dma_wait3A_60 = arith.constant 0 : i32
    %dma_wait3A_61 = arith.constant 0 : i32
    %dma_wait3A_62 = tpu.memref_slice %arg0[%dma_wait3A_59, %dma_wait3A_60, %dma_wait3A_61] : memref<256x196x768xf32, #tpu.memory_space<any>> -> memref<8x196x768xf32, #tpu.memory_space<any>>
    tpu.wait_dma2 semaphore(%dma_wait3A_53 : memref<!tpu.dma_semaphore, #tpu.memory_space<semaphore_mem>>) src(%dma_wait3A_62 : memref<8x196x768xf32, #tpu.memory_space<any>>) dst(%dma_wait3A_58 : memref<8x196x768xf32, #tpu.memory_space<vmem>>)
    %get3A = arith.constant 0 : index
    %get3A_63 = arith.constant 0 : index
    %get3A_64 = arith.constant 0 : index
    %get3A_65 = arith.constant 0 : index
    %get3A_66 = vector.load %arg3[%get3A, %get3A_63, %get3A_64, %get3A_65] : memref<4x8x196x768xf32, #tpu.memory_space<vmem>>, vector<1x8x196x768xf32>
    %get3A_67 = vector.shape_cast %get3A_66 : vector<1x8x196x768xf32> to vector<8x196x768xf32>
    %reduce_sum3A = arith.constant dense<0.000000e+00> : vector<8x768xf32>
    %reduce_sum3A_68 = vector.multi_reduction <add>, %get3A_67, %reduce_sum3A [1] : vector<8x196x768xf32> to vector<8x768xf32>
    %swap3A = arith.constant 0 : index
    %swap3A_69 = arith.constant 0 : index
    %swap3A_70 = vector.load %arg2[%swap3A, %swap3A_69] : memref<256x768xf32, #tpu.memory_space<vmem>>, vector<8x768xf32>
    tpu.vector_store %arg2[%swap3A, %swap3A_69], %reduce_sum3A_68 {strides = array<i32>} : memref<256x768xf32, #tpu.memory_space<vmem>>, vector<8x768xf32>,
    %dma_start3A_71 = arith.constant 0 : i32
    %dma_start3A_72 = arith.constant 0 : i32
    %dma_start3A_73 = tpu.memref_slice %arg5[%dma_start3A_72] : memref<4x!tpu.dma_semaphore, #tpu.memory_space<semaphore_mem>> -> memref<1x!tpu.dma_semaphore, #tpu.memory_space<semaphore_mem>>
    %dma_start3A_74 = tpu.memref_squeeze %dma_start3A_73 : memref<1x!tpu.dma_semaphore, #tpu.memory_space<semaphore_mem>> -> memref<!tpu.dma_semaphore, #tpu.memory_space<semaphore_mem>>
    %dma_start3A_75 = arith.constant 0 : i32
    %dma_start3A_76 = arith.constant 8 : i32
    %dma_start3A_77 = arith.constant 0 : i32
    %dma_start3A_78 = tpu.memref_slice %arg1[%dma_start3A_75, %dma_start3A_76, %dma_start3A_77] : memref<256x204x768xf32, #tpu.memory_space<any>> -> memref<8x196x768xf32, #tpu.memory_space<any>>
    %dma_start3A_79 = arith.constant 0 : i32
    %dma_start3A_80 = arith.constant 0 : i32
    %dma_start3A_81 = arith.constant 0 : i32
    %dma_start3A_82 = tpu.memref_slice %arg3[%dma_start3A_71, %dma_start3A_79, %dma_start3A_80, %dma_start3A_81] : memref<4x8x196x768xf32, #tpu.memory_space<vmem>> -> memref<1x8x196x768xf32, #tpu.memory_space<vmem>>
    %dma_start3A_83 = tpu.memref_squeeze %dma_start3A_82 : memref<1x8x196x768xf32, #tpu.memory_space<vmem>> -> memref<8x196x768xf32, #tpu.memory_space<vmem>>
    tpu.enqueue_dma source(%dma_start3A_83 : memref<8x196x768xf32, #tpu.memory_space<vmem>>) target(%dma_start3A_78 : memref<8x196x768xf32, #tpu.memory_space<any>>) target_semaphore(%dma_start3A_74 : memref<!tpu.dma_semaphore, #tpu.memory_space<semaphore_mem>>)
    %dma_wait3A_84 = arith.constant 0 : i32
    %dma_wait3A_85 = arith.constant 0 : i32
    %dma_wait3A_86 = tpu.memref_slice %arg5[%dma_wait3A_85] : memref<4x!tpu.dma_semaphore, #tpu.memory_space<semaphore_mem>> -> memref<1x!tpu.dma_semaphore, #tpu.memory_space<semaphore_mem>>
    %dma_wait3A_87 = tpu.memref_squeeze %dma_wait3A_86 : memref<1x!tpu.dma_semaphore, #tpu.memory_space<semaphore_mem>> -> memref<!tpu.dma_semaphore, #tpu.memory_space<semaphore_mem>>
    %dma_wait3A_88 = arith.constant 0 : i32
    %dma_wait3A_89 = arith.constant 8 : i32
    %dma_wait3A_90 = arith.constant 0 : i32
    %dma_wait3A_91 = tpu.memref_slice %arg1[%dma_wait3A_88, %dma_wait3A_89, %dma_wait3A_90] : memref<256x204x768xf32, #tpu.memory_space<any>> -> memref<8x196x768xf32, #tpu.memory_space<any>>
    %dma_wait3A_92 = arith.constant 0 : i32
    %dma_wait3A_93 = arith.constant 0 : i32
    %dma_wait3A_94 = arith.constant 0 : i32
    %dma_wait3A_95 = tpu.memref_slice %arg3[%dma_wait3A_84, %dma_wait3A_92, %dma_wait3A_93, %dma_wait3A_94] : memref<4x8x196x768xf32, #tpu.memory_space<vmem>> -> memref<1x8x196x768xf32, #tpu.memory_space<vmem>>
    %dma_wait3A_96 = tpu.memref_squeeze %dma_wait3A_95 : memref<1x8x196x768xf32, #tpu.memory_space<vmem>> -> memref<8x196x768xf32, #tpu.memory_space<vmem>>
    tpu.wait_dma2 semaphore(%dma_wait3A_87 : memref<!tpu.dma_semaphore, #tpu.memory_space<semaphore_mem>>) src(%dma_wait3A_96 : memref<8x196x768xf32, #tpu.memory_space<vmem>>) dst(%dma_wait3A_91 : memref<8x196x768xf32, #tpu.memory_space<any>>)
    %dma_start3A_97 = arith.constant 0 : i32
    %dma_start3A_98 = arith.constant 0 : i32
    %dma_start3A_99 = tpu.memref_slice %arg4[%dma_start3A_98] : memref<4x!tpu.dma_semaphore, #tpu.memory_space<semaphore_mem>> -> memref<1x!tpu.dma_semaphore, #tpu.memory_space<semaphore_mem>>
    %dma_start3A_100 = tpu.memref_squeeze %dma_start3A_99 : memref<1x!tpu.dma_semaphore, #tpu.memory_space<semaphore_mem>> -> memref<!tpu.dma_semaphore, #tpu.memory_space<semaphore_mem>>
    %dma_start3A_101 = arith.constant 0 : i32
    %dma_start3A_102 = arith.constant 0 : i32
    %dma_start3A_103 = arith.constant 0 : i32
    %dma_start3A_104 = tpu.memref_slice %arg3[%dma_start3A_97, %dma_start3A_101, %dma_start3A_102, %dma_start3A_103] : memref<4x8x196x768xf32, #tpu.memory_space<vmem>> -> memref<1x8x196x768xf32, #tpu.memory_space<vmem>>
    %dma_start3A_105 = tpu.memref_squeeze %dma_start3A_104 : memref<1x8x196x768xf32, #tpu.memory_space<vmem>> -> memref<8x196x768xf32, #tpu.memory_space<vmem>>
    %dma_start3A_106 = arith.constant 32 : i32
    %dma_start3A_107 = arith.constant 0 : i32
    %dma_start3A_108 = arith.constant 0 : i32
    %dma_start3A_109 = tpu.memref_slice %arg0[%dma_start3A_106, %dma_start3A_107, %dma_start3A_108] : memref<256x196x768xf32, #tpu.memory_space<any>> -> memref<8x196x768xf32, #tpu.memory_space<any>>
    tpu.enqueue_dma source(%dma_start3A_109 : memref<8x196x768xf32, #tpu.memory_space<any>>) target(%dma_start3A_105 : memref<8x196x768xf32, #tpu.memory_space<vmem>>) target_semaphore(%dma_start3A_100 : memref<!tpu.dma_semaphore, #tpu.memory_space<semaphore_mem>>)
    %dma_wait3A_110 = arith.constant 1 : i32
    %dma_wait3A_111 = arith.constant 1 : i32
    %dma_wait3A_112 = tpu.memref_slice %arg4[%dma_wait3A_111] : memref<4x!tpu.dma_semaphore, #tpu.memory_space<semaphore_mem>> -> memref<1x!tpu.dma_semaphore, #tpu.memory_space<semaphore_mem>>
    %dma_wait3A_113 = tpu.memref_squeeze %dma_wait3A_112 : memref<1x!tpu.dma_semaphore, #tpu.memory_space<semaphore_mem>> -> memref<!tpu.dma_semaphore, #tpu.memory_space<semaphore_mem>>
    %dma_wait3A_114 = arith.constant 0 : i32
    %dma_wait3A_115 = arith.constant 0 : i32
    %dma_wait3A_116 = arith.constant 0 : i32
    %dma_wait3A_117 = tpu.memref_slice %arg3[%dma_wait3A_110, %dma_wait3A_114, %dma_wait3A_115, %dma_wait3A_116] : memref<4x8x196x768xf32, #tpu.memory_space<vmem>> -> memref<1x8x196x768xf32, #tpu.memory_space<vmem>>
    %dma_wait3A_118 = tpu.memref_squeeze %dma_wait3A_117 : memref<1x8x196x768xf32, #tpu.memory_space<vmem>> -> memref<8x196x768xf32, #tpu.memory_space<vmem>>
    %dma_wait3A_119 = arith.constant 8 : i32
    %dma_wait3A_120 = arith.constant 0 : i32
    %dma_wait3A_121 = arith.constant 0 : i32
    %dma_wait3A_122 = tpu.memref_slice %arg0[%dma_wait3A_119, %dma_wait3A_120, %dma_wait3A_121] : memref<256x196x768xf32, #tpu.memory_space<any>> -> memref<8x196x768xf32, #tpu.memory_space<any>>
    tpu.wait_dma2 semaphore(%dma_wait3A_113 : memref<!tpu.dma_semaphore, #tpu.memory_space<semaphore_mem>>) src(%dma_wait3A_122 : memref<8x196x768xf32, #tpu.memory_space<any>>) dst(%dma_wait3A_118 : memref<8x196x768xf32, #tpu.memory_space<vmem>>)
    %get3A_123 = arith.constant 1 : index
    %get3A_124 = arith.constant 0 : index
    %get3A_125 = arith.constant 0 : index
    %get3A_126 = arith.constant 0 : index
    %get3A_127 = vector.load %arg3[%get3A_123, %get3A_124, %get3A_125, %get3A_126] : memref<4x8x196x768xf32, #tpu.memory_space<vmem>>, vector<1x8x196x768xf32>
    %get3A_128 = vector.shape_cast %get3A_127 : vector<1x8x196x768xf32> to vector<8x196x768xf32>
    %reduce_sum3A_129 = arith.constant dense<0.000000e+00> : vector<8x768xf32>
    %reduce_sum3A_130 = vector.multi_reduction <add>, %get3A_128, %reduce_sum3A_129 [1] : vector<8x196x768xf32> to vector<8x768xf32>
    %swap3A_131 = arith.constant 8 : index
    %swap3A_132 = arith.constant 0 : index
    %swap3A_133 = vector.load %arg2[%swap3A_131, %swap3A_132] : memref<256x768xf32, #tpu.memory_space<vmem>>, vector<8x768xf32>
    tpu.vector_store %arg2[%swap3A_131, %swap3A_132], %reduce_sum3A_130 {strides = array<i32>} : memref<256x768xf32, #tpu.memory_space<vmem>>, vector<8x768xf32>,
    %dma_start3A_134 = arith.constant 1 : i32
    %dma_start3A_135 = arith.constant 1 : i32
    %dma_start3A_136 = tpu.memref_slice %arg5[%dma_start3A_135] : memref<4x!tpu.dma_semaphore, #tpu.memory_space<semaphore_mem>> -> memref<1x!tpu.dma_semaphore, #tpu.memory_space<semaphore_mem>>
    %dma_start3A_137 = tpu.memref_squeeze %dma_start3A_136 : memref<1x!tpu.dma_semaphore, #tpu.memory_space<semaphore_mem>> -> memref<!tpu.dma_semaphore, #tpu.memory_space<semaphore_mem>>
    %dma_start3A_138 = arith.constant 8 : i32
    %dma_start3A_139 = arith.constant 8 : i32
    %dma_start3A_140 = arith.constant 0 : i32
    %dma_start3A_141 = tpu.memref_slice %arg1[%dma_start3A_138, %dma_start3A_139, %dma_start3A_140] : memref<256x204x768xf32, #tpu.memory_space<any>> -> memref<8x196x768xf32, #tpu.memory_space<any>>
    %dma_start3A_142 = arith.constant 0 : i32
    %dma_start3A_143 = arith.constant 0 : i32
    %dma_start3A_144 = arith.constant 0 : i32
    %dma_start3A_145 = tpu.memref_slice %arg3[%dma_start3A_134, %dma_start3A_142, %dma_start3A_143, %dma_start3A_144] : memref<4x8x196x768xf32, #tpu.memory_space<vmem>> -> memref<1x8x196x768xf32, #tpu.memory_space<vmem>>
    %dma_start3A_146 = tpu.memref_squeeze %dma_start3A_145 : memref<1x8x196x768xf32, #tpu.memory_space<vmem>> -> memref<8x196x768xf32, #tpu.memory_space<vmem>>
    tpu.enqueue_dma source(%dma_start3A_146 : memref<8x196x768xf32, #tpu.memory_space<vmem>>) target(%dma_start3A_141 : memref<8x196x768xf32, #tpu.memory_space<any>>) target_semaphore(%dma_start3A_137 : memref<!tpu.dma_semaphore, #tpu.memory_space<semaphore_mem>>)
    %dma_wait3A_147 = arith.constant 1 : i32
    %dma_wait3A_148 = arith.constant 1 : i32
    %dma_wait3A_149 = tpu.memref_slice %arg5[%dma_wait3A_148] : memref<4x!tpu.dma_semaphore, #tpu.memory_space<semaphore_mem>> -> memref<1x!tpu.dma_semaphore, #tpu.memory_space<semaphore_mem>>
    %dma_wait3A_150 = tpu.memref_squeeze %dma_wait3A_149 : memref<1x!tpu.dma_semaphore, #tpu.memory_space<semaphore_mem>> -> memref<!tpu.dma_semaphore, #tpu.memory_space<semaphore_mem>>
    %dma_wait3A_151 = arith.constant 8 : i32
    %dma_wait3A_152 = arith.constant 8 : i32
    %dma_wait3A_153 = arith.constant 0 : i32
    %dma_wait3A_154 = tpu.memref_slice %arg1[%dma_wait3A_151, %dma_wait3A_152, %dma_wait3A_153] : memref<256x204x768xf32, #tpu.memory_space<any>> -> memref<8x196x768xf32, #tpu.memory_space<any>>
    %dma_wait3A_155 = arith.constant 0 : i32
    %dma_wait3A_156 = arith.constant 0 : i32
    %dma_wait3A_157 = arith.constant 0 : i32
    %dma_wait3A_158 = tpu.memref_slice %arg3[%dma_wait3A_147, %dma_wait3A_155, %dma_wait3A_156, %dma_wait3A_157] : memref<4x8x196x768xf32, #tpu.memory_space<vmem>> -> memref<1x8x196x768xf32, #tpu.memory_space<vmem>>
    %dma_wait3A_159 = tpu.memref_squeeze %dma_wait3A_158 : memref<1x8x196x768xf32, #tpu.memory_space<vmem>> -> memref<8x196x768xf32, #tpu.memory_space<vmem>>
    tpu.wait_dma2 semaphore(%dma_wait3A_150 : memref<!tpu.dma_semaphore, #tpu.memory_space<semaphore_mem>>) src(%dma_wait3A_159 : memref<8x196x768xf32, #tpu.memory_space<vmem>>) dst(%dma_wait3A_154 : memref<8x196x768xf32, #tpu.memory_space<any>>)
    %dma_start3A_160 = arith.constant 1 : i32
    %dma_start3A_161 = arith.constant 1 : i32
    %dma_start3A_162 = tpu.memref_slice %arg4[%dma_start3A_161] : memref<4x!tpu.dma_semaphore, #tpu.memory_space<semaphore_mem>> -> memref<1x!tpu.dma_semaphore, #tpu.memory_space<semaphore_mem>>
    %dma_start3A_163 = tpu.memref_squeeze %dma_start3A_162 : memref<1x!tpu.dma_semaphore, #tpu.memory_space<semaphore_mem>> -> memref<!tpu.dma_semaphore, #tpu.memory_space<semaphore_mem>>
    %dma_start3A_164 = arith.constant 0 : i32
    %dma_start3A_165 = arith.constant 0 : i32
    %dma_start3A_166 = arith.constant 0 : i32
    %dma_start3A_167 = tpu.memref_slice %arg3[%dma_start3A_160, %dma_start3A_164, %dma_start3A_165, %dma_start3A_166] : memref<4x8x196x768xf32, #tpu.memory_space<vmem>> -> memref<1x8x196x768xf32, #tpu.memory_space<vmem>>
    %dma_start3A_168 = tpu.memref_squeeze %dma_start3A_167 : memref<1x8x196x768xf32, #tpu.memory_space<vmem>> -> memref<8x196x768xf32, #tpu.memory_space<vmem>>
    %dma_start3A_169 = arith.constant 40 : i32
    %dma_start3A_170 = arith.constant 0 : i32
    %dma_start3A_171 = arith.constant 0 : i32
    %dma_start3A_172 = tpu.memref_slice %arg0[%dma_start3A_169, %dma_start3A_170, %dma_start3A_171] : memref<256x196x768xf32, #tpu.memory_space<any>> -> memref<8x196x768xf32, #tpu.memory_space<any>>
    tpu.enqueue_dma source(%dma_start3A_172 : memref<8x196x768xf32, #tpu.memory_space<any>>) target(%dma_start3A_168 : memref<8x196x768xf32, #tpu.memory_space<vmem>>) target_semaphore(%dma_start3A_163 : memref<!tpu.dma_semaphore, #tpu.memory_space<semaphore_mem>>)
    %dma_wait3A_173 = arith.constant 2 : i32
    %dma_wait3A_174 = arith.constant 2 : i32
    %dma_wait3A_175 = tpu.memref_slice %arg4[%dma_wait3A_174] : memref<4x!tpu.dma_semaphore, #tpu.memory_space<semaphore_mem>> -> memref<1x!tpu.dma_semaphore, #tpu.memory_space<semaphore_mem>>
    %dma_wait3A_176 = tpu.memref_squeeze %dma_wait3A_175 : memref<1x!tpu.dma_semaphore, #tpu.memory_space<semaphore_mem>> -> memref<!tpu.dma_semaphore, #tpu.memory_space<semaphore_mem>>
    %dma_wait3A_177 = arith.constant 0 : i32
    %dma_wait3A_178 = arith.constant 0 : i32
    %dma_wait3A_179 = arith.constant 0 : i32
    %dma_wait3A_180 = tpu.memref_slice %arg3[%dma_wait3A_173, %dma_wait3A_177, %dma_wait3A_178, %dma_wait3A_179] : memref<4x8x196x768xf32, #tpu.memory_space<vmem>> -> memref<1x8x196x768xf32, #tpu.memory_space<vmem>>
    %dma_wait3A_181 = tpu.memref_squeeze %dma_wait3A_180 : memref<1x8x196x768xf32, #tpu.memory_space<vmem>> -> memref<8x196x768xf32, #tpu.memory_space<vmem>>
    %dma_wait3A_182 = arith.constant 16 : i32
    %dma_wait3A_183 = arith.constant 0 : i32
    %dma_wait3A_184 = arith.constant 0 : i32
    %dma_wait3A_185 = tpu.memref_slice %arg0[%dma_wait3A_182, %dma_wait3A_183, %dma_wait3A_184] : memref<256x196x768xf32, #tpu.memory_space<any>> -> memref<8x196x768xf32, #tpu.memory_space<any>>
    tpu.wait_dma2 semaphore(%dma_wait3A_176 : memref<!tpu.dma_semaphore, #tpu.memory_space<semaphore_mem>>) src(%dma_wait3A_185 : memref<8x196x768xf32, #tpu.memory_space<any>>) dst(%dma_wait3A_181 : memref<8x196x768xf32, #tpu.memory_space<vmem>>)
    %get3A_186 = arith.constant 2 : index
    %get3A_187 = arith.constant 0 : index
    %get3A_188 = arith.constant 0 : index
    %get3A_189 = arith.constant 0 : index
    %get3A_190 = vector.load %arg3[%get3A_186, %get3A_187, %get3A_188, %get3A_189] : memref<4x8x196x768xf32, #tpu.memory_space<vmem>>, vector<1x8x196x768xf32>
    %get3A_191 = vector.shape_cast %get3A_190 : vector<1x8x196x768xf32> to vector<8x196x768xf32>
    %reduce_sum3A_192 = arith.constant dense<0.000000e+00> : vector<8x768xf32>
    %reduce_sum3A_193 = vector.multi_reduction <add>, %get3A_191, %reduce_sum3A_192 [1] : vector<8x196x768xf32> to vector<8x768xf32>
    %swap3A_194 = arith.constant 16 : index
    %swap3A_195 = arith.constant 0 : index
    %swap3A_196 = vector.load %arg2[%swap3A_194, %swap3A_195] : memref<256x768xf32, #tpu.memory_space<vmem>>, vector<8x768xf32>
    tpu.vector_store %arg2[%swap3A_194, %swap3A_195], %reduce_sum3A_193 {strides = array<i32>} : memref<256x768xf32, #tpu.memory_space<vmem>>, vector<8x768xf32>,
    %dma_start3A_197 = arith.constant 2 : i32
    %dma_start3A_198 = arith.constant 2 : i32
    %dma_start3A_199 = tpu.memref_slice %arg5[%dma_start3A_198] : memref<4x!tpu.dma_semaphore, #tpu.memory_space<semaphore_mem>> -> memref<1x!tpu.dma_semaphore, #tpu.memory_space<semaphore_mem>>
    %dma_start3A_200 = tpu.memref_squeeze %dma_start3A_199 : memref<1x!tpu.dma_semaphore, #tpu.memory_space<semaphore_mem>> -> memref<!tpu.dma_semaphore, #tpu.memory_space<semaphore_mem>>
    %dma_start3A_201 = arith.constant 16 : i32
    %dma_start3A_202 = arith.constant 8 : i32
    %dma_start3A_203 = arith.constant 0 : i32
    %dma_start3A_204 = tpu.memref_slice %arg1[%dma_start3A_201, %dma_start3A_202, %dma_start3A_203] : memref<256x204x768xf32, #tpu.memory_space<any>> -> memref<8x196x768xf32, #tpu.memory_space<any>>
    %dma_start3A_205 = arith.constant 0 : i32
    %dma_start3A_206 = arith.constant 0 : i32
    %dma_start3A_207 = arith.constant 0 : i32
    %dma_start3A_208 = tpu.memref_slice %arg3[%dma_start3A_197, %dma_start3A_205, %dma_start3A_206, %dma_start3A_207] : memref<4x8x196x768xf32, #tpu.memory_space<vmem>> -> memref<1x8x196x768xf32, #tpu.memory_space<vmem>>
    %dma_start3A_209 = tpu.memref_squeeze %dma_start3A_208 : memref<1x8x196x768xf32, #tpu.memory_space<vmem>> -> memref<8x196x768xf32, #tpu.memory_space<vmem>>
    tpu.enqueue_dma source(%dma_start3A_209 : memref<8x196x768xf32, #tpu.memory_space<vmem>>) target(%dma_start3A_204 : memref<8x196x768xf32, #tpu.memory_space<any>>) target_semaphore(%dma_start3A_200 : memref<!tpu.dma_semaphore, #tpu.memory_space<semaphore_mem>>)
    %dma_wait3A_210 = arith.constant 2 : i32
    %dma_wait3A_211 = arith.constant 2 : i32
    %dma_wait3A_212 = tpu.memref_slice %arg5[%dma_wait3A_211] : memref<4x!tpu.dma_semaphore, #tpu.memory_space<semaphore_mem>> -> memref<1x!tpu.dma_semaphore, #tpu.memory_space<semaphore_mem>>
    %dma_wait3A_213 = tpu.memref_squeeze %dma_wait3A_212 : memref<1x!tpu.dma_semaphore, #tpu.memory_space<semaphore_mem>> -> memref<!tpu.dma_semaphore, #tpu.memory_space<semaphore_mem>>
    %dma_wait3A_214 = arith.constant 16 : i32
    %dma_wait3A_215 = arith.constant 8 : i32
    %dma_wait3A_216 = arith.constant 0 : i32
    %dma_wait3A_217 = tpu.memref_slice %arg1[%dma_wait3A_214, %dma_wait3A_215, %dma_wait3A_216] : memref<256x204x768xf32, #tpu.memory_space<any>> -> memref<8x196x768xf32, #tpu.memory_space<any>>
    %dma_wait3A_218 = arith.constant 0 : i32
    %dma_wait3A_219 = arith.constant 0 : i32
    %dma_wait3A_220 = arith.constant 0 : i32
    %dma_wait3A_221 = tpu.memref_slice %arg3[%dma_wait3A_210, %dma_wait3A_218, %dma_wait3A_219, %dma_wait3A_220] : memref<4x8x196x768xf32, #tpu.memory_space<vmem>> -> memref<1x8x196x768xf32, #tpu.memory_space<vmem>>
    %dma_wait3A_222 = tpu.memref_squeeze %dma_wait3A_221 : memref<1x8x196x768xf32, #tpu.memory_space<vmem>> -> memref<8x196x768xf32, #tpu.memory_space<vmem>>
    tpu.wait_dma2 semaphore(%dma_wait3A_213 : memref<!tpu.dma_semaphore, #tpu.memory_space<semaphore_mem>>) src(%dma_wait3A_222 : memref<8x196x768xf32, #tpu.memory_space<vmem>>) dst(%dma_wait3A_217 : memref<8x196x768xf32, #tpu.memory_space<any>>)
    %dma_start3A_223 = arith.constant 2 : i32
    %dma_start3A_224 = arith.constant 2 : i32
    %dma_start3A_225 = tpu.memref_slice %arg4[%dma_start3A_224] : memref<4x!tpu.dma_semaphore, #tpu.memory_space<semaphore_mem>> -> memref<1x!tpu.dma_semaphore, #tpu.memory_space<semaphore_mem>>
    %dma_start3A_226 = tpu.memref_squeeze %dma_start3A_225 : memref<1x!tpu.dma_semaphore, #tpu.memory_space<semaphore_mem>> -> memref<!tpu.dma_semaphore, #tpu.memory_space<semaphore_mem>>
    %dma_start3A_227 = arith.constant 0 : i32
    %dma_start3A_228 = arith.constant 0 : i32
    %dma_start3A_229 = arith.constant 0 : i32
    %dma_start3A_230 = tpu.memref_slice %arg3[%dma_start3A_223, %dma_start3A_227, %dma_start3A_228, %dma_start3A_229] : memref<4x8x196x768xf32, #tpu.memory_space<vmem>> -> memref<1x8x196x768xf32, #tpu.memory_space<vmem>>
    %dma_start3A_231 = tpu.memref_squeeze %dma_start3A_230 : memref<1x8x196x768xf32, #tpu.memory_space<vmem>> -> memref<8x196x768xf32, #tpu.memory_space<vmem>>
    %dma_start3A_232 = arith.constant 48 : i32
    %dma_start3A_233 = arith.constant 0 : i32
    %dma_start3A_234 = arith.constant 0 : i32
    %dma_start3A_235 = tpu.memref_slice %arg0[%dma_start3A_232, %dma_start3A_233, %dma_start3A_234] : memref<256x196x768xf32, #tpu.memory_space<any>> -> memref<8x196x768xf32, #tpu.memory_space<any>>
    tpu.enqueue_dma source(%dma_start3A_235 : memref<8x196x768xf32, #tpu.memory_space<any>>) target(%dma_start3A_231 : memref<8x196x768xf32, #tpu.memory_space<vmem>>) target_semaphore(%dma_start3A_226 : memref<!tpu.dma_semaphore, #tpu.memory_space<semaphore_mem>>)
    %dma_wait3A_236 = arith.constant 3 : i32
    %dma_wait3A_237 = arith.constant 3 : i32
    %dma_wait3A_238 = tpu.memref_slice %arg4[%dma_wait3A_237] : memref<4x!tpu.dma_semaphore, #tpu.memory_space<semaphore_mem>> -> memref<1x!tpu.dma_semaphore, #tpu.memory_space<semaphore_mem>>
    %dma_wait3A_239 = tpu.memref_squeeze %dma_wait3A_238 : memref<1x!tpu.dma_semaphore, #tpu.memory_space<semaphore_mem>> -> memref<!tpu.dma_semaphore, #tpu.memory_space<semaphore_mem>>
    %dma_wait3A_240 = arith.constant 0 : i32
    %dma_wait3A_241 = arith.constant 0 : i32
    %dma_wait3A_242 = arith.constant 0 : i32
    %dma_wait3A_243 = tpu.memref_slice %arg3[%dma_wait3A_236, %dma_wait3A_240, %dma_wait3A_241, %dma_wait3A_242] : memref<4x8x196x768xf32, #tpu.memory_space<vmem>> -> memref<1x8x196x768xf32, #tpu.memory_space<vmem>>
    %dma_wait3A_244 = tpu.memref_squeeze %dma_wait3A_243 : memref<1x8x196x768xf32, #tpu.memory_space<vmem>> -> memref<8x196x768xf32, #tpu.memory_space<vmem>>
    %dma_wait3A_245 = arith.constant 24 : i32
    %dma_wait3A_246 = arith.constant 0 : i32
    %dma_wait3A_247 = arith.constant 0 : i32
    %dma_wait3A_248 = tpu.memref_slice %arg0[%dma_wait3A_245, %dma_wait3A_246, %dma_wait3A_247] : memref<256x196x768xf32, #tpu.memory_space<any>> -> memref<8x196x768xf32, #tpu.memory_space<any>>
    tpu.wait_dma2 semaphore(%dma_wait3A_239 : memref<!tpu.dma_semaphore, #tpu.memory_space<semaphore_mem>>) src(%dma_wait3A_248 : memref<8x196x768xf32, #tpu.memory_space<any>>) dst(%dma_wait3A_244 : memref<8x196x768xf32, #tpu.memory_space<vmem>>)
    %get3A_249 = arith.constant 3 : index
    %get3A_250 = arith.constant 0 : index
    %get3A_251 = arith.constant 0 : index
    %get3A_252 = arith.constant 0 : index
    %get3A_253 = vector.load %arg3[%get3A_249, %get3A_250, %get3A_251, %get3A_252] : memref<4x8x196x768xf32, #tpu.memory_space<vmem>>, vector<1x8x196x768xf32>
    %get3A_254 = vector.shape_cast %get3A_253 : vector<1x8x196x768xf32> to vector<8x196x768xf32>
    %reduce_sum3A_255 = arith.constant dense<0.000000e+00> : vector<8x768xf32>
    %reduce_sum3A_256 = vector.multi_reduction <add>, %get3A_254, %reduce_sum3A_255 [1] : vector<8x196x768xf32> to vector<8x768xf32>
    %swap3A_257 = arith.constant 24 : index
    %swap3A_258 = arith.constant 0 : index
    %swap3A_259 = vector.load %arg2[%swap3A_257, %swap3A_258] : memref<256x768xf32, #tpu.memory_space<vmem>>, vector<8x768xf32>
    tpu.vector_store %arg2[%swap3A_257, %swap3A_258], %reduce_sum3A_256 {strides = array<i32>} : memref<256x768xf32, #tpu.memory_space<vmem>>, vector<8x768xf32>,
    %dma_start3A_260 = arith.constant 3 : i32
    %dma_start3A_261 = arith.constant 3 : i32
    %dma_start3A_262 = tpu.memref_slice %arg5[%dma_start3A_261] : memref<4x!tpu.dma_semaphore, #tpu.memory_space<semaphore_mem>> -> memref<1x!tpu.dma_semaphore, #tpu.memory_space<semaphore_mem>>
    %dma_start3A_263 = tpu.memref_squeeze %dma_start3A_262 : memref<1x!tpu.dma_semaphore, #tpu.memory_space<semaphore_mem>> -> memref<!tpu.dma_semaphore, #tpu.memory_space<semaphore_mem>>
    %dma_start3A_264 = arith.constant 24 : i32
    %dma_start3A_265 = arith.constant 8 : i32
    %dma_start3A_266 = arith.constant 0 : i32
    %dma_start3A_267 = tpu.memref_slice %arg1[%dma_start3A_264, %dma_start3A_265, %dma_start3A_266] : memref<256x204x768xf32, #tpu.memory_space<any>> -> memref<8x196x768xf32, #tpu.memory_space<any>>
    %dma_start3A_268 = arith.constant 0 : i32
    %dma_start3A_269 = arith.constant 0 : i32
    %dma_start3A_270 = arith.constant 0 : i32
    %dma_start3A_271 = tpu.memref_slice %arg3[%dma_start3A_260, %dma_start3A_268, %dma_start3A_269, %dma_start3A_270] : memref<4x8x196x768xf32, #tpu.memory_space<vmem>> -> memref<1x8x196x768xf32, #tpu.memory_space<vmem>>
    %dma_start3A_272 = tpu.memref_squeeze %dma_start3A_271 : memref<1x8x196x768xf32, #tpu.memory_space<vmem>> -> memref<8x196x768xf32, #tpu.memory_space<vmem>>
    tpu.enqueue_dma source(%dma_start3A_272 : memref<8x196x768xf32, #tpu.memory_space<vmem>>) target(%dma_start3A_267 : memref<8x196x768xf32, #tpu.memory_space<any>>) target_semaphore(%dma_start3A_263 : memref<!tpu.dma_semaphore, #tpu.memory_space<semaphore_mem>>)
    %dma_wait3A_273 = arith.constant 3 : i32
    %dma_wait3A_274 = arith.constant 3 : i32
    %dma_wait3A_275 = tpu.memref_slice %arg5[%dma_wait3A_274] : memref<4x!tpu.dma_semaphore, #tpu.memory_space<semaphore_mem>> -> memref<1x!tpu.dma_semaphore, #tpu.memory_space<semaphore_mem>>
    %dma_wait3A_276 = tpu.memref_squeeze %dma_wait3A_275 : memref<1x!tpu.dma_semaphore, #tpu.memory_space<semaphore_mem>> -> memref<!tpu.dma_semaphore, #tpu.memory_space<semaphore_mem>>
    %dma_wait3A_277 = arith.constant 24 : i32
    %dma_wait3A_278 = arith.constant 8 : i32
    %dma_wait3A_279 = arith.constant 0 : i32
    %dma_wait3A_280 = tpu.memref_slice %arg1[%dma_wait3A_277, %dma_wait3A_278, %dma_wait3A_279] : memref<256x204x768xf32, #tpu.memory_space<any>> -> memref<8x196x768xf32, #tpu.memory_space<any>>
    %dma_wait3A_281 = arith.constant 0 : i32
    %dma_wait3A_282 = arith.constant 0 : i32
    %dma_wait3A_283 = arith.constant 0 : i32
    %dma_wait3A_284 = tpu.memref_slice %arg3[%dma_wait3A_273, %dma_wait3A_281, %dma_wait3A_282, %dma_wait3A_283] : memref<4x8x196x768xf32, #tpu.memory_space<vmem>> -> memref<1x8x196x768xf32, #tpu.memory_space<vmem>>
    %dma_wait3A_285 = tpu.memref_squeeze %dma_wait3A_284 : memref<1x8x196x768xf32, #tpu.memory_space<vmem>> -> memref<8x196x768xf32, #tpu.memory_space<vmem>>
    tpu.wait_dma2 semaphore(%dma_wait3A_276 : memref<!tpu.dma_semaphore, #tpu.memory_space<semaphore_mem>>) src(%dma_wait3A_285 : memref<8x196x768xf32, #tpu.memory_space<vmem>>) dst(%dma_wait3A_280 : memref<8x196x768xf32, #tpu.memory_space<any>>)
    %dma_start3A_286 = arith.constant 3 : i32
    %dma_start3A_287 = arith.constant 3 : i32
    %dma_start3A_288 = tpu.memref_slice %arg4[%dma_start3A_287] : memref<4x!tpu.dma_semaphore, #tpu.memory_space<semaphore_mem>> -> memref<1x!tpu.dma_semaphore, #tpu.memory_space<semaphore_mem>>
    %dma_start3A_289 = tpu.memref_squeeze %dma_start3A_288 : memref<1x!tpu.dma_semaphore, #tpu.memory_space<semaphore_mem>> -> memref<!tpu.dma_semaphore, #tpu.memory_space<semaphore_mem>>
    %dma_start3A_290 = arith.constant 0 : i32
    %dma_start3A_291 = arith.constant 0 : i32
    %dma_start3A_292 = arith.constant 0 : i32
    %dma_start3A_293 = tpu.memref_slice %arg3[%dma_start3A_286, %dma_start3A_290, %dma_start3A_291, %dma_start3A_292] : memref<4x8x196x768xf32, #tpu.memory_space<vmem>> -> memref<1x8x196x768xf32, #tpu.memory_space<vmem>>
    %dma_start3A_294 = tpu.memref_squeeze %dma_start3A_293 : memref<1x8x196x768xf32, #tpu.memory_space<vmem>> -> memref<8x196x768xf32, #tpu.memory_space<vmem>>
    %dma_start3A_295 = arith.constant 56 : i32
    %dma_start3A_296 = arith.constant 0 : i32
    %dma_start3A_297 = arith.constant 0 : i32
    %dma_start3A_298 = tpu.memref_slice %arg0[%dma_start3A_295, %dma_start3A_296, %dma_start3A_297] : memref<256x196x768xf32, #tpu.memory_space<any>> -> memref<8x196x768xf32, #tpu.memory_space<any>>
    tpu.enqueue_dma source(%dma_start3A_298 : memref<8x196x768xf32, #tpu.memory_space<any>>) target(%dma_start3A_294 : memref<8x196x768xf32, #tpu.memory_space<vmem>>) target_semaphore(%dma_start3A_289 : memref<!tpu.dma_semaphore, #tpu.memory_space<semaphore_mem>>)
    %dma_wait3A_299 = arith.constant 0 : i32
    %dma_wait3A_300 = arith.constant 0 : i32
    %dma_wait3A_301 = tpu.memref_slice %arg4[%dma_wait3A_300] : memref<4x!tpu.dma_semaphore, #tpu.memory_space<semaphore_mem>> -> memref<1x!tpu.dma_semaphore, #tpu.memory_space<semaphore_mem>>
    %dma_wait3A_302 = tpu.memref_squeeze %dma_wait3A_301 : memref<1x!tpu.dma_semaphore, #tpu.memory_space<semaphore_mem>> -> memref<!tpu.dma_semaphore, #tpu.memory_space<semaphore_mem>>
    %dma_wait3A_303 = arith.constant 0 : i32
    %dma_wait3A_304 = arith.constant 0 : i32
    %dma_wait3A_305 = arith.constant 0 : i32
    %dma_wait3A_306 = tpu.memref_slice %arg3[%dma_wait3A_299, %dma_wait3A_303, %dma_wait3A_304, %dma_wait3A_305] : memref<4x8x196x768xf32, #tpu.memory_space<vmem>> -> memref<1x8x196x768xf32, #tpu.memory_space<vmem>>
    %dma_wait3A_307 = tpu.memref_squeeze %dma_wait3A_306 : memref<1x8x196x768xf32, #tpu.memory_space<vmem>> -> memref<8x196x768xf32, #tpu.memory_space<vmem>>
    %dma_wait3A_308 = arith.constant 32 : i32
    %dma_wait3A_309 = arith.constant 0 : i32
    %dma_wait3A_310 = arith.constant 0 : i32
    %dma_wait3A_311 = tpu.memref_slice %arg0[%dma_wait3A_308, %dma_wait3A_309, %dma_wait3A_310] : memref<256x196x768xf32, #tpu.memory_space<any>> -> memref<8x196x768xf32, #tpu.memory_space<any>>
    tpu.wait_dma2 semaphore(%dma_wait3A_302 : memref<!tpu.dma_semaphore, #tpu.memory_space<semaphore_mem>>) src(%dma_wait3A_311 : memref<8x196x768xf32, #tpu.memory_space<any>>) dst(%dma_wait3A_307 : memref<8x196x768xf32, #tpu.memory_space<vmem>>)
    %get3A_312 = arith.constant 0 : index
    %get3A_313 = arith.constant 0 : index
    %get3A_314 = arith.constant 0 : index
    %get3A_315 = arith.constant 0 : index
    %get3A_316 = vector.load %arg3[%get3A_312, %get3A_313, %get3A_314, %get3A_315] : memref<4x8x196x768xf32, #tpu.memory_space<vmem>>, vector<1x8x196x768xf32>
    %get3A_317 = vector.shape_cast %get3A_316 : vector<1x8x196x768xf32> to vector<8x196x768xf32>
    %reduce_sum3A_318 = arith.constant dense<0.000000e+00> : vector<8x768xf32>
    %reduce_sum3A_319 = vector.multi_reduction <add>, %get3A_317, %reduce_sum3A_318 [1] : vector<8x196x768xf32> to vector<8x768xf32>
    %swap3A_320 = arith.constant 32 : index
    %swap3A_321 = arith.constant 0 : index
    %swap3A_322 = vector.load %arg2[%swap3A_320, %swap3A_321] : memref<256x768xf32, #tpu.memory_space<vmem>>, vector<8x768xf32>
    tpu.vector_store %arg2[%swap3A_320, %swap3A_321], %reduce_sum3A_319 {strides = array<i32>} : memref<256x768xf32, #tpu.memory_space<vmem>>, vector<8x768xf32>,
    %dma_start3A_323 = arith.constant 0 : i32
    %dma_start3A_324 = arith.constant 0 : i32
    %dma_start3A_325 = tpu.memref_slice %arg5[%dma_start3A_324] : memref<4x!tpu.dma_semaphore, #tpu.memory_space<semaphore_mem>> -> memref<1x!tpu.dma_semaphore, #tpu.memory_space<semaphore_mem>>
    %dma_start3A_326 = tpu.memref_squeeze %dma_start3A_325 : memref<1x!tpu.dma_semaphore, #tpu.memory_space<semaphore_mem>> -> memref<!tpu.dma_semaphore, #tpu.memory_space<semaphore_mem>>
    %dma_start3A_327 = arith.constant 32 : i32
    %dma_start3A_328 = arith.constant 8 : i32
    %dma_start3A_329 = arith.constant 0 : i32
    %dma_start3A_330 = tpu.memref_slice %arg1[%dma_start3A_327, %dma_start3A_328, %dma_start3A_329] : memref<256x204x768xf32, #tpu.memory_space<any>> -> memref<8x196x768xf32, #tpu.memory_space<any>>
    %dma_start3A_331 = arith.constant 0 : i32
    %dma_start3A_332 = arith.constant 0 : i32
    %dma_start3A_333 = arith.constant 0 : i32
    %dma_start3A_334 = tpu.memref_slice %arg3[%dma_start3A_323, %dma_start3A_331, %dma_start3A_332, %dma_start3A_333] : memref<4x8x196x768xf32, #tpu.memory_space<vmem>> -> memref<1x8x196x768xf32, #tpu.memory_space<vmem>>
    %dma_start3A_335 = tpu.memref_squeeze %dma_start3A_334 : memref<1x8x196x768xf32, #tpu.memory_space<vmem>> -> memref<8x196x768xf32, #tpu.memory_space<vmem>>
    tpu.enqueue_dma source(%dma_start3A_335 : memref<8x196x768xf32, #tpu.memory_space<vmem>>) target(%dma_start3A_330 : memref<8x196x768xf32, #tpu.memory_space<any>>) target_semaphore(%dma_start3A_326 : memref<!tpu.dma_semaphore, #tpu.memory_space<semaphore_mem>>)
    %dma_wait3A_336 = arith.constant 0 : i32
    %dma_wait3A_337 = arith.constant 0 : i32
    %dma_wait3A_338 = tpu.memref_slice %arg5[%dma_wait3A_337] : memref<4x!tpu.dma_semaphore, #tpu.memory_space<semaphore_mem>> -> memref<1x!tpu.dma_semaphore, #tpu.memory_space<semaphore_mem>>
    %dma_wait3A_339 = tpu.memref_squeeze %dma_wait3A_338 : memref<1x!tpu.dma_semaphore, #tpu.memory_space<semaphore_mem>> -> memref<!tpu.dma_semaphore, #tpu.memory_space<semaphore_mem>>
    %dma_wait3A_340 = arith.constant 32 : i32
    %dma_wait3A_341 = arith.constant 8 : i32
    %dma_wait3A_342 = arith.constant 0 : i32
    %dma_wait3A_343 = tpu.memref_slice %arg1[%dma_wait3A_340, %dma_wait3A_341, %dma_wait3A_342] : memref<256x204x768xf32, #tpu.memory_space<any>> -> memref<8x196x768xf32, #tpu.memory_space<any>>
    %dma_wait3A_344 = arith.constant 0 : i32
    %dma_wait3A_345 = arith.constant 0 : i32
    %dma_wait3A_346 = arith.constant 0 : i32
    %dma_wait3A_347 = tpu.memref_slice %arg3[%dma_wait3A_336, %dma_wait3A_344, %dma_wait3A_345, %dma_wait3A_346] : memref<4x8x196x768xf32, #tpu.memory_space<vmem>> -> memref<1x8x196x768xf32, #tpu.memory_space<vmem>>
    %dma_wait3A_348 = tpu.memref_squeeze %dma_wait3A_347 : memref<1x8x196x768xf32, #tpu.memory_space<vmem>> -> memref<8x196x768xf32, #tpu.memory_space<vmem>>
    tpu.wait_dma2 semaphore(%dma_wait3A_339 : memref<!tpu.dma_semaphore, #tpu.memory_space<semaphore_mem>>) src(%dma_wait3A_348 : memref<8x196x768xf32, #tpu.memory_space<vmem>>) dst(%dma_wait3A_343 : memref<8x196x768xf32, #tpu.memory_space<any>>)
    %dma_start3A_349 = arith.constant 0 : i32
    %dma_start3A_350 = arith.constant 0 : i32
    %dma_start3A_351 = tpu.memref_slice %arg4[%dma_start3A_350] : memref<4x!tpu.dma_semaphore, #tpu.memory_space<semaphore_mem>> -> memref<1x!tpu.dma_semaphore, #tpu.memory_space<semaphore_mem>>
    %dma_start3A_352 = tpu.memref_squeeze %dma_start3A_351 : memref<1x!tpu.dma_semaphore, #tpu.memory_space<semaphore_mem>> -> memref<!tpu.dma_semaphore, #tpu.memory_space<semaphore_mem>>
    %dma_start3A_353 = arith.constant 0 : i32
    %dma_start3A_354 = arith.constant 0 : i32
    %dma_start3A_355 = arith.constant 0 : i32
    %dma_start3A_356 = tpu.memref_slice %arg3[%dma_start3A_349, %dma_start3A_353, %dma_start3A_354, %dma_start3A_355] : memref<4x8x196x768xf32, #tpu.memory_space<vmem>> -> memref<1x8x196x768xf32, #tpu.memory_space<vmem>>
    %dma_start3A_357 = tpu.memref_squeeze %dma_start3A_356 : memref<1x8x196x768xf32, #tpu.memory_space<vmem>> -> memref<8x196x768xf32, #tpu.memory_space<vmem>>
    %dma_start3A_358 = arith.constant 64 : i32
    %dma_start3A_359 = arith.constant 0 : i32
    %dma_start3A_360 = arith.constant 0 : i32
    %dma_start3A_361 = tpu.memref_slice %arg0[%dma_start3A_358, %dma_start3A_359, %dma_start3A_360] : memref<256x196x768xf32, #tpu.memory_space<any>> -> memref<8x196x768xf32, #tpu.memory_space<any>>
    tpu.enqueue_dma source(%dma_start3A_361 : memref<8x196x768xf32, #tpu.memory_space<any>>) target(%dma_start3A_357 : memref<8x196x768xf32, #tpu.memory_space<vmem>>) target_semaphore(%dma_start3A_352 : memref<!tpu.dma_semaphore, #tpu.memory_space<semaphore_mem>>)
    %dma_wait3A_362 = arith.constant 1 : i32
    %dma_wait3A_363 = arith.constant 1 : i32
    %dma_wait3A_364 = tpu.memref_slice %arg4[%dma_wait3A_363] : memref<4x!tpu.dma_semaphore, #tpu.memory_space<semaphore_mem>> -> memref<1x!tpu.dma_semaphore, #tpu.memory_space<semaphore_mem>>
    %dma_wait3A_365 = tpu.memref_squeeze %dma_wait3A_364 : memref<1x!tpu.dma_semaphore, #tpu.memory_space<semaphore_mem>> -> memref<!tpu.dma_semaphore, #tpu.memory_space<semaphore_mem>>
    %dma_wait3A_366 = arith.constant 0 : i32
    %dma_wait3A_367 = arith.constant 0 : i32
    %dma_wait3A_368 = arith.constant 0 : i32
    %dma_wait3A_369 = tpu.memref_slice %arg3[%dma_wait3A_362, %dma_wait3A_366, %dma_wait3A_367, %dma_wait3A_368] : memref<4x8x196x768xf32, #tpu.memory_space<vmem>> -> memref<1x8x196x768xf32, #tpu.memory_space<vmem>>
    %dma_wait3A_370 = tpu.memref_squeeze %dma_wait3A_369 : memref<1x8x196x768xf32, #tpu.memory_space<vmem>> -> memref<8x196x768xf32, #tpu.memory_space<vmem>>
    %dma_wait3A_371 = arith.constant 40 : i32
    %dma_wait3A_372 = arith.constant 0 : i32
    %dma_wait3A_373 = arith.constant 0 : i32
    %dma_wait3A_374 = tpu.memref_slice %arg0[%dma_wait3A_371, %dma_wait3A_372, %dma_wait3A_373] : memref<256x196x768xf32, #tpu.memory_space<any>> -> memref<8x196x768xf32, #tpu.memory_space<any>>
    tpu.wait_dma2 semaphore(%dma_wait3A_365 : memref<!tpu.dma_semaphore, #tpu.memory_space<semaphore_mem>>) src(%dma_wait3A_374 : memref<8x196x768xf32, #tpu.memory_space<any>>) dst(%dma_wait3A_370 : memref<8x196x768xf32, #tpu.memory_space<vmem>>)
    %get3A_375 = arith.constant 1 : index
    %get3A_376 = arith.constant 0 : index
    %get3A_377 = arith.constant 0 : index
    %get3A_378 = arith.constant 0 : index
    %get3A_379 = vector.load %arg3[%get3A_375, %get3A_376, %get3A_377, %get3A_378] : memref<4x8x196x768xf32, #tpu.memory_space<vmem>>, vector<1x8x196x768xf32>
    %get3A_380 = vector.shape_cast %get3A_379 : vector<1x8x196x768xf32> to vector<8x196x768xf32>
    %reduce_sum3A_381 = arith.constant dense<0.000000e+00> : vector<8x768xf32>
    %reduce_sum3A_382 = vector.multi_reduction <add>, %get3A_380, %reduce_sum3A_381 [1] : vector<8x196x768xf32> to vector<8x768xf32>
    %swap3A_383 = arith.constant 40 : index
    %swap3A_384 = arith.constant 0 : index
    %swap3A_385 = vector.load %arg2[%swap3A_383, %swap3A_384] : memref<256x768xf32, #tpu.memory_space<vmem>>, vector<8x768xf32>
    tpu.vector_store %arg2[%swap3A_383, %swap3A_384], %reduce_sum3A_382 {strides = array<i32>} : memref<256x768xf32, #tpu.memory_space<vmem>>, vector<8x768xf32>,
    %dma_start3A_386 = arith.constant 1 : i32
    %dma_start3A_387 = arith.constant 1 : i32
    %dma_start3A_388 = tpu.memref_slice %arg5[%dma_start3A_387] : memref<4x!tpu.dma_semaphore, #tpu.memory_space<semaphore_mem>> -> memref<1x!tpu.dma_semaphore, #tpu.memory_space<semaphore_mem>>
    %dma_start3A_389 = tpu.memref_squeeze %dma_start3A_388 : memref<1x!tpu.dma_semaphore, #tpu.memory_space<semaphore_mem>> -> memref<!tpu.dma_semaphore, #tpu.memory_space<semaphore_mem>>
    %dma_start3A_390 = arith.constant 40 : i32
    %dma_start3A_391 = arith.constant 8 : i32
    %dma_start3A_392 = arith.constant 0 : i32
    %dma_start3A_393 = tpu.memref_slice %arg1[%dma_start3A_390, %dma_start3A_391, %dma_start3A_392] : memref<256x204x768xf32, #tpu.memory_space<any>> -> memref<8x196x768xf32, #tpu.memory_space<any>>
    %dma_start3A_394 = arith.constant 0 : i32
    %dma_start3A_395 = arith.constant 0 : i32
    %dma_start3A_396 = arith.constant 0 : i32
    %dma_start3A_397 = tpu.memref_slice %arg3[%dma_start3A_386, %dma_start3A_394, %dma_start3A_395, %dma_start3A_396] : memref<4x8x196x768xf32, #tpu.memory_space<vmem>> -> memref<1x8x196x768xf32, #tpu.memory_space<vmem>>
    %dma_start3A_398 = tpu.memref_squeeze %dma_start3A_397 : memref<1x8x196x768xf32, #tpu.memory_space<vmem>> -> memref<8x196x768xf32, #tpu.memory_space<vmem>>
    tpu.enqueue_dma source(%dma_start3A_398 : memref<8x196x768xf32, #tpu.memory_space<vmem>>) target(%dma_start3A_393 : memref<8x196x768xf32, #tpu.memory_space<any>>) target_semaphore(%dma_start3A_389 : memref<!tpu.dma_semaphore, #tpu.memory_space<semaphore_mem>>)
    %dma_wait3A_399 = arith.constant 1 : i32
    %dma_wait3A_400 = arith.constant 1 : i32
    %dma_wait3A_401 = tpu.memref_slice %arg5[%dma_wait3A_400] : memref<4x!tpu.dma_semaphore, #tpu.memory_space<semaphore_mem>> -> memref<1x!tpu.dma_semaphore, #tpu.memory_space<semaphore_mem>>
    %dma_wait3A_402 = tpu.memref_squeeze %dma_wait3A_401 : memref<1x!tpu.dma_semaphore, #tpu.memory_space<semaphore_mem>> -> memref<!tpu.dma_semaphore, #tpu.memory_space<semaphore_mem>>
    %dma_wait3A_403 = arith.constant 40 : i32
    %dma_wait3A_404 = arith.constant 8 : i32
    %dma_wait3A_405 = arith.constant 0 : i32
    %dma_wait3A_406 = tpu.memref_slice %arg1[%dma_wait3A_403, %dma_wait3A_404, %dma_wait3A_405] : memref<256x204x768xf32, #tpu.memory_space<any>> -> memref<8x196x768xf32, #tpu.memory_space<any>>
    %dma_wait3A_407 = arith.constant 0 : i32
    %dma_wait3A_408 = arith.constant 0 : i32
    %dma_wait3A_409 = arith.constant 0 : i32
    %dma_wait3A_410 = tpu.memref_slice %arg3[%dma_wait3A_399, %dma_wait3A_407, %dma_wait3A_408, %dma_wait3A_409] : memref<4x8x196x768xf32, #tpu.memory_space<vmem>> -> memref<1x8x196x768xf32, #tpu.memory_space<vmem>>
    %dma_wait3A_411 = tpu.memref_squeeze %dma_wait3A_410 : memref<1x8x196x768xf32, #tpu.memory_space<vmem>> -> memref<8x196x768xf32, #tpu.memory_space<vmem>>
    tpu.wait_dma2 semaphore(%dma_wait3A_402 : memref<!tpu.dma_semaphore, #tpu.memory_space<semaphore_mem>>) src(%dma_wait3A_411 : memref<8x196x768xf32, #tpu.memory_space<vmem>>) dst(%dma_wait3A_406 : memref<8x196x768xf32, #tpu.memory_space<any>>)
    %dma_start3A_412 = arith.constant 1 : i32
    %dma_start3A_413 = arith.constant 1 : i32
    %dma_start3A_414 = tpu.memref_slice %arg4[%dma_start3A_413] : memref<4x!tpu.dma_semaphore, #tpu.memory_space<semaphore_mem>> -> memref<1x!tpu.dma_semaphore, #tpu.memory_space<semaphore_mem>>
    %dma_start3A_415 = tpu.memref_squeeze %dma_start3A_414 : memref<1x!tpu.dma_semaphore, #tpu.memory_space<semaphore_mem>> -> memref<!tpu.dma_semaphore, #tpu.memory_space<semaphore_mem>>
    %dma_start3A_416 = arith.constant 0 : i32
    %dma_start3A_417 = arith.constant 0 : i32
    %dma_start3A_418 = arith.constant 0 : i32
    %dma_start3A_419 = tpu.memref_slice %arg3[%dma_start3A_412, %dma_start3A_416, %dma_start3A_417, %dma_start3A_418] : memref<4x8x196x768xf32, #tpu.memory_space<vmem>> -> memref<1x8x196x768xf32, #tpu.memory_space<vmem>>
    %dma_start3A_420 = tpu.memref_squeeze %dma_start3A_419 : memref<1x8x196x768xf32, #tpu.memory_space<vmem>> -> memref<8x196x768xf32, #tpu.memory_space<vmem>>
    %dma_start3A_421 = arith.constant 72 : i32
    %dma_start3A_422 = arith.constant 0 : i32
    %dma_start3A_423 = arith.constant 0 : i32
    %dma_start3A_424 = tpu.memref_slice %arg0[%dma_start3A_421, %dma_start3A_422, %dma_start3A_423] : memref<256x196x768xf32, #tpu.memory_space<any>> -> memref<8x196x768xf32, #tpu.memory_space<any>>
    tpu.enqueue_dma source(%dma_start3A_424 : memref<8x196x768xf32, #tpu.memory_space<any>>) target(%dma_start3A_420 : memref<8x196x768xf32, #tpu.memory_space<vmem>>) target_semaphore(%dma_start3A_415 : memref<!tpu.dma_semaphore, #tpu.memory_space<semaphore_mem>>)
    %dma_wait3A_425 = arith.constant 2 : i32
    %dma_wait3A_426 = arith.constant 2 : i32
    %dma_wait3A_427 = tpu.memref_slice %arg4[%dma_wait3A_426] : memref<4x!tpu.dma_semaphore, #tpu.memory_space<semaphore_mem>> -> memref<1x!tpu.dma_semaphore, #tpu.memory_space<semaphore_mem>>
    %dma_wait3A_428 = tpu.memref_squeeze %dma_wait3A_427 : memref<1x!tpu.dma_semaphore, #tpu.memory_space<semaphore_mem>> -> memref<!tpu.dma_semaphore, #tpu.memory_space<semaphore_mem>>
    %dma_wait3A_429 = arith.constant 0 : i32
    %dma_wait3A_430 = arith.constant 0 : i32
    %dma_wait3A_431 = arith.constant 0 : i32
    %dma_wait3A_432 = tpu.memref_slice %arg3[%dma_wait3A_425, %dma_wait3A_429, %dma_wait3A_430, %dma_wait3A_431] : memref<4x8x196x768xf32, #tpu.memory_space<vmem>> -> memref<1x8x196x768xf32, #tpu.memory_space<vmem>>
    %dma_wait3A_433 = tpu.memref_squeeze %dma_wait3A_432 : memref<1x8x196x768xf32, #tpu.memory_space<vmem>> -> memref<8x196x768xf32, #tpu.memory_space<vmem>>
    %dma_wait3A_434 = arith.constant 48 : i32
    %dma_wait3A_435 = arith.constant 0 : i32
    %dma_wait3A_436 = arith.constant 0 : i32
    %dma_wait3A_437 = tpu.memref_slice %arg0[%dma_wait3A_434, %dma_wait3A_435, %dma_wait3A_436] : memref<256x196x768xf32, #tpu.memory_space<any>> -> memref<8x196x768xf32, #tpu.memory_space<any>>
    tpu.wait_dma2 semaphore(%dma_wait3A_428 : memref<!tpu.dma_semaphore, #tpu.memory_space<semaphore_mem>>) src(%dma_wait3A_437 : memref<8x196x768xf32, #tpu.memory_space<any>>) dst(%dma_wait3A_433 : memref<8x196x768xf32, #tpu.memory_space<vmem>>)
    %get3A_438 = arith.constant 2 : index
    %get3A_439 = arith.constant 0 : index
    %get3A_440 = arith.constant 0 : index
    %get3A_441 = arith.constant 0 : index
    %get3A_442 = vector.load %arg3[%get3A_438, %get3A_439, %get3A_440, %get3A_441] : memref<4x8x196x768xf32, #tpu.memory_space<vmem>>, vector<1x8x196x768xf32>
    %get3A_443 = vector.shape_cast %get3A_442 : vector<1x8x196x768xf32> to vector<8x196x768xf32>
    %reduce_sum3A_444 = arith.constant dense<0.000000e+00> : vector<8x768xf32>
    %reduce_sum3A_445 = vector.multi_reduction <add>, %get3A_443, %reduce_sum3A_444 [1] : vector<8x196x768xf32> to vector<8x768xf32>
    %swap3A_446 = arith.constant 48 : index
    %swap3A_447 = arith.constant 0 : index
    %swap3A_448 = vector.load %arg2[%swap3A_446, %swap3A_447] : memref<256x768xf32, #tpu.memory_space<vmem>>, vector<8x768xf32>
    tpu.vector_store %arg2[%swap3A_446, %swap3A_447], %reduce_sum3A_445 {strides = array<i32>} : memref<256x768xf32, #tpu.memory_space<vmem>>, vector<8x768xf32>,
    %dma_start3A_449 = arith.constant 2 : i32
    %dma_start3A_450 = arith.constant 2 : i32
    %dma_start3A_451 = tpu.memref_slice %arg5[%dma_start3A_450] : memref<4x!tpu.dma_semaphore, #tpu.memory_space<semaphore_mem>> -> memref<1x!tpu.dma_semaphore, #tpu.memory_space<semaphore_mem>>
    %dma_start3A_452 = tpu.memref_squeeze %dma_start3A_451 : memref<1x!tpu.dma_semaphore, #tpu.memory_space<semaphore_mem>> -> memref<!tpu.dma_semaphore, #tpu.memory_space<semaphore_mem>>
    %dma_start3A_453 = arith.constant 48 : i32
    %dma_start3A_454 = arith.constant 8 : i32
    %dma_start3A_455 = arith.constant 0 : i32
    %dma_start3A_456 = tpu.memref_slice %arg1[%dma_start3A_453, %dma_start3A_454, %dma_start3A_455] : memref<256x204x768xf32, #tpu.memory_space<any>> -> memref<8x196x768xf32, #tpu.memory_space<any>>
    %dma_start3A_457 = arith.constant 0 : i32
    %dma_start3A_458 = arith.constant 0 : i32
    %dma_start3A_459 = arith.constant 0 : i32
    %dma_start3A_460 = tpu.memref_slice %arg3[%dma_start3A_449, %dma_start3A_457, %dma_start3A_458, %dma_start3A_459] : memref<4x8x196x768xf32, #tpu.memory_space<vmem>> -> memref<1x8x196x768xf32, #tpu.memory_space<vmem>>
    %dma_start3A_461 = tpu.memref_squeeze %dma_start3A_460 : memref<1x8x196x768xf32, #tpu.memory_space<vmem>> -> memref<8x196x768xf32, #tpu.memory_space<vmem>>
    tpu.enqueue_dma source(%dma_start3A_461 : memref<8x196x768xf32, #tpu.memory_space<vmem>>) target(%dma_start3A_456 : memref<8x196x768xf32, #tpu.memory_space<any>>) target_semaphore(%dma_start3A_452 : memref<!tpu.dma_semaphore, #tpu.memory_space<semaphore_mem>>)
    %dma_wait3A_462 = arith.constant 2 : i32
    %dma_wait3A_463 = arith.constant 2 : i32
    %dma_wait3A_464 = tpu.memref_slice %arg5[%dma_wait3A_463] : memref<4x!tpu.dma_semaphore, #tpu.memory_space<semaphore_mem>> -> memref<1x!tpu.dma_semaphore, #tpu.memory_space<semaphore_mem>>
    %dma_wait3A_465 = tpu.memref_squeeze %dma_wait3A_464 : memref<1x!tpu.dma_semaphore, #tpu.memory_space<semaphore_mem>> -> memref<!tpu.dma_semaphore, #tpu.memory_space<semaphore_mem>>
    %dma_wait3A_466 = arith.constant 48 : i32
    %dma_wait3A_467 = arith.constant 8 : i32
    %dma_wait3A_468 = arith.constant 0 : i32
    %dma_wait3A_469 = tpu.memref_slice %arg1[%dma_wait3A_466, %dma_wait3A_467, %dma_wait3A_468] : memref<256x204x768xf32, #tpu.memory_space<any>> -> memref<8x196x768xf32, #tpu.memory_space<any>>
    %dma_wait3A_470 = arith.constant 0 : i32
    %dma_wait3A_471 = arith.constant 0 : i32
    %dma_wait3A_472 = arith.constant 0 : i32
    %dma_wait3A_473 = tpu.memref_slice %arg3[%dma_wait3A_462, %dma_wait3A_470, %dma_wait3A_471, %dma_wait3A_472] : memref<4x8x196x768xf32, #tpu.memory_space<vmem>> -> memref<1x8x196x768xf32, #tpu.memory_space<vmem>>
    %dma_wait3A_474 = tpu.memref_squeeze %dma_wait3A_473 : memref<1x8x196x768xf32, #tpu.memory_space<vmem>> -> memref<8x196x768xf32, #tpu.memory_space<vmem>>
    tpu.wait_dma2 semaphore(%dma_wait3A_465 : memref<!tpu.dma_semaphore, #tpu.memory_space<semaphore_mem>>) src(%dma_wait3A_474 : memref<8x196x768xf32, #tpu.memory_space<vmem>>) dst(%dma_wait3A_469 : memref<8x196x768xf32, #tpu.memory_space<any>>)
    %dma_start3A_475 = arith.constant 2 : i32
    %dma_start3A_476 = arith.constant 2 : i32
    %dma_start3A_477 = tpu.memref_slice %arg4[%dma_start3A_476] : memref<4x!tpu.dma_semaphore, #tpu.memory_space<semaphore_mem>> -> memref<1x!tpu.dma_semaphore, #tpu.memory_space<semaphore_mem>>
    %dma_start3A_478 = tpu.memref_squeeze %dma_start3A_477 : memref<1x!tpu.dma_semaphore, #tpu.memory_space<semaphore_mem>> -> memref<!tpu.dma_semaphore, #tpu.memory_space<semaphore_mem>>
    %dma_start3A_479 = arith.constant 0 : i32
    %dma_start3A_480 = arith.constant 0 : i32
    %dma_start3A_481 = arith.constant 0 : i32
    %dma_start3A_482 = tpu.memref_slice %arg3[%dma_start3A_475, %dma_start3A_479, %dma_start3A_480, %dma_start3A_481] : memref<4x8x196x768xf32, #tpu.memory_space<vmem>> -> memref<1x8x196x768xf32, #tpu.memory_space<vmem>>
    %dma_start3A_483 = tpu.memref_squeeze %dma_start3A_482 : memref<1x8x196x768xf32, #tpu.memory_space<vmem>> -> memref<8x196x768xf32, #tpu.memory_space<vmem>>
    %dma_start3A_484 = arith.constant 80 : i32
    %dma_start3A_485 = arith.constant 0 : i32
    %dma_start3A_486 = arith.constant 0 : i32
    %dma_start3A_487 = tpu.memref_slice %arg0[%dma_start3A_484, %dma_start3A_485, %dma_start3A_486] : memref<256x196x768xf32, #tpu.memory_space<any>> -> memref<8x196x768xf32, #tpu.memory_space<any>>
    tpu.enqueue_dma source(%dma_start3A_487 : memref<8x196x768xf32, #tpu.memory_space<any>>) target(%dma_start3A_483 : memref<8x196x768xf32, #tpu.memory_space<vmem>>) target_semaphore(%dma_start3A_478 : memref<!tpu.dma_semaphore, #tpu.memory_space<semaphore_mem>>)
    %dma_wait3A_488 = arith.constant 3 : i32
    %dma_wait3A_489 = arith.constant 3 : i32
    %dma_wait3A_490 = tpu.memref_slice %arg4[%dma_wait3A_489] : memref<4x!tpu.dma_semaphore, #tpu.memory_space<semaphore_mem>> -> memref<1x!tpu.dma_semaphore, #tpu.memory_space<semaphore_mem>>
    %dma_wait3A_491 = tpu.memref_squeeze %dma_wait3A_490 : memref<1x!tpu.dma_semaphore, #tpu.memory_space<semaphore_mem>> -> memref<!tpu.dma_semaphore, #tpu.memory_space<semaphore_mem>>
    %dma_wait3A_492 = arith.constant 0 : i32
    %dma_wait3A_493 = arith.constant 0 : i32
    %dma_wait3A_494 = arith.constant 0 : i32
    %dma_wait3A_495 = tpu.memref_slice %arg3[%dma_wait3A_488, %dma_wait3A_492, %dma_wait3A_493, %dma_wait3A_494] : memref<4x8x196x768xf32, #tpu.memory_space<vmem>> -> memref<1x8x196x768xf32, #tpu.memory_space<vmem>>
    %dma_wait3A_496 = tpu.memref_squeeze %dma_wait3A_495 : memref<1x8x196x768xf32, #tpu.memory_space<vmem>> -> memref<8x196x768xf32, #tpu.memory_space<vmem>>
    %dma_wait3A_497 = arith.constant 56 : i32
    %dma_wait3A_498 = arith.constant 0 : i32
    %dma_wait3A_499 = arith.constant 0 : i32
    %dma_wait3A_500 = tpu.memref_slice %arg0[%dma_wait3A_497, %dma_wait3A_498, %dma_wait3A_499] : memref<256x196x768xf32, #tpu.memory_space<any>> -> memref<8x196x768xf32, #tpu.memory_space<any>>
    tpu.wait_dma2 semaphore(%dma_wait3A_491 : memref<!tpu.dma_semaphore, #tpu.memory_space<semaphore_mem>>) src(%dma_wait3A_500 : memref<8x196x768xf32, #tpu.memory_space<any>>) dst(%dma_wait3A_496 : memref<8x196x768xf32, #tpu.memory_space<vmem>>)
    %get3A_501 = arith.constant 3 : index
    %get3A_502 = arith.constant 0 : index
    %get3A_503 = arith.constant 0 : index
    %get3A_504 = arith.constant 0 : index
    %get3A_505 = vector.load %arg3[%get3A_501, %get3A_502, %get3A_503, %get3A_504] : memref<4x8x196x768xf32, #tpu.memory_space<vmem>>, vector<1x8x196x768xf32>
    %get3A_506 = vector.shape_cast %get3A_505 : vector<1x8x196x768xf32> to vector<8x196x768xf32>
    %reduce_sum3A_507 = arith.constant dense<0.000000e+00> : vector<8x768xf32>
    %reduce_sum3A_508 = vector.multi_reduction <add>, %get3A_506, %reduce_sum3A_507 [1] : vector<8x196x768xf32> to vector<8x768xf32>
    %swap3A_509 = arith.constant 56 : index
    %swap3A_510 = arith.constant 0 : index
    %swap3A_511 = vector.load %arg2[%swap3A_509, %swap3A_510] : memref<256x768xf32, #tpu.memory_space<vmem>>, vector<8x768xf32>
    tpu.vector_store %arg2[%swap3A_509, %swap3A_510], %reduce_sum3A_508 {strides = array<i32>} : memref<256x768xf32, #tpu.memory_space<vmem>>, vector<8x768xf32>,
    %dma_start3A_512 = arith.constant 3 : i32
    %dma_start3A_513 = arith.constant 3 : i32
    %dma_start3A_514 = tpu.memref_slice %arg5[%dma_start3A_513] : memref<4x!tpu.dma_semaphore, #tpu.memory_space<semaphore_mem>> -> memref<1x!tpu.dma_semaphore, #tpu.memory_space<semaphore_mem>>
    %dma_start3A_515 = tpu.memref_squeeze %dma_start3A_514 : memref<1x!tpu.dma_semaphore, #tpu.memory_space<semaphore_mem>> -> memref<!tpu.dma_semaphore, #tpu.memory_space<semaphore_mem>>
    %dma_start3A_516 = arith.constant 56 : i32
    %dma_start3A_517 = arith.constant 8 : i32
    %dma_start3A_518 = arith.constant 0 : i32
    %dma_start3A_519 = tpu.memref_slice %arg1[%dma_start3A_516, %dma_start3A_517, %dma_start3A_518] : memref<256x204x768xf32, #tpu.memory_space<any>> -> memref<8x196x768xf32, #tpu.memory_space<any>>
    %dma_start3A_520 = arith.constant 0 : i32
    %dma_start3A_521 = arith.constant 0 : i32
    %dma_start3A_522 = arith.constant 0 : i32
    %dma_start3A_523 = tpu.memref_slice %arg3[%dma_start3A_512, %dma_start3A_520, %dma_start3A_521, %dma_start3A_522] : memref<4x8x196x768xf32, #tpu.memory_space<vmem>> -> memref<1x8x196x768xf32, #tpu.memory_space<vmem>>
    %dma_start3A_524 = tpu.memref_squeeze %dma_start3A_523 : memref<1x8x196x768xf32, #tpu.memory_space<vmem>> -> memref<8x196x768xf32, #tpu.memory_space<vmem>>
    tpu.enqueue_dma source(%dma_start3A_524 : memref<8x196x768xf32, #tpu.memory_space<vmem>>) target(%dma_start3A_519 : memref<8x196x768xf32, #tpu.memory_space<any>>) target_semaphore(%dma_start3A_515 : memref<!tpu.dma_semaphore, #tpu.memory_space<semaphore_mem>>)
    %dma_wait3A_525 = arith.constant 3 : i32
    %dma_wait3A_526 = arith.constant 3 : i32
    %dma_wait3A_527 = tpu.memref_slice %arg5[%dma_wait3A_526] : memref<4x!tpu.dma_semaphore, #tpu.memory_space<semaphore_mem>> -> memref<1x!tpu.dma_semaphore, #tpu.memory_space<semaphore_mem>>
    %dma_wait3A_528 = tpu.memref_squeeze %dma_wait3A_527 : memref<1x!tpu.dma_semaphore, #tpu.memory_space<semaphore_mem>> -> memref<!tpu.dma_semaphore, #tpu.memory_space<semaphore_mem>>
    %dma_wait3A_529 = arith.constant 56 : i32
    %dma_wait3A_530 = arith.constant 8 : i32
    %dma_wait3A_531 = arith.constant 0 : i32
    %dma_wait3A_532 = tpu.memref_slice %arg1[%dma_wait3A_529, %dma_wait3A_530, %dma_wait3A_531] : memref<256x204x768xf32, #tpu.memory_space<any>> -> memref<8x196x768xf32, #tpu.memory_space<any>>
    %dma_wait3A_533 = arith.constant 0 : i32
    %dma_wait3A_534 = arith.constant 0 : i32
    %dma_wait3A_535 = arith.constant 0 : i32
    %dma_wait3A_536 = tpu.memref_slice %arg3[%dma_wait3A_525, %dma_wait3A_533, %dma_wait3A_534, %dma_wait3A_535] : memref<4x8x196x768xf32, #tpu.memory_space<vmem>> -> memref<1x8x196x768xf32, #tpu.memory_space<vmem>>
    %dma_wait3A_537 = tpu.memref_squeeze %dma_wait3A_536 : memref<1x8x196x768xf32, #tpu.memory_space<vmem>> -> memref<8x196x768xf32, #tpu.memory_space<vmem>>
    tpu.wait_dma2 semaphore(%dma_wait3A_528 : memref<!tpu.dma_semaphore, #tpu.memory_space<semaphore_mem>>) src(%dma_wait3A_537 : memref<8x196x768xf32, #tpu.memory_space<vmem>>) dst(%dma_wait3A_532 : memref<8x196x768xf32, #tpu.memory_space<any>>)
    %dma_start3A_538 = arith.constant 3 : i32
    %dma_start3A_539 = arith.constant 3 : i32
    %dma_start3A_540 = tpu.memref_slice %arg4[%dma_start3A_539] : memref<4x!tpu.dma_semaphore, #tpu.memory_space<semaphore_mem>> -> memref<1x!tpu.dma_semaphore, #tpu.memory_space<semaphore_mem>>
    %dma_start3A_541 = tpu.memref_squeeze %dma_start3A_540 : memref<1x!tpu.dma_semaphore, #tpu.memory_space<semaphore_mem>> -> memref<!tpu.dma_semaphore, #tpu.memory_space<semaphore_mem>>
    %dma_start3A_542 = arith.constant 0 : i32
    %dma_start3A_543 = arith.constant 0 : i32
    %dma_start3A_544 = arith.constant 0 : i32
    %dma_start3A_545 = tpu.memref_slice %arg3[%dma_start3A_538, %dma_start3A_542, %dma_start3A_543, %dma_start3A_544] : memref<4x8x196x768xf32, #tpu.memory_space<vmem>> -> memref<1x8x196x768xf32, #tpu.memory_space<vmem>>
    %dma_start3A_546 = tpu.memref_squeeze %dma_start3A_545 : memref<1x8x196x768xf32, #tpu.memory_space<vmem>> -> memref<8x196x768xf32, #tpu.memory_space<vmem>>
    %dma_start3A_547 = arith.constant 88 : i32
    %dma_start3A_548 = arith.constant 0 : i32
    %dma_start3A_549 = arith.constant 0 : i32
    %dma_start3A_550 = tpu.memref_slice %arg0[%dma_start3A_547, %dma_start3A_548, %dma_start3A_549] : memref<256x196x768xf32, #tpu.memory_space<any>> -> memref<8x196x768xf32, #tpu.memory_space<any>>
    tpu.enqueue_dma source(%dma_start3A_550 : memref<8x196x768xf32, #tpu.memory_space<any>>) target(%dma_start3A_546 : memref<8x196x768xf32, #tpu.memory_space<vmem>>) target_semaphore(%dma_start3A_541 : memref<!tpu.dma_semaphore, #tpu.memory_space<semaphore_mem>>)
    %dma_wait3A_551 = arith.constant 0 : i32
    %dma_wait3A_552 = arith.constant 0 : i32
    %dma_wait3A_553 = tpu.memref_slice %arg4[%dma_wait3A_552] : memref<4x!tpu.dma_semaphore, #tpu.memory_space<semaphore_mem>> -> memref<1x!tpu.dma_semaphore, #tpu.memory_space<semaphore_mem>>
    %dma_wait3A_554 = tpu.memref_squeeze %dma_wait3A_553 : memref<1x!tpu.dma_semaphore, #tpu.memory_space<semaphore_mem>> -> memref<!tpu.dma_semaphore, #tpu.memory_space<semaphore_mem>>
    %dma_wait3A_555 = arith.constant 0 : i32
    %dma_wait3A_556 = arith.constant 0 : i32
    %dma_wait3A_557 = arith.constant 0 : i32
    %dma_wait3A_558 = tpu.memref_slice %arg3[%dma_wait3A_551, %dma_wait3A_555, %dma_wait3A_556, %dma_wait3A_557] : memref<4x8x196x768xf32, #tpu.memory_space<vmem>> -> memref<1x8x196x768xf32, #tpu.memory_space<vmem>>
    %dma_wait3A_559 = tpu.memref_squeeze %dma_wait3A_558 : memref<1x8x196x768xf32, #tpu.memory_space<vmem>> -> memref<8x196x768xf32, #tpu.memory_space<vmem>>
    %dma_wait3A_560 = arith.constant 64 : i32
    %dma_wait3A_561 = arith.constant 0 : i32
    %dma_wait3A_562 = arith.constant 0 : i32
    %dma_wait3A_563 = tpu.memref_slice %arg0[%dma_wait3A_560, %dma_wait3A_561, %dma_wait3A_562] : memref<256x196x768xf32, #tpu.memory_space<any>> -> memref<8x196x768xf32, #tpu.memory_space<any>>
    tpu.wait_dma2 semaphore(%dma_wait3A_554 : memref<!tpu.dma_semaphore, #tpu.memory_space<semaphore_mem>>) src(%dma_wait3A_563 : memref<8x196x768xf32, #tpu.memory_space<any>>) dst(%dma_wait3A_559 : memref<8x196x768xf32, #tpu.memory_space<vmem>>)
    %get3A_564 = arith.constant 0 : index
    %get3A_565 = arith.constant 0 : index
    %get3A_566 = arith.constant 0 : index
    %get3A_567 = arith.constant 0 : index
    %get3A_568 = vector.load %arg3[%get3A_564, %get3A_565, %get3A_566, %get3A_567] : memref<4x8x196x768xf32, #tpu.memory_space<vmem>>, vector<1x8x196x768xf32>
    %get3A_569 = vector.shape_cast %get3A_568 : vector<1x8x196x768xf32> to vector<8x196x768xf32>
    %reduce_sum3A_570 = arith.constant dense<0.000000e+00> : vector<8x768xf32>
    %reduce_sum3A_571 = vector.multi_reduction <add>, %get3A_569, %reduce_sum3A_570 [1] : vector<8x196x768xf32> to vector<8x768xf32>
    %swap3A_572 = arith.constant 64 : index
    %swap3A_573 = arith.constant 0 : index
    %swap3A_574 = vector.load %arg2[%swap3A_572, %swap3A_573] : memref<256x768xf32, #tpu.memory_space<vmem>>, vector<8x768xf32>
    tpu.vector_store %arg2[%swap3A_572, %swap3A_573], %reduce_sum3A_571 {strides = array<i32>} : memref<256x768xf32, #tpu.memory_space<vmem>>, vector<8x768xf32>,
    %dma_start3A_575 = arith.constant 0 : i32
    %dma_start3A_576 = arith.constant 0 : i32
    %dma_start3A_577 = tpu.memref_slice %arg5[%dma_start3A_576] : memref<4x!tpu.dma_semaphore, #tpu.memory_space<semaphore_mem>> -> memref<1x!tpu.dma_semaphore, #tpu.memory_space<semaphore_mem>>
    %dma_start3A_578 = tpu.memref_squeeze %dma_start3A_577 : memref<1x!tpu.dma_semaphore, #tpu.memory_space<semaphore_mem>> -> memref<!tpu.dma_semaphore, #tpu.memory_space<semaphore_mem>>
    %dma_start3A_579 = arith.constant 64 : i32
    %dma_start3A_580 = arith.constant 8 : i32
    %dma_start3A_581 = arith.constant 0 : i32
    %dma_start3A_582 = tpu.memref_slice %arg1[%dma_start3A_579, %dma_start3A_580, %dma_start3A_581] : memref<256x204x768xf32, #tpu.memory_space<any>> -> memref<8x196x768xf32, #tpu.memory_space<any>>
    %dma_start3A_583 = arith.constant 0 : i32
    %dma_start3A_584 = arith.constant 0 : i32
    %dma_start3A_585 = arith.constant 0 : i32
    %dma_start3A_586 = tpu.memref_slice %arg3[%dma_start3A_575, %dma_start3A_583, %dma_start3A_584, %dma_start3A_585] : memref<4x8x196x768xf32, #tpu.memory_space<vmem>> -> memref<1x8x196x768xf32, #tpu.memory_space<vmem>>
    %dma_start3A_587 = tpu.memref_squeeze %dma_start3A_586 : memref<1x8x196x768xf32, #tpu.memory_space<vmem>> -> memref<8x196x768xf32, #tpu.memory_space<vmem>>
    tpu.enqueue_dma source(%dma_start3A_587 : memref<8x196x768xf32, #tpu.memory_space<vmem>>) target(%dma_start3A_582 : memref<8x196x768xf32, #tpu.memory_space<any>>) target_semaphore(%dma_start3A_578 : memref<!tpu.dma_semaphore, #tpu.memory_space<semaphore_mem>>)
    %dma_wait3A_588 = arith.constant 0 : i32
    %dma_wait3A_589 = arith.constant 0 : i32
    %dma_wait3A_590 = tpu.memref_slice %arg5[%dma_wait3A_589] : memref<4x!tpu.dma_semaphore, #tpu.memory_space<semaphore_mem>> -> memref<1x!tpu.dma_semaphore, #tpu.memory_space<semaphore_mem>>
    %dma_wait3A_591 = tpu.memref_squeeze %dma_wait3A_590 : memref<1x!tpu.dma_semaphore, #tpu.memory_space<semaphore_mem>> -> memref<!tpu.dma_semaphore, #tpu.memory_space<semaphore_mem>>
    %dma_wait3A_592 = arith.constant 64 : i32
    %dma_wait3A_593 = arith.constant 8 : i32
    %dma_wait3A_594 = arith.constant 0 : i32
    %dma_wait3A_595 = tpu.memref_slice %arg1[%dma_wait3A_592, %dma_wait3A_593, %dma_wait3A_594] : memref<256x204x768xf32, #tpu.memory_space<any>> -> memref<8x196x768xf32, #tpu.memory_space<any>>
    %dma_wait3A_596 = arith.constant 0 : i32
    %dma_wait3A_597 = arith.constant 0 : i32
    %dma_wait3A_598 = arith.constant 0 : i32
    %dma_wait3A_599 = tpu.memref_slice %arg3[%dma_wait3A_588, %dma_wait3A_596, %dma_wait3A_597, %dma_wait3A_598] : memref<4x8x196x768xf32, #tpu.memory_space<vmem>> -> memref<1x8x196x768xf32, #tpu.memory_space<vmem>>
    %dma_wait3A_600 = tpu.memref_squeeze %dma_wait3A_599 : memref<1x8x196x768xf32, #tpu.memory_space<vmem>> -> memref<8x196x768xf32, #tpu.memory_space<vmem>>
    tpu.wait_dma2 semaphore(%dma_wait3A_591 : memref<!tpu.dma_semaphore, #tpu.memory_space<semaphore_mem>>) src(%dma_wait3A_600 : memref<8x196x768xf32, #tpu.memory_space<vmem>>) dst(%dma_wait3A_595 : memref<8x196x768xf32, #tpu.memory_space<any>>)
    %dma_start3A_601 = arith.constant 0 : i32
    %dma_start3A_602 = arith.constant 0 : i32
    %dma_start3A_603 = tpu.memref_slice %arg4[%dma_start3A_602] : memref<4x!tpu.dma_semaphore, #tpu.memory_space<semaphore_mem>> -> memref<1x!tpu.dma_semaphore, #tpu.memory_space<semaphore_mem>>
    %dma_start3A_604 = tpu.memref_squeeze %dma_start3A_603 : memref<1x!tpu.dma_semaphore, #tpu.memory_space<semaphore_mem>> -> memref<!tpu.dma_semaphore, #tpu.memory_space<semaphore_mem>>
    %dma_start3A_605 = arith.constant 0 : i32
    %dma_start3A_606 = arith.constant 0 : i32
    %dma_start3A_607 = arith.constant 0 : i32
    %dma_start3A_608 = tpu.memref_slice %arg3[%dma_start3A_601, %dma_start3A_605, %dma_start3A_606, %dma_start3A_607] : memref<4x8x196x768xf32, #tpu.memory_space<vmem>> -> memref<1x8x196x768xf32, #tpu.memory_space<vmem>>
    %dma_start3A_609 = tpu.memref_squeeze %dma_start3A_608 : memref<1x8x196x768xf32, #tpu.memory_space<vmem>> -> memref<8x196x768xf32, #tpu.memory_space<vmem>>
    %dma_start3A_610 = arith.constant 96 : i32
    %dma_start3A_611 = arith.constant 0 : i32
    %dma_start3A_612 = arith.constant 0 : i32
    %dma_start3A_613 = tpu.memref_slice %arg0[%dma_start3A_610, %dma_start3A_611, %dma_start3A_612] : memref<256x196x768xf32, #tpu.memory_space<any>> -> memref<8x196x768xf32, #tpu.memory_space<any>>
    tpu.enqueue_dma source(%dma_start3A_613 : memref<8x196x768xf32, #tpu.memory_space<any>>) target(%dma_start3A_609 : memref<8x196x768xf32, #tpu.memory_space<vmem>>) target_semaphore(%dma_start3A_604 : memref<!tpu.dma_semaphore, #tpu.memory_space<semaphore_mem>>)
    %dma_wait3A_614 = arith.constant 1 : i32
    %dma_wait3A_615 = arith.constant 1 : i32
    %dma_wait3A_616 = tpu.memref_slice %arg4[%dma_wait3A_615] : memref<4x!tpu.dma_semaphore, #tpu.memory_space<semaphore_mem>> -> memref<1x!tpu.dma_semaphore, #tpu.memory_space<semaphore_mem>>
    %dma_wait3A_617 = tpu.memref_squeeze %dma_wait3A_616 : memref<1x!tpu.dma_semaphore, #tpu.memory_space<semaphore_mem>> -> memref<!tpu.dma_semaphore, #tpu.memory_space<semaphore_mem>>
    %dma_wait3A_618 = arith.constant 0 : i32
    %dma_wait3A_619 = arith.constant 0 : i32
    %dma_wait3A_620 = arith.constant 0 : i32
    %dma_wait3A_621 = tpu.memref_slice %arg3[%dma_wait3A_614, %dma_wait3A_618, %dma_wait3A_619, %dma_wait3A_620] : memref<4x8x196x768xf32, #tpu.memory_space<vmem>> -> memref<1x8x196x768xf32, #tpu.memory_space<vmem>>
    %dma_wait3A_622 = tpu.memref_squeeze %dma_wait3A_621 : memref<1x8x196x768xf32, #tpu.memory_space<vmem>> -> memref<8x196x768xf32, #tpu.memory_space<vmem>>
    %dma_wait3A_623 = arith.constant 72 : i32
    %dma_wait3A_624 = arith.constant 0 : i32
    %dma_wait3A_625 = arith.constant 0 : i32
    %dma_wait3A_626 = tpu.memref_slice %arg0[%dma_wait3A_623, %dma_wait3A_624, %dma_wait3A_625] : memref<256x196x768xf32, #tpu.memory_space<any>> -> memref<8x196x768xf32, #tpu.memory_space<any>>
    tpu.wait_dma2 semaphore(%dma_wait3A_617 : memref<!tpu.dma_semaphore, #tpu.memory_space<semaphore_mem>>) src(%dma_wait3A_626 : memref<8x196x768xf32, #tpu.memory_space<any>>) dst(%dma_wait3A_622 : memref<8x196x768xf32, #tpu.memory_space<vmem>>)
    %get3A_627 = arith.constant 1 : index
    %get3A_628 = arith.constant 0 : index
    %get3A_629 = arith.constant 0 : index
    %get3A_630 = arith.constant 0 : index
    %get3A_631 = vector.load %arg3[%get3A_627, %get3A_628, %get3A_629, %get3A_630] : memref<4x8x196x768xf32, #tpu.memory_space<vmem>>, vector<1x8x196x768xf32>
    %get3A_632 = vector.shape_cast %get3A_631 : vector<1x8x196x768xf32> to vector<8x196x768xf32>
    %reduce_sum3A_633 = arith.constant dense<0.000000e+00> : vector<8x768xf32>
    %reduce_sum3A_634 = vector.multi_reduction <add>, %get3A_632, %reduce_sum3A_633 [1] : vector<8x196x768xf32> to vector<8x768xf32>
    %swap3A_635 = arith.constant 72 : index
    %swap3A_636 = arith.constant 0 : index
    %swap3A_637 = vector.load %arg2[%swap3A_635, %swap3A_636] : memref<256x768xf32, #tpu.memory_space<vmem>>, vector<8x768xf32>
    tpu.vector_store %arg2[%swap3A_635, %swap3A_636], %reduce_sum3A_634 {strides = array<i32>} : memref<256x768xf32, #tpu.memory_space<vmem>>, vector<8x768xf32>,
    %dma_start3A_638 = arith.constant 1 : i32
    %dma_start3A_639 = arith.constant 1 : i32
    %dma_start3A_640 = tpu.memref_slice %arg5[%dma_start3A_639] : memref<4x!tpu.dma_semaphore, #tpu.memory_space<semaphore_mem>> -> memref<1x!tpu.dma_semaphore, #tpu.memory_space<semaphore_mem>>
    %dma_start3A_641 = tpu.memref_squeeze %dma_start3A_640 : memref<1x!tpu.dma_semaphore, #tpu.memory_space<semaphore_mem>> -> memref<!tpu.dma_semaphore, #tpu.memory_space<semaphore_mem>>
    %dma_start3A_642 = arith.constant 72 : i32
    %dma_start3A_643 = arith.constant 8 : i32
    %dma_start3A_644 = arith.constant 0 : i32
    %dma_start3A_645 = tpu.memref_slice %arg1[%dma_start3A_642, %dma_start3A_643, %dma_start3A_644] : memref<256x204x768xf32, #tpu.memory_space<any>> -> memref<8x196x768xf32, #tpu.memory_space<any>>
    %dma_start3A_646 = arith.constant 0 : i32
    %dma_start3A_647 = arith.constant 0 : i32
    %dma_start3A_648 = arith.constant 0 : i32
    %dma_start3A_649 = tpu.memref_slice %arg3[%dma_start3A_638, %dma_start3A_646, %dma_start3A_647, %dma_start3A_648] : memref<4x8x196x768xf32, #tpu.memory_space<vmem>> -> memref<1x8x196x768xf32, #tpu.memory_space<vmem>>
    %dma_start3A_650 = tpu.memref_squeeze %dma_start3A_649 : memref<1x8x196x768xf32, #tpu.memory_space<vmem>> -> memref<8x196x768xf32, #tpu.memory_space<vmem>>
    tpu.enqueue_dma source(%dma_start3A_650 : memref<8x196x768xf32, #tpu.memory_space<vmem>>) target(%dma_start3A_645 : memref<8x196x768xf32, #tpu.memory_space<any>>) target_semaphore(%dma_start3A_641 : memref<!tpu.dma_semaphore, #tpu.memory_space<semaphore_mem>>)
    %dma_wait3A_651 = arith.constant 1 : i32
    %dma_wait3A_652 = arith.constant 1 : i32
    %dma_wait3A_653 = tpu.memref_slice %arg5[%dma_wait3A_652] : memref<4x!tpu.dma_semaphore, #tpu.memory_space<semaphore_mem>> -> memref<1x!tpu.dma_semaphore, #tpu.memory_space<semaphore_mem>>
    %dma_wait3A_654 = tpu.memref_squeeze %dma_wait3A_653 : memref<1x!tpu.dma_semaphore, #tpu.memory_space<semaphore_mem>> -> memref<!tpu.dma_semaphore, #tpu.memory_space<semaphore_mem>>
    %dma_wait3A_655 = arith.constant 72 : i32
    %dma_wait3A_656 = arith.constant 8 : i32
    %dma_wait3A_657 = arith.constant 0 : i32
    %dma_wait3A_658 = tpu.memref_slice %arg1[%dma_wait3A_655, %dma_wait3A_656, %dma_wait3A_657] : memref<256x204x768xf32, #tpu.memory_space<any>> -> memref<8x196x768xf32, #tpu.memory_space<any>>
    %dma_wait3A_659 = arith.constant 0 : i32
    %dma_wait3A_660 = arith.constant 0 : i32
    %dma_wait3A_661 = arith.constant 0 : i32
    %dma_wait3A_662 = tpu.memref_slice %arg3[%dma_wait3A_651, %dma_wait3A_659, %dma_wait3A_660, %dma_wait3A_661] : memref<4x8x196x768xf32, #tpu.memory_space<vmem>> -> memref<1x8x196x768xf32, #tpu.memory_space<vmem>>
    %dma_wait3A_663 = tpu.memref_squeeze %dma_wait3A_662 : memref<1x8x196x768xf32, #tpu.memory_space<vmem>> -> memref<8x196x768xf32, #tpu.memory_space<vmem>>
    tpu.wait_dma2 semaphore(%dma_wait3A_654 : memref<!tpu.dma_semaphore, #tpu.memory_space<semaphore_mem>>) src(%dma_wait3A_663 : memref<8x196x768xf32, #tpu.memory_space<vmem>>) dst(%dma_wait3A_658 : memref<8x196x768xf32, #tpu.memory_space<any>>)
    %dma_start3A_664 = arith.constant 1 : i32
    %dma_start3A_665 = arith.constant 1 : i32
    %dma_start3A_666 = tpu.memref_slice %arg4[%dma_start3A_665] : memref<4x!tpu.dma_semaphore, #tpu.memory_space<semaphore_mem>> -> memref<1x!tpu.dma_semaphore, #tpu.memory_space<semaphore_mem>>
    %dma_start3A_667 = tpu.memref_squeeze %dma_start3A_666 : memref<1x!tpu.dma_semaphore, #tpu.memory_space<semaphore_mem>> -> memref<!tpu.dma_semaphore, #tpu.memory_space<semaphore_mem>>
    %dma_start3A_668 = arith.constant 0 : i32
    %dma_start3A_669 = arith.constant 0 : i32
    %dma_start3A_670 = arith.constant 0 : i32
    %dma_start3A_671 = tpu.memref_slice %arg3[%dma_start3A_664, %dma_start3A_668, %dma_start3A_669, %dma_start3A_670] : memref<4x8x196x768xf32, #tpu.memory_space<vmem>> -> memref<1x8x196x768xf32, #tpu.memory_space<vmem>>
    %dma_start3A_672 = tpu.memref_squeeze %dma_start3A_671 : memref<1x8x196x768xf32, #tpu.memory_space<vmem>> -> memref<8x196x768xf32, #tpu.memory_space<vmem>>
    %dma_start3A_673 = arith.constant 104 : i32
    %dma_start3A_674 = arith.constant 0 : i32
    %dma_start3A_675 = arith.constant 0 : i32
    %dma_start3A_676 = tpu.memref_slice %arg0[%dma_start3A_673, %dma_start3A_674, %dma_start3A_675] : memref<256x196x768xf32, #tpu.memory_space<any>> -> memref<8x196x768xf32, #tpu.memory_space<any>>
    tpu.enqueue_dma source(%dma_start3A_676 : memref<8x196x768xf32, #tpu.memory_space<any>>) target(%dma_start3A_672 : memref<8x196x768xf32, #tpu.memory_space<vmem>>) target_semaphore(%dma_start3A_667 : memref<!tpu.dma_semaphore, #tpu.memory_space<semaphore_mem>>)
    %dma_wait3A_677 = arith.constant 2 : i32
    %dma_wait3A_678 = arith.constant 2 : i32
    %dma_wait3A_679 = tpu.memref_slice %arg4[%dma_wait3A_678] : memref<4x!tpu.dma_semaphore, #tpu.memory_space<semaphore_mem>> -> memref<1x!tpu.dma_semaphore, #tpu.memory_space<semaphore_mem>>
    %dma_wait3A_680 = tpu.memref_squeeze %dma_wait3A_679 : memref<1x!tpu.dma_semaphore, #tpu.memory_space<semaphore_mem>> -> memref<!tpu.dma_semaphore, #tpu.memory_space<semaphore_mem>>
    %dma_wait3A_681 = arith.constant 0 : i32
    %dma_wait3A_682 = arith.constant 0 : i32
    %dma_wait3A_683 = arith.constant 0 : i32
    %dma_wait3A_684 = tpu.memref_slice %arg3[%dma_wait3A_677, %dma_wait3A_681, %dma_wait3A_682, %dma_wait3A_683] : memref<4x8x196x768xf32, #tpu.memory_space<vmem>> -> memref<1x8x196x768xf32, #tpu.memory_space<vmem>>
    %dma_wait3A_685 = tpu.memref_squeeze %dma_wait3A_684 : memref<1x8x196x768xf32, #tpu.memory_space<vmem>> -> memref<8x196x768xf32, #tpu.memory_space<vmem>>
    %dma_wait3A_686 = arith.constant 80 : i32
    %dma_wait3A_687 = arith.constant 0 : i32
    %dma_wait3A_688 = arith.constant 0 : i32
    %dma_wait3A_689 = tpu.memref_slice %arg0[%dma_wait3A_686, %dma_wait3A_687, %dma_wait3A_688] : memref<256x196x768xf32, #tpu.memory_space<any>> -> memref<8x196x768xf32, #tpu.memory_space<any>>
    tpu.wait_dma2 semaphore(%dma_wait3A_680 : memref<!tpu.dma_semaphore, #tpu.memory_space<semaphore_mem>>) src(%dma_wait3A_689 : memref<8x196x768xf32, #tpu.memory_space<any>>) dst(%dma_wait3A_685 : memref<8x196x768xf32, #tpu.memory_space<vmem>>)
    %get3A_690 = arith.constant 2 : index
    %get3A_691 = arith.constant 0 : index
    %get3A_692 = arith.constant 0 : index
    %get3A_693 = arith.constant 0 : index
    %get3A_694 = vector.load %arg3[%get3A_690, %get3A_691, %get3A_692, %get3A_693] : memref<4x8x196x768xf32, #tpu.memory_space<vmem>>, vector<1x8x196x768xf32>
    %get3A_695 = vector.shape_cast %get3A_694 : vector<1x8x196x768xf32> to vector<8x196x768xf32>
    %reduce_sum3A_696 = arith.constant dense<0.000000e+00> : vector<8x768xf32>
    %reduce_sum3A_697 = vector.multi_reduction <add>, %get3A_695, %reduce_sum3A_696 [1] : vector<8x196x768xf32> to vector<8x768xf32>
    %swap3A_698 = arith.constant 80 : index
    %swap3A_699 = arith.constant 0 : index
    %swap3A_700 = vector.load %arg2[%swap3A_698, %swap3A_699] : memref<256x768xf32, #tpu.memory_space<vmem>>, vector<8x768xf32>
    tpu.vector_store %arg2[%swap3A_698, %swap3A_699], %reduce_sum3A_697 {strides = array<i32>} : memref<256x768xf32, #tpu.memory_space<vmem>>, vector<8x768xf32>,
    %dma_start3A_701 = arith.constant 2 : i32
    %dma_start3A_702 = arith.constant 2 : i32
    %dma_start3A_703 = tpu.memref_slice %arg5[%dma_start3A_702] : memref<4x!tpu.dma_semaphore, #tpu.memory_space<semaphore_mem>> -> memref<1x!tpu.dma_semaphore, #tpu.memory_space<semaphore_mem>>
    %dma_start3A_704 = tpu.memref_squeeze %dma_start3A_703 : memref<1x!tpu.dma_semaphore, #tpu.memory_space<semaphore_mem>> -> memref<!tpu.dma_semaphore, #tpu.memory_space<semaphore_mem>>
    %dma_start3A_705 = arith.constant 80 : i32
    %dma_start3A_706 = arith.constant 8 : i32
    %dma_start3A_707 = arith.constant 0 : i32
    %dma_start3A_708 = tpu.memref_slice %arg1[%dma_start3A_705, %dma_start3A_706, %dma_start3A_707] : memref<256x204x768xf32, #tpu.memory_space<any>> -> memref<8x196x768xf32, #tpu.memory_space<any>>
    %dma_start3A_709 = arith.constant 0 : i32
    %dma_start3A_710 = arith.constant 0 : i32
    %dma_start3A_711 = arith.constant 0 : i32
    %dma_start3A_712 = tpu.memref_slice %arg3[%dma_start3A_701, %dma_start3A_709, %dma_start3A_710, %dma_start3A_711] : memref<4x8x196x768xf32, #tpu.memory_space<vmem>> -> memref<1x8x196x768xf32, #tpu.memory_space<vmem>>
    %dma_start3A_713 = tpu.memref_squeeze %dma_start3A_712 : memref<1x8x196x768xf32, #tpu.memory_space<vmem>> -> memref<8x196x768xf32, #tpu.memory_space<vmem>>
    tpu.enqueue_dma source(%dma_start3A_713 : memref<8x196x768xf32, #tpu.memory_space<vmem>>) target(%dma_start3A_708 : memref<8x196x768xf32, #tpu.memory_space<any>>) target_semaphore(%dma_start3A_704 : memref<!tpu.dma_semaphore, #tpu.memory_space<semaphore_mem>>)
    %dma_wait3A_714 = arith.constant 2 : i32
    %dma_wait3A_715 = arith.constant 2 : i32
    %dma_wait3A_716 = tpu.memref_slice %arg5[%dma_wait3A_715] : memref<4x!tpu.dma_semaphore, #tpu.memory_space<semaphore_mem>> -> memref<1x!tpu.dma_semaphore, #tpu.memory_space<semaphore_mem>>
    %dma_wait3A_717 = tpu.memref_squeeze %dma_wait3A_716 : memref<1x!tpu.dma_semaphore, #tpu.memory_space<semaphore_mem>> -> memref<!tpu.dma_semaphore, #tpu.memory_space<semaphore_mem>>
    %dma_wait3A_718 = arith.constant 80 : i32
    %dma_wait3A_719 = arith.constant 8 : i32
    %dma_wait3A_720 = arith.constant 0 : i32
    %dma_wait3A_721 = tpu.memref_slice %arg1[%dma_wait3A_718, %dma_wait3A_719, %dma_wait3A_720] : memref<256x204x768xf32, #tpu.memory_space<any>> -> memref<8x196x768xf32, #tpu.memory_space<any>>
    %dma_wait3A_722 = arith.constant 0 : i32
    %dma_wait3A_723 = arith.constant 0 : i32
    %dma_wait3A_724 = arith.constant 0 : i32
    %dma_wait3A_725 = tpu.memref_slice %arg3[%dma_wait3A_714, %dma_wait3A_722, %dma_wait3A_723, %dma_wait3A_724] : memref<4x8x196x768xf32, #tpu.memory_space<vmem>> -> memref<1x8x196x768xf32, #tpu.memory_space<vmem>>
    %dma_wait3A_726 = tpu.memref_squeeze %dma_wait3A_725 : memref<1x8x196x768xf32, #tpu.memory_space<vmem>> -> memref<8x196x768xf32, #tpu.memory_space<vmem>>
    tpu.wait_dma2 semaphore(%dma_wait3A_717 : memref<!tpu.dma_semaphore, #tpu.memory_space<semaphore_mem>>) src(%dma_wait3A_726 : memref<8x196x768xf32, #tpu.memory_space<vmem>>) dst(%dma_wait3A_721 : memref<8x196x768xf32, #tpu.memory_space<any>>)
    %dma_start3A_727 = arith.constant 2 : i32
    %dma_start3A_728 = arith.constant 2 : i32
    %dma_start3A_729 = tpu.memref_slice %arg4[%dma_start3A_728] : memref<4x!tpu.dma_semaphore, #tpu.memory_space<semaphore_mem>> -> memref<1x!tpu.dma_semaphore, #tpu.memory_space<semaphore_mem>>
    %dma_start3A_730 = tpu.memref_squeeze %dma_start3A_729 : memref<1x!tpu.dma_semaphore, #tpu.memory_space<semaphore_mem>> -> memref<!tpu.dma_semaphore, #tpu.memory_space<semaphore_mem>>
    %dma_start3A_731 = arith.constant 0 : i32
    %dma_start3A_732 = arith.constant 0 : i32
    %dma_start3A_733 = arith.constant 0 : i32
    %dma_start3A_734 = tpu.memref_slice %arg3[%dma_start3A_727, %dma_start3A_731, %dma_start3A_732, %dma_start3A_733] : memref<4x8x196x768xf32, #tpu.memory_space<vmem>> -> memref<1x8x196x768xf32, #tpu.memory_space<vmem>>
    %dma_start3A_735 = tpu.memref_squeeze %dma_start3A_734 : memref<1x8x196x768xf32, #tpu.memory_space<vmem>> -> memref<8x196x768xf32, #tpu.memory_space<vmem>>
    %dma_start3A_736 = arith.constant 112 : i32
    %dma_start3A_737 = arith.constant 0 : i32
    %dma_start3A_738 = arith.constant 0 : i32
    %dma_start3A_739 = tpu.memref_slice %arg0[%dma_start3A_736, %dma_start3A_737, %dma_start3A_738] : memref<256x196x768xf32, #tpu.memory_space<any>> -> memref<8x196x768xf32, #tpu.memory_space<any>>
    tpu.enqueue_dma source(%dma_start3A_739 : memref<8x196x768xf32, #tpu.memory_space<any>>) target(%dma_start3A_735 : memref<8x196x768xf32, #tpu.memory_space<vmem>>) target_semaphore(%dma_start3A_730 : memref<!tpu.dma_semaphore, #tpu.memory_space<semaphore_mem>>)
    %dma_wait3A_740 = arith.constant 3 : i32
    %dma_wait3A_741 = arith.constant 3 : i32
    %dma_wait3A_742 = tpu.memref_slice %arg4[%dma_wait3A_741] : memref<4x!tpu.dma_semaphore, #tpu.memory_space<semaphore_mem>> -> memref<1x!tpu.dma_semaphore, #tpu.memory_space<semaphore_mem>>
    %dma_wait3A_743 = tpu.memref_squeeze %dma_wait3A_742 : memref<1x!tpu.dma_semaphore, #tpu.memory_space<semaphore_mem>> -> memref<!tpu.dma_semaphore, #tpu.memory_space<semaphore_mem>>
    %dma_wait3A_744 = arith.constant 0 : i32
    %dma_wait3A_745 = arith.constant 0 : i32
    %dma_wait3A_746 = arith.constant 0 : i32
    %dma_wait3A_747 = tpu.memref_slice %arg3[%dma_wait3A_740, %dma_wait3A_744, %dma_wait3A_745, %dma_wait3A_746] : memref<4x8x196x768xf32, #tpu.memory_space<vmem>> -> memref<1x8x196x768xf32, #tpu.memory_space<vmem>>
    %dma_wait3A_748 = tpu.memref_squeeze %dma_wait3A_747 : memref<1x8x196x768xf32, #tpu.memory_space<vmem>> -> memref<8x196x768xf32, #tpu.memory_space<vmem>>
    %dma_wait3A_749 = arith.constant 88 : i32
    %dma_wait3A_750 = arith.constant 0 : i32
    %dma_wait3A_751 = arith.constant 0 : i32
    %dma_wait3A_752 = tpu.memref_slice %arg0[%dma_wait3A_749, %dma_wait3A_750, %dma_wait3A_751] : memref<256x196x768xf32, #tpu.memory_space<any>> -> memref<8x196x768xf32, #tpu.memory_space<any>>
    tpu.wait_dma2 semaphore(%dma_wait3A_743 : memref<!tpu.dma_semaphore, #tpu.memory_space<semaphore_mem>>) src(%dma_wait3A_752 : memref<8x196x768xf32, #tpu.memory_space<any>>) dst(%dma_wait3A_748 : memref<8x196x768xf32, #tpu.memory_space<vmem>>)
    %get3A_753 = arith.constant 3 : index
    %get3A_754 = arith.constant 0 : index
    %get3A_755 = arith.constant 0 : index
    %get3A_756 = arith.constant 0 : index
    %get3A_757 = vector.load %arg3[%get3A_753, %get3A_754, %get3A_755, %get3A_756] : memref<4x8x196x768xf32, #tpu.memory_space<vmem>>, vector<1x8x196x768xf32>
    %get3A_758 = vector.shape_cast %get3A_757 : vector<1x8x196x768xf32> to vector<8x196x768xf32>
    %reduce_sum3A_759 = arith.constant dense<0.000000e+00> : vector<8x768xf32>
    %reduce_sum3A_760 = vector.multi_reduction <add>, %get3A_758, %reduce_sum3A_759 [1] : vector<8x196x768xf32> to vector<8x768xf32>
    %swap3A_761 = arith.constant 88 : index
    %swap3A_762 = arith.constant 0 : index
    %swap3A_763 = vector.load %arg2[%swap3A_761, %swap3A_762] : memref<256x768xf32, #tpu.memory_space<vmem>>, vector<8x768xf32>
    tpu.vector_store %arg2[%swap3A_761, %swap3A_762], %reduce_sum3A_760 {strides = array<i32>} : memref<256x768xf32, #tpu.memory_space<vmem>>, vector<8x768xf32>,
    %dma_start3A_764 = arith.constant 3 : i32
    %dma_start3A_765 = arith.constant 3 : i32
    %dma_start3A_766 = tpu.memref_slice %arg5[%dma_start3A_765] : memref<4x!tpu.dma_semaphore, #tpu.memory_space<semaphore_mem>> -> memref<1x!tpu.dma_semaphore, #tpu.memory_space<semaphore_mem>>
    %dma_start3A_767 = tpu.memref_squeeze %dma_start3A_766 : memref<1x!tpu.dma_semaphore, #tpu.memory_space<semaphore_mem>> -> memref<!tpu.dma_semaphore, #tpu.memory_space<semaphore_mem>>
    %dma_start3A_768 = arith.constant 88 : i32
    %dma_start3A_769 = arith.constant 8 : i32
    %dma_start3A_770 = arith.constant 0 : i32
    %dma_start3A_771 = tpu.memref_slice %arg1[%dma_start3A_768, %dma_start3A_769, %dma_start3A_770] : memref<256x204x768xf32, #tpu.memory_space<any>> -> memref<8x196x768xf32, #tpu.memory_space<any>>
    %dma_start3A_772 = arith.constant 0 : i32
    %dma_start3A_773 = arith.constant 0 : i32
    %dma_start3A_774 = arith.constant 0 : i32
    %dma_start3A_775 = tpu.memref_slice %arg3[%dma_start3A_764, %dma_start3A_772, %dma_start3A_773, %dma_start3A_774] : memref<4x8x196x768xf32, #tpu.memory_space<vmem>> -> memref<1x8x196x768xf32, #tpu.memory_space<vmem>>
    %dma_start3A_776 = tpu.memref_squeeze %dma_start3A_775 : memref<1x8x196x768xf32, #tpu.memory_space<vmem>> -> memref<8x196x768xf32, #tpu.memory_space<vmem>>
    tpu.enqueue_dma source(%dma_start3A_776 : memref<8x196x768xf32, #tpu.memory_space<vmem>>) target(%dma_start3A_771 : memref<8x196x768xf32, #tpu.memory_space<any>>) target_semaphore(%dma_start3A_767 : memref<!tpu.dma_semaphore, #tpu.memory_space<semaphore_mem>>)
    %dma_wait3A_777 = arith.constant 3 : i32
    %dma_wait3A_778 = arith.constant 3 : i32
    %dma_wait3A_779 = tpu.memref_slice %arg5[%dma_wait3A_778] : memref<4x!tpu.dma_semaphore, #tpu.memory_space<semaphore_mem>> -> memref<1x!tpu.dma_semaphore, #tpu.memory_space<semaphore_mem>>
    %dma_wait3A_780 = tpu.memref_squeeze %dma_wait3A_779 : memref<1x!tpu.dma_semaphore, #tpu.memory_space<semaphore_mem>> -> memref<!tpu.dma_semaphore, #tpu.memory_space<semaphore_mem>>
    %dma_wait3A_781 = arith.constant 88 : i32
    %dma_wait3A_782 = arith.constant 8 : i32
    %dma_wait3A_783 = arith.constant 0 : i32
    %dma_wait3A_784 = tpu.memref_slice %arg1[%dma_wait3A_781, %dma_wait3A_782, %dma_wait3A_783] : memref<256x204x768xf32, #tpu.memory_space<any>> -> memref<8x196x768xf32, #tpu.memory_space<any>>
    %dma_wait3A_785 = arith.constant 0 : i32
    %dma_wait3A_786 = arith.constant 0 : i32
    %dma_wait3A_787 = arith.constant 0 : i32
    %dma_wait3A_788 = tpu.memref_slice %arg3[%dma_wait3A_777, %dma_wait3A_785, %dma_wait3A_786, %dma_wait3A_787] : memref<4x8x196x768xf32, #tpu.memory_space<vmem>> -> memref<1x8x196x768xf32, #tpu.memory_space<vmem>>
    %dma_wait3A_789 = tpu.memref_squeeze %dma_wait3A_788 : memref<1x8x196x768xf32, #tpu.memory_space<vmem>> -> memref<8x196x768xf32, #tpu.memory_space<vmem>>
    tpu.wait_dma2 semaphore(%dma_wait3A_780 : memref<!tpu.dma_semaphore, #tpu.memory_space<semaphore_mem>>) src(%dma_wait3A_789 : memref<8x196x768xf32, #tpu.memory_space<vmem>>) dst(%dma_wait3A_784 : memref<8x196x768xf32, #tpu.memory_space<any>>)
    %dma_start3A_790 = arith.constant 3 : i32
    %dma_start3A_791 = arith.constant 3 : i32
    %dma_start3A_792 = tpu.memref_slice %arg4[%dma_start3A_791] : memref<4x!tpu.dma_semaphore, #tpu.memory_space<semaphore_mem>> -> memref<1x!tpu.dma_semaphore, #tpu.memory_space<semaphore_mem>>
    %dma_start3A_793 = tpu.memref_squeeze %dma_start3A_792 : memref<1x!tpu.dma_semaphore, #tpu.memory_space<semaphore_mem>> -> memref<!tpu.dma_semaphore, #tpu.memory_space<semaphore_mem>>
    %dma_start3A_794 = arith.constant 0 : i32
    %dma_start3A_795 = arith.constant 0 : i32
    %dma_start3A_796 = arith.constant 0 : i32
    %dma_start3A_797 = tpu.memref_slice %arg3[%dma_start3A_790, %dma_start3A_794, %dma_start3A_795, %dma_start3A_796] : memref<4x8x196x768xf32, #tpu.memory_space<vmem>> -> memref<1x8x196x768xf32, #tpu.memory_space<vmem>>
    %dma_start3A_798 = tpu.memref_squeeze %dma_start3A_797 : memref<1x8x196x768xf32, #tpu.memory_space<vmem>> -> memref<8x196x768xf32, #tpu.memory_space<vmem>>
    %dma_start3A_799 = arith.constant 120 : i32
    %dma_start3A_800 = arith.constant 0 : i32
    %dma_start3A_801 = arith.constant 0 : i32
    %dma_start3A_802 = tpu.memref_slice %arg0[%dma_start3A_799, %dma_start3A_800, %dma_start3A_801] : memref<256x196x768xf32, #tpu.memory_space<any>> -> memref<8x196x768xf32, #tpu.memory_space<any>>
    tpu.enqueue_dma source(%dma_start3A_802 : memref<8x196x768xf32, #tpu.memory_space<any>>) target(%dma_start3A_798 : memref<8x196x768xf32, #tpu.memory_space<vmem>>) target_semaphore(%dma_start3A_793 : memref<!tpu.dma_semaphore, #tpu.memory_space<semaphore_mem>>)
    %dma_wait3A_803 = arith.constant 0 : i32
    %dma_wait3A_804 = arith.constant 0 : i32
    %dma_wait3A_805 = tpu.memref_slice %arg4[%dma_wait3A_804] : memref<4x!tpu.dma_semaphore, #tpu.memory_space<semaphore_mem>> -> memref<1x!tpu.dma_semaphore, #tpu.memory_space<semaphore_mem>>
    %dma_wait3A_806 = tpu.memref_squeeze %dma_wait3A_805 : memref<1x!tpu.dma_semaphore, #tpu.memory_space<semaphore_mem>> -> memref<!tpu.dma_semaphore, #tpu.memory_space<semaphore_mem>>
    %dma_wait3A_807 = arith.constant 0 : i32
    %dma_wait3A_808 = arith.constant 0 : i32
    %dma_wait3A_809 = arith.constant 0 : i32
    %dma_wait3A_810 = tpu.memref_slice %arg3[%dma_wait3A_803, %dma_wait3A_807, %dma_wait3A_808, %dma_wait3A_809] : memref<4x8x196x768xf32, #tpu.memory_space<vmem>> -> memref<1x8x196x768xf32, #tpu.memory_space<vmem>>
    %dma_wait3A_811 = tpu.memref_squeeze %dma_wait3A_810 : memref<1x8x196x768xf32, #tpu.memory_space<vmem>> -> memref<8x196x768xf32, #tpu.memory_space<vmem>>
    %dma_wait3A_812 = arith.constant 96 : i32
    %dma_wait3A_813 = arith.constant 0 : i32
    %dma_wait3A_814 = arith.constant 0 : i32
    %dma_wait3A_815 = tpu.memref_slice %arg0[%dma_wait3A_812, %dma_wait3A_813, %dma_wait3A_814] : memref<256x196x768xf32, #tpu.memory_space<any>> -> memref<8x196x768xf32, #tpu.memory_space<any>>
    tpu.wait_dma2 semaphore(%dma_wait3A_806 : memref<!tpu.dma_semaphore, #tpu.memory_space<semaphore_mem>>) src(%dma_wait3A_815 : memref<8x196x768xf32, #tpu.memory_space<any>>) dst(%dma_wait3A_811 : memref<8x196x768xf32, #tpu.memory_space<vmem>>)
    %get3A_816 = arith.constant 0 : index
    %get3A_817 = arith.constant 0 : index
    %get3A_818 = arith.constant 0 : index
    %get3A_819 = arith.constant 0 : index
    %get3A_820 = vector.load %arg3[%get3A_816, %get3A_817, %get3A_818, %get3A_819] : memref<4x8x196x768xf32, #tpu.memory_space<vmem>>, vector<1x8x196x768xf32>
    %get3A_821 = vector.shape_cast %get3A_820 : vector<1x8x196x768xf32> to vector<8x196x768xf32>
    %reduce_sum3A_822 = arith.constant dense<0.000000e+00> : vector<8x768xf32>
    %reduce_sum3A_823 = vector.multi_reduction <add>, %get3A_821, %reduce_sum3A_822 [1] : vector<8x196x768xf32> to vector<8x768xf32>
    %swap3A_824 = arith.constant 96 : index
    %swap3A_825 = arith.constant 0 : index
    %swap3A_826 = vector.load %arg2[%swap3A_824, %swap3A_825] : memref<256x768xf32, #tpu.memory_space<vmem>>, vector<8x768xf32>
    tpu.vector_store %arg2[%swap3A_824, %swap3A_825], %reduce_sum3A_823 {strides = array<i32>} : memref<256x768xf32, #tpu.memory_space<vmem>>, vector<8x768xf32>,
    %dma_start3A_827 = arith.constant 0 : i32
    %dma_start3A_828 = arith.constant 0 : i32
    %dma_start3A_829 = tpu.memref_slice %arg5[%dma_start3A_828] : memref<4x!tpu.dma_semaphore, #tpu.memory_space<semaphore_mem>> -> memref<1x!tpu.dma_semaphore, #tpu.memory_space<semaphore_mem>>
    %dma_start3A_830 = tpu.memref_squeeze %dma_start3A_829 : memref<1x!tpu.dma_semaphore, #tpu.memory_space<semaphore_mem>> -> memref<!tpu.dma_semaphore, #tpu.memory_space<semaphore_mem>>
    %dma_start3A_831 = arith.constant 96 : i32
    %dma_start3A_832 = arith.constant 8 : i32
    %dma_start3A_833 = arith.constant 0 : i32
    %dma_start3A_834 = tpu.memref_slice %arg1[%dma_start3A_831, %dma_start3A_832, %dma_start3A_833] : memref<256x204x768xf32, #tpu.memory_space<any>> -> memref<8x196x768xf32, #tpu.memory_space<any>>
    %dma_start3A_835 = arith.constant 0 : i32
    %dma_start3A_836 = arith.constant 0 : i32
    %dma_start3A_837 = arith.constant 0 : i32
    %dma_start3A_838 = tpu.memref_slice %arg3[%dma_start3A_827, %dma_start3A_835, %dma_start3A_836, %dma_start3A_837] : memref<4x8x196x768xf32, #tpu.memory_space<vmem>> -> memref<1x8x196x768xf32, #tpu.memory_space<vmem>>
    %dma_start3A_839 = tpu.memref_squeeze %dma_start3A_838 : memref<1x8x196x768xf32, #tpu.memory_space<vmem>> -> memref<8x196x768xf32, #tpu.memory_space<vmem>>
    tpu.enqueue_dma source(%dma_start3A_839 : memref<8x196x768xf32, #tpu.memory_space<vmem>>) target(%dma_start3A_834 : memref<8x196x768xf32, #tpu.memory_space<any>>) target_semaphore(%dma_start3A_830 : memref<!tpu.dma_semaphore, #tpu.memory_space<semaphore_mem>>)
    %dma_wait3A_840 = arith.constant 0 : i32
    %dma_wait3A_841 = arith.constant 0 : i32
    %dma_wait3A_842 = tpu.memref_slice %arg5[%dma_wait3A_841] : memref<4x!tpu.dma_semaphore, #tpu.memory_space<semaphore_mem>> -> memref<1x!tpu.dma_semaphore, #tpu.memory_space<semaphore_mem>>
    %dma_wait3A_843 = tpu.memref_squeeze %dma_wait3A_842 : memref<1x!tpu.dma_semaphore, #tpu.memory_space<semaphore_mem>> -> memref<!tpu.dma_semaphore, #tpu.memory_space<semaphore_mem>>
    %dma_wait3A_844 = arith.constant 96 : i32
    %dma_wait3A_845 = arith.constant 8 : i32
    %dma_wait3A_846 = arith.constant 0 : i32
    %dma_wait3A_847 = tpu.memref_slice %arg1[%dma_wait3A_844, %dma_wait3A_845, %dma_wait3A_846] : memref<256x204x768xf32, #tpu.memory_space<any>> -> memref<8x196x768xf32, #tpu.memory_space<any>>
    %dma_wait3A_848 = arith.constant 0 : i32
    %dma_wait3A_849 = arith.constant 0 : i32
    %dma_wait3A_850 = arith.constant 0 : i32
    %dma_wait3A_851 = tpu.memref_slice %arg3[%dma_wait3A_840, %dma_wait3A_848, %dma_wait3A_849, %dma_wait3A_850] : memref<4x8x196x768xf32, #tpu.memory_space<vmem>> -> memref<1x8x196x768xf32, #tpu.memory_space<vmem>>
    %dma_wait3A_852 = tpu.memref_squeeze %dma_wait3A_851 : memref<1x8x196x768xf32, #tpu.memory_space<vmem>> -> memref<8x196x768xf32, #tpu.memory_space<vmem>>
    tpu.wait_dma2 semaphore(%dma_wait3A_843 : memref<!tpu.dma_semaphore, #tpu.memory_space<semaphore_mem>>) src(%dma_wait3A_852 : memref<8x196x768xf32, #tpu.memory_space<vmem>>) dst(%dma_wait3A_847 : memref<8x196x768xf32, #tpu.memory_space<any>>)
    %dma_start3A_853 = arith.constant 0 : i32
    %dma_start3A_854 = arith.constant 0 : i32
    %dma_start3A_855 = tpu.memref_slice %arg4[%dma_start3A_854] : memref<4x!tpu.dma_semaphore, #tpu.memory_space<semaphore_mem>> -> memref<1x!tpu.dma_semaphore, #tpu.memory_space<semaphore_mem>>
    %dma_start3A_856 = tpu.memref_squeeze %dma_start3A_855 : memref<1x!tpu.dma_semaphore, #tpu.memory_space<semaphore_mem>> -> memref<!tpu.dma_semaphore, #tpu.memory_space<semaphore_mem>>
    %dma_start3A_857 = arith.constant 0 : i32
    %dma_start3A_858 = arith.constant 0 : i32
    %dma_start3A_859 = arith.constant 0 : i32
    %dma_start3A_860 = tpu.memref_slice %arg3[%dma_start3A_853, %dma_start3A_857, %dma_start3A_858, %dma_start3A_859] : memref<4x8x196x768xf32, #tpu.memory_space<vmem>> -> memref<1x8x196x768xf32, #tpu.memory_space<vmem>>
    %dma_start3A_861 = tpu.memref_squeeze %dma_start3A_860 : memref<1x8x196x768xf32, #tpu.memory_space<vmem>> -> memref<8x196x768xf32, #tpu.memory_space<vmem>>
    %dma_start3A_862 = arith.constant 128 : i32
    %dma_start3A_863 = arith.constant 0 : i32
    %dma_start3A_864 = arith.constant 0 : i32
    %dma_start3A_865 = tpu.memref_slice %arg0[%dma_start3A_862, %dma_start3A_863, %dma_start3A_864] : memref<256x196x768xf32, #tpu.memory_space<any>> -> memref<8x196x768xf32, #tpu.memory_space<any>>
    tpu.enqueue_dma source(%dma_start3A_865 : memref<8x196x768xf32, #tpu.memory_space<any>>) target(%dma_start3A_861 : memref<8x196x768xf32, #tpu.memory_space<vmem>>) target_semaphore(%dma_start3A_856 : memref<!tpu.dma_semaphore, #tpu.memory_space<semaphore_mem>>)
    %dma_wait3A_866 = arith.constant 1 : i32
    %dma_wait3A_867 = arith.constant 1 : i32
    %dma_wait3A_868 = tpu.memref_slice %arg4[%dma_wait3A_867] : memref<4x!tpu.dma_semaphore, #tpu.memory_space<semaphore_mem>> -> memref<1x!tpu.dma_semaphore, #tpu.memory_space<semaphore_mem>>
    %dma_wait3A_869 = tpu.memref_squeeze %dma_wait3A_868 : memref<1x!tpu.dma_semaphore, #tpu.memory_space<semaphore_mem>> -> memref<!tpu.dma_semaphore, #tpu.memory_space<semaphore_mem>>
    %dma_wait3A_870 = arith.constant 0 : i32
    %dma_wait3A_871 = arith.constant 0 : i32
    %dma_wait3A_872 = arith.constant 0 : i32
    %dma_wait3A_873 = tpu.memref_slice %arg3[%dma_wait3A_866, %dma_wait3A_870, %dma_wait3A_871, %dma_wait3A_872] : memref<4x8x196x768xf32, #tpu.memory_space<vmem>> -> memref<1x8x196x768xf32, #tpu.memory_space<vmem>>
    %dma_wait3A_874 = tpu.memref_squeeze %dma_wait3A_873 : memref<1x8x196x768xf32, #tpu.memory_space<vmem>> -> memref<8x196x768xf32, #tpu.memory_space<vmem>>
    %dma_wait3A_875 = arith.constant 104 : i32
    %dma_wait3A_876 = arith.constant 0 : i32
    %dma_wait3A_877 = arith.constant 0 : i32
    %dma_wait3A_878 = tpu.memref_slice %arg0[%dma_wait3A_875, %dma_wait3A_876, %dma_wait3A_877] : memref<256x196x768xf32, #tpu.memory_space<any>> -> memref<8x196x768xf32, #tpu.memory_space<any>>
    tpu.wait_dma2 semaphore(%dma_wait3A_869 : memref<!tpu.dma_semaphore, #tpu.memory_space<semaphore_mem>>) src(%dma_wait3A_878 : memref<8x196x768xf32, #tpu.memory_space<any>>) dst(%dma_wait3A_874 : memref<8x196x768xf32, #tpu.memory_space<vmem>>)
    %get3A_879 = arith.constant 1 : index
    %get3A_880 = arith.constant 0 : index
    %get3A_881 = arith.constant 0 : index
    %get3A_882 = arith.constant 0 : index
    %get3A_883 = vector.load %arg3[%get3A_879, %get3A_880, %get3A_881, %get3A_882] : memref<4x8x196x768xf32, #tpu.memory_space<vmem>>, vector<1x8x196x768xf32>
    %get3A_884 = vector.shape_cast %get3A_883 : vector<1x8x196x768xf32> to vector<8x196x768xf32>
    %reduce_sum3A_885 = arith.constant dense<0.000000e+00> : vector<8x768xf32>
    %reduce_sum3A_886 = vector.multi_reduction <add>, %get3A_884, %reduce_sum3A_885 [1] : vector<8x196x768xf32> to vector<8x768xf32>
    %swap3A_887 = arith.constant 104 : index
    %swap3A_888 = arith.constant 0 : index
    %swap3A_889 = vector.load %arg2[%swap3A_887, %swap3A_888] : memref<256x768xf32, #tpu.memory_space<vmem>>, vector<8x768xf32>
    tpu.vector_store %arg2[%swap3A_887, %swap3A_888], %reduce_sum3A_886 {strides = array<i32>} : memref<256x768xf32, #tpu.memory_space<vmem>>, vector<8x768xf32>,
    %dma_start3A_890 = arith.constant 1 : i32
    %dma_start3A_891 = arith.constant 1 : i32
    %dma_start3A_892 = tpu.memref_slice %arg5[%dma_start3A_891] : memref<4x!tpu.dma_semaphore, #tpu.memory_space<semaphore_mem>> -> memref<1x!tpu.dma_semaphore, #tpu.memory_space<semaphore_mem>>
    %dma_start3A_893 = tpu.memref_squeeze %dma_start3A_892 : memref<1x!tpu.dma_semaphore, #tpu.memory_space<semaphore_mem>> -> memref<!tpu.dma_semaphore, #tpu.memory_space<semaphore_mem>>
    %dma_start3A_894 = arith.constant 104 : i32
    %dma_start3A_895 = arith.constant 8 : i32
    %dma_start3A_896 = arith.constant 0 : i32
    %dma_start3A_897 = tpu.memref_slice %arg1[%dma_start3A_894, %dma_start3A_895, %dma_start3A_896] : memref<256x204x768xf32, #tpu.memory_space<any>> -> memref<8x196x768xf32, #tpu.memory_space<any>>
    %dma_start3A_898 = arith.constant 0 : i32
    %dma_start3A_899 = arith.constant 0 : i32
    %dma_start3A_900 = arith.constant 0 : i32
    %dma_start3A_901 = tpu.memref_slice %arg3[%dma_start3A_890, %dma_start3A_898, %dma_start3A_899, %dma_start3A_900] : memref<4x8x196x768xf32, #tpu.memory_space<vmem>> -> memref<1x8x196x768xf32, #tpu.memory_space<vmem>>
    %dma_start3A_902 = tpu.memref_squeeze %dma_start3A_901 : memref<1x8x196x768xf32, #tpu.memory_space<vmem>> -> memref<8x196x768xf32, #tpu.memory_space<vmem>>
    tpu.enqueue_dma source(%dma_start3A_902 : memref<8x196x768xf32, #tpu.memory_space<vmem>>) target(%dma_start3A_897 : memref<8x196x768xf32, #tpu.memory_space<any>>) target_semaphore(%dma_start3A_893 : memref<!tpu.dma_semaphore, #tpu.memory_space<semaphore_mem>>)
    %dma_wait3A_903 = arith.constant 1 : i32
    %dma_wait3A_904 = arith.constant 1 : i32
    %dma_wait3A_905 = tpu.memref_slice %arg5[%dma_wait3A_904] : memref<4x!tpu.dma_semaphore, #tpu.memory_space<semaphore_mem>> -> memref<1x!tpu.dma_semaphore, #tpu.memory_space<semaphore_mem>>
    %dma_wait3A_906 = tpu.memref_squeeze %dma_wait3A_905 : memref<1x!tpu.dma_semaphore, #tpu.memory_space<semaphore_mem>> -> memref<!tpu.dma_semaphore, #tpu.memory_space<semaphore_mem>>
    %dma_wait3A_907 = arith.constant 104 : i32
    %dma_wait3A_908 = arith.constant 8 : i32
    %dma_wait3A_909 = arith.constant 0 : i32
    %dma_wait3A_910 = tpu.memref_slice %arg1[%dma_wait3A_907, %dma_wait3A_908, %dma_wait3A_909] : memref<256x204x768xf32, #tpu.memory_space<any>> -> memref<8x196x768xf32, #tpu.memory_space<any>>
    %dma_wait3A_911 = arith.constant 0 : i32
    %dma_wait3A_912 = arith.constant 0 : i32
    %dma_wait3A_913 = arith.constant 0 : i32
    %dma_wait3A_914 = tpu.memref_slice %arg3[%dma_wait3A_903, %dma_wait3A_911, %dma_wait3A_912, %dma_wait3A_913] : memref<4x8x196x768xf32, #tpu.memory_space<vmem>> -> memref<1x8x196x768xf32, #tpu.memory_space<vmem>>
    %dma_wait3A_915 = tpu.memref_squeeze %dma_wait3A_914 : memref<1x8x196x768xf32, #tpu.memory_space<vmem>> -> memref<8x196x768xf32, #tpu.memory_space<vmem>>
    tpu.wait_dma2 semaphore(%dma_wait3A_906 : memref<!tpu.dma_semaphore, #tpu.memory_space<semaphore_mem>>) src(%dma_wait3A_915 : memref<8x196x768xf32, #tpu.memory_space<vmem>>) dst(%dma_wait3A_910 : memref<8x196x768xf32, #tpu.memory_space<any>>)
    %dma_start3A_916 = arith.constant 1 : i32
    %dma_start3A_917 = arith.constant 1 : i32
    %dma_start3A_918 = tpu.memref_slice %arg4[%dma_start3A_917] : memref<4x!tpu.dma_semaphore, #tpu.memory_space<semaphore_mem>> -> memref<1x!tpu.dma_semaphore, #tpu.memory_space<semaphore_mem>>
    %dma_start3A_919 = tpu.memref_squeeze %dma_start3A_918 : memref<1x!tpu.dma_semaphore, #tpu.memory_space<semaphore_mem>> -> memref<!tpu.dma_semaphore, #tpu.memory_space<semaphore_mem>>
    %dma_start3A_920 = arith.constant 0 : i32
    %dma_start3A_921 = arith.constant 0 : i32
    %dma_start3A_922 = arith.constant 0 : i32
    %dma_start3A_923 = tpu.memref_slice %arg3[%dma_start3A_916, %dma_start3A_920, %dma_start3A_921, %dma_start3A_922] : memref<4x8x196x768xf32, #tpu.memory_space<vmem>> -> memref<1x8x196x768xf32, #tpu.memory_space<vmem>>
    %dma_start3A_924 = tpu.memref_squeeze %dma_start3A_923 : memref<1x8x196x768xf32, #tpu.memory_space<vmem>> -> memref<8x196x768xf32, #tpu.memory_space<vmem>>
    %dma_start3A_925 = arith.constant 136 : i32
    %dma_start3A_926 = arith.constant 0 : i32
    %dma_start3A_927 = arith.constant 0 : i32
    %dma_start3A_928 = tpu.memref_slice %arg0[%dma_start3A_925, %dma_start3A_926, %dma_start3A_927] : memref<256x196x768xf32, #tpu.memory_space<any>> -> memref<8x196x768xf32, #tpu.memory_space<any>>
    tpu.enqueue_dma source(%dma_start3A_928 : memref<8x196x768xf32, #tpu.memory_space<any>>) target(%dma_start3A_924 : memref<8x196x768xf32, #tpu.memory_space<vmem>>) target_semaphore(%dma_start3A_919 : memref<!tpu.dma_semaphore, #tpu.memory_space<semaphore_mem>>)
    %dma_wait3A_929 = arith.constant 2 : i32
    %dma_wait3A_930 = arith.constant 2 : i32
    %dma_wait3A_931 = tpu.memref_slice %arg4[%dma_wait3A_930] : memref<4x!tpu.dma_semaphore, #tpu.memory_space<semaphore_mem>> -> memref<1x!tpu.dma_semaphore, #tpu.memory_space<semaphore_mem>>
    %dma_wait3A_932 = tpu.memref_squeeze %dma_wait3A_931 : memref<1x!tpu.dma_semaphore, #tpu.memory_space<semaphore_mem>> -> memref<!tpu.dma_semaphore, #tpu.memory_space<semaphore_mem>>
    %dma_wait3A_933 = arith.constant 0 : i32
    %dma_wait3A_934 = arith.constant 0 : i32
    %dma_wait3A_935 = arith.constant 0 : i32
    %dma_wait3A_936 = tpu.memref_slice %arg3[%dma_wait3A_929, %dma_wait3A_933, %dma_wait3A_934, %dma_wait3A_935] : memref<4x8x196x768xf32, #tpu.memory_space<vmem>> -> memref<1x8x196x768xf32, #tpu.memory_space<vmem>>
    %dma_wait3A_937 = tpu.memref_squeeze %dma_wait3A_936 : memref<1x8x196x768xf32, #tpu.memory_space<vmem>> -> memref<8x196x768xf32, #tpu.memory_space<vmem>>
    %dma_wait3A_938 = arith.constant 112 : i32
    %dma_wait3A_939 = arith.constant 0 : i32
    %dma_wait3A_940 = arith.constant 0 : i32
    %dma_wait3A_941 = tpu.memref_slice %arg0[%dma_wait3A_938, %dma_wait3A_939, %dma_wait3A_940] : memref<256x196x768xf32, #tpu.memory_space<any>> -> memref<8x196x768xf32, #tpu.memory_space<any>>
    tpu.wait_dma2 semaphore(%dma_wait3A_932 : memref<!tpu.dma_semaphore, #tpu.memory_space<semaphore_mem>>) src(%dma_wait3A_941 : memref<8x196x768xf32, #tpu.memory_space<any>>) dst(%dma_wait3A_937 : memref<8x196x768xf32, #tpu.memory_space<vmem>>)
    %get3A_942 = arith.constant 2 : index
    %get3A_943 = arith.constant 0 : index
    %get3A_944 = arith.constant 0 : index
    %get3A_945 = arith.constant 0 : index
    %get3A_946 = vector.load %arg3[%get3A_942, %get3A_943, %get3A_944, %get3A_945] : memref<4x8x196x768xf32, #tpu.memory_space<vmem>>, vector<1x8x196x768xf32>
    %get3A_947 = vector.shape_cast %get3A_946 : vector<1x8x196x768xf32> to vector<8x196x768xf32>
    %reduce_sum3A_948 = arith.constant dense<0.000000e+00> : vector<8x768xf32>
    %reduce_sum3A_949 = vector.multi_reduction <add>, %get3A_947, %reduce_sum3A_948 [1] : vector<8x196x768xf32> to vector<8x768xf32>
    %swap3A_950 = arith.constant 112 : index
    %swap3A_951 = arith.constant 0 : index
    %swap3A_952 = vector.load %arg2[%swap3A_950, %swap3A_951] : memref<256x768xf32, #tpu.memory_space<vmem>>, vector<8x768xf32>
    tpu.vector_store %arg2[%swap3A_950, %swap3A_951], %reduce_sum3A_949 {strides = array<i32>} : memref<256x768xf32, #tpu.memory_space<vmem>>, vector<8x768xf32>,
    %dma_start3A_953 = arith.constant 2 : i32
    %dma_start3A_954 = arith.constant 2 : i32
    %dma_start3A_955 = tpu.memref_slice %arg5[%dma_start3A_954] : memref<4x!tpu.dma_semaphore, #tpu.memory_space<semaphore_mem>> -> memref<1x!tpu.dma_semaphore, #tpu.memory_space<semaphore_mem>>
    %dma_start3A_956 = tpu.memref_squeeze %dma_start3A_955 : memref<1x!tpu.dma_semaphore, #tpu.memory_space<semaphore_mem>> -> memref<!tpu.dma_semaphore, #tpu.memory_space<semaphore_mem>>
    %dma_start3A_957 = arith.constant 112 : i32
    %dma_start3A_958 = arith.constant 8 : i32
    %dma_start3A_959 = arith.constant 0 : i32
    %dma_start3A_960 = tpu.memref_slice %arg1[%dma_start3A_957, %dma_start3A_958, %dma_start3A_959] : memref<256x204x768xf32, #tpu.memory_space<any>> -> memref<8x196x768xf32, #tpu.memory_space<any>>
    %dma_start3A_961 = arith.constant 0 : i32
    %dma_start3A_962 = arith.constant 0 : i32
    %dma_start3A_963 = arith.constant 0 : i32
    %dma_start3A_964 = tpu.memref_slice %arg3[%dma_start3A_953, %dma_start3A_961, %dma_start3A_962, %dma_start3A_963] : memref<4x8x196x768xf32, #tpu.memory_space<vmem>> -> memref<1x8x196x768xf32, #tpu.memory_space<vmem>>
    %dma_start3A_965 = tpu.memref_squeeze %dma_start3A_964 : memref<1x8x196x768xf32, #tpu.memory_space<vmem>> -> memref<8x196x768xf32, #tpu.memory_space<vmem>>
    tpu.enqueue_dma source(%dma_start3A_965 : memref<8x196x768xf32, #tpu.memory_space<vmem>>) target(%dma_start3A_960 : memref<8x196x768xf32, #tpu.memory_space<any>>) target_semaphore(%dma_start3A_956 : memref<!tpu.dma_semaphore, #tpu.memory_space<semaphore_mem>>)
    %dma_wait3A_966 = arith.constant 2 : i32
    %dma_wait3A_967 = arith.constant 2 : i32
    %dma_wait3A_968 = tpu.memref_slice %arg5[%dma_wait3A_967] : memref<4x!tpu.dma_semaphore, #tpu.memory_space<semaphore_mem>> -> memref<1x!tpu.dma_semaphore, #tpu.memory_space<semaphore_mem>>
    %dma_wait3A_969 = tpu.memref_squeeze %dma_wait3A_968 : memref<1x!tpu.dma_semaphore, #tpu.memory_space<semaphore_mem>> -> memref<!tpu.dma_semaphore, #tpu.memory_space<semaphore_mem>>
    %dma_wait3A_970 = arith.constant 112 : i32
    %dma_wait3A_971 = arith.constant 8 : i32
    %dma_wait3A_972 = arith.constant 0 : i32
    %dma_wait3A_973 = tpu.memref_slice %arg1[%dma_wait3A_970, %dma_wait3A_971, %dma_wait3A_972] : memref<256x204x768xf32, #tpu.memory_space<any>> -> memref<8x196x768xf32, #tpu.memory_space<any>>
    %dma_wait3A_974 = arith.constant 0 : i32
    %dma_wait3A_975 = arith.constant 0 : i32
    %dma_wait3A_976 = arith.constant 0 : i32
    %dma_wait3A_977 = tpu.memref_slice %arg3[%dma_wait3A_966, %dma_wait3A_974, %dma_wait3A_975, %dma_wait3A_976] : memref<4x8x196x768xf32, #tpu.memory_space<vmem>> -> memref<1x8x196x768xf32, #tpu.memory_space<vmem>>
    %dma_wait3A_978 = tpu.memref_squeeze %dma_wait3A_977 : memref<1x8x196x768xf32, #tpu.memory_space<vmem>> -> memref<8x196x768xf32, #tpu.memory_space<vmem>>
    tpu.wait_dma2 semaphore(%dma_wait3A_969 : memref<!tpu.dma_semaphore, #tpu.memory_space<semaphore_mem>>) src(%dma_wait3A_978 : memref<8x196x768xf32, #tpu.memory_space<vmem>>) dst(%dma_wait3A_973 : memref<8x196x768xf32, #tpu.memory_space<any>>)
    %dma_start3A_979 = arith.constant 2 : i32
    %dma_start3A_980 = arith.constant 2 : i32
    %dma_start3A_981 = tpu.memref_slice %arg4[%dma_start3A_980] : memref<4x!tpu.dma_semaphore, #tpu.memory_space<semaphore_mem>> -> memref<1x!tpu.dma_semaphore, #tpu.memory_space<semaphore_mem>>
    %dma_start3A_982 = tpu.memref_squeeze %dma_start3A_981 : memref<1x!tpu.dma_semaphore, #tpu.memory_space<semaphore_mem>> -> memref<!tpu.dma_semaphore, #tpu.memory_space<semaphore_mem>>
    %dma_start3A_983 = arith.constant 0 : i32
    %dma_start3A_984 = arith.constant 0 : i32
    %dma_start3A_985 = arith.constant 0 : i32
    %dma_start3A_986 = tpu.memref_slice %arg3[%dma_start3A_979, %dma_start3A_983, %dma_start3A_984, %dma_start3A_985] : memref<4x8x196x768xf32, #tpu.memory_space<vmem>> -> memref<1x8x196x768xf32, #tpu.memory_space<vmem>>
    %dma_start3A_987 = tpu.memref_squeeze %dma_start3A_986 : memref<1x8x196x768xf32, #tpu.memory_space<vmem>> -> memref<8x196x768xf32, #tpu.memory_space<vmem>>
    %dma_start3A_988 = arith.constant 144 : i32
    %dma_start3A_989 = arith.constant 0 : i32
    %dma_start3A_990 = arith.constant 0 : i32
    %dma_start3A_991 = tpu.memref_slice %arg0[%dma_start3A_988, %dma_start3A_989, %dma_start3A_990] : memref<256x196x768xf32, #tpu.memory_space<any>> -> memref<8x196x768xf32, #tpu.memory_space<any>>
    tpu.enqueue_dma source(%dma_start3A_991 : memref<8x196x768xf32, #tpu.memory_space<any>>) target(%dma_start3A_987 : memref<8x196x768xf32, #tpu.memory_space<vmem>>) target_semaphore(%dma_start3A_982 : memref<!tpu.dma_semaphore, #tpu.memory_space<semaphore_mem>>)
    %dma_wait3A_992 = arith.constant 3 : i32
    %dma_wait3A_993 = arith.constant 3 : i32
    %dma_wait3A_994 = tpu.memref_slice %arg4[%dma_wait3A_993] : memref<4x!tpu.dma_semaphore, #tpu.memory_space<semaphore_mem>> -> memref<1x!tpu.dma_semaphore, #tpu.memory_space<semaphore_mem>>
    %dma_wait3A_995 = tpu.memref_squeeze %dma_wait3A_994 : memref<1x!tpu.dma_semaphore, #tpu.memory_space<semaphore_mem>> -> memref<!tpu.dma_semaphore, #tpu.memory_space<semaphore_mem>>
    %dma_wait3A_996 = arith.constant 0 : i32
    %dma_wait3A_997 = arith.constant 0 : i32
    %dma_wait3A_998 = arith.constant 0 : i32
    %dma_wait3A_999 = tpu.memref_slice %arg3[%dma_wait3A_992, %dma_wait3A_996, %dma_wait3A_997, %dma_wait3A_998] : memref<4x8x196x768xf32, #tpu.memory_space<vmem>> -> memref<1x8x196x768xf32, #tpu.memory_space<vmem>>
    %dma_wait3A_1000 = tpu.memref_squeeze %dma_wait3A_999 : memref<1x8x196x768xf32, #tpu.memory_space<vmem>> -> memref<8x196x768xf32, #tpu.memory_space<vmem>>
    %dma_wait3A_1001 = arith.constant 120 : i32
    %dma_wait3A_1002 = arith.constant 0 : i32
    %dma_wait3A_1003 = arith.constant 0 : i32
    %dma_wait3A_1004 = tpu.memref_slice %arg0[%dma_wait3A_1001, %dma_wait3A_1002, %dma_wait3A_1003] : memref<256x196x768xf32, #tpu.memory_space<any>> -> memref<8x196x768xf32, #tpu.memory_space<any>>
    tpu.wait_dma2 semaphore(%dma_wait3A_995 : memref<!tpu.dma_semaphore, #tpu.memory_space<semaphore_mem>>) src(%dma_wait3A_1004 : memref<8x196x768xf32, #tpu.memory_space<any>>) dst(%dma_wait3A_1000 : memref<8x196x768xf32, #tpu.memory_space<vmem>>)
    %get3A_1005 = arith.constant 3 : index
    %get3A_1006 = arith.constant 0 : index
    %get3A_1007 = arith.constant 0 : index
    %get3A_1008 = arith.constant 0 : index
    %get3A_1009 = vector.load %arg3[%get3A_1005, %get3A_1006, %get3A_1007, %get3A_1008] : memref<4x8x196x768xf32, #tpu.memory_space<vmem>>, vector<1x8x196x768xf32>
    %get3A_1010 = vector.shape_cast %get3A_1009 : vector<1x8x196x768xf32> to vector<8x196x768xf32>
    %reduce_sum3A_1011 = arith.constant dense<0.000000e+00> : vector<8x768xf32>
    %reduce_sum3A_1012 = vector.multi_reduction <add>, %get3A_1010, %reduce_sum3A_1011 [1] : vector<8x196x768xf32> to vector<8x768xf32>
    %swap3A_1013 = arith.constant 120 : index
    %swap3A_1014 = arith.constant 0 : index
    %swap3A_1015 = vector.load %arg2[%swap3A_1013, %swap3A_1014] : memref<256x768xf32, #tpu.memory_space<vmem>>, vector<8x768xf32>
    tpu.vector_store %arg2[%swap3A_1013, %swap3A_1014], %reduce_sum3A_1012 {strides = array<i32>} : memref<256x768xf32, #tpu.memory_space<vmem>>, vector<8x768xf32>,
    %dma_start3A_1016 = arith.constant 3 : i32
    %dma_start3A_1017 = arith.constant 3 : i32
    %dma_start3A_1018 = tpu.memref_slice %arg5[%dma_start3A_1017] : memref<4x!tpu.dma_semaphore, #tpu.memory_space<semaphore_mem>> -> memref<1x!tpu.dma_semaphore, #tpu.memory_space<semaphore_mem>>
    %dma_start3A_1019 = tpu.memref_squeeze %dma_start3A_1018 : memref<1x!tpu.dma_semaphore, #tpu.memory_space<semaphore_mem>> -> memref<!tpu.dma_semaphore, #tpu.memory_space<semaphore_mem>>
    %dma_start3A_1020 = arith.constant 120 : i32
    %dma_start3A_1021 = arith.constant 8 : i32
    %dma_start3A_1022 = arith.constant 0 : i32
    %dma_start3A_1023 = tpu.memref_slice %arg1[%dma_start3A_1020, %dma_start3A_1021, %dma_start3A_1022] : memref<256x204x768xf32, #tpu.memory_space<any>> -> memref<8x196x768xf32, #tpu.memory_space<any>>
    %dma_start3A_1024 = arith.constant 0 : i32
    %dma_start3A_1025 = arith.constant 0 : i32
    %dma_start3A_1026 = arith.constant 0 : i32
    %dma_start3A_1027 = tpu.memref_slice %arg3[%dma_start3A_1016, %dma_start3A_1024, %dma_start3A_1025, %dma_start3A_1026] : memref<4x8x196x768xf32, #tpu.memory_space<vmem>> -> memref<1x8x196x768xf32, #tpu.memory_space<vmem>>
    %dma_start3A_1028 = tpu.memref_squeeze %dma_start3A_1027 : memref<1x8x196x768xf32, #tpu.memory_space<vmem>> -> memref<8x196x768xf32, #tpu.memory_space<vmem>>
    tpu.enqueue_dma source(%dma_start3A_1028 : memref<8x196x768xf32, #tpu.memory_space<vmem>>) target(%dma_start3A_1023 : memref<8x196x768xf32, #tpu.memory_space<any>>) target_semaphore(%dma_start3A_1019 : memref<!tpu.dma_semaphore, #tpu.memory_space<semaphore_mem>>)
    %dma_wait3A_1029 = arith.constant 3 : i32
    %dma_wait3A_1030 = arith.constant 3 : i32
    %dma_wait3A_1031 = tpu.memref_slice %arg5[%dma_wait3A_1030] : memref<4x!tpu.dma_semaphore, #tpu.memory_space<semaphore_mem>> -> memref<1x!tpu.dma_semaphore, #tpu.memory_space<semaphore_mem>>
    %dma_wait3A_1032 = tpu.memref_squeeze %dma_wait3A_1031 : memref<1x!tpu.dma_semaphore, #tpu.memory_space<semaphore_mem>> -> memref<!tpu.dma_semaphore, #tpu.memory_space<semaphore_mem>>
    %dma_wait3A_1033 = arith.constant 120 : i32
    %dma_wait3A_1034 = arith.constant 8 : i32
    %dma_wait3A_1035 = arith.constant 0 : i32
    %dma_wait3A_1036 = tpu.memref_slice %arg1[%dma_wait3A_1033, %dma_wait3A_1034, %dma_wait3A_1035] : memref<256x204x768xf32, #tpu.memory_space<any>> -> memref<8x196x768xf32, #tpu.memory_space<any>>
    %dma_wait3A_1037 = arith.constant 0 : i32
    %dma_wait3A_1038 = arith.constant 0 : i32
    %dma_wait3A_1039 = arith.constant 0 : i32
    %dma_wait3A_1040 = tpu.memref_slice %arg3[%dma_wait3A_1029, %dma_wait3A_1037, %dma_wait3A_1038, %dma_wait3A_1039] : memref<4x8x196x768xf32, #tpu.memory_space<vmem>> -> memref<1x8x196x768xf32, #tpu.memory_space<vmem>>
    %dma_wait3A_1041 = tpu.memref_squeeze %dma_wait3A_1040 : memref<1x8x196x768xf32, #tpu.memory_space<vmem>> -> memref<8x196x768xf32, #tpu.memory_space<vmem>>
    tpu.wait_dma2 semaphore(%dma_wait3A_1032 : memref<!tpu.dma_semaphore, #tpu.memory_space<semaphore_mem>>) src(%dma_wait3A_1041 : memref<8x196x768xf32, #tpu.memory_space<vmem>>) dst(%dma_wait3A_1036 : memref<8x196x768xf32, #tpu.memory_space<any>>)
    %dma_start3A_1042 = arith.constant 3 : i32
    %dma_start3A_1043 = arith.constant 3 : i32
    %dma_start3A_1044 = tpu.memref_slice %arg4[%dma_start3A_1043] : memref<4x!tpu.dma_semaphore, #tpu.memory_space<semaphore_mem>> -> memref<1x!tpu.dma_semaphore, #tpu.memory_space<semaphore_mem>>
    %dma_start3A_1045 = tpu.memref_squeeze %dma_start3A_1044 : memref<1x!tpu.dma_semaphore, #tpu.memory_space<semaphore_mem>> -> memref<!tpu.dma_semaphore, #tpu.memory_space<semaphore_mem>>
    %dma_start3A_1046 = arith.constant 0 : i32
    %dma_start3A_1047 = arith.constant 0 : i32
    %dma_start3A_1048 = arith.constant 0 : i32
    %dma_start3A_1049 = tpu.memref_slice %arg3[%dma_start3A_1042, %dma_start3A_1046, %dma_start3A_1047, %dma_start3A_1048] : memref<4x8x196x768xf32, #tpu.memory_space<vmem>> -> memref<1x8x196x768xf32, #tpu.memory_space<vmem>>
    %dma_start3A_1050 = tpu.memref_squeeze %dma_start3A_1049 : memref<1x8x196x768xf32, #tpu.memory_space<vmem>> -> memref<8x196x768xf32, #tpu.memory_space<vmem>>
    %dma_start3A_1051 = arith.constant 152 : i32
    %dma_start3A_1052 = arith.constant 0 : i32
    %dma_start3A_1053 = arith.constant 0 : i32
    %dma_start3A_1054 = tpu.memref_slice %arg0[%dma_start3A_1051, %dma_start3A_1052, %dma_start3A_1053] : memref<256x196x768xf32, #tpu.memory_space<any>> -> memref<8x196x768xf32, #tpu.memory_space<any>>
    tpu.enqueue_dma source(%dma_start3A_1054 : memref<8x196x768xf32, #tpu.memory_space<any>>) target(%dma_start3A_1050 : memref<8x196x768xf32, #tpu.memory_space<vmem>>) target_semaphore(%dma_start3A_1045 : memref<!tpu.dma_semaphore, #tpu.memory_space<semaphore_mem>>)
    %dma_wait3A_1055 = arith.constant 0 : i32
    %dma_wait3A_1056 = arith.constant 0 : i32
    %dma_wait3A_1057 = tpu.memref_slice %arg4[%dma_wait3A_1056] : memref<4x!tpu.dma_semaphore, #tpu.memory_space<semaphore_mem>> -> memref<1x!tpu.dma_semaphore, #tpu.memory_space<semaphore_mem>>
    %dma_wait3A_1058 = tpu.memref_squeeze %dma_wait3A_1057 : memref<1x!tpu.dma_semaphore, #tpu.memory_space<semaphore_mem>> -> memref<!tpu.dma_semaphore, #tpu.memory_space<semaphore_mem>>
    %dma_wait3A_1059 = arith.constant 0 : i32
    %dma_wait3A_1060 = arith.constant 0 : i32
    %dma_wait3A_1061 = arith.constant 0 : i32
    %dma_wait3A_1062 = tpu.memref_slice %arg3[%dma_wait3A_1055, %dma_wait3A_1059, %dma_wait3A_1060, %dma_wait3A_1061] : memref<4x8x196x768xf32, #tpu.memory_space<vmem>> -> memref<1x8x196x768xf32, #tpu.memory_space<vmem>>
    %dma_wait3A_1063 = tpu.memref_squeeze %dma_wait3A_1062 : memref<1x8x196x768xf32, #tpu.memory_space<vmem>> -> memref<8x196x768xf32, #tpu.memory_space<vmem>>
    %dma_wait3A_1064 = arith.constant 128 : i32
    %dma_wait3A_1065 = arith.constant 0 : i32
    %dma_wait3A_1066 = arith.constant 0 : i32
    %dma_wait3A_1067 = tpu.memref_slice %arg0[%dma_wait3A_1064, %dma_wait3A_1065, %dma_wait3A_1066] : memref<256x196x768xf32, #tpu.memory_space<any>> -> memref<8x196x768xf32, #tpu.memory_space<any>>
    tpu.wait_dma2 semaphore(%dma_wait3A_1058 : memref<!tpu.dma_semaphore, #tpu.memory_space<semaphore_mem>>) src(%dma_wait3A_1067 : memref<8x196x768xf32, #tpu.memory_space<any>>) dst(%dma_wait3A_1063 : memref<8x196x768xf32, #tpu.memory_space<vmem>>)
    %get3A_1068 = arith.constant 0 : index
    %get3A_1069 = arith.constant 0 : index
    %get3A_1070 = arith.constant 0 : index
    %get3A_1071 = arith.constant 0 : index
    %get3A_1072 = vector.load %arg3[%get3A_1068, %get3A_1069, %get3A_1070, %get3A_1071] : memref<4x8x196x768xf32, #tpu.memory_space<vmem>>, vector<1x8x196x768xf32>
    %get3A_1073 = vector.shape_cast %get3A_1072 : vector<1x8x196x768xf32> to vector<8x196x768xf32>
    %reduce_sum3A_1074 = arith.constant dense<0.000000e+00> : vector<8x768xf32>
    %reduce_sum3A_1075 = vector.multi_reduction <add>, %get3A_1073, %reduce_sum3A_1074 [1] : vector<8x196x768xf32> to vector<8x768xf32>
    %swap3A_1076 = arith.constant 128 : index
    %swap3A_1077 = arith.constant 0 : index
    %swap3A_1078 = vector.load %arg2[%swap3A_1076, %swap3A_1077] : memref<256x768xf32, #tpu.memory_space<vmem>>, vector<8x768xf32>
    tpu.vector_store %arg2[%swap3A_1076, %swap3A_1077], %reduce_sum3A_1075 {strides = array<i32>} : memref<256x768xf32, #tpu.memory_space<vmem>>, vector<8x768xf32>,
    %dma_start3A_1079 = arith.constant 0 : i32
    %dma_start3A_1080 = arith.constant 0 : i32
    %dma_start3A_1081 = tpu.memref_slice %arg5[%dma_start3A_1080] : memref<4x!tpu.dma_semaphore, #tpu.memory_space<semaphore_mem>> -> memref<1x!tpu.dma_semaphore, #tpu.memory_space<semaphore_mem>>
    %dma_start3A_1082 = tpu.memref_squeeze %dma_start3A_1081 : memref<1x!tpu.dma_semaphore, #tpu.memory_space<semaphore_mem>> -> memref<!tpu.dma_semaphore, #tpu.memory_space<semaphore_mem>>
    %dma_start3A_1083 = arith.constant 128 : i32
    %dma_start3A_1084 = arith.constant 8 : i32
    %dma_start3A_1085 = arith.constant 0 : i32
    %dma_start3A_1086 = tpu.memref_slice %arg1[%dma_start3A_1083, %dma_start3A_1084, %dma_start3A_1085] : memref<256x204x768xf32, #tpu.memory_space<any>> -> memref<8x196x768xf32, #tpu.memory_space<any>>
    %dma_start3A_1087 = arith.constant 0 : i32
    %dma_start3A_1088 = arith.constant 0 : i32
    %dma_start3A_1089 = arith.constant 0 : i32
    %dma_start3A_1090 = tpu.memref_slice %arg3[%dma_start3A_1079, %dma_start3A_1087, %dma_start3A_1088, %dma_start3A_1089] : memref<4x8x196x768xf32, #tpu.memory_space<vmem>> -> memref<1x8x196x768xf32, #tpu.memory_space<vmem>>
    %dma_start3A_1091 = tpu.memref_squeeze %dma_start3A_1090 : memref<1x8x196x768xf32, #tpu.memory_space<vmem>> -> memref<8x196x768xf32, #tpu.memory_space<vmem>>
    tpu.enqueue_dma source(%dma_start3A_1091 : memref<8x196x768xf32, #tpu.memory_space<vmem>>) target(%dma_start3A_1086 : memref<8x196x768xf32, #tpu.memory_space<any>>) target_semaphore(%dma_start3A_1082 : memref<!tpu.dma_semaphore, #tpu.memory_space<semaphore_mem>>)
    %dma_wait3A_1092 = arith.constant 0 : i32
    %dma_wait3A_1093 = arith.constant 0 : i32
    %dma_wait3A_1094 = tpu.memref_slice %arg5[%dma_wait3A_1093] : memref<4x!tpu.dma_semaphore, #tpu.memory_space<semaphore_mem>> -> memref<1x!tpu.dma_semaphore, #tpu.memory_space<semaphore_mem>>
    %dma_wait3A_1095 = tpu.memref_squeeze %dma_wait3A_1094 : memref<1x!tpu.dma_semaphore, #tpu.memory_space<semaphore_mem>> -> memref<!tpu.dma_semaphore, #tpu.memory_space<semaphore_mem>>
    %dma_wait3A_1096 = arith.constant 128 : i32
    %dma_wait3A_1097 = arith.constant 8 : i32
    %dma_wait3A_1098 = arith.constant 0 : i32
    %dma_wait3A_1099 = tpu.memref_slice %arg1[%dma_wait3A_1096, %dma_wait3A_1097, %dma_wait3A_1098] : memref<256x204x768xf32, #tpu.memory_space<any>> -> memref<8x196x768xf32, #tpu.memory_space<any>>
    %dma_wait3A_1100 = arith.constant 0 : i32
    %dma_wait3A_1101 = arith.constant 0 : i32
    %dma_wait3A_1102 = arith.constant 0 : i32
    %dma_wait3A_1103 = tpu.memref_slice %arg3[%dma_wait3A_1092, %dma_wait3A_1100, %dma_wait3A_1101, %dma_wait3A_1102] : memref<4x8x196x768xf32, #tpu.memory_space<vmem>> -> memref<1x8x196x768xf32, #tpu.memory_space<vmem>>
    %dma_wait3A_1104 = tpu.memref_squeeze %dma_wait3A_1103 : memref<1x8x196x768xf32, #tpu.memory_space<vmem>> -> memref<8x196x768xf32, #tpu.memory_space<vmem>>
    tpu.wait_dma2 semaphore(%dma_wait3A_1095 : memref<!tpu.dma_semaphore, #tpu.memory_space<semaphore_mem>>) src(%dma_wait3A_1104 : memref<8x196x768xf32, #tpu.memory_space<vmem>>) dst(%dma_wait3A_1099 : memref<8x196x768xf32, #tpu.memory_space<any>>)
    %dma_start3A_1105 = arith.constant 0 : i32
    %dma_start3A_1106 = arith.constant 0 : i32
    %dma_start3A_1107 = tpu.memref_slice %arg4[%dma_start3A_1106] : memref<4x!tpu.dma_semaphore, #tpu.memory_space<semaphore_mem>> -> memref<1x!tpu.dma_semaphore, #tpu.memory_space<semaphore_mem>>
    %dma_start3A_1108 = tpu.memref_squeeze %dma_start3A_1107 : memref<1x!tpu.dma_semaphore, #tpu.memory_space<semaphore_mem>> -> memref<!tpu.dma_semaphore, #tpu.memory_space<semaphore_mem>>
    %dma_start3A_1109 = arith.constant 0 : i32
    %dma_start3A_1110 = arith.constant 0 : i32
    %dma_start3A_1111 = arith.constant 0 : i32
    %dma_start3A_1112 = tpu.memref_slice %arg3[%dma_start3A_1105, %dma_start3A_1109, %dma_start3A_1110, %dma_start3A_1111] : memref<4x8x196x768xf32, #tpu.memory_space<vmem>> -> memref<1x8x196x768xf32, #tpu.memory_space<vmem>>
    %dma_start3A_1113 = tpu.memref_squeeze %dma_start3A_1112 : memref<1x8x196x768xf32, #tpu.memory_space<vmem>> -> memref<8x196x768xf32, #tpu.memory_space<vmem>>
    %dma_start3A_1114 = arith.constant 160 : i32
    %dma_start3A_1115 = arith.constant 0 : i32
    %dma_start3A_1116 = arith.constant 0 : i32
    %dma_start3A_1117 = tpu.memref_slice %arg0[%dma_start3A_1114, %dma_start3A_1115, %dma_start3A_1116] : memref<256x196x768xf32, #tpu.memory_space<any>> -> memref<8x196x768xf32, #tpu.memory_space<any>>
    tpu.enqueue_dma source(%dma_start3A_1117 : memref<8x196x768xf32, #tpu.memory_space<any>>) target(%dma_start3A_1113 : memref<8x196x768xf32, #tpu.memory_space<vmem>>) target_semaphore(%dma_start3A_1108 : memref<!tpu.dma_semaphore, #tpu.memory_space<semaphore_mem>>)
    %dma_wait3A_1118 = arith.constant 1 : i32
    %dma_wait3A_1119 = arith.constant 1 : i32
    %dma_wait3A_1120 = tpu.memref_slice %arg4[%dma_wait3A_1119] : memref<4x!tpu.dma_semaphore, #tpu.memory_space<semaphore_mem>> -> memref<1x!tpu.dma_semaphore, #tpu.memory_space<semaphore_mem>>
    %dma_wait3A_1121 = tpu.memref_squeeze %dma_wait3A_1120 : memref<1x!tpu.dma_semaphore, #tpu.memory_space<semaphore_mem>> -> memref<!tpu.dma_semaphore, #tpu.memory_space<semaphore_mem>>
    %dma_wait3A_1122 = arith.constant 0 : i32
    %dma_wait3A_1123 = arith.constant 0 : i32
    %dma_wait3A_1124 = arith.constant 0 : i32
    %dma_wait3A_1125 = tpu.memref_slice %arg3[%dma_wait3A_1118, %dma_wait3A_1122, %dma_wait3A_1123, %dma_wait3A_1124] : memref<4x8x196x768xf32, #tpu.memory_space<vmem>> -> memref<1x8x196x768xf32, #tpu.memory_space<vmem>>
    %dma_wait3A_1126 = tpu.memref_squeeze %dma_wait3A_1125 : memref<1x8x196x768xf32, #tpu.memory_space<vmem>> -> memref<8x196x768xf32, #tpu.memory_space<vmem>>
    %dma_wait3A_1127 = arith.constant 136 : i32
    %dma_wait3A_1128 = arith.constant 0 : i32
    %dma_wait3A_1129 = arith.constant 0 : i32
    %dma_wait3A_1130 = tpu.memref_slice %arg0[%dma_wait3A_1127, %dma_wait3A_1128, %dma_wait3A_1129] : memref<256x196x768xf32, #tpu.memory_space<any>> -> memref<8x196x768xf32, #tpu.memory_space<any>>
    tpu.wait_dma2 semaphore(%dma_wait3A_1121 : memref<!tpu.dma_semaphore, #tpu.memory_space<semaphore_mem>>) src(%dma_wait3A_1130 : memref<8x196x768xf32, #tpu.memory_space<any>>) dst(%dma_wait3A_1126 : memref<8x196x768xf32, #tpu.memory_space<vmem>>)
    %get3A_1131 = arith.constant 1 : index
    %get3A_1132 = arith.constant 0 : index
    %get3A_1133 = arith.constant 0 : index
    %get3A_1134 = arith.constant 0 : index
    %get3A_1135 = vector.load %arg3[%get3A_1131, %get3A_1132, %get3A_1133, %get3A_1134] : memref<4x8x196x768xf32, #tpu.memory_space<vmem>>, vector<1x8x196x768xf32>
    %get3A_1136 = vector.shape_cast %get3A_1135 : vector<1x8x196x768xf32> to vector<8x196x768xf32>
    %reduce_sum3A_1137 = arith.constant dense<0.000000e+00> : vector<8x768xf32>
    %reduce_sum3A_1138 = vector.multi_reduction <add>, %get3A_1136, %reduce_sum3A_1137 [1] : vector<8x196x768xf32> to vector<8x768xf32>
    %swap3A_1139 = arith.constant 136 : index
    %swap3A_1140 = arith.constant 0 : index
    %swap3A_1141 = vector.load %arg2[%swap3A_1139, %swap3A_1140] : memref<256x768xf32, #tpu.memory_space<vmem>>, vector<8x768xf32>
    tpu.vector_store %arg2[%swap3A_1139, %swap3A_1140], %reduce_sum3A_1138 {strides = array<i32>} : memref<256x768xf32, #tpu.memory_space<vmem>>, vector<8x768xf32>,
    %dma_start3A_1142 = arith.constant 1 : i32
    %dma_start3A_1143 = arith.constant 1 : i32
    %dma_start3A_1144 = tpu.memref_slice %arg5[%dma_start3A_1143] : memref<4x!tpu.dma_semaphore, #tpu.memory_space<semaphore_mem>> -> memref<1x!tpu.dma_semaphore, #tpu.memory_space<semaphore_mem>>
    %dma_start3A_1145 = tpu.memref_squeeze %dma_start3A_1144 : memref<1x!tpu.dma_semaphore, #tpu.memory_space<semaphore_mem>> -> memref<!tpu.dma_semaphore, #tpu.memory_space<semaphore_mem>>
    %dma_start3A_1146 = arith.constant 136 : i32
    %dma_start3A_1147 = arith.constant 8 : i32
    %dma_start3A_1148 = arith.constant 0 : i32
    %dma_start3A_1149 = tpu.memref_slice %arg1[%dma_start3A_1146, %dma_start3A_1147, %dma_start3A_1148] : memref<256x204x768xf32, #tpu.memory_space<any>> -> memref<8x196x768xf32, #tpu.memory_space<any>>
    %dma_start3A_1150 = arith.constant 0 : i32
    %dma_start3A_1151 = arith.constant 0 : i32
    %dma_start3A_1152 = arith.constant 0 : i32
    %dma_start3A_1153 = tpu.memref_slice %arg3[%dma_start3A_1142, %dma_start3A_1150, %dma_start3A_1151, %dma_start3A_1152] : memref<4x8x196x768xf32, #tpu.memory_space<vmem>> -> memref<1x8x196x768xf32, #tpu.memory_space<vmem>>
    %dma_start3A_1154 = tpu.memref_squeeze %dma_start3A_1153 : memref<1x8x196x768xf32, #tpu.memory_space<vmem>> -> memref<8x196x768xf32, #tpu.memory_space<vmem>>
    tpu.enqueue_dma source(%dma_start3A_1154 : memref<8x196x768xf32, #tpu.memory_space<vmem>>) target(%dma_start3A_1149 : memref<8x196x768xf32, #tpu.memory_space<any>>) target_semaphore(%dma_start3A_1145 : memref<!tpu.dma_semaphore, #tpu.memory_space<semaphore_mem>>)
    %dma_wait3A_1155 = arith.constant 1 : i32
    %dma_wait3A_1156 = arith.constant 1 : i32
    %dma_wait3A_1157 = tpu.memref_slice %arg5[%dma_wait3A_1156] : memref<4x!tpu.dma_semaphore, #tpu.memory_space<semaphore_mem>> -> memref<1x!tpu.dma_semaphore, #tpu.memory_space<semaphore_mem>>
    %dma_wait3A_1158 = tpu.memref_squeeze %dma_wait3A_1157 : memref<1x!tpu.dma_semaphore, #tpu.memory_space<semaphore_mem>> -> memref<!tpu.dma_semaphore, #tpu.memory_space<semaphore_mem>>
    %dma_wait3A_1159 = arith.constant 136 : i32
    %dma_wait3A_1160 = arith.constant 8 : i32
    %dma_wait3A_1161 = arith.constant 0 : i32
    %dma_wait3A_1162 = tpu.memref_slice %arg1[%dma_wait3A_1159, %dma_wait3A_1160, %dma_wait3A_1161] : memref<256x204x768xf32, #tpu.memory_space<any>> -> memref<8x196x768xf32, #tpu.memory_space<any>>
    %dma_wait3A_1163 = arith.constant 0 : i32
    %dma_wait3A_1164 = arith.constant 0 : i32
    %dma_wait3A_1165 = arith.constant 0 : i32
    %dma_wait3A_1166 = tpu.memref_slice %arg3[%dma_wait3A_1155, %dma_wait3A_1163, %dma_wait3A_1164, %dma_wait3A_1165] : memref<4x8x196x768xf32, #tpu.memory_space<vmem>> -> memref<1x8x196x768xf32, #tpu.memory_space<vmem>>
    %dma_wait3A_1167 = tpu.memref_squeeze %dma_wait3A_1166 : memref<1x8x196x768xf32, #tpu.memory_space<vmem>> -> memref<8x196x768xf32, #tpu.memory_space<vmem>>
    tpu.wait_dma2 semaphore(%dma_wait3A_1158 : memref<!tpu.dma_semaphore, #tpu.memory_space<semaphore_mem>>) src(%dma_wait3A_1167 : memref<8x196x768xf32, #tpu.memory_space<vmem>>) dst(%dma_wait3A_1162 : memref<8x196x768xf32, #tpu.memory_space<any>>)
    %dma_start3A_1168 = arith.constant 1 : i32
    %dma_start3A_1169 = arith.constant 1 : i32
    %dma_start3A_1170 = tpu.memref_slice %arg4[%dma_start3A_1169] : memref<4x!tpu.dma_semaphore, #tpu.memory_space<semaphore_mem>> -> memref<1x!tpu.dma_semaphore, #tpu.memory_space<semaphore_mem>>
    %dma_start3A_1171 = tpu.memref_squeeze %dma_start3A_1170 : memref<1x!tpu.dma_semaphore, #tpu.memory_space<semaphore_mem>> -> memref<!tpu.dma_semaphore, #tpu.memory_space<semaphore_mem>>
    %dma_start3A_1172 = arith.constant 0 : i32
    %dma_start3A_1173 = arith.constant 0 : i32
    %dma_start3A_1174 = arith.constant 0 : i32
    %dma_start3A_1175 = tpu.memref_slice %arg3[%dma_start3A_1168, %dma_start3A_1172, %dma_start3A_1173, %dma_start3A_1174] : memref<4x8x196x768xf32, #tpu.memory_space<vmem>> -> memref<1x8x196x768xf32, #tpu.memory_space<vmem>>
    %dma_start3A_1176 = tpu.memref_squeeze %dma_start3A_1175 : memref<1x8x196x768xf32, #tpu.memory_space<vmem>> -> memref<8x196x768xf32, #tpu.memory_space<vmem>>
    %dma_start3A_1177 = arith.constant 168 : i32
    %dma_start3A_1178 = arith.constant 0 : i32
    %dma_start3A_1179 = arith.constant 0 : i32
    %dma_start3A_1180 = tpu.memref_slice %arg0[%dma_start3A_1177, %dma_start3A_1178, %dma_start3A_1179] : memref<256x196x768xf32, #tpu.memory_space<any>> -> memref<8x196x768xf32, #tpu.memory_space<any>>
    tpu.enqueue_dma source(%dma_start3A_1180 : memref<8x196x768xf32, #tpu.memory_space<any>>) target(%dma_start3A_1176 : memref<8x196x768xf32, #tpu.memory_space<vmem>>) target_semaphore(%dma_start3A_1171 : memref<!tpu.dma_semaphore, #tpu.memory_space<semaphore_mem>>)
    %dma_wait3A_1181 = arith.constant 2 : i32
    %dma_wait3A_1182 = arith.constant 2 : i32
    %dma_wait3A_1183 = tpu.memref_slice %arg4[%dma_wait3A_1182] : memref<4x!tpu.dma_semaphore, #tpu.memory_space<semaphore_mem>> -> memref<1x!tpu.dma_semaphore, #tpu.memory_space<semaphore_mem>>
    %dma_wait3A_1184 = tpu.memref_squeeze %dma_wait3A_1183 : memref<1x!tpu.dma_semaphore, #tpu.memory_space<semaphore_mem>> -> memref<!tpu.dma_semaphore, #tpu.memory_space<semaphore_mem>>
    %dma_wait3A_1185 = arith.constant 0 : i32
    %dma_wait3A_1186 = arith.constant 0 : i32
    %dma_wait3A_1187 = arith.constant 0 : i32
    %dma_wait3A_1188 = tpu.memref_slice %arg3[%dma_wait3A_1181, %dma_wait3A_1185, %dma_wait3A_1186, %dma_wait3A_1187] : memref<4x8x196x768xf32, #tpu.memory_space<vmem>> -> memref<1x8x196x768xf32, #tpu.memory_space<vmem>>
    %dma_wait3A_1189 = tpu.memref_squeeze %dma_wait3A_1188 : memref<1x8x196x768xf32, #tpu.memory_space<vmem>> -> memref<8x196x768xf32, #tpu.memory_space<vmem>>
    %dma_wait3A_1190 = arith.constant 144 : i32
    %dma_wait3A_1191 = arith.constant 0 : i32
    %dma_wait3A_1192 = arith.constant 0 : i32
    %dma_wait3A_1193 = tpu.memref_slice %arg0[%dma_wait3A_1190, %dma_wait3A_1191, %dma_wait3A_1192] : memref<256x196x768xf32, #tpu.memory_space<any>> -> memref<8x196x768xf32, #tpu.memory_space<any>>
    tpu.wait_dma2 semaphore(%dma_wait3A_1184 : memref<!tpu.dma_semaphore, #tpu.memory_space<semaphore_mem>>) src(%dma_wait3A_1193 : memref<8x196x768xf32, #tpu.memory_space<any>>) dst(%dma_wait3A_1189 : memref<8x196x768xf32, #tpu.memory_space<vmem>>)
    %get3A_1194 = arith.constant 2 : index
    %get3A_1195 = arith.constant 0 : index
    %get3A_1196 = arith.constant 0 : index
    %get3A_1197 = arith.constant 0 : index
    %get3A_1198 = vector.load %arg3[%get3A_1194, %get3A_1195, %get3A_1196, %get3A_1197] : memref<4x8x196x768xf32, #tpu.memory_space<vmem>>, vector<1x8x196x768xf32>
    %get3A_1199 = vector.shape_cast %get3A_1198 : vector<1x8x196x768xf32> to vector<8x196x768xf32>
    %reduce_sum3A_1200 = arith.constant dense<0.000000e+00> : vector<8x768xf32>
    %reduce_sum3A_1201 = vector.multi_reduction <add>, %get3A_1199, %reduce_sum3A_1200 [1] : vector<8x196x768xf32> to vector<8x768xf32>
    %swap3A_1202 = arith.constant 144 : index
    %swap3A_1203 = arith.constant 0 : index
    %swap3A_1204 = vector.load %arg2[%swap3A_1202, %swap3A_1203] : memref<256x768xf32, #tpu.memory_space<vmem>>, vector<8x768xf32>
    tpu.vector_store %arg2[%swap3A_1202, %swap3A_1203], %reduce_sum3A_1201 {strides = array<i32>} : memref<256x768xf32, #tpu.memory_space<vmem>>, vector<8x768xf32>,
    %dma_start3A_1205 = arith.constant 2 : i32
    %dma_start3A_1206 = arith.constant 2 : i32
    %dma_start3A_1207 = tpu.memref_slice %arg5[%dma_start3A_1206] : memref<4x!tpu.dma_semaphore, #tpu.memory_space<semaphore_mem>> -> memref<1x!tpu.dma_semaphore, #tpu.memory_space<semaphore_mem>>
    %dma_start3A_1208 = tpu.memref_squeeze %dma_start3A_1207 : memref<1x!tpu.dma_semaphore, #tpu.memory_space<semaphore_mem>> -> memref<!tpu.dma_semaphore, #tpu.memory_space<semaphore_mem>>
    %dma_start3A_1209 = arith.constant 144 : i32
    %dma_start3A_1210 = arith.constant 8 : i32
    %dma_start3A_1211 = arith.constant 0 : i32
    %dma_start3A_1212 = tpu.memref_slice %arg1[%dma_start3A_1209, %dma_start3A_1210, %dma_start3A_1211] : memref<256x204x768xf32, #tpu.memory_space<any>> -> memref<8x196x768xf32, #tpu.memory_space<any>>
    %dma_start3A_1213 = arith.constant 0 : i32
    %dma_start3A_1214 = arith.constant 0 : i32
    %dma_start3A_1215 = arith.constant 0 : i32
    %dma_start3A_1216 = tpu.memref_slice %arg3[%dma_start3A_1205, %dma_start3A_1213, %dma_start3A_1214, %dma_start3A_1215] : memref<4x8x196x768xf32, #tpu.memory_space<vmem>> -> memref<1x8x196x768xf32, #tpu.memory_space<vmem>>
    %dma_start3A_1217 = tpu.memref_squeeze %dma_start3A_1216 : memref<1x8x196x768xf32, #tpu.memory_space<vmem>> -> memref<8x196x768xf32, #tpu.memory_space<vmem>>
    tpu.enqueue_dma source(%dma_start3A_1217 : memref<8x196x768xf32, #tpu.memory_space<vmem>>) target(%dma_start3A_1212 : memref<8x196x768xf32, #tpu.memory_space<any>>) target_semaphore(%dma_start3A_1208 : memref<!tpu.dma_semaphore, #tpu.memory_space<semaphore_mem>>)
    %dma_wait3A_1218 = arith.constant 2 : i32
    %dma_wait3A_1219 = arith.constant 2 : i32
    %dma_wait3A_1220 = tpu.memref_slice %arg5[%dma_wait3A_1219] : memref<4x!tpu.dma_semaphore, #tpu.memory_space<semaphore_mem>> -> memref<1x!tpu.dma_semaphore, #tpu.memory_space<semaphore_mem>>
    %dma_wait3A_1221 = tpu.memref_squeeze %dma_wait3A_1220 : memref<1x!tpu.dma_semaphore, #tpu.memory_space<semaphore_mem>> -> memref<!tpu.dma_semaphore, #tpu.memory_space<semaphore_mem>>
    %dma_wait3A_1222 = arith.constant 144 : i32
    %dma_wait3A_1223 = arith.constant 8 : i32
    %dma_wait3A_1224 = arith.constant 0 : i32
    %dma_wait3A_1225 = tpu.memref_slice %arg1[%dma_wait3A_1222, %dma_wait3A_1223, %dma_wait3A_1224] : memref<256x204x768xf32, #tpu.memory_space<any>> -> memref<8x196x768xf32, #tpu.memory_space<any>>
    %dma_wait3A_1226 = arith.constant 0 : i32
    %dma_wait3A_1227 = arith.constant 0 : i32
    %dma_wait3A_1228 = arith.constant 0 : i32
    %dma_wait3A_1229 = tpu.memref_slice %arg3[%dma_wait3A_1218, %dma_wait3A_1226, %dma_wait3A_1227, %dma_wait3A_1228] : memref<4x8x196x768xf32, #tpu.memory_space<vmem>> -> memref<1x8x196x768xf32, #tpu.memory_space<vmem>>
    %dma_wait3A_1230 = tpu.memref_squeeze %dma_wait3A_1229 : memref<1x8x196x768xf32, #tpu.memory_space<vmem>> -> memref<8x196x768xf32, #tpu.memory_space<vmem>>
    tpu.wait_dma2 semaphore(%dma_wait3A_1221 : memref<!tpu.dma_semaphore, #tpu.memory_space<semaphore_mem>>) src(%dma_wait3A_1230 : memref<8x196x768xf32, #tpu.memory_space<vmem>>) dst(%dma_wait3A_1225 : memref<8x196x768xf32, #tpu.memory_space<any>>)
    %dma_start3A_1231 = arith.constant 2 : i32
    %dma_start3A_1232 = arith.constant 2 : i32
    %dma_start3A_1233 = tpu.memref_slice %arg4[%dma_start3A_1232] : memref<4x!tpu.dma_semaphore, #tpu.memory_space<semaphore_mem>> -> memref<1x!tpu.dma_semaphore, #tpu.memory_space<semaphore_mem>>
    %dma_start3A_1234 = tpu.memref_squeeze %dma_start3A_1233 : memref<1x!tpu.dma_semaphore, #tpu.memory_space<semaphore_mem>> -> memref<!tpu.dma_semaphore, #tpu.memory_space<semaphore_mem>>
    %dma_start3A_1235 = arith.constant 0 : i32
    %dma_start3A_1236 = arith.constant 0 : i32
    %dma_start3A_1237 = arith.constant 0 : i32
    %dma_start3A_1238 = tpu.memref_slice %arg3[%dma_start3A_1231, %dma_start3A_1235, %dma_start3A_1236, %dma_start3A_1237] : memref<4x8x196x768xf32, #tpu.memory_space<vmem>> -> memref<1x8x196x768xf32, #tpu.memory_space<vmem>>
    %dma_start3A_1239 = tpu.memref_squeeze %dma_start3A_1238 : memref<1x8x196x768xf32, #tpu.memory_space<vmem>> -> memref<8x196x768xf32, #tpu.memory_space<vmem>>
    %dma_start3A_1240 = arith.constant 176 : i32
    %dma_start3A_1241 = arith.constant 0 : i32
    %dma_start3A_1242 = arith.constant 0 : i32
    %dma_start3A_1243 = tpu.memref_slice %arg0[%dma_start3A_1240, %dma_start3A_1241, %dma_start3A_1242] : memref<256x196x768xf32, #tpu.memory_space<any>> -> memref<8x196x768xf32, #tpu.memory_space<any>>
    tpu.enqueue_dma source(%dma_start3A_1243 : memref<8x196x768xf32, #tpu.memory_space<any>>) target(%dma_start3A_1239 : memref<8x196x768xf32, #tpu.memory_space<vmem>>) target_semaphore(%dma_start3A_1234 : memref<!tpu.dma_semaphore, #tpu.memory_space<semaphore_mem>>)
    %dma_wait3A_1244 = arith.constant 3 : i32
    %dma_wait3A_1245 = arith.constant 3 : i32
    %dma_wait3A_1246 = tpu.memref_slice %arg4[%dma_wait3A_1245] : memref<4x!tpu.dma_semaphore, #tpu.memory_space<semaphore_mem>> -> memref<1x!tpu.dma_semaphore, #tpu.memory_space<semaphore_mem>>
    %dma_wait3A_1247 = tpu.memref_squeeze %dma_wait3A_1246 : memref<1x!tpu.dma_semaphore, #tpu.memory_space<semaphore_mem>> -> memref<!tpu.dma_semaphore, #tpu.memory_space<semaphore_mem>>
    %dma_wait3A_1248 = arith.constant 0 : i32
    %dma_wait3A_1249 = arith.constant 0 : i32
    %dma_wait3A_1250 = arith.constant 0 : i32
    %dma_wait3A_1251 = tpu.memref_slice %arg3[%dma_wait3A_1244, %dma_wait3A_1248, %dma_wait3A_1249, %dma_wait3A_1250] : memref<4x8x196x768xf32, #tpu.memory_space<vmem>> -> memref<1x8x196x768xf32, #tpu.memory_space<vmem>>
    %dma_wait3A_1252 = tpu.memref_squeeze %dma_wait3A_1251 : memref<1x8x196x768xf32, #tpu.memory_space<vmem>> -> memref<8x196x768xf32, #tpu.memory_space<vmem>>
    %dma_wait3A_1253 = arith.constant 152 : i32
    %dma_wait3A_1254 = arith.constant 0 : i32
    %dma_wait3A_1255 = arith.constant 0 : i32
    %dma_wait3A_1256 = tpu.memref_slice %arg0[%dma_wait3A_1253, %dma_wait3A_1254, %dma_wait3A_1255] : memref<256x196x768xf32, #tpu.memory_space<any>> -> memref<8x196x768xf32, #tpu.memory_space<any>>
    tpu.wait_dma2 semaphore(%dma_wait3A_1247 : memref<!tpu.dma_semaphore, #tpu.memory_space<semaphore_mem>>) src(%dma_wait3A_1256 : memref<8x196x768xf32, #tpu.memory_space<any>>) dst(%dma_wait3A_1252 : memref<8x196x768xf32, #tpu.memory_space<vmem>>)
    %get3A_1257 = arith.constant 3 : index
    %get3A_1258 = arith.constant 0 : index
    %get3A_1259 = arith.constant 0 : index
    %get3A_1260 = arith.constant 0 : index
    %get3A_1261 = vector.load %arg3[%get3A_1257, %get3A_1258, %get3A_1259, %get3A_1260] : memref<4x8x196x768xf32, #tpu.memory_space<vmem>>, vector<1x8x196x768xf32>
    %get3A_1262 = vector.shape_cast %get3A_1261 : vector<1x8x196x768xf32> to vector<8x196x768xf32>
    %reduce_sum3A_1263 = arith.constant dense<0.000000e+00> : vector<8x768xf32>
    %reduce_sum3A_1264 = vector.multi_reduction <add>, %get3A_1262, %reduce_sum3A_1263 [1] : vector<8x196x768xf32> to vector<8x768xf32>
    %swap3A_1265 = arith.constant 152 : index
    %swap3A_1266 = arith.constant 0 : index
    %swap3A_1267 = vector.load %arg2[%swap3A_1265, %swap3A_1266] : memref<256x768xf32, #tpu.memory_space<vmem>>, vector<8x768xf32>
    tpu.vector_store %arg2[%swap3A_1265, %swap3A_1266], %reduce_sum3A_1264 {strides = array<i32>} : memref<256x768xf32, #tpu.memory_space<vmem>>, vector<8x768xf32>,
    %dma_start3A_1268 = arith.constant 3 : i32
    %dma_start3A_1269 = arith.constant 3 : i32
    %dma_start3A_1270 = tpu.memref_slice %arg5[%dma_start3A_1269] : memref<4x!tpu.dma_semaphore, #tpu.memory_space<semaphore_mem>> -> memref<1x!tpu.dma_semaphore, #tpu.memory_space<semaphore_mem>>
    %dma_start3A_1271 = tpu.memref_squeeze %dma_start3A_1270 : memref<1x!tpu.dma_semaphore, #tpu.memory_space<semaphore_mem>> -> memref<!tpu.dma_semaphore, #tpu.memory_space<semaphore_mem>>
    %dma_start3A_1272 = arith.constant 152 : i32
    %dma_start3A_1273 = arith.constant 8 : i32
    %dma_start3A_1274 = arith.constant 0 : i32
    %dma_start3A_1275 = tpu.memref_slice %arg1[%dma_start3A_1272, %dma_start3A_1273, %dma_start3A_1274] : memref<256x204x768xf32, #tpu.memory_space<any>> -> memref<8x196x768xf32, #tpu.memory_space<any>>
    %dma_start3A_1276 = arith.constant 0 : i32
    %dma_start3A_1277 = arith.constant 0 : i32
    %dma_start3A_1278 = arith.constant 0 : i32
    %dma_start3A_1279 = tpu.memref_slice %arg3[%dma_start3A_1268, %dma_start3A_1276, %dma_start3A_1277, %dma_start3A_1278] : memref<4x8x196x768xf32, #tpu.memory_space<vmem>> -> memref<1x8x196x768xf32, #tpu.memory_space<vmem>>
    %dma_start3A_1280 = tpu.memref_squeeze %dma_start3A_1279 : memref<1x8x196x768xf32, #tpu.memory_space<vmem>> -> memref<8x196x768xf32, #tpu.memory_space<vmem>>
    tpu.enqueue_dma source(%dma_start3A_1280 : memref<8x196x768xf32, #tpu.memory_space<vmem>>) target(%dma_start3A_1275 : memref<8x196x768xf32, #tpu.memory_space<any>>) target_semaphore(%dma_start3A_1271 : memref<!tpu.dma_semaphore, #tpu.memory_space<semaphore_mem>>)
    %dma_wait3A_1281 = arith.constant 3 : i32
    %dma_wait3A_1282 = arith.constant 3 : i32
    %dma_wait3A_1283 = tpu.memref_slice %arg5[%dma_wait3A_1282] : memref<4x!tpu.dma_semaphore, #tpu.memory_space<semaphore_mem>> -> memref<1x!tpu.dma_semaphore, #tpu.memory_space<semaphore_mem>>
    %dma_wait3A_1284 = tpu.memref_squeeze %dma_wait3A_1283 : memref<1x!tpu.dma_semaphore, #tpu.memory_space<semaphore_mem>> -> memref<!tpu.dma_semaphore, #tpu.memory_space<semaphore_mem>>
    %dma_wait3A_1285 = arith.constant 152 : i32
    %dma_wait3A_1286 = arith.constant 8 : i32
    %dma_wait3A_1287 = arith.constant 0 : i32
    %dma_wait3A_1288 = tpu.memref_slice %arg1[%dma_wait3A_1285, %dma_wait3A_1286, %dma_wait3A_1287] : memref<256x204x768xf32, #tpu.memory_space<any>> -> memref<8x196x768xf32, #tpu.memory_space<any>>
    %dma_wait3A_1289 = arith.constant 0 : i32
    %dma_wait3A_1290 = arith.constant 0 : i32
    %dma_wait3A_1291 = arith.constant 0 : i32
    %dma_wait3A_1292 = tpu.memref_slice %arg3[%dma_wait3A_1281, %dma_wait3A_1289, %dma_wait3A_1290, %dma_wait3A_1291] : memref<4x8x196x768xf32, #tpu.memory_space<vmem>> -> memref<1x8x196x768xf32, #tpu.memory_space<vmem>>
    %dma_wait3A_1293 = tpu.memref_squeeze %dma_wait3A_1292 : memref<1x8x196x768xf32, #tpu.memory_space<vmem>> -> memref<8x196x768xf32, #tpu.memory_space<vmem>>
    tpu.wait_dma2 semaphore(%dma_wait3A_1284 : memref<!tpu.dma_semaphore, #tpu.memory_space<semaphore_mem>>) src(%dma_wait3A_1293 : memref<8x196x768xf32, #tpu.memory_space<vmem>>) dst(%dma_wait3A_1288 : memref<8x196x768xf32, #tpu.memory_space<any>>)
    %dma_start3A_1294 = arith.constant 3 : i32
    %dma_start3A_1295 = arith.constant 3 : i32
    %dma_start3A_1296 = tpu.memref_slice %arg4[%dma_start3A_1295] : memref<4x!tpu.dma_semaphore, #tpu.memory_space<semaphore_mem>> -> memref<1x!tpu.dma_semaphore, #tpu.memory_space<semaphore_mem>>
    %dma_start3A_1297 = tpu.memref_squeeze %dma_start3A_1296 : memref<1x!tpu.dma_semaphore, #tpu.memory_space<semaphore_mem>> -> memref<!tpu.dma_semaphore, #tpu.memory_space<semaphore_mem>>
    %dma_start3A_1298 = arith.constant 0 : i32
    %dma_start3A_1299 = arith.constant 0 : i32
    %dma_start3A_1300 = arith.constant 0 : i32
    %dma_start3A_1301 = tpu.memref_slice %arg3[%dma_start3A_1294, %dma_start3A_1298, %dma_start3A_1299, %dma_start3A_1300] : memref<4x8x196x768xf32, #tpu.memory_space<vmem>> -> memref<1x8x196x768xf32, #tpu.memory_space<vmem>>
    %dma_start3A_1302 = tpu.memref_squeeze %dma_start3A_1301 : memref<1x8x196x768xf32, #tpu.memory_space<vmem>> -> memref<8x196x768xf32, #tpu.memory_space<vmem>>
    %dma_start3A_1303 = arith.constant 184 : i32
    %dma_start3A_1304 = arith.constant 0 : i32
    %dma_start3A_1305 = arith.constant 0 : i32
    %dma_start3A_1306 = tpu.memref_slice %arg0[%dma_start3A_1303, %dma_start3A_1304, %dma_start3A_1305] : memref<256x196x768xf32, #tpu.memory_space<any>> -> memref<8x196x768xf32, #tpu.memory_space<any>>
    tpu.enqueue_dma source(%dma_start3A_1306 : memref<8x196x768xf32, #tpu.memory_space<any>>) target(%dma_start3A_1302 : memref<8x196x768xf32, #tpu.memory_space<vmem>>) target_semaphore(%dma_start3A_1297 : memref<!tpu.dma_semaphore, #tpu.memory_space<semaphore_mem>>)
    %dma_wait3A_1307 = arith.constant 0 : i32
    %dma_wait3A_1308 = arith.constant 0 : i32
    %dma_wait3A_1309 = tpu.memref_slice %arg4[%dma_wait3A_1308] : memref<4x!tpu.dma_semaphore, #tpu.memory_space<semaphore_mem>> -> memref<1x!tpu.dma_semaphore, #tpu.memory_space<semaphore_mem>>
    %dma_wait3A_1310 = tpu.memref_squeeze %dma_wait3A_1309 : memref<1x!tpu.dma_semaphore, #tpu.memory_space<semaphore_mem>> -> memref<!tpu.dma_semaphore, #tpu.memory_space<semaphore_mem>>
    %dma_wait3A_1311 = arith.constant 0 : i32
    %dma_wait3A_1312 = arith.constant 0 : i32
    %dma_wait3A_1313 = arith.constant 0 : i32
    %dma_wait3A_1314 = tpu.memref_slice %arg3[%dma_wait3A_1307, %dma_wait3A_1311, %dma_wait3A_1312, %dma_wait3A_1313] : memref<4x8x196x768xf32, #tpu.memory_space<vmem>> -> memref<1x8x196x768xf32, #tpu.memory_space<vmem>>
    %dma_wait3A_1315 = tpu.memref_squeeze %dma_wait3A_1314 : memref<1x8x196x768xf32, #tpu.memory_space<vmem>> -> memref<8x196x768xf32, #tpu.memory_space<vmem>>
    %dma_wait3A_1316 = arith.constant 160 : i32
    %dma_wait3A_1317 = arith.constant 0 : i32
    %dma_wait3A_1318 = arith.constant 0 : i32
    %dma_wait3A_1319 = tpu.memref_slice %arg0[%dma_wait3A_1316, %dma_wait3A_1317, %dma_wait3A_1318] : memref<256x196x768xf32, #tpu.memory_space<any>> -> memref<8x196x768xf32, #tpu.memory_space<any>>
    tpu.wait_dma2 semaphore(%dma_wait3A_1310 : memref<!tpu.dma_semaphore, #tpu.memory_space<semaphore_mem>>) src(%dma_wait3A_1319 : memref<8x196x768xf32, #tpu.memory_space<any>>) dst(%dma_wait3A_1315 : memref<8x196x768xf32, #tpu.memory_space<vmem>>)
    %get3A_1320 = arith.constant 0 : index
    %get3A_1321 = arith.constant 0 : index
    %get3A_1322 = arith.constant 0 : index
    %get3A_1323 = arith.constant 0 : index
    %get3A_1324 = vector.load %arg3[%get3A_1320, %get3A_1321, %get3A_1322, %get3A_1323] : memref<4x8x196x768xf32, #tpu.memory_space<vmem>>, vector<1x8x196x768xf32>
    %get3A_1325 = vector.shape_cast %get3A_1324 : vector<1x8x196x768xf32> to vector<8x196x768xf32>
    %reduce_sum3A_1326 = arith.constant dense<0.000000e+00> : vector<8x768xf32>
    %reduce_sum3A_1327 = vector.multi_reduction <add>, %get3A_1325, %reduce_sum3A_1326 [1] : vector<8x196x768xf32> to vector<8x768xf32>
    %swap3A_1328 = arith.constant 160 : index
    %swap3A_1329 = arith.constant 0 : index
    %swap3A_1330 = vector.load %arg2[%swap3A_1328, %swap3A_1329] : memref<256x768xf32, #tpu.memory_space<vmem>>, vector<8x768xf32>
    tpu.vector_store %arg2[%swap3A_1328, %swap3A_1329], %reduce_sum3A_1327 {strides = array<i32>} : memref<256x768xf32, #tpu.memory_space<vmem>>, vector<8x768xf32>,
    %dma_start3A_1331 = arith.constant 0 : i32
    %dma_start3A_1332 = arith.constant 0 : i32
    %dma_start3A_1333 = tpu.memref_slice %arg5[%dma_start3A_1332] : memref<4x!tpu.dma_semaphore, #tpu.memory_space<semaphore_mem>> -> memref<1x!tpu.dma_semaphore, #tpu.memory_space<semaphore_mem>>
    %dma_start3A_1334 = tpu.memref_squeeze %dma_start3A_1333 : memref<1x!tpu.dma_semaphore, #tpu.memory_space<semaphore_mem>> -> memref<!tpu.dma_semaphore, #tpu.memory_space<semaphore_mem>>
    %dma_start3A_1335 = arith.constant 160 : i32
    %dma_start3A_1336 = arith.constant 8 : i32
    %dma_start3A_1337 = arith.constant 0 : i32
    %dma_start3A_1338 = tpu.memref_slice %arg1[%dma_start3A_1335, %dma_start3A_1336, %dma_start3A_1337] : memref<256x204x768xf32, #tpu.memory_space<any>> -> memref<8x196x768xf32, #tpu.memory_space<any>>
    %dma_start3A_1339 = arith.constant 0 : i32
    %dma_start3A_1340 = arith.constant 0 : i32
    %dma_start3A_1341 = arith.constant 0 : i32
    %dma_start3A_1342 = tpu.memref_slice %arg3[%dma_start3A_1331, %dma_start3A_1339, %dma_start3A_1340, %dma_start3A_1341] : memref<4x8x196x768xf32, #tpu.memory_space<vmem>> -> memref<1x8x196x768xf32, #tpu.memory_space<vmem>>
    %dma_start3A_1343 = tpu.memref_squeeze %dma_start3A_1342 : memref<1x8x196x768xf32, #tpu.memory_space<vmem>> -> memref<8x196x768xf32, #tpu.memory_space<vmem>>
    tpu.enqueue_dma source(%dma_start3A_1343 : memref<8x196x768xf32, #tpu.memory_space<vmem>>) target(%dma_start3A_1338 : memref<8x196x768xf32, #tpu.memory_space<any>>) target_semaphore(%dma_start3A_1334 : memref<!tpu.dma_semaphore, #tpu.memory_space<semaphore_mem>>)
    %dma_wait3A_1344 = arith.constant 0 : i32
    %dma_wait3A_1345 = arith.constant 0 : i32
    %dma_wait3A_1346 = tpu.memref_slice %arg5[%dma_wait3A_1345] : memref<4x!tpu.dma_semaphore, #tpu.memory_space<semaphore_mem>> -> memref<1x!tpu.dma_semaphore, #tpu.memory_space<semaphore_mem>>
    %dma_wait3A_1347 = tpu.memref_squeeze %dma_wait3A_1346 : memref<1x!tpu.dma_semaphore, #tpu.memory_space<semaphore_mem>> -> memref<!tpu.dma_semaphore, #tpu.memory_space<semaphore_mem>>
    %dma_wait3A_1348 = arith.constant 160 : i32
    %dma_wait3A_1349 = arith.constant 8 : i32
    %dma_wait3A_1350 = arith.constant 0 : i32
    %dma_wait3A_1351 = tpu.memref_slice %arg1[%dma_wait3A_1348, %dma_wait3A_1349, %dma_wait3A_1350] : memref<256x204x768xf32, #tpu.memory_space<any>> -> memref<8x196x768xf32, #tpu.memory_space<any>>
    %dma_wait3A_1352 = arith.constant 0 : i32
    %dma_wait3A_1353 = arith.constant 0 : i32
    %dma_wait3A_1354 = arith.constant 0 : i32
    %dma_wait3A_1355 = tpu.memref_slice %arg3[%dma_wait3A_1344, %dma_wait3A_1352, %dma_wait3A_1353, %dma_wait3A_1354] : memref<4x8x196x768xf32, #tpu.memory_space<vmem>> -> memref<1x8x196x768xf32, #tpu.memory_space<vmem>>
    %dma_wait3A_1356 = tpu.memref_squeeze %dma_wait3A_1355 : memref<1x8x196x768xf32, #tpu.memory_space<vmem>> -> memref<8x196x768xf32, #tpu.memory_space<vmem>>
    tpu.wait_dma2 semaphore(%dma_wait3A_1347 : memref<!tpu.dma_semaphore, #tpu.memory_space<semaphore_mem>>) src(%dma_wait3A_1356 : memref<8x196x768xf32, #tpu.memory_space<vmem>>) dst(%dma_wait3A_1351 : memref<8x196x768xf32, #tpu.memory_space<any>>)
    %dma_start3A_1357 = arith.constant 0 : i32
    %dma_start3A_1358 = arith.constant 0 : i32
    %dma_start3A_1359 = tpu.memref_slice %arg4[%dma_start3A_1358] : memref<4x!tpu.dma_semaphore, #tpu.memory_space<semaphore_mem>> -> memref<1x!tpu.dma_semaphore, #tpu.memory_space<semaphore_mem>>
    %dma_start3A_1360 = tpu.memref_squeeze %dma_start3A_1359 : memref<1x!tpu.dma_semaphore, #tpu.memory_space<semaphore_mem>> -> memref<!tpu.dma_semaphore, #tpu.memory_space<semaphore_mem>>
    %dma_start3A_1361 = arith.constant 0 : i32
    %dma_start3A_1362 = arith.constant 0 : i32
    %dma_start3A_1363 = arith.constant 0 : i32
    %dma_start3A_1364 = tpu.memref_slice %arg3[%dma_start3A_1357, %dma_start3A_1361, %dma_start3A_1362, %dma_start3A_1363] : memref<4x8x196x768xf32, #tpu.memory_space<vmem>> -> memref<1x8x196x768xf32, #tpu.memory_space<vmem>>
    %dma_start3A_1365 = tpu.memref_squeeze %dma_start3A_1364 : memref<1x8x196x768xf32, #tpu.memory_space<vmem>> -> memref<8x196x768xf32, #tpu.memory_space<vmem>>
    %dma_start3A_1366 = arith.constant 192 : i32
    %dma_start3A_1367 = arith.constant 0 : i32
    %dma_start3A_1368 = arith.constant 0 : i32
    %dma_start3A_1369 = tpu.memref_slice %arg0[%dma_start3A_1366, %dma_start3A_1367, %dma_start3A_1368] : memref<256x196x768xf32, #tpu.memory_space<any>> -> memref<8x196x768xf32, #tpu.memory_space<any>>
    tpu.enqueue_dma source(%dma_start3A_1369 : memref<8x196x768xf32, #tpu.memory_space<any>>) target(%dma_start3A_1365 : memref<8x196x768xf32, #tpu.memory_space<vmem>>) target_semaphore(%dma_start3A_1360 : memref<!tpu.dma_semaphore, #tpu.memory_space<semaphore_mem>>)
    %dma_wait3A_1370 = arith.constant 1 : i32
    %dma_wait3A_1371 = arith.constant 1 : i32
    %dma_wait3A_1372 = tpu.memref_slice %arg4[%dma_wait3A_1371] : memref<4x!tpu.dma_semaphore, #tpu.memory_space<semaphore_mem>> -> memref<1x!tpu.dma_semaphore, #tpu.memory_space<semaphore_mem>>
    %dma_wait3A_1373 = tpu.memref_squeeze %dma_wait3A_1372 : memref<1x!tpu.dma_semaphore, #tpu.memory_space<semaphore_mem>> -> memref<!tpu.dma_semaphore, #tpu.memory_space<semaphore_mem>>
    %dma_wait3A_1374 = arith.constant 0 : i32
    %dma_wait3A_1375 = arith.constant 0 : i32
    %dma_wait3A_1376 = arith.constant 0 : i32
    %dma_wait3A_1377 = tpu.memref_slice %arg3[%dma_wait3A_1370, %dma_wait3A_1374, %dma_wait3A_1375, %dma_wait3A_1376] : memref<4x8x196x768xf32, #tpu.memory_space<vmem>> -> memref<1x8x196x768xf32, #tpu.memory_space<vmem>>
    %dma_wait3A_1378 = tpu.memref_squeeze %dma_wait3A_1377 : memref<1x8x196x768xf32, #tpu.memory_space<vmem>> -> memref<8x196x768xf32, #tpu.memory_space<vmem>>
    %dma_wait3A_1379 = arith.constant 168 : i32
    %dma_wait3A_1380 = arith.constant 0 : i32
    %dma_wait3A_1381 = arith.constant 0 : i32
    %dma_wait3A_1382 = tpu.memref_slice %arg0[%dma_wait3A_1379, %dma_wait3A_1380, %dma_wait3A_1381] : memref<256x196x768xf32, #tpu.memory_space<any>> -> memref<8x196x768xf32, #tpu.memory_space<any>>
    tpu.wait_dma2 semaphore(%dma_wait3A_1373 : memref<!tpu.dma_semaphore, #tpu.memory_space<semaphore_mem>>) src(%dma_wait3A_1382 : memref<8x196x768xf32, #tpu.memory_space<any>>) dst(%dma_wait3A_1378 : memref<8x196x768xf32, #tpu.memory_space<vmem>>)
    %get3A_1383 = arith.constant 1 : index
    %get3A_1384 = arith.constant 0 : index
    %get3A_1385 = arith.constant 0 : index
    %get3A_1386 = arith.constant 0 : index
    %get3A_1387 = vector.load %arg3[%get3A_1383, %get3A_1384, %get3A_1385, %get3A_1386] : memref<4x8x196x768xf32, #tpu.memory_space<vmem>>, vector<1x8x196x768xf32>
    %get3A_1388 = vector.shape_cast %get3A_1387 : vector<1x8x196x768xf32> to vector<8x196x768xf32>
    %reduce_sum3A_1389 = arith.constant dense<0.000000e+00> : vector<8x768xf32>
    %reduce_sum3A_1390 = vector.multi_reduction <add>, %get3A_1388, %reduce_sum3A_1389 [1] : vector<8x196x768xf32> to vector<8x768xf32>
    %swap3A_1391 = arith.constant 168 : index
    %swap3A_1392 = arith.constant 0 : index
    %swap3A_1393 = vector.load %arg2[%swap3A_1391, %swap3A_1392] : memref<256x768xf32, #tpu.memory_space<vmem>>, vector<8x768xf32>
    tpu.vector_store %arg2[%swap3A_1391, %swap3A_1392], %reduce_sum3A_1390 {strides = array<i32>} : memref<256x768xf32, #tpu.memory_space<vmem>>, vector<8x768xf32>,
    %dma_start3A_1394 = arith.constant 1 : i32
    %dma_start3A_1395 = arith.constant 1 : i32
    %dma_start3A_1396 = tpu.memref_slice %arg5[%dma_start3A_1395] : memref<4x!tpu.dma_semaphore, #tpu.memory_space<semaphore_mem>> -> memref<1x!tpu.dma_semaphore, #tpu.memory_space<semaphore_mem>>
    %dma_start3A_1397 = tpu.memref_squeeze %dma_start3A_1396 : memref<1x!tpu.dma_semaphore, #tpu.memory_space<semaphore_mem>> -> memref<!tpu.dma_semaphore, #tpu.memory_space<semaphore_mem>>
    %dma_start3A_1398 = arith.constant 168 : i32
    %dma_start3A_1399 = arith.constant 8 : i32
    %dma_start3A_1400 = arith.constant 0 : i32
    %dma_start3A_1401 = tpu.memref_slice %arg1[%dma_start3A_1398, %dma_start3A_1399, %dma_start3A_1400] : memref<256x204x768xf32, #tpu.memory_space<any>> -> memref<8x196x768xf32, #tpu.memory_space<any>>
    %dma_start3A_1402 = arith.constant 0 : i32
    %dma_start3A_1403 = arith.constant 0 : i32
    %dma_start3A_1404 = arith.constant 0 : i32
    %dma_start3A_1405 = tpu.memref_slice %arg3[%dma_start3A_1394, %dma_start3A_1402, %dma_start3A_1403, %dma_start3A_1404] : memref<4x8x196x768xf32, #tpu.memory_space<vmem>> -> memref<1x8x196x768xf32, #tpu.memory_space<vmem>>
    %dma_start3A_1406 = tpu.memref_squeeze %dma_start3A_1405 : memref<1x8x196x768xf32, #tpu.memory_space<vmem>> -> memref<8x196x768xf32, #tpu.memory_space<vmem>>
    tpu.enqueue_dma source(%dma_start3A_1406 : memref<8x196x768xf32, #tpu.memory_space<vmem>>) target(%dma_start3A_1401 : memref<8x196x768xf32, #tpu.memory_space<any>>) target_semaphore(%dma_start3A_1397 : memref<!tpu.dma_semaphore, #tpu.memory_space<semaphore_mem>>)
    %dma_wait3A_1407 = arith.constant 1 : i32
    %dma_wait3A_1408 = arith.constant 1 : i32
    %dma_wait3A_1409 = tpu.memref_slice %arg5[%dma_wait3A_1408] : memref<4x!tpu.dma_semaphore, #tpu.memory_space<semaphore_mem>> -> memref<1x!tpu.dma_semaphore, #tpu.memory_space<semaphore_mem>>
    %dma_wait3A_1410 = tpu.memref_squeeze %dma_wait3A_1409 : memref<1x!tpu.dma_semaphore, #tpu.memory_space<semaphore_mem>> -> memref<!tpu.dma_semaphore, #tpu.memory_space<semaphore_mem>>
    %dma_wait3A_1411 = arith.constant 168 : i32
    %dma_wait3A_1412 = arith.constant 8 : i32
    %dma_wait3A_1413 = arith.constant 0 : i32
    %dma_wait3A_1414 = tpu.memref_slice %arg1[%dma_wait3A_1411, %dma_wait3A_1412, %dma_wait3A_1413] : memref<256x204x768xf32, #tpu.memory_space<any>> -> memref<8x196x768xf32, #tpu.memory_space<any>>
    %dma_wait3A_1415 = arith.constant 0 : i32
    %dma_wait3A_1416 = arith.constant 0 : i32
    %dma_wait3A_1417 = arith.constant 0 : i32
    %dma_wait3A_1418 = tpu.memref_slice %arg3[%dma_wait3A_1407, %dma_wait3A_1415, %dma_wait3A_1416, %dma_wait3A_1417] : memref<4x8x196x768xf32, #tpu.memory_space<vmem>> -> memref<1x8x196x768xf32, #tpu.memory_space<vmem>>
    %dma_wait3A_1419 = tpu.memref_squeeze %dma_wait3A_1418 : memref<1x8x196x768xf32, #tpu.memory_space<vmem>> -> memref<8x196x768xf32, #tpu.memory_space<vmem>>
    tpu.wait_dma2 semaphore(%dma_wait3A_1410 : memref<!tpu.dma_semaphore, #tpu.memory_space<semaphore_mem>>) src(%dma_wait3A_1419 : memref<8x196x768xf32, #tpu.memory_space<vmem>>) dst(%dma_wait3A_1414 : memref<8x196x768xf32, #tpu.memory_space<any>>)
    %dma_start3A_1420 = arith.constant 1 : i32
    %dma_start3A_1421 = arith.constant 1 : i32
    %dma_start3A_1422 = tpu.memref_slice %arg4[%dma_start3A_1421] : memref<4x!tpu.dma_semaphore, #tpu.memory_space<semaphore_mem>> -> memref<1x!tpu.dma_semaphore, #tpu.memory_space<semaphore_mem>>
    %dma_start3A_1423 = tpu.memref_squeeze %dma_start3A_1422 : memref<1x!tpu.dma_semaphore, #tpu.memory_space<semaphore_mem>> -> memref<!tpu.dma_semaphore, #tpu.memory_space<semaphore_mem>>
    %dma_start3A_1424 = arith.constant 0 : i32
    %dma_start3A_1425 = arith.constant 0 : i32
    %dma_start3A_1426 = arith.constant 0 : i32
    %dma_start3A_1427 = tpu.memref_slice %arg3[%dma_start3A_1420, %dma_start3A_1424, %dma_start3A_1425, %dma_start3A_1426] : memref<4x8x196x768xf32, #tpu.memory_space<vmem>> -> memref<1x8x196x768xf32, #tpu.memory_space<vmem>>
    %dma_start3A_1428 = tpu.memref_squeeze %dma_start3A_1427 : memref<1x8x196x768xf32, #tpu.memory_space<vmem>> -> memref<8x196x768xf32, #tpu.memory_space<vmem>>
    %dma_start3A_1429 = arith.constant 200 : i32
    %dma_start3A_1430 = arith.constant 0 : i32
    %dma_start3A_1431 = arith.constant 0 : i32
    %dma_start3A_1432 = tpu.memref_slice %arg0[%dma_start3A_1429, %dma_start3A_1430, %dma_start3A_1431] : memref<256x196x768xf32, #tpu.memory_space<any>> -> memref<8x196x768xf32, #tpu.memory_space<any>>
    tpu.enqueue_dma source(%dma_start3A_1432 : memref<8x196x768xf32, #tpu.memory_space<any>>) target(%dma_start3A_1428 : memref<8x196x768xf32, #tpu.memory_space<vmem>>) target_semaphore(%dma_start3A_1423 : memref<!tpu.dma_semaphore, #tpu.memory_space<semaphore_mem>>)
    %dma_wait3A_1433 = arith.constant 2 : i32
    %dma_wait3A_1434 = arith.constant 2 : i32
    %dma_wait3A_1435 = tpu.memref_slice %arg4[%dma_wait3A_1434] : memref<4x!tpu.dma_semaphore, #tpu.memory_space<semaphore_mem>> -> memref<1x!tpu.dma_semaphore, #tpu.memory_space<semaphore_mem>>
    %dma_wait3A_1436 = tpu.memref_squeeze %dma_wait3A_1435 : memref<1x!tpu.dma_semaphore, #tpu.memory_space<semaphore_mem>> -> memref<!tpu.dma_semaphore, #tpu.memory_space<semaphore_mem>>
    %dma_wait3A_1437 = arith.constant 0 : i32
    %dma_wait3A_1438 = arith.constant 0 : i32
    %dma_wait3A_1439 = arith.constant 0 : i32
    %dma_wait3A_1440 = tpu.memref_slice %arg3[%dma_wait3A_1433, %dma_wait3A_1437, %dma_wait3A_1438, %dma_wait3A_1439] : memref<4x8x196x768xf32, #tpu.memory_space<vmem>> -> memref<1x8x196x768xf32, #tpu.memory_space<vmem>>
    %dma_wait3A_1441 = tpu.memref_squeeze %dma_wait3A_1440 : memref<1x8x196x768xf32, #tpu.memory_space<vmem>> -> memref<8x196x768xf32, #tpu.memory_space<vmem>>
    %dma_wait3A_1442 = arith.constant 176 : i32
    %dma_wait3A_1443 = arith.constant 0 : i32
    %dma_wait3A_1444 = arith.constant 0 : i32
    %dma_wait3A_1445 = tpu.memref_slice %arg0[%dma_wait3A_1442, %dma_wait3A_1443, %dma_wait3A_1444] : memref<256x196x768xf32, #tpu.memory_space<any>> -> memref<8x196x768xf32, #tpu.memory_space<any>>
    tpu.wait_dma2 semaphore(%dma_wait3A_1436 : memref<!tpu.dma_semaphore, #tpu.memory_space<semaphore_mem>>) src(%dma_wait3A_1445 : memref<8x196x768xf32, #tpu.memory_space<any>>) dst(%dma_wait3A_1441 : memref<8x196x768xf32, #tpu.memory_space<vmem>>)
    %get3A_1446 = arith.constant 2 : index
    %get3A_1447 = arith.constant 0 : index
    %get3A_1448 = arith.constant 0 : index
    %get3A_1449 = arith.constant 0 : index
    %get3A_1450 = vector.load %arg3[%get3A_1446, %get3A_1447, %get3A_1448, %get3A_1449] : memref<4x8x196x768xf32, #tpu.memory_space<vmem>>, vector<1x8x196x768xf32>
    %get3A_1451 = vector.shape_cast %get3A_1450 : vector<1x8x196x768xf32> to vector<8x196x768xf32>
    %reduce_sum3A_1452 = arith.constant dense<0.000000e+00> : vector<8x768xf32>
    %reduce_sum3A_1453 = vector.multi_reduction <add>, %get3A_1451, %reduce_sum3A_1452 [1] : vector<8x196x768xf32> to vector<8x768xf32>
    %swap3A_1454 = arith.constant 176 : index
    %swap3A_1455 = arith.constant 0 : index
    %swap3A_1456 = vector.load %arg2[%swap3A_1454, %swap3A_1455] : memref<256x768xf32, #tpu.memory_space<vmem>>, vector<8x768xf32>
    tpu.vector_store %arg2[%swap3A_1454, %swap3A_1455], %reduce_sum3A_1453 {strides = array<i32>} : memref<256x768xf32, #tpu.memory_space<vmem>>, vector<8x768xf32>,
    %dma_start3A_1457 = arith.constant 2 : i32
    %dma_start3A_1458 = arith.constant 2 : i32
    %dma_start3A_1459 = tpu.memref_slice %arg5[%dma_start3A_1458] : memref<4x!tpu.dma_semaphore, #tpu.memory_space<semaphore_mem>> -> memref<1x!tpu.dma_semaphore, #tpu.memory_space<semaphore_mem>>
    %dma_start3A_1460 = tpu.memref_squeeze %dma_start3A_1459 : memref<1x!tpu.dma_semaphore, #tpu.memory_space<semaphore_mem>> -> memref<!tpu.dma_semaphore, #tpu.memory_space<semaphore_mem>>
    %dma_start3A_1461 = arith.constant 176 : i32
    %dma_start3A_1462 = arith.constant 8 : i32
    %dma_start3A_1463 = arith.constant 0 : i32
    %dma_start3A_1464 = tpu.memref_slice %arg1[%dma_start3A_1461, %dma_start3A_1462, %dma_start3A_1463] : memref<256x204x768xf32, #tpu.memory_space<any>> -> memref<8x196x768xf32, #tpu.memory_space<any>>
    %dma_start3A_1465 = arith.constant 0 : i32
    %dma_start3A_1466 = arith.constant 0 : i32
    %dma_start3A_1467 = arith.constant 0 : i32
    %dma_start3A_1468 = tpu.memref_slice %arg3[%dma_start3A_1457, %dma_start3A_1465, %dma_start3A_1466, %dma_start3A_1467] : memref<4x8x196x768xf32, #tpu.memory_space<vmem>> -> memref<1x8x196x768xf32, #tpu.memory_space<vmem>>
    %dma_start3A_1469 = tpu.memref_squeeze %dma_start3A_1468 : memref<1x8x196x768xf32, #tpu.memory_space<vmem>> -> memref<8x196x768xf32, #tpu.memory_space<vmem>>
    tpu.enqueue_dma source(%dma_start3A_1469 : memref<8x196x768xf32, #tpu.memory_space<vmem>>) target(%dma_start3A_1464 : memref<8x196x768xf32, #tpu.memory_space<any>>) target_semaphore(%dma_start3A_1460 : memref<!tpu.dma_semaphore, #tpu.memory_space<semaphore_mem>>)
    %dma_wait3A_1470 = arith.constant 2 : i32
    %dma_wait3A_1471 = arith.constant 2 : i32
    %dma_wait3A_1472 = tpu.memref_slice %arg5[%dma_wait3A_1471] : memref<4x!tpu.dma_semaphore, #tpu.memory_space<semaphore_mem>> -> memref<1x!tpu.dma_semaphore, #tpu.memory_space<semaphore_mem>>
    %dma_wait3A_1473 = tpu.memref_squeeze %dma_wait3A_1472 : memref<1x!tpu.dma_semaphore, #tpu.memory_space<semaphore_mem>> -> memref<!tpu.dma_semaphore, #tpu.memory_space<semaphore_mem>>
    %dma_wait3A_1474 = arith.constant 176 : i32
    %dma_wait3A_1475 = arith.constant 8 : i32
    %dma_wait3A_1476 = arith.constant 0 : i32
    %dma_wait3A_1477 = tpu.memref_slice %arg1[%dma_wait3A_1474, %dma_wait3A_1475, %dma_wait3A_1476] : memref<256x204x768xf32, #tpu.memory_space<any>> -> memref<8x196x768xf32, #tpu.memory_space<any>>
    %dma_wait3A_1478 = arith.constant 0 : i32
    %dma_wait3A_1479 = arith.constant 0 : i32
    %dma_wait3A_1480 = arith.constant 0 : i32
    %dma_wait3A_1481 = tpu.memref_slice %arg3[%dma_wait3A_1470, %dma_wait3A_1478, %dma_wait3A_1479, %dma_wait3A_1480] : memref<4x8x196x768xf32, #tpu.memory_space<vmem>> -> memref<1x8x196x768xf32, #tpu.memory_space<vmem>>
    %dma_wait3A_1482 = tpu.memref_squeeze %dma_wait3A_1481 : memref<1x8x196x768xf32, #tpu.memory_space<vmem>> -> memref<8x196x768xf32, #tpu.memory_space<vmem>>
    tpu.wait_dma2 semaphore(%dma_wait3A_1473 : memref<!tpu.dma_semaphore, #tpu.memory_space<semaphore_mem>>) src(%dma_wait3A_1482 : memref<8x196x768xf32, #tpu.memory_space<vmem>>) dst(%dma_wait3A_1477 : memref<8x196x768xf32, #tpu.memory_space<any>>)
    %dma_start3A_1483 = arith.constant 2 : i32
    %dma_start3A_1484 = arith.constant 2 : i32
    %dma_start3A_1485 = tpu.memref_slice %arg4[%dma_start3A_1484] : memref<4x!tpu.dma_semaphore, #tpu.memory_space<semaphore_mem>> -> memref<1x!tpu.dma_semaphore, #tpu.memory_space<semaphore_mem>>
    %dma_start3A_1486 = tpu.memref_squeeze %dma_start3A_1485 : memref<1x!tpu.dma_semaphore, #tpu.memory_space<semaphore_mem>> -> memref<!tpu.dma_semaphore, #tpu.memory_space<semaphore_mem>>
    %dma_start3A_1487 = arith.constant 0 : i32
    %dma_start3A_1488 = arith.constant 0 : i32
    %dma_start3A_1489 = arith.constant 0 : i32
    %dma_start3A_1490 = tpu.memref_slice %arg3[%dma_start3A_1483, %dma_start3A_1487, %dma_start3A_1488, %dma_start3A_1489] : memref<4x8x196x768xf32, #tpu.memory_space<vmem>> -> memref<1x8x196x768xf32, #tpu.memory_space<vmem>>
    %dma_start3A_1491 = tpu.memref_squeeze %dma_start3A_1490 : memref<1x8x196x768xf32, #tpu.memory_space<vmem>> -> memref<8x196x768xf32, #tpu.memory_space<vmem>>
    %dma_start3A_1492 = arith.constant 208 : i32
    %dma_start3A_1493 = arith.constant 0 : i32
    %dma_start3A_1494 = arith.constant 0 : i32
    %dma_start3A_1495 = tpu.memref_slice %arg0[%dma_start3A_1492, %dma_start3A_1493, %dma_start3A_1494] : memref<256x196x768xf32, #tpu.memory_space<any>> -> memref<8x196x768xf32, #tpu.memory_space<any>>
    tpu.enqueue_dma source(%dma_start3A_1495 : memref<8x196x768xf32, #tpu.memory_space<any>>) target(%dma_start3A_1491 : memref<8x196x768xf32, #tpu.memory_space<vmem>>) target_semaphore(%dma_start3A_1486 : memref<!tpu.dma_semaphore, #tpu.memory_space<semaphore_mem>>)
    %dma_wait3A_1496 = arith.constant 3 : i32
    %dma_wait3A_1497 = arith.constant 3 : i32
    %dma_wait3A_1498 = tpu.memref_slice %arg4[%dma_wait3A_1497] : memref<4x!tpu.dma_semaphore, #tpu.memory_space<semaphore_mem>> -> memref<1x!tpu.dma_semaphore, #tpu.memory_space<semaphore_mem>>
    %dma_wait3A_1499 = tpu.memref_squeeze %dma_wait3A_1498 : memref<1x!tpu.dma_semaphore, #tpu.memory_space<semaphore_mem>> -> memref<!tpu.dma_semaphore, #tpu.memory_space<semaphore_mem>>
    %dma_wait3A_1500 = arith.constant 0 : i32
    %dma_wait3A_1501 = arith.constant 0 : i32
    %dma_wait3A_1502 = arith.constant 0 : i32
    %dma_wait3A_1503 = tpu.memref_slice %arg3[%dma_wait3A_1496, %dma_wait3A_1500, %dma_wait3A_1501, %dma_wait3A_1502] : memref<4x8x196x768xf32, #tpu.memory_space<vmem>> -> memref<1x8x196x768xf32, #tpu.memory_space<vmem>>
    %dma_wait3A_1504 = tpu.memref_squeeze %dma_wait3A_1503 : memref<1x8x196x768xf32, #tpu.memory_space<vmem>> -> memref<8x196x768xf32, #tpu.memory_space<vmem>>
    %dma_wait3A_1505 = arith.constant 184 : i32
    %dma_wait3A_1506 = arith.constant 0 : i32
    %dma_wait3A_1507 = arith.constant 0 : i32
    %dma_wait3A_1508 = tpu.memref_slice %arg0[%dma_wait3A_1505, %dma_wait3A_1506, %dma_wait3A_1507] : memref<256x196x768xf32, #tpu.memory_space<any>> -> memref<8x196x768xf32, #tpu.memory_space<any>>
    tpu.wait_dma2 semaphore(%dma_wait3A_1499 : memref<!tpu.dma_semaphore, #tpu.memory_space<semaphore_mem>>) src(%dma_wait3A_1508 : memref<8x196x768xf32, #tpu.memory_space<any>>) dst(%dma_wait3A_1504 : memref<8x196x768xf32, #tpu.memory_space<vmem>>)
    %get3A_1509 = arith.constant 3 : index
    %get3A_1510 = arith.constant 0 : index
    %get3A_1511 = arith.constant 0 : index
    %get3A_1512 = arith.constant 0 : index
    %get3A_1513 = vector.load %arg3[%get3A_1509, %get3A_1510, %get3A_1511, %get3A_1512] : memref<4x8x196x768xf32, #tpu.memory_space<vmem>>, vector<1x8x196x768xf32>
    %get3A_1514 = vector.shape_cast %get3A_1513 : vector<1x8x196x768xf32> to vector<8x196x768xf32>
    %reduce_sum3A_1515 = arith.constant dense<0.000000e+00> : vector<8x768xf32>
    %reduce_sum3A_1516 = vector.multi_reduction <add>, %get3A_1514, %reduce_sum3A_1515 [1] : vector<8x196x768xf32> to vector<8x768xf32>
    %swap3A_1517 = arith.constant 184 : index
    %swap3A_1518 = arith.constant 0 : index
    %swap3A_1519 = vector.load %arg2[%swap3A_1517, %swap3A_1518] : memref<256x768xf32, #tpu.memory_space<vmem>>, vector<8x768xf32>
    tpu.vector_store %arg2[%swap3A_1517, %swap3A_1518], %reduce_sum3A_1516 {strides = array<i32>} : memref<256x768xf32, #tpu.memory_space<vmem>>, vector<8x768xf32>,
    %dma_start3A_1520 = arith.constant 3 : i32
    %dma_start3A_1521 = arith.constant 3 : i32
    %dma_start3A_1522 = tpu.memref_slice %arg5[%dma_start3A_1521] : memref<4x!tpu.dma_semaphore, #tpu.memory_space<semaphore_mem>> -> memref<1x!tpu.dma_semaphore, #tpu.memory_space<semaphore_mem>>
    %dma_start3A_1523 = tpu.memref_squeeze %dma_start3A_1522 : memref<1x!tpu.dma_semaphore, #tpu.memory_space<semaphore_mem>> -> memref<!tpu.dma_semaphore, #tpu.memory_space<semaphore_mem>>
    %dma_start3A_1524 = arith.constant 184 : i32
    %dma_start3A_1525 = arith.constant 8 : i32
    %dma_start3A_1526 = arith.constant 0 : i32
    %dma_start3A_1527 = tpu.memref_slice %arg1[%dma_start3A_1524, %dma_start3A_1525, %dma_start3A_1526] : memref<256x204x768xf32, #tpu.memory_space<any>> -> memref<8x196x768xf32, #tpu.memory_space<any>>
    %dma_start3A_1528 = arith.constant 0 : i32
    %dma_start3A_1529 = arith.constant 0 : i32
    %dma_start3A_1530 = arith.constant 0 : i32
    %dma_start3A_1531 = tpu.memref_slice %arg3[%dma_start3A_1520, %dma_start3A_1528, %dma_start3A_1529, %dma_start3A_1530] : memref<4x8x196x768xf32, #tpu.memory_space<vmem>> -> memref<1x8x196x768xf32, #tpu.memory_space<vmem>>
    %dma_start3A_1532 = tpu.memref_squeeze %dma_start3A_1531 : memref<1x8x196x768xf32, #tpu.memory_space<vmem>> -> memref<8x196x768xf32, #tpu.memory_space<vmem>>
    tpu.enqueue_dma source(%dma_start3A_1532 : memref<8x196x768xf32, #tpu.memory_space<vmem>>) target(%dma_start3A_1527 : memref<8x196x768xf32, #tpu.memory_space<any>>) target_semaphore(%dma_start3A_1523 : memref<!tpu.dma_semaphore, #tpu.memory_space<semaphore_mem>>)
    %dma_wait3A_1533 = arith.constant 3 : i32
    %dma_wait3A_1534 = arith.constant 3 : i32
    %dma_wait3A_1535 = tpu.memref_slice %arg5[%dma_wait3A_1534] : memref<4x!tpu.dma_semaphore, #tpu.memory_space<semaphore_mem>> -> memref<1x!tpu.dma_semaphore, #tpu.memory_space<semaphore_mem>>
    %dma_wait3A_1536 = tpu.memref_squeeze %dma_wait3A_1535 : memref<1x!tpu.dma_semaphore, #tpu.memory_space<semaphore_mem>> -> memref<!tpu.dma_semaphore, #tpu.memory_space<semaphore_mem>>
    %dma_wait3A_1537 = arith.constant 184 : i32
    %dma_wait3A_1538 = arith.constant 8 : i32
    %dma_wait3A_1539 = arith.constant 0 : i32
    %dma_wait3A_1540 = tpu.memref_slice %arg1[%dma_wait3A_1537, %dma_wait3A_1538, %dma_wait3A_1539] : memref<256x204x768xf32, #tpu.memory_space<any>> -> memref<8x196x768xf32, #tpu.memory_space<any>>
    %dma_wait3A_1541 = arith.constant 0 : i32
    %dma_wait3A_1542 = arith.constant 0 : i32
    %dma_wait3A_1543 = arith.constant 0 : i32
    %dma_wait3A_1544 = tpu.memref_slice %arg3[%dma_wait3A_1533, %dma_wait3A_1541, %dma_wait3A_1542, %dma_wait3A_1543] : memref<4x8x196x768xf32, #tpu.memory_space<vmem>> -> memref<1x8x196x768xf32, #tpu.memory_space<vmem>>
    %dma_wait3A_1545 = tpu.memref_squeeze %dma_wait3A_1544 : memref<1x8x196x768xf32, #tpu.memory_space<vmem>> -> memref<8x196x768xf32, #tpu.memory_space<vmem>>
    tpu.wait_dma2 semaphore(%dma_wait3A_1536 : memref<!tpu.dma_semaphore, #tpu.memory_space<semaphore_mem>>) src(%dma_wait3A_1545 : memref<8x196x768xf32, #tpu.memory_space<vmem>>) dst(%dma_wait3A_1540 : memref<8x196x768xf32, #tpu.memory_space<any>>)
    %dma_start3A_1546 = arith.constant 3 : i32
    %dma_start3A_1547 = arith.constant 3 : i32
    %dma_start3A_1548 = tpu.memref_slice %arg4[%dma_start3A_1547] : memref<4x!tpu.dma_semaphore, #tpu.memory_space<semaphore_mem>> -> memref<1x!tpu.dma_semaphore, #tpu.memory_space<semaphore_mem>>
    %dma_start3A_1549 = tpu.memref_squeeze %dma_start3A_1548 : memref<1x!tpu.dma_semaphore, #tpu.memory_space<semaphore_mem>> -> memref<!tpu.dma_semaphore, #tpu.memory_space<semaphore_mem>>
    %dma_start3A_1550 = arith.constant 0 : i32
    %dma_start3A_1551 = arith.constant 0 : i32
    %dma_start3A_1552 = arith.constant 0 : i32
    %dma_start3A_1553 = tpu.memref_slice %arg3[%dma_start3A_1546, %dma_start3A_1550, %dma_start3A_1551, %dma_start3A_1552] : memref<4x8x196x768xf32, #tpu.memory_space<vmem>> -> memref<1x8x196x768xf32, #tpu.memory_space<vmem>>
    %dma_start3A_1554 = tpu.memref_squeeze %dma_start3A_1553 : memref<1x8x196x768xf32, #tpu.memory_space<vmem>> -> memref<8x196x768xf32, #tpu.memory_space<vmem>>
    %dma_start3A_1555 = arith.constant 216 : i32
    %dma_start3A_1556 = arith.constant 0 : i32
    %dma_start3A_1557 = arith.constant 0 : i32
    %dma_start3A_1558 = tpu.memref_slice %arg0[%dma_start3A_1555, %dma_start3A_1556, %dma_start3A_1557] : memref<256x196x768xf32, #tpu.memory_space<any>> -> memref<8x196x768xf32, #tpu.memory_space<any>>
    tpu.enqueue_dma source(%dma_start3A_1558 : memref<8x196x768xf32, #tpu.memory_space<any>>) target(%dma_start3A_1554 : memref<8x196x768xf32, #tpu.memory_space<vmem>>) target_semaphore(%dma_start3A_1549 : memref<!tpu.dma_semaphore, #tpu.memory_space<semaphore_mem>>)
    %dma_wait3A_1559 = arith.constant 0 : i32
    %dma_wait3A_1560 = arith.constant 0 : i32
    %dma_wait3A_1561 = tpu.memref_slice %arg4[%dma_wait3A_1560] : memref<4x!tpu.dma_semaphore, #tpu.memory_space<semaphore_mem>> -> memref<1x!tpu.dma_semaphore, #tpu.memory_space<semaphore_mem>>
    %dma_wait3A_1562 = tpu.memref_squeeze %dma_wait3A_1561 : memref<1x!tpu.dma_semaphore, #tpu.memory_space<semaphore_mem>> -> memref<!tpu.dma_semaphore, #tpu.memory_space<semaphore_mem>>
    %dma_wait3A_1563 = arith.constant 0 : i32
    %dma_wait3A_1564 = arith.constant 0 : i32
    %dma_wait3A_1565 = arith.constant 0 : i32
    %dma_wait3A_1566 = tpu.memref_slice %arg3[%dma_wait3A_1559, %dma_wait3A_1563, %dma_wait3A_1564, %dma_wait3A_1565] : memref<4x8x196x768xf32, #tpu.memory_space<vmem>> -> memref<1x8x196x768xf32, #tpu.memory_space<vmem>>
    %dma_wait3A_1567 = tpu.memref_squeeze %dma_wait3A_1566 : memref<1x8x196x768xf32, #tpu.memory_space<vmem>> -> memref<8x196x768xf32, #tpu.memory_space<vmem>>
    %dma_wait3A_1568 = arith.constant 192 : i32
    %dma_wait3A_1569 = arith.constant 0 : i32
    %dma_wait3A_1570 = arith.constant 0 : i32
    %dma_wait3A_1571 = tpu.memref_slice %arg0[%dma_wait3A_1568, %dma_wait3A_1569, %dma_wait3A_1570] : memref<256x196x768xf32, #tpu.memory_space<any>> -> memref<8x196x768xf32, #tpu.memory_space<any>>
    tpu.wait_dma2 semaphore(%dma_wait3A_1562 : memref<!tpu.dma_semaphore, #tpu.memory_space<semaphore_mem>>) src(%dma_wait3A_1571 : memref<8x196x768xf32, #tpu.memory_space<any>>) dst(%dma_wait3A_1567 : memref<8x196x768xf32, #tpu.memory_space<vmem>>)
    %get3A_1572 = arith.constant 0 : index
    %get3A_1573 = arith.constant 0 : index
    %get3A_1574 = arith.constant 0 : index
    %get3A_1575 = arith.constant 0 : index
    %get3A_1576 = vector.load %arg3[%get3A_1572, %get3A_1573, %get3A_1574, %get3A_1575] : memref<4x8x196x768xf32, #tpu.memory_space<vmem>>, vector<1x8x196x768xf32>
    %get3A_1577 = vector.shape_cast %get3A_1576 : vector<1x8x196x768xf32> to vector<8x196x768xf32>
    %reduce_sum3A_1578 = arith.constant dense<0.000000e+00> : vector<8x768xf32>
    %reduce_sum3A_1579 = vector.multi_reduction <add>, %get3A_1577, %reduce_sum3A_1578 [1] : vector<8x196x768xf32> to vector<8x768xf32>
    %swap3A_1580 = arith.constant 192 : index
    %swap3A_1581 = arith.constant 0 : index
    %swap3A_1582 = vector.load %arg2[%swap3A_1580, %swap3A_1581] : memref<256x768xf32, #tpu.memory_space<vmem>>, vector<8x768xf32>
    tpu.vector_store %arg2[%swap3A_1580, %swap3A_1581], %reduce_sum3A_1579 {strides = array<i32>} : memref<256x768xf32, #tpu.memory_space<vmem>>, vector<8x768xf32>,
    %dma_start3A_1583 = arith.constant 0 : i32
    %dma_start3A_1584 = arith.constant 0 : i32
    %dma_start3A_1585 = tpu.memref_slice %arg5[%dma_start3A_1584] : memref<4x!tpu.dma_semaphore, #tpu.memory_space<semaphore_mem>> -> memref<1x!tpu.dma_semaphore, #tpu.memory_space<semaphore_mem>>
    %dma_start3A_1586 = tpu.memref_squeeze %dma_start3A_1585 : memref<1x!tpu.dma_semaphore, #tpu.memory_space<semaphore_mem>> -> memref<!tpu.dma_semaphore, #tpu.memory_space<semaphore_mem>>
    %dma_start3A_1587 = arith.constant 192 : i32
    %dma_start3A_1588 = arith.constant 8 : i32
    %dma_start3A_1589 = arith.constant 0 : i32
    %dma_start3A_1590 = tpu.memref_slice %arg1[%dma_start3A_1587, %dma_start3A_1588, %dma_start3A_1589] : memref<256x204x768xf32, #tpu.memory_space<any>> -> memref<8x196x768xf32, #tpu.memory_space<any>>
    %dma_start3A_1591 = arith.constant 0 : i32
    %dma_start3A_1592 = arith.constant 0 : i32
    %dma_start3A_1593 = arith.constant 0 : i32
    %dma_start3A_1594 = tpu.memref_slice %arg3[%dma_start3A_1583, %dma_start3A_1591, %dma_start3A_1592, %dma_start3A_1593] : memref<4x8x196x768xf32, #tpu.memory_space<vmem>> -> memref<1x8x196x768xf32, #tpu.memory_space<vmem>>
    %dma_start3A_1595 = tpu.memref_squeeze %dma_start3A_1594 : memref<1x8x196x768xf32, #tpu.memory_space<vmem>> -> memref<8x196x768xf32, #tpu.memory_space<vmem>>
    tpu.enqueue_dma source(%dma_start3A_1595 : memref<8x196x768xf32, #tpu.memory_space<vmem>>) target(%dma_start3A_1590 : memref<8x196x768xf32, #tpu.memory_space<any>>) target_semaphore(%dma_start3A_1586 : memref<!tpu.dma_semaphore, #tpu.memory_space<semaphore_mem>>)
    %dma_wait3A_1596 = arith.constant 0 : i32
    %dma_wait3A_1597 = arith.constant 0 : i32
    %dma_wait3A_1598 = tpu.memref_slice %arg5[%dma_wait3A_1597] : memref<4x!tpu.dma_semaphore, #tpu.memory_space<semaphore_mem>> -> memref<1x!tpu.dma_semaphore, #tpu.memory_space<semaphore_mem>>
    %dma_wait3A_1599 = tpu.memref_squeeze %dma_wait3A_1598 : memref<1x!tpu.dma_semaphore, #tpu.memory_space<semaphore_mem>> -> memref<!tpu.dma_semaphore, #tpu.memory_space<semaphore_mem>>
    %dma_wait3A_1600 = arith.constant 192 : i32
    %dma_wait3A_1601 = arith.constant 8 : i32
    %dma_wait3A_1602 = arith.constant 0 : i32
    %dma_wait3A_1603 = tpu.memref_slice %arg1[%dma_wait3A_1600, %dma_wait3A_1601, %dma_wait3A_1602] : memref<256x204x768xf32, #tpu.memory_space<any>> -> memref<8x196x768xf32, #tpu.memory_space<any>>
    %dma_wait3A_1604 = arith.constant 0 : i32
    %dma_wait3A_1605 = arith.constant 0 : i32
    %dma_wait3A_1606 = arith.constant 0 : i32
    %dma_wait3A_1607 = tpu.memref_slice %arg3[%dma_wait3A_1596, %dma_wait3A_1604, %dma_wait3A_1605, %dma_wait3A_1606] : memref<4x8x196x768xf32, #tpu.memory_space<vmem>> -> memref<1x8x196x768xf32, #tpu.memory_space<vmem>>
    %dma_wait3A_1608 = tpu.memref_squeeze %dma_wait3A_1607 : memref<1x8x196x768xf32, #tpu.memory_space<vmem>> -> memref<8x196x768xf32, #tpu.memory_space<vmem>>
    tpu.wait_dma2 semaphore(%dma_wait3A_1599 : memref<!tpu.dma_semaphore, #tpu.memory_space<semaphore_mem>>) src(%dma_wait3A_1608 : memref<8x196x768xf32, #tpu.memory_space<vmem>>) dst(%dma_wait3A_1603 : memref<8x196x768xf32, #tpu.memory_space<any>>)
    %dma_start3A_1609 = arith.constant 0 : i32
    %dma_start3A_1610 = arith.constant 0 : i32
    %dma_start3A_1611 = tpu.memref_slice %arg4[%dma_start3A_1610] : memref<4x!tpu.dma_semaphore, #tpu.memory_space<semaphore_mem>> -> memref<1x!tpu.dma_semaphore, #tpu.memory_space<semaphore_mem>>
    %dma_start3A_1612 = tpu.memref_squeeze %dma_start3A_1611 : memref<1x!tpu.dma_semaphore, #tpu.memory_space<semaphore_mem>> -> memref<!tpu.dma_semaphore, #tpu.memory_space<semaphore_mem>>
    %dma_start3A_1613 = arith.constant 0 : i32
    %dma_start3A_1614 = arith.constant 0 : i32
    %dma_start3A_1615 = arith.constant 0 : i32
    %dma_start3A_1616 = tpu.memref_slice %arg3[%dma_start3A_1609, %dma_start3A_1613, %dma_start3A_1614, %dma_start3A_1615] : memref<4x8x196x768xf32, #tpu.memory_space<vmem>> -> memref<1x8x196x768xf32, #tpu.memory_space<vmem>>
    %dma_start3A_1617 = tpu.memref_squeeze %dma_start3A_1616 : memref<1x8x196x768xf32, #tpu.memory_space<vmem>> -> memref<8x196x768xf32, #tpu.memory_space<vmem>>
    %dma_start3A_1618 = arith.constant 224 : i32
    %dma_start3A_1619 = arith.constant 0 : i32
    %dma_start3A_1620 = arith.constant 0 : i32
    %dma_start3A_1621 = tpu.memref_slice %arg0[%dma_start3A_1618, %dma_start3A_1619, %dma_start3A_1620] : memref<256x196x768xf32, #tpu.memory_space<any>> -> memref<8x196x768xf32, #tpu.memory_space<any>>
    tpu.enqueue_dma source(%dma_start3A_1621 : memref<8x196x768xf32, #tpu.memory_space<any>>) target(%dma_start3A_1617 : memref<8x196x768xf32, #tpu.memory_space<vmem>>) target_semaphore(%dma_start3A_1612 : memref<!tpu.dma_semaphore, #tpu.memory_space<semaphore_mem>>)
    %dma_wait3A_1622 = arith.constant 1 : i32
    %dma_wait3A_1623 = arith.constant 1 : i32
    %dma_wait3A_1624 = tpu.memref_slice %arg4[%dma_wait3A_1623] : memref<4x!tpu.dma_semaphore, #tpu.memory_space<semaphore_mem>> -> memref<1x!tpu.dma_semaphore, #tpu.memory_space<semaphore_mem>>
    %dma_wait3A_1625 = tpu.memref_squeeze %dma_wait3A_1624 : memref<1x!tpu.dma_semaphore, #tpu.memory_space<semaphore_mem>> -> memref<!tpu.dma_semaphore, #tpu.memory_space<semaphore_mem>>
    %dma_wait3A_1626 = arith.constant 0 : i32
    %dma_wait3A_1627 = arith.constant 0 : i32
    %dma_wait3A_1628 = arith.constant 0 : i32
    %dma_wait3A_1629 = tpu.memref_slice %arg3[%dma_wait3A_1622, %dma_wait3A_1626, %dma_wait3A_1627, %dma_wait3A_1628] : memref<4x8x196x768xf32, #tpu.memory_space<vmem>> -> memref<1x8x196x768xf32, #tpu.memory_space<vmem>>
    %dma_wait3A_1630 = tpu.memref_squeeze %dma_wait3A_1629 : memref<1x8x196x768xf32, #tpu.memory_space<vmem>> -> memref<8x196x768xf32, #tpu.memory_space<vmem>>
    %dma_wait3A_1631 = arith.constant 200 : i32
    %dma_wait3A_1632 = arith.constant 0 : i32
    %dma_wait3A_1633 = arith.constant 0 : i32
    %dma_wait3A_1634 = tpu.memref_slice %arg0[%dma_wait3A_1631, %dma_wait3A_1632, %dma_wait3A_1633] : memref<256x196x768xf32, #tpu.memory_space<any>> -> memref<8x196x768xf32, #tpu.memory_space<any>>
    tpu.wait_dma2 semaphore(%dma_wait3A_1625 : memref<!tpu.dma_semaphore, #tpu.memory_space<semaphore_mem>>) src(%dma_wait3A_1634 : memref<8x196x768xf32, #tpu.memory_space<any>>) dst(%dma_wait3A_1630 : memref<8x196x768xf32, #tpu.memory_space<vmem>>)
    %get3A_1635 = arith.constant 1 : index
    %get3A_1636 = arith.constant 0 : index
    %get3A_1637 = arith.constant 0 : index
    %get3A_1638 = arith.constant 0 : index
    %get3A_1639 = vector.load %arg3[%get3A_1635, %get3A_1636, %get3A_1637, %get3A_1638] : memref<4x8x196x768xf32, #tpu.memory_space<vmem>>, vector<1x8x196x768xf32>
    %get3A_1640 = vector.shape_cast %get3A_1639 : vector<1x8x196x768xf32> to vector<8x196x768xf32>
    %reduce_sum3A_1641 = arith.constant dense<0.000000e+00> : vector<8x768xf32>
    %reduce_sum3A_1642 = vector.multi_reduction <add>, %get3A_1640, %reduce_sum3A_1641 [1] : vector<8x196x768xf32> to vector<8x768xf32>
    %swap3A_1643 = arith.constant 200 : index
    %swap3A_1644 = arith.constant 0 : index
    %swap3A_1645 = vector.load %arg2[%swap3A_1643, %swap3A_1644] : memref<256x768xf32, #tpu.memory_space<vmem>>, vector<8x768xf32>
    tpu.vector_store %arg2[%swap3A_1643, %swap3A_1644], %reduce_sum3A_1642 {strides = array<i32>} : memref<256x768xf32, #tpu.memory_space<vmem>>, vector<8x768xf32>,
    %dma_start3A_1646 = arith.constant 1 : i32
    %dma_start3A_1647 = arith.constant 1 : i32
    %dma_start3A_1648 = tpu.memref_slice %arg5[%dma_start3A_1647] : memref<4x!tpu.dma_semaphore, #tpu.memory_space<semaphore_mem>> -> memref<1x!tpu.dma_semaphore, #tpu.memory_space<semaphore_mem>>
    %dma_start3A_1649 = tpu.memref_squeeze %dma_start3A_1648 : memref<1x!tpu.dma_semaphore, #tpu.memory_space<semaphore_mem>> -> memref<!tpu.dma_semaphore, #tpu.memory_space<semaphore_mem>>
    %dma_start3A_1650 = arith.constant 200 : i32
    %dma_start3A_1651 = arith.constant 8 : i32
    %dma_start3A_1652 = arith.constant 0 : i32
    %dma_start3A_1653 = tpu.memref_slice %arg1[%dma_start3A_1650, %dma_start3A_1651, %dma_start3A_1652] : memref<256x204x768xf32, #tpu.memory_space<any>> -> memref<8x196x768xf32, #tpu.memory_space<any>>
    %dma_start3A_1654 = arith.constant 0 : i32
    %dma_start3A_1655 = arith.constant 0 : i32
    %dma_start3A_1656 = arith.constant 0 : i32
    %dma_start3A_1657 = tpu.memref_slice %arg3[%dma_start3A_1646, %dma_start3A_1654, %dma_start3A_1655, %dma_start3A_1656] : memref<4x8x196x768xf32, #tpu.memory_space<vmem>> -> memref<1x8x196x768xf32, #tpu.memory_space<vmem>>
    %dma_start3A_1658 = tpu.memref_squeeze %dma_start3A_1657 : memref<1x8x196x768xf32, #tpu.memory_space<vmem>> -> memref<8x196x768xf32, #tpu.memory_space<vmem>>
    tpu.enqueue_dma source(%dma_start3A_1658 : memref<8x196x768xf32, #tpu.memory_space<vmem>>) target(%dma_start3A_1653 : memref<8x196x768xf32, #tpu.memory_space<any>>) target_semaphore(%dma_start3A_1649 : memref<!tpu.dma_semaphore, #tpu.memory_space<semaphore_mem>>)
    %dma_wait3A_1659 = arith.constant 1 : i32
    %dma_wait3A_1660 = arith.constant 1 : i32
    %dma_wait3A_1661 = tpu.memref_slice %arg5[%dma_wait3A_1660] : memref<4x!tpu.dma_semaphore, #tpu.memory_space<semaphore_mem>> -> memref<1x!tpu.dma_semaphore, #tpu.memory_space<semaphore_mem>>
    %dma_wait3A_1662 = tpu.memref_squeeze %dma_wait3A_1661 : memref<1x!tpu.dma_semaphore, #tpu.memory_space<semaphore_mem>> -> memref<!tpu.dma_semaphore, #tpu.memory_space<semaphore_mem>>
    %dma_wait3A_1663 = arith.constant 200 : i32
    %dma_wait3A_1664 = arith.constant 8 : i32
    %dma_wait3A_1665 = arith.constant 0 : i32
    %dma_wait3A_1666 = tpu.memref_slice %arg1[%dma_wait3A_1663, %dma_wait3A_1664, %dma_wait3A_1665] : memref<256x204x768xf32, #tpu.memory_space<any>> -> memref<8x196x768xf32, #tpu.memory_space<any>>
    %dma_wait3A_1667 = arith.constant 0 : i32
    %dma_wait3A_1668 = arith.constant 0 : i32
    %dma_wait3A_1669 = arith.constant 0 : i32
    %dma_wait3A_1670 = tpu.memref_slice %arg3[%dma_wait3A_1659, %dma_wait3A_1667, %dma_wait3A_1668, %dma_wait3A_1669] : memref<4x8x196x768xf32, #tpu.memory_space<vmem>> -> memref<1x8x196x768xf32, #tpu.memory_space<vmem>>
    %dma_wait3A_1671 = tpu.memref_squeeze %dma_wait3A_1670 : memref<1x8x196x768xf32, #tpu.memory_space<vmem>> -> memref<8x196x768xf32, #tpu.memory_space<vmem>>
    tpu.wait_dma2 semaphore(%dma_wait3A_1662 : memref<!tpu.dma_semaphore, #tpu.memory_space<semaphore_mem>>) src(%dma_wait3A_1671 : memref<8x196x768xf32, #tpu.memory_space<vmem>>) dst(%dma_wait3A_1666 : memref<8x196x768xf32, #tpu.memory_space<any>>)
    %dma_start3A_1672 = arith.constant 1 : i32
    %dma_start3A_1673 = arith.constant 1 : i32
    %dma_start3A_1674 = tpu.memref_slice %arg4[%dma_start3A_1673] : memref<4x!tpu.dma_semaphore, #tpu.memory_space<semaphore_mem>> -> memref<1x!tpu.dma_semaphore, #tpu.memory_space<semaphore_mem>>
    %dma_start3A_1675 = tpu.memref_squeeze %dma_start3A_1674 : memref<1x!tpu.dma_semaphore, #tpu.memory_space<semaphore_mem>> -> memref<!tpu.dma_semaphore, #tpu.memory_space<semaphore_mem>>
    %dma_start3A_1676 = arith.constant 0 : i32
    %dma_start3A_1677 = arith.constant 0 : i32
    %dma_start3A_1678 = arith.constant 0 : i32
    %dma_start3A_1679 = tpu.memref_slice %arg3[%dma_start3A_1672, %dma_start3A_1676, %dma_start3A_1677, %dma_start3A_1678] : memref<4x8x196x768xf32, #tpu.memory_space<vmem>> -> memref<1x8x196x768xf32, #tpu.memory_space<vmem>>
    %dma_start3A_1680 = tpu.memref_squeeze %dma_start3A_1679 : memref<1x8x196x768xf32, #tpu.memory_space<vmem>> -> memref<8x196x768xf32, #tpu.memory_space<vmem>>
    %dma_start3A_1681 = arith.constant 232 : i32
    %dma_start3A_1682 = arith.constant 0 : i32
    %dma_start3A_1683 = arith.constant 0 : i32
    %dma_start3A_1684 = tpu.memref_slice %arg0[%dma_start3A_1681, %dma_start3A_1682, %dma_start3A_1683] : memref<256x196x768xf32, #tpu.memory_space<any>> -> memref<8x196x768xf32, #tpu.memory_space<any>>
    tpu.enqueue_dma source(%dma_start3A_1684 : memref<8x196x768xf32, #tpu.memory_space<any>>) target(%dma_start3A_1680 : memref<8x196x768xf32, #tpu.memory_space<vmem>>) target_semaphore(%dma_start3A_1675 : memref<!tpu.dma_semaphore, #tpu.memory_space<semaphore_mem>>)
    %dma_wait3A_1685 = arith.constant 2 : i32
    %dma_wait3A_1686 = arith.constant 2 : i32
    %dma_wait3A_1687 = tpu.memref_slice %arg4[%dma_wait3A_1686] : memref<4x!tpu.dma_semaphore, #tpu.memory_space<semaphore_mem>> -> memref<1x!tpu.dma_semaphore, #tpu.memory_space<semaphore_mem>>
    %dma_wait3A_1688 = tpu.memref_squeeze %dma_wait3A_1687 : memref<1x!tpu.dma_semaphore, #tpu.memory_space<semaphore_mem>> -> memref<!tpu.dma_semaphore, #tpu.memory_space<semaphore_mem>>
    %dma_wait3A_1689 = arith.constant 0 : i32
    %dma_wait3A_1690 = arith.constant 0 : i32
    %dma_wait3A_1691 = arith.constant 0 : i32
    %dma_wait3A_1692 = tpu.memref_slice %arg3[%dma_wait3A_1685, %dma_wait3A_1689, %dma_wait3A_1690, %dma_wait3A_1691] : memref<4x8x196x768xf32, #tpu.memory_space<vmem>> -> memref<1x8x196x768xf32, #tpu.memory_space<vmem>>
    %dma_wait3A_1693 = tpu.memref_squeeze %dma_wait3A_1692 : memref<1x8x196x768xf32, #tpu.memory_space<vmem>> -> memref<8x196x768xf32, #tpu.memory_space<vmem>>
    %dma_wait3A_1694 = arith.constant 208 : i32
    %dma_wait3A_1695 = arith.constant 0 : i32
    %dma_wait3A_1696 = arith.constant 0 : i32
    %dma_wait3A_1697 = tpu.memref_slice %arg0[%dma_wait3A_1694, %dma_wait3A_1695, %dma_wait3A_1696] : memref<256x196x768xf32, #tpu.memory_space<any>> -> memref<8x196x768xf32, #tpu.memory_space<any>>
    tpu.wait_dma2 semaphore(%dma_wait3A_1688 : memref<!tpu.dma_semaphore, #tpu.memory_space<semaphore_mem>>) src(%dma_wait3A_1697 : memref<8x196x768xf32, #tpu.memory_space<any>>) dst(%dma_wait3A_1693 : memref<8x196x768xf32, #tpu.memory_space<vmem>>)
    %get3A_1698 = arith.constant 2 : index
    %get3A_1699 = arith.constant 0 : index
    %get3A_1700 = arith.constant 0 : index
    %get3A_1701 = arith.constant 0 : index
    %get3A_1702 = vector.load %arg3[%get3A_1698, %get3A_1699, %get3A_1700, %get3A_1701] : memref<4x8x196x768xf32, #tpu.memory_space<vmem>>, vector<1x8x196x768xf32>
    %get3A_1703 = vector.shape_cast %get3A_1702 : vector<1x8x196x768xf32> to vector<8x196x768xf32>
    %reduce_sum3A_1704 = arith.constant dense<0.000000e+00> : vector<8x768xf32>
    %reduce_sum3A_1705 = vector.multi_reduction <add>, %get3A_1703, %reduce_sum3A_1704 [1] : vector<8x196x768xf32> to vector<8x768xf32>
    %swap3A_1706 = arith.constant 208 : index
    %swap3A_1707 = arith.constant 0 : index
    %swap3A_1708 = vector.load %arg2[%swap3A_1706, %swap3A_1707] : memref<256x768xf32, #tpu.memory_space<vmem>>, vector<8x768xf32>
    tpu.vector_store %arg2[%swap3A_1706, %swap3A_1707], %reduce_sum3A_1705 {strides = array<i32>} : memref<256x768xf32, #tpu.memory_space<vmem>>, vector<8x768xf32>,
    %dma_start3A_1709 = arith.constant 2 : i32
    %dma_start3A_1710 = arith.constant 2 : i32
    %dma_start3A_1711 = tpu.memref_slice %arg5[%dma_start3A_1710] : memref<4x!tpu.dma_semaphore, #tpu.memory_space<semaphore_mem>> -> memref<1x!tpu.dma_semaphore, #tpu.memory_space<semaphore_mem>>
    %dma_start3A_1712 = tpu.memref_squeeze %dma_start3A_1711 : memref<1x!tpu.dma_semaphore, #tpu.memory_space<semaphore_mem>> -> memref<!tpu.dma_semaphore, #tpu.memory_space<semaphore_mem>>
    %dma_start3A_1713 = arith.constant 208 : i32
    %dma_start3A_1714 = arith.constant 8 : i32
    %dma_start3A_1715 = arith.constant 0 : i32
    %dma_start3A_1716 = tpu.memref_slice %arg1[%dma_start3A_1713, %dma_start3A_1714, %dma_start3A_1715] : memref<256x204x768xf32, #tpu.memory_space<any>> -> memref<8x196x768xf32, #tpu.memory_space<any>>
    %dma_start3A_1717 = arith.constant 0 : i32
    %dma_start3A_1718 = arith.constant 0 : i32
    %dma_start3A_1719 = arith.constant 0 : i32
    %dma_start3A_1720 = tpu.memref_slice %arg3[%dma_start3A_1709, %dma_start3A_1717, %dma_start3A_1718, %dma_start3A_1719] : memref<4x8x196x768xf32, #tpu.memory_space<vmem>> -> memref<1x8x196x768xf32, #tpu.memory_space<vmem>>
    %dma_start3A_1721 = tpu.memref_squeeze %dma_start3A_1720 : memref<1x8x196x768xf32, #tpu.memory_space<vmem>> -> memref<8x196x768xf32, #tpu.memory_space<vmem>>
    tpu.enqueue_dma source(%dma_start3A_1721 : memref<8x196x768xf32, #tpu.memory_space<vmem>>) target(%dma_start3A_1716 : memref<8x196x768xf32, #tpu.memory_space<any>>) target_semaphore(%dma_start3A_1712 : memref<!tpu.dma_semaphore, #tpu.memory_space<semaphore_mem>>)
    %dma_wait3A_1722 = arith.constant 2 : i32
    %dma_wait3A_1723 = arith.constant 2 : i32
    %dma_wait3A_1724 = tpu.memref_slice %arg5[%dma_wait3A_1723] : memref<4x!tpu.dma_semaphore, #tpu.memory_space<semaphore_mem>> -> memref<1x!tpu.dma_semaphore, #tpu.memory_space<semaphore_mem>>
    %dma_wait3A_1725 = tpu.memref_squeeze %dma_wait3A_1724 : memref<1x!tpu.dma_semaphore, #tpu.memory_space<semaphore_mem>> -> memref<!tpu.dma_semaphore, #tpu.memory_space<semaphore_mem>>
    %dma_wait3A_1726 = arith.constant 208 : i32
    %dma_wait3A_1727 = arith.constant 8 : i32
    %dma_wait3A_1728 = arith.constant 0 : i32
    %dma_wait3A_1729 = tpu.memref_slice %arg1[%dma_wait3A_1726, %dma_wait3A_1727, %dma_wait3A_1728] : memref<256x204x768xf32, #tpu.memory_space<any>> -> memref<8x196x768xf32, #tpu.memory_space<any>>
    %dma_wait3A_1730 = arith.constant 0 : i32
    %dma_wait3A_1731 = arith.constant 0 : i32
    %dma_wait3A_1732 = arith.constant 0 : i32
    %dma_wait3A_1733 = tpu.memref_slice %arg3[%dma_wait3A_1722, %dma_wait3A_1730, %dma_wait3A_1731, %dma_wait3A_1732] : memref<4x8x196x768xf32, #tpu.memory_space<vmem>> -> memref<1x8x196x768xf32, #tpu.memory_space<vmem>>
    %dma_wait3A_1734 = tpu.memref_squeeze %dma_wait3A_1733 : memref<1x8x196x768xf32, #tpu.memory_space<vmem>> -> memref<8x196x768xf32, #tpu.memory_space<vmem>>
    tpu.wait_dma2 semaphore(%dma_wait3A_1725 : memref<!tpu.dma_semaphore, #tpu.memory_space<semaphore_mem>>) src(%dma_wait3A_1734 : memref<8x196x768xf32, #tpu.memory_space<vmem>>) dst(%dma_wait3A_1729 : memref<8x196x768xf32, #tpu.memory_space<any>>)
    %dma_start3A_1735 = arith.constant 2 : i32
    %dma_start3A_1736 = arith.constant 2 : i32
    %dma_start3A_1737 = tpu.memref_slice %arg4[%dma_start3A_1736] : memref<4x!tpu.dma_semaphore, #tpu.memory_space<semaphore_mem>> -> memref<1x!tpu.dma_semaphore, #tpu.memory_space<semaphore_mem>>
    %dma_start3A_1738 = tpu.memref_squeeze %dma_start3A_1737 : memref<1x!tpu.dma_semaphore, #tpu.memory_space<semaphore_mem>> -> memref<!tpu.dma_semaphore, #tpu.memory_space<semaphore_mem>>
    %dma_start3A_1739 = arith.constant 0 : i32
    %dma_start3A_1740 = arith.constant 0 : i32
    %dma_start3A_1741 = arith.constant 0 : i32
    %dma_start3A_1742 = tpu.memref_slice %arg3[%dma_start3A_1735, %dma_start3A_1739, %dma_start3A_1740, %dma_start3A_1741] : memref<4x8x196x768xf32, #tpu.memory_space<vmem>> -> memref<1x8x196x768xf32, #tpu.memory_space<vmem>>
    %dma_start3A_1743 = tpu.memref_squeeze %dma_start3A_1742 : memref<1x8x196x768xf32, #tpu.memory_space<vmem>> -> memref<8x196x768xf32, #tpu.memory_space<vmem>>
    %dma_start3A_1744 = arith.constant 240 : i32
    %dma_start3A_1745 = arith.constant 0 : i32
    %dma_start3A_1746 = arith.constant 0 : i32
    %dma_start3A_1747 = tpu.memref_slice %arg0[%dma_start3A_1744, %dma_start3A_1745, %dma_start3A_1746] : memref<256x196x768xf32, #tpu.memory_space<any>> -> memref<8x196x768xf32, #tpu.memory_space<any>>
    tpu.enqueue_dma source(%dma_start3A_1747 : memref<8x196x768xf32, #tpu.memory_space<any>>) target(%dma_start3A_1743 : memref<8x196x768xf32, #tpu.memory_space<vmem>>) target_semaphore(%dma_start3A_1738 : memref<!tpu.dma_semaphore, #tpu.memory_space<semaphore_mem>>)
    %dma_wait3A_1748 = arith.constant 3 : i32
    %dma_wait3A_1749 = arith.constant 3 : i32
    %dma_wait3A_1750 = tpu.memref_slice %arg4[%dma_wait3A_1749] : memref<4x!tpu.dma_semaphore, #tpu.memory_space<semaphore_mem>> -> memref<1x!tpu.dma_semaphore, #tpu.memory_space<semaphore_mem>>
    %dma_wait3A_1751 = tpu.memref_squeeze %dma_wait3A_1750 : memref<1x!tpu.dma_semaphore, #tpu.memory_space<semaphore_mem>> -> memref<!tpu.dma_semaphore, #tpu.memory_space<semaphore_mem>>
    %dma_wait3A_1752 = arith.constant 0 : i32
    %dma_wait3A_1753 = arith.constant 0 : i32
    %dma_wait3A_1754 = arith.constant 0 : i32
    %dma_wait3A_1755 = tpu.memref_slice %arg3[%dma_wait3A_1748, %dma_wait3A_1752, %dma_wait3A_1753, %dma_wait3A_1754] : memref<4x8x196x768xf32, #tpu.memory_space<vmem>> -> memref<1x8x196x768xf32, #tpu.memory_space<vmem>>
    %dma_wait3A_1756 = tpu.memref_squeeze %dma_wait3A_1755 : memref<1x8x196x768xf32, #tpu.memory_space<vmem>> -> memref<8x196x768xf32, #tpu.memory_space<vmem>>
    %dma_wait3A_1757 = arith.constant 216 : i32
    %dma_wait3A_1758 = arith.constant 0 : i32
    %dma_wait3A_1759 = arith.constant 0 : i32
    %dma_wait3A_1760 = tpu.memref_slice %arg0[%dma_wait3A_1757, %dma_wait3A_1758, %dma_wait3A_1759] : memref<256x196x768xf32, #tpu.memory_space<any>> -> memref<8x196x768xf32, #tpu.memory_space<any>>
    tpu.wait_dma2 semaphore(%dma_wait3A_1751 : memref<!tpu.dma_semaphore, #tpu.memory_space<semaphore_mem>>) src(%dma_wait3A_1760 : memref<8x196x768xf32, #tpu.memory_space<any>>) dst(%dma_wait3A_1756 : memref<8x196x768xf32, #tpu.memory_space<vmem>>)
    %get3A_1761 = arith.constant 3 : index
    %get3A_1762 = arith.constant 0 : index
    %get3A_1763 = arith.constant 0 : index
    %get3A_1764 = arith.constant 0 : index
    %get3A_1765 = vector.load %arg3[%get3A_1761, %get3A_1762, %get3A_1763, %get3A_1764] : memref<4x8x196x768xf32, #tpu.memory_space<vmem>>, vector<1x8x196x768xf32>
    %get3A_1766 = vector.shape_cast %get3A_1765 : vector<1x8x196x768xf32> to vector<8x196x768xf32>
    %reduce_sum3A_1767 = arith.constant dense<0.000000e+00> : vector<8x768xf32>
    %reduce_sum3A_1768 = vector.multi_reduction <add>, %get3A_1766, %reduce_sum3A_1767 [1] : vector<8x196x768xf32> to vector<8x768xf32>
    %swap3A_1769 = arith.constant 216 : index
    %swap3A_1770 = arith.constant 0 : index
    %swap3A_1771 = vector.load %arg2[%swap3A_1769, %swap3A_1770] : memref<256x768xf32, #tpu.memory_space<vmem>>, vector<8x768xf32>
    tpu.vector_store %arg2[%swap3A_1769, %swap3A_1770], %reduce_sum3A_1768 {strides = array<i32>} : memref<256x768xf32, #tpu.memory_space<vmem>>, vector<8x768xf32>,
    %dma_start3A_1772 = arith.constant 3 : i32
    %dma_start3A_1773 = arith.constant 3 : i32
    %dma_start3A_1774 = tpu.memref_slice %arg5[%dma_start3A_1773] : memref<4x!tpu.dma_semaphore, #tpu.memory_space<semaphore_mem>> -> memref<1x!tpu.dma_semaphore, #tpu.memory_space<semaphore_mem>>
    %dma_start3A_1775 = tpu.memref_squeeze %dma_start3A_1774 : memref<1x!tpu.dma_semaphore, #tpu.memory_space<semaphore_mem>> -> memref<!tpu.dma_semaphore, #tpu.memory_space<semaphore_mem>>
    %dma_start3A_1776 = arith.constant 216 : i32
    %dma_start3A_1777 = arith.constant 8 : i32
    %dma_start3A_1778 = arith.constant 0 : i32
    %dma_start3A_1779 = tpu.memref_slice %arg1[%dma_start3A_1776, %dma_start3A_1777, %dma_start3A_1778] : memref<256x204x768xf32, #tpu.memory_space<any>> -> memref<8x196x768xf32, #tpu.memory_space<any>>
    %dma_start3A_1780 = arith.constant 0 : i32
    %dma_start3A_1781 = arith.constant 0 : i32
    %dma_start3A_1782 = arith.constant 0 : i32
    %dma_start3A_1783 = tpu.memref_slice %arg3[%dma_start3A_1772, %dma_start3A_1780, %dma_start3A_1781, %dma_start3A_1782] : memref<4x8x196x768xf32, #tpu.memory_space<vmem>> -> memref<1x8x196x768xf32, #tpu.memory_space<vmem>>
    %dma_start3A_1784 = tpu.memref_squeeze %dma_start3A_1783 : memref<1x8x196x768xf32, #tpu.memory_space<vmem>> -> memref<8x196x768xf32, #tpu.memory_space<vmem>>
    tpu.enqueue_dma source(%dma_start3A_1784 : memref<8x196x768xf32, #tpu.memory_space<vmem>>) target(%dma_start3A_1779 : memref<8x196x768xf32, #tpu.memory_space<any>>) target_semaphore(%dma_start3A_1775 : memref<!tpu.dma_semaphore, #tpu.memory_space<semaphore_mem>>)
    %dma_wait3A_1785 = arith.constant 3 : i32
    %dma_wait3A_1786 = arith.constant 3 : i32
    %dma_wait3A_1787 = tpu.memref_slice %arg5[%dma_wait3A_1786] : memref<4x!tpu.dma_semaphore, #tpu.memory_space<semaphore_mem>> -> memref<1x!tpu.dma_semaphore, #tpu.memory_space<semaphore_mem>>
    %dma_wait3A_1788 = tpu.memref_squeeze %dma_wait3A_1787 : memref<1x!tpu.dma_semaphore, #tpu.memory_space<semaphore_mem>> -> memref<!tpu.dma_semaphore, #tpu.memory_space<semaphore_mem>>
    %dma_wait3A_1789 = arith.constant 216 : i32
    %dma_wait3A_1790 = arith.constant 8 : i32
    %dma_wait3A_1791 = arith.constant 0 : i32
    %dma_wait3A_1792 = tpu.memref_slice %arg1[%dma_wait3A_1789, %dma_wait3A_1790, %dma_wait3A_1791] : memref<256x204x768xf32, #tpu.memory_space<any>> -> memref<8x196x768xf32, #tpu.memory_space<any>>
    %dma_wait3A_1793 = arith.constant 0 : i32
    %dma_wait3A_1794 = arith.constant 0 : i32
    %dma_wait3A_1795 = arith.constant 0 : i32
    %dma_wait3A_1796 = tpu.memref_slice %arg3[%dma_wait3A_1785, %dma_wait3A_1793, %dma_wait3A_1794, %dma_wait3A_1795] : memref<4x8x196x768xf32, #tpu.memory_space<vmem>> -> memref<1x8x196x768xf32, #tpu.memory_space<vmem>>
    %dma_wait3A_1797 = tpu.memref_squeeze %dma_wait3A_1796 : memref<1x8x196x768xf32, #tpu.memory_space<vmem>> -> memref<8x196x768xf32, #tpu.memory_space<vmem>>
    tpu.wait_dma2 semaphore(%dma_wait3A_1788 : memref<!tpu.dma_semaphore, #tpu.memory_space<semaphore_mem>>) src(%dma_wait3A_1797 : memref<8x196x768xf32, #tpu.memory_space<vmem>>) dst(%dma_wait3A_1792 : memref<8x196x768xf32, #tpu.memory_space<any>>)
    %dma_start3A_1798 = arith.constant 3 : i32
    %dma_start3A_1799 = arith.constant 3 : i32
    %dma_start3A_1800 = tpu.memref_slice %arg4[%dma_start3A_1799] : memref<4x!tpu.dma_semaphore, #tpu.memory_space<semaphore_mem>> -> memref<1x!tpu.dma_semaphore, #tpu.memory_space<semaphore_mem>>
    %dma_start3A_1801 = tpu.memref_squeeze %dma_start3A_1800 : memref<1x!tpu.dma_semaphore, #tpu.memory_space<semaphore_mem>> -> memref<!tpu.dma_semaphore, #tpu.memory_space<semaphore_mem>>
    %dma_start3A_1802 = arith.constant 0 : i32
    %dma_start3A_1803 = arith.constant 0 : i32
    %dma_start3A_1804 = arith.constant 0 : i32
    %dma_start3A_1805 = tpu.memref_slice %arg3[%dma_start3A_1798, %dma_start3A_1802, %dma_start3A_1803, %dma_start3A_1804] : memref<4x8x196x768xf32, #tpu.memory_space<vmem>> -> memref<1x8x196x768xf32, #tpu.memory_space<vmem>>
    %dma_start3A_1806 = tpu.memref_squeeze %dma_start3A_1805 : memref<1x8x196x768xf32, #tpu.memory_space<vmem>> -> memref<8x196x768xf32, #tpu.memory_space<vmem>>
    %dma_start3A_1807 = arith.constant 248 : i32
    %dma_start3A_1808 = arith.constant 0 : i32
    %dma_start3A_1809 = arith.constant 0 : i32
    %dma_start3A_1810 = tpu.memref_slice %arg0[%dma_start3A_1807, %dma_start3A_1808, %dma_start3A_1809] : memref<256x196x768xf32, #tpu.memory_space<any>> -> memref<8x196x768xf32, #tpu.memory_space<any>>
    tpu.enqueue_dma source(%dma_start3A_1810 : memref<8x196x768xf32, #tpu.memory_space<any>>) target(%dma_start3A_1806 : memref<8x196x768xf32, #tpu.memory_space<vmem>>) target_semaphore(%dma_start3A_1801 : memref<!tpu.dma_semaphore, #tpu.memory_space<semaphore_mem>>)
    %dma_wait3A_1811 = arith.constant 0 : i32
    %dma_wait3A_1812 = arith.constant 0 : i32
    %dma_wait3A_1813 = tpu.memref_slice %arg4[%dma_wait3A_1812] : memref<4x!tpu.dma_semaphore, #tpu.memory_space<semaphore_mem>> -> memref<1x!tpu.dma_semaphore, #tpu.memory_space<semaphore_mem>>
    %dma_wait3A_1814 = tpu.memref_squeeze %dma_wait3A_1813 : memref<1x!tpu.dma_semaphore, #tpu.memory_space<semaphore_mem>> -> memref<!tpu.dma_semaphore, #tpu.memory_space<semaphore_mem>>
    %dma_wait3A_1815 = arith.constant 0 : i32
    %dma_wait3A_1816 = arith.constant 0 : i32
    %dma_wait3A_1817 = arith.constant 0 : i32
    %dma_wait3A_1818 = tpu.memref_slice %arg3[%dma_wait3A_1811, %dma_wait3A_1815, %dma_wait3A_1816, %dma_wait3A_1817] : memref<4x8x196x768xf32, #tpu.memory_space<vmem>> -> memref<1x8x196x768xf32, #tpu.memory_space<vmem>>
    %dma_wait3A_1819 = tpu.memref_squeeze %dma_wait3A_1818 : memref<1x8x196x768xf32, #tpu.memory_space<vmem>> -> memref<8x196x768xf32, #tpu.memory_space<vmem>>
    %dma_wait3A_1820 = arith.constant 224 : i32
    %dma_wait3A_1821 = arith.constant 0 : i32
    %dma_wait3A_1822 = arith.constant 0 : i32
    %dma_wait3A_1823 = tpu.memref_slice %arg0[%dma_wait3A_1820, %dma_wait3A_1821, %dma_wait3A_1822] : memref<256x196x768xf32, #tpu.memory_space<any>> -> memref<8x196x768xf32, #tpu.memory_space<any>>
    tpu.wait_dma2 semaphore(%dma_wait3A_1814 : memref<!tpu.dma_semaphore, #tpu.memory_space<semaphore_mem>>) src(%dma_wait3A_1823 : memref<8x196x768xf32, #tpu.memory_space<any>>) dst(%dma_wait3A_1819 : memref<8x196x768xf32, #tpu.memory_space<vmem>>)
    %get3A_1824 = arith.constant 0 : index
    %get3A_1825 = arith.constant 0 : index
    %get3A_1826 = arith.constant 0 : index
    %get3A_1827 = arith.constant 0 : index
    %get3A_1828 = vector.load %arg3[%get3A_1824, %get3A_1825, %get3A_1826, %get3A_1827] : memref<4x8x196x768xf32, #tpu.memory_space<vmem>>, vector<1x8x196x768xf32>
    %get3A_1829 = vector.shape_cast %get3A_1828 : vector<1x8x196x768xf32> to vector<8x196x768xf32>
    %reduce_sum3A_1830 = arith.constant dense<0.000000e+00> : vector<8x768xf32>
    %reduce_sum3A_1831 = vector.multi_reduction <add>, %get3A_1829, %reduce_sum3A_1830 [1] : vector<8x196x768xf32> to vector<8x768xf32>
    %swap3A_1832 = arith.constant 224 : index
    %swap3A_1833 = arith.constant 0 : index
    %swap3A_1834 = vector.load %arg2[%swap3A_1832, %swap3A_1833] : memref<256x768xf32, #tpu.memory_space<vmem>>, vector<8x768xf32>
    tpu.vector_store %arg2[%swap3A_1832, %swap3A_1833], %reduce_sum3A_1831 {strides = array<i32>} : memref<256x768xf32, #tpu.memory_space<vmem>>, vector<8x768xf32>,
    %dma_start3A_1835 = arith.constant 0 : i32
    %dma_start3A_1836 = arith.constant 0 : i32
    %dma_start3A_1837 = tpu.memref_slice %arg5[%dma_start3A_1836] : memref<4x!tpu.dma_semaphore, #tpu.memory_space<semaphore_mem>> -> memref<1x!tpu.dma_semaphore, #tpu.memory_space<semaphore_mem>>
    %dma_start3A_1838 = tpu.memref_squeeze %dma_start3A_1837 : memref<1x!tpu.dma_semaphore, #tpu.memory_space<semaphore_mem>> -> memref<!tpu.dma_semaphore, #tpu.memory_space<semaphore_mem>>
    %dma_start3A_1839 = arith.constant 224 : i32
    %dma_start3A_1840 = arith.constant 8 : i32
    %dma_start3A_1841 = arith.constant 0 : i32
    %dma_start3A_1842 = tpu.memref_slice %arg1[%dma_start3A_1839, %dma_start3A_1840, %dma_start3A_1841] : memref<256x204x768xf32, #tpu.memory_space<any>> -> memref<8x196x768xf32, #tpu.memory_space<any>>
    %dma_start3A_1843 = arith.constant 0 : i32
    %dma_start3A_1844 = arith.constant 0 : i32
    %dma_start3A_1845 = arith.constant 0 : i32
    %dma_start3A_1846 = tpu.memref_slice %arg3[%dma_start3A_1835, %dma_start3A_1843, %dma_start3A_1844, %dma_start3A_1845] : memref<4x8x196x768xf32, #tpu.memory_space<vmem>> -> memref<1x8x196x768xf32, #tpu.memory_space<vmem>>
    %dma_start3A_1847 = tpu.memref_squeeze %dma_start3A_1846 : memref<1x8x196x768xf32, #tpu.memory_space<vmem>> -> memref<8x196x768xf32, #tpu.memory_space<vmem>>
    tpu.enqueue_dma source(%dma_start3A_1847 : memref<8x196x768xf32, #tpu.memory_space<vmem>>) target(%dma_start3A_1842 : memref<8x196x768xf32, #tpu.memory_space<any>>) target_semaphore(%dma_start3A_1838 : memref<!tpu.dma_semaphore, #tpu.memory_space<semaphore_mem>>)
    %dma_wait3A_1848 = arith.constant 1 : i32
    %dma_wait3A_1849 = arith.constant 1 : i32
    %dma_wait3A_1850 = tpu.memref_slice %arg4[%dma_wait3A_1849] : memref<4x!tpu.dma_semaphore, #tpu.memory_space<semaphore_mem>> -> memref<1x!tpu.dma_semaphore, #tpu.memory_space<semaphore_mem>>
    %dma_wait3A_1851 = tpu.memref_squeeze %dma_wait3A_1850 : memref<1x!tpu.dma_semaphore, #tpu.memory_space<semaphore_mem>> -> memref<!tpu.dma_semaphore, #tpu.memory_space<semaphore_mem>>
    %dma_wait3A_1852 = arith.constant 0 : i32
    %dma_wait3A_1853 = arith.constant 0 : i32
    %dma_wait3A_1854 = arith.constant 0 : i32
    %dma_wait3A_1855 = tpu.memref_slice %arg3[%dma_wait3A_1848, %dma_wait3A_1852, %dma_wait3A_1853, %dma_wait3A_1854] : memref<4x8x196x768xf32, #tpu.memory_space<vmem>> -> memref<1x8x196x768xf32, #tpu.memory_space<vmem>>
    %dma_wait3A_1856 = tpu.memref_squeeze %dma_wait3A_1855 : memref<1x8x196x768xf32, #tpu.memory_space<vmem>> -> memref<8x196x768xf32, #tpu.memory_space<vmem>>
    %dma_wait3A_1857 = arith.constant 232 : i32
    %dma_wait3A_1858 = arith.constant 0 : i32
    %dma_wait3A_1859 = arith.constant 0 : i32
    %dma_wait3A_1860 = tpu.memref_slice %arg0[%dma_wait3A_1857, %dma_wait3A_1858, %dma_wait3A_1859] : memref<256x196x768xf32, #tpu.memory_space<any>> -> memref<8x196x768xf32, #tpu.memory_space<any>>
    tpu.wait_dma2 semaphore(%dma_wait3A_1851 : memref<!tpu.dma_semaphore, #tpu.memory_space<semaphore_mem>>) src(%dma_wait3A_1860 : memref<8x196x768xf32, #tpu.memory_space<any>>) dst(%dma_wait3A_1856 : memref<8x196x768xf32, #tpu.memory_space<vmem>>)
    %get3A_1861 = arith.constant 1 : index
    %get3A_1862 = arith.constant 0 : index
    %get3A_1863 = arith.constant 0 : index
    %get3A_1864 = arith.constant 0 : index
    %get3A_1865 = vector.load %arg3[%get3A_1861, %get3A_1862, %get3A_1863, %get3A_1864] : memref<4x8x196x768xf32, #tpu.memory_space<vmem>>, vector<1x8x196x768xf32>
    %get3A_1866 = vector.shape_cast %get3A_1865 : vector<1x8x196x768xf32> to vector<8x196x768xf32>
    %reduce_sum3A_1867 = arith.constant dense<0.000000e+00> : vector<8x768xf32>
    %reduce_sum3A_1868 = vector.multi_reduction <add>, %get3A_1866, %reduce_sum3A_1867 [1] : vector<8x196x768xf32> to vector<8x768xf32>
    %swap3A_1869 = arith.constant 232 : index
    %swap3A_1870 = arith.constant 0 : index
    %swap3A_1871 = vector.load %arg2[%swap3A_1869, %swap3A_1870] : memref<256x768xf32, #tpu.memory_space<vmem>>, vector<8x768xf32>
    tpu.vector_store %arg2[%swap3A_1869, %swap3A_1870], %reduce_sum3A_1868 {strides = array<i32>} : memref<256x768xf32, #tpu.memory_space<vmem>>, vector<8x768xf32>,
    %dma_start3A_1872 = arith.constant 1 : i32
    %dma_start3A_1873 = arith.constant 1 : i32
    %dma_start3A_1874 = tpu.memref_slice %arg5[%dma_start3A_1873] : memref<4x!tpu.dma_semaphore, #tpu.memory_space<semaphore_mem>> -> memref<1x!tpu.dma_semaphore, #tpu.memory_space<semaphore_mem>>
    %dma_start3A_1875 = tpu.memref_squeeze %dma_start3A_1874 : memref<1x!tpu.dma_semaphore, #tpu.memory_space<semaphore_mem>> -> memref<!tpu.dma_semaphore, #tpu.memory_space<semaphore_mem>>
    %dma_start3A_1876 = arith.constant 232 : i32
    %dma_start3A_1877 = arith.constant 8 : i32
    %dma_start3A_1878 = arith.constant 0 : i32
    %dma_start3A_1879 = tpu.memref_slice %arg1[%dma_start3A_1876, %dma_start3A_1877, %dma_start3A_1878] : memref<256x204x768xf32, #tpu.memory_space<any>> -> memref<8x196x768xf32, #tpu.memory_space<any>>
    %dma_start3A_1880 = arith.constant 0 : i32
    %dma_start3A_1881 = arith.constant 0 : i32
    %dma_start3A_1882 = arith.constant 0 : i32
    %dma_start3A_1883 = tpu.memref_slice %arg3[%dma_start3A_1872, %dma_start3A_1880, %dma_start3A_1881, %dma_start3A_1882] : memref<4x8x196x768xf32, #tpu.memory_space<vmem>> -> memref<1x8x196x768xf32, #tpu.memory_space<vmem>>
    %dma_start3A_1884 = tpu.memref_squeeze %dma_start3A_1883 : memref<1x8x196x768xf32, #tpu.memory_space<vmem>> -> memref<8x196x768xf32, #tpu.memory_space<vmem>>
    tpu.enqueue_dma source(%dma_start3A_1884 : memref<8x196x768xf32, #tpu.memory_space<vmem>>) target(%dma_start3A_1879 : memref<8x196x768xf32, #tpu.memory_space<any>>) target_semaphore(%dma_start3A_1875 : memref<!tpu.dma_semaphore, #tpu.memory_space<semaphore_mem>>)
    %dma_wait3A_1885 = arith.constant 2 : i32
    %dma_wait3A_1886 = arith.constant 2 : i32
    %dma_wait3A_1887 = tpu.memref_slice %arg4[%dma_wait3A_1886] : memref<4x!tpu.dma_semaphore, #tpu.memory_space<semaphore_mem>> -> memref<1x!tpu.dma_semaphore, #tpu.memory_space<semaphore_mem>>
    %dma_wait3A_1888 = tpu.memref_squeeze %dma_wait3A_1887 : memref<1x!tpu.dma_semaphore, #tpu.memory_space<semaphore_mem>> -> memref<!tpu.dma_semaphore, #tpu.memory_space<semaphore_mem>>
    %dma_wait3A_1889 = arith.constant 0 : i32
    %dma_wait3A_1890 = arith.constant 0 : i32
    %dma_wait3A_1891 = arith.constant 0 : i32
    %dma_wait3A_1892 = tpu.memref_slice %arg3[%dma_wait3A_1885, %dma_wait3A_1889, %dma_wait3A_1890, %dma_wait3A_1891] : memref<4x8x196x768xf32, #tpu.memory_space<vmem>> -> memref<1x8x196x768xf32, #tpu.memory_space<vmem>>
    %dma_wait3A_1893 = tpu.memref_squeeze %dma_wait3A_1892 : memref<1x8x196x768xf32, #tpu.memory_space<vmem>> -> memref<8x196x768xf32, #tpu.memory_space<vmem>>
    %dma_wait3A_1894 = arith.constant 240 : i32
    %dma_wait3A_1895 = arith.constant 0 : i32
    %dma_wait3A_1896 = arith.constant 0 : i32
    %dma_wait3A_1897 = tpu.memref_slice %arg0[%dma_wait3A_1894, %dma_wait3A_1895, %dma_wait3A_1896] : memref<256x196x768xf32, #tpu.memory_space<any>> -> memref<8x196x768xf32, #tpu.memory_space<any>>
    tpu.wait_dma2 semaphore(%dma_wait3A_1888 : memref<!tpu.dma_semaphore, #tpu.memory_space<semaphore_mem>>) src(%dma_wait3A_1897 : memref<8x196x768xf32, #tpu.memory_space<any>>) dst(%dma_wait3A_1893 : memref<8x196x768xf32, #tpu.memory_space<vmem>>)
    %get3A_1898 = arith.constant 2 : index
    %get3A_1899 = arith.constant 0 : index
    %get3A_1900 = arith.constant 0 : index
    %get3A_1901 = arith.constant 0 : index
    %get3A_1902 = vector.load %arg3[%get3A_1898, %get3A_1899, %get3A_1900, %get3A_1901] : memref<4x8x196x768xf32, #tpu.memory_space<vmem>>, vector<1x8x196x768xf32>
    %get3A_1903 = vector.shape_cast %get3A_1902 : vector<1x8x196x768xf32> to vector<8x196x768xf32>
    %reduce_sum3A_1904 = arith.constant dense<0.000000e+00> : vector<8x768xf32>
    %reduce_sum3A_1905 = vector.multi_reduction <add>, %get3A_1903, %reduce_sum3A_1904 [1] : vector<8x196x768xf32> to vector<8x768xf32>
    %swap3A_1906 = arith.constant 240 : index
    %swap3A_1907 = arith.constant 0 : index
    %swap3A_1908 = vector.load %arg2[%swap3A_1906, %swap3A_1907] : memref<256x768xf32, #tpu.memory_space<vmem>>, vector<8x768xf32>
    tpu.vector_store %arg2[%swap3A_1906, %swap3A_1907], %reduce_sum3A_1905 {strides = array<i32>} : memref<256x768xf32, #tpu.memory_space<vmem>>, vector<8x768xf32>,
    %dma_start3A_1909 = arith.constant 2 : i32
    %dma_start3A_1910 = arith.constant 2 : i32
    %dma_start3A_1911 = tpu.memref_slice %arg5[%dma_start3A_1910] : memref<4x!tpu.dma_semaphore, #tpu.memory_space<semaphore_mem>> -> memref<1x!tpu.dma_semaphore, #tpu.memory_space<semaphore_mem>>
    %dma_start3A_1912 = tpu.memref_squeeze %dma_start3A_1911 : memref<1x!tpu.dma_semaphore, #tpu.memory_space<semaphore_mem>> -> memref<!tpu.dma_semaphore, #tpu.memory_space<semaphore_mem>>
    %dma_start3A_1913 = arith.constant 240 : i32
    %dma_start3A_1914 = arith.constant 8 : i32
    %dma_start3A_1915 = arith.constant 0 : i32
    %dma_start3A_1916 = tpu.memref_slice %arg1[%dma_start3A_1913, %dma_start3A_1914, %dma_start3A_1915] : memref<256x204x768xf32, #tpu.memory_space<any>> -> memref<8x196x768xf32, #tpu.memory_space<any>>
    %dma_start3A_1917 = arith.constant 0 : i32
    %dma_start3A_1918 = arith.constant 0 : i32
    %dma_start3A_1919 = arith.constant 0 : i32
    %dma_start3A_1920 = tpu.memref_slice %arg3[%dma_start3A_1909, %dma_start3A_1917, %dma_start3A_1918, %dma_start3A_1919] : memref<4x8x196x768xf32, #tpu.memory_space<vmem>> -> memref<1x8x196x768xf32, #tpu.memory_space<vmem>>
    %dma_start3A_1921 = tpu.memref_squeeze %dma_start3A_1920 : memref<1x8x196x768xf32, #tpu.memory_space<vmem>> -> memref<8x196x768xf32, #tpu.memory_space<vmem>>
    tpu.enqueue_dma source(%dma_start3A_1921 : memref<8x196x768xf32, #tpu.memory_space<vmem>>) target(%dma_start3A_1916 : memref<8x196x768xf32, #tpu.memory_space<any>>) target_semaphore(%dma_start3A_1912 : memref<!tpu.dma_semaphore, #tpu.memory_space<semaphore_mem>>)
    %dma_wait3A_1922 = arith.constant 3 : i32
    %dma_wait3A_1923 = arith.constant 3 : i32
    %dma_wait3A_1924 = tpu.memref_slice %arg4[%dma_wait3A_1923] : memref<4x!tpu.dma_semaphore, #tpu.memory_space<semaphore_mem>> -> memref<1x!tpu.dma_semaphore, #tpu.memory_space<semaphore_mem>>
    %dma_wait3A_1925 = tpu.memref_squeeze %dma_wait3A_1924 : memref<1x!tpu.dma_semaphore, #tpu.memory_space<semaphore_mem>> -> memref<!tpu.dma_semaphore, #tpu.memory_space<semaphore_mem>>
    %dma_wait3A_1926 = arith.constant 0 : i32
    %dma_wait3A_1927 = arith.constant 0 : i32
    %dma_wait3A_1928 = arith.constant 0 : i32
    %dma_wait3A_1929 = tpu.memref_slice %arg3[%dma_wait3A_1922, %dma_wait3A_1926, %dma_wait3A_1927, %dma_wait3A_1928] : memref<4x8x196x768xf32, #tpu.memory_space<vmem>> -> memref<1x8x196x768xf32, #tpu.memory_space<vmem>>
    %dma_wait3A_1930 = tpu.memref_squeeze %dma_wait3A_1929 : memref<1x8x196x768xf32, #tpu.memory_space<vmem>> -> memref<8x196x768xf32, #tpu.memory_space<vmem>>
    %dma_wait3A_1931 = arith.constant 248 : i32
    %dma_wait3A_1932 = arith.constant 0 : i32
    %dma_wait3A_1933 = arith.constant 0 : i32
    %dma_wait3A_1934 = tpu.memref_slice %arg0[%dma_wait3A_1931, %dma_wait3A_1932, %dma_wait3A_1933] : memref<256x196x768xf32, #tpu.memory_space<any>> -> memref<8x196x768xf32, #tpu.memory_space<any>>
    tpu.wait_dma2 semaphore(%dma_wait3A_1925 : memref<!tpu.dma_semaphore, #tpu.memory_space<semaphore_mem>>) src(%dma_wait3A_1934 : memref<8x196x768xf32, #tpu.memory_space<any>>) dst(%dma_wait3A_1930 : memref<8x196x768xf32, #tpu.memory_space<vmem>>)
    %get3A_1935 = arith.constant 3 : index
    %get3A_1936 = arith.constant 0 : index
    %get3A_1937 = arith.constant 0 : index
    %get3A_1938 = arith.constant 0 : index
    %get3A_1939 = vector.load %arg3[%get3A_1935, %get3A_1936, %get3A_1937, %get3A_1938] : memref<4x8x196x768xf32, #tpu.memory_space<vmem>>, vector<1x8x196x768xf32>
    %get3A_1940 = vector.shape_cast %get3A_1939 : vector<1x8x196x768xf32> to vector<8x196x768xf32>
    %reduce_sum3A_1941 = arith.constant dense<0.000000e+00> : vector<8x768xf32>
    %reduce_sum3A_1942 = vector.multi_reduction <add>, %get3A_1940, %reduce_sum3A_1941 [1] : vector<8x196x768xf32> to vector<8x768xf32>
    %swap3A_1943 = arith.constant 248 : index
    %swap3A_1944 = arith.constant 0 : index
    %swap3A_1945 = vector.load %arg2[%swap3A_1943, %swap3A_1944] : memref<256x768xf32, #tpu.memory_space<vmem>>, vector<8x768xf32>
    tpu.vector_store %arg2[%swap3A_1943, %swap3A_1944], %reduce_sum3A_1942 {strides = array<i32>} : memref<256x768xf32, #tpu.memory_space<vmem>>, vector<8x768xf32>,
    %dma_start3A_1946 = arith.constant 3 : i32
    %dma_start3A_1947 = arith.constant 3 : i32
    %dma_start3A_1948 = tpu.memref_slice %arg5[%dma_start3A_1947] : memref<4x!tpu.dma_semaphore, #tpu.memory_space<semaphore_mem>> -> memref<1x!tpu.dma_semaphore, #tpu.memory_space<semaphore_mem>>
    %dma_start3A_1949 = tpu.memref_squeeze %dma_start3A_1948 : memref<1x!tpu.dma_semaphore, #tpu.memory_space<semaphore_mem>> -> memref<!tpu.dma_semaphore, #tpu.memory_space<semaphore_mem>>
    %dma_start3A_1950 = arith.constant 248 : i32
    %dma_start3A_1951 = arith.constant 8 : i32
    %dma_start3A_1952 = arith.constant 0 : i32
    %dma_start3A_1953 = tpu.memref_slice %arg1[%dma_start3A_1950, %dma_start3A_1951, %dma_start3A_1952] : memref<256x204x768xf32, #tpu.memory_space<any>> -> memref<8x196x768xf32, #tpu.memory_space<any>>
    %dma_start3A_1954 = arith.constant 0 : i32
    %dma_start3A_1955 = arith.constant 0 : i32
    %dma_start3A_1956 = arith.constant 0 : i32
    %dma_start3A_1957 = tpu.memref_slice %arg3[%dma_start3A_1946, %dma_start3A_1954, %dma_start3A_1955, %dma_start3A_1956] : memref<4x8x196x768xf32, #tpu.memory_space<vmem>> -> memref<1x8x196x768xf32, #tpu.memory_space<vmem>>
    %dma_start3A_1958 = tpu.memref_squeeze %dma_start3A_1957 : memref<1x8x196x768xf32, #tpu.memory_space<vmem>> -> memref<8x196x768xf32, #tpu.memory_space<vmem>>
    tpu.enqueue_dma source(%dma_start3A_1958 : memref<8x196x768xf32, #tpu.memory_space<vmem>>) target(%dma_start3A_1953 : memref<8x196x768xf32, #tpu.memory_space<any>>) target_semaphore(%dma_start3A_1949 : memref<!tpu.dma_semaphore, #tpu.memory_space<semaphore_mem>>)
    %dma_wait3A_1959 = arith.constant 0 : i32
    %dma_wait3A_1960 = arith.constant 0 : i32
    %dma_wait3A_1961 = tpu.memref_slice %arg5[%dma_wait3A_1960] : memref<4x!tpu.dma_semaphore, #tpu.memory_space<semaphore_mem>> -> memref<1x!tpu.dma_semaphore, #tpu.memory_space<semaphore_mem>>
    %dma_wait3A_1962 = tpu.memref_squeeze %dma_wait3A_1961 : memref<1x!tpu.dma_semaphore, #tpu.memory_space<semaphore_mem>> -> memref<!tpu.dma_semaphore, #tpu.memory_space<semaphore_mem>>
    %dma_wait3A_1963 = arith.constant 224 : i32
    %dma_wait3A_1964 = arith.constant 8 : i32
    %dma_wait3A_1965 = arith.constant 0 : i32
    %dma_wait3A_1966 = tpu.memref_slice %arg1[%dma_wait3A_1963, %dma_wait3A_1964, %dma_wait3A_1965] : memref<256x204x768xf32, #tpu.memory_space<any>> -> memref<8x196x768xf32, #tpu.memory_space<any>>
    %dma_wait3A_1967 = arith.constant 0 : i32
    %dma_wait3A_1968 = arith.constant 0 : i32
    %dma_wait3A_1969 = arith.constant 0 : i32
    %dma_wait3A_1970 = tpu.memref_slice %arg3[%dma_wait3A_1959, %dma_wait3A_1967, %dma_wait3A_1968, %dma_wait3A_1969] : memref<4x8x196x768xf32, #tpu.memory_space<vmem>> -> memref<1x8x196x768xf32, #tpu.memory_space<vmem>>
    %dma_wait3A_1971 = tpu.memref_squeeze %dma_wait3A_1970 : memref<1x8x196x768xf32, #tpu.memory_space<vmem>> -> memref<8x196x768xf32, #tpu.memory_space<vmem>>
    tpu.wait_dma2 semaphore(%dma_wait3A_1962 : memref<!tpu.dma_semaphore, #tpu.memory_space<semaphore_mem>>) src(%dma_wait3A_1971 : memref<8x196x768xf32, #tpu.memory_space<vmem>>) dst(%dma_wait3A_1966 : memref<8x196x768xf32, #tpu.memory_space<any>>)
    %dma_wait3A_1972 = arith.constant 1 : i32
    %dma_wait3A_1973 = arith.constant 1 : i32
    %dma_wait3A_1974 = tpu.memref_slice %arg5[%dma_wait3A_1973] : memref<4x!tpu.dma_semaphore, #tpu.memory_space<semaphore_mem>> -> memref<1x!tpu.dma_semaphore, #tpu.memory_space<semaphore_mem>>
    %dma_wait3A_1975 = tpu.memref_squeeze %dma_wait3A_1974 : memref<1x!tpu.dma_semaphore, #tpu.memory_space<semaphore_mem>> -> memref<!tpu.dma_semaphore, #tpu.memory_space<semaphore_mem>>
    %dma_wait3A_1976 = arith.constant 232 : i32
    %dma_wait3A_1977 = arith.constant 8 : i32
    %dma_wait3A_1978 = arith.constant 0 : i32
    %dma_wait3A_1979 = tpu.memref_slice %arg1[%dma_wait3A_1976, %dma_wait3A_1977, %dma_wait3A_1978] : memref<256x204x768xf32, #tpu.memory_space<any>> -> memref<8x196x768xf32, #tpu.memory_space<any>>
    %dma_wait3A_1980 = arith.constant 0 : i32
    %dma_wait3A_1981 = arith.constant 0 : i32
    %dma_wait3A_1982 = arith.constant 0 : i32
    %dma_wait3A_1983 = tpu.memref_slice %arg3[%dma_wait3A_1972, %dma_wait3A_1980, %dma_wait3A_1981, %dma_wait3A_1982] : memref<4x8x196x768xf32, #tpu.memory_space<vmem>> -> memref<1x8x196x768xf32, #tpu.memory_space<vmem>>
    %dma_wait3A_1984 = tpu.memref_squeeze %dma_wait3A_1983 : memref<1x8x196x768xf32, #tpu.memory_space<vmem>> -> memref<8x196x768xf32, #tpu.memory_space<vmem>>
    tpu.wait_dma2 semaphore(%dma_wait3A_1975 : memref<!tpu.dma_semaphore, #tpu.memory_space<semaphore_mem>>) src(%dma_wait3A_1984 : memref<8x196x768xf32, #tpu.memory_space<vmem>>) dst(%dma_wait3A_1979 : memref<8x196x768xf32, #tpu.memory_space<any>>)
    %dma_wait3A_1985 = arith.constant 2 : i32
    %dma_wait3A_1986 = arith.constant 2 : i32
    %dma_wait3A_1987 = tpu.memref_slice %arg5[%dma_wait3A_1986] : memref<4x!tpu.dma_semaphore, #tpu.memory_space<semaphore_mem>> -> memref<1x!tpu.dma_semaphore, #tpu.memory_space<semaphore_mem>>
    %dma_wait3A_1988 = tpu.memref_squeeze %dma_wait3A_1987 : memref<1x!tpu.dma_semaphore, #tpu.memory_space<semaphore_mem>> -> memref<!tpu.dma_semaphore, #tpu.memory_space<semaphore_mem>>
    %dma_wait3A_1989 = arith.constant 240 : i32
    %dma_wait3A_1990 = arith.constant 8 : i32
    %dma_wait3A_1991 = arith.constant 0 : i32
    %dma_wait3A_1992 = tpu.memref_slice %arg1[%dma_wait3A_1989, %dma_wait3A_1990, %dma_wait3A_1991] : memref<256x204x768xf32, #tpu.memory_space<any>> -> memref<8x196x768xf32, #tpu.memory_space<any>>
    %dma_wait3A_1993 = arith.constant 0 : i32
    %dma_wait3A_1994 = arith.constant 0 : i32
    %dma_wait3A_1995 = arith.constant 0 : i32
    %dma_wait3A_1996 = tpu.memref_slice %arg3[%dma_wait3A_1985, %dma_wait3A_1993, %dma_wait3A_1994, %dma_wait3A_1995] : memref<4x8x196x768xf32, #tpu.memory_space<vmem>> -> memref<1x8x196x768xf32, #tpu.memory_space<vmem>>
    %dma_wait3A_1997 = tpu.memref_squeeze %dma_wait3A_1996 : memref<1x8x196x768xf32, #tpu.memory_space<vmem>> -> memref<8x196x768xf32, #tpu.memory_space<vmem>>
    tpu.wait_dma2 semaphore(%dma_wait3A_1988 : memref<!tpu.dma_semaphore, #tpu.memory_space<semaphore_mem>>) src(%dma_wait3A_1997 : memref<8x196x768xf32, #tpu.memory_space<vmem>>) dst(%dma_wait3A_1992 : memref<8x196x768xf32, #tpu.memory_space<any>>)
    %dma_wait3A_1998 = arith.constant 3 : i32
    %dma_wait3A_1999 = arith.constant 3 : i32
    %dma_wait3A_2000 = tpu.memref_slice %arg5[%dma_wait3A_1999] : memref<4x!tpu.dma_semaphore, #tpu.memory_space<semaphore_mem>> -> memref<1x!tpu.dma_semaphore, #tpu.memory_space<semaphore_mem>>
    %dma_wait3A_2001 = tpu.memref_squeeze %dma_wait3A_2000 : memref<1x!tpu.dma_semaphore, #tpu.memory_space<semaphore_mem>> -> memref<!tpu.dma_semaphore, #tpu.memory_space<semaphore_mem>>
    %dma_wait3A_2002 = arith.constant 248 : i32
    %dma_wait3A_2003 = arith.constant 8 : i32
    %dma_wait3A_2004 = arith.constant 0 : i32
    %dma_wait3A_2005 = tpu.memref_slice %arg1[%dma_wait3A_2002, %dma_wait3A_2003, %dma_wait3A_2004] : memref<256x204x768xf32, #tpu.memory_space<any>> -> memref<8x196x768xf32, #tpu.memory_space<any>>
    %dma_wait3A_2006 = arith.constant 0 : i32
    %dma_wait3A_2007 = arith.constant 0 : i32
    %dma_wait3A_2008 = arith.constant 0 : i32
    %dma_wait3A_2009 = tpu.memref_slice %arg3[%dma_wait3A_1998, %dma_wait3A_2006, %dma_wait3A_2007, %dma_wait3A_2008] : memref<4x8x196x768xf32, #tpu.memory_space<vmem>> -> memref<1x8x196x768xf32, #tpu.memory_space<vmem>>
    %dma_wait3A_2010 = tpu.memref_squeeze %dma_wait3A_2009 : memref<1x8x196x768xf32, #tpu.memory_space<vmem>> -> memref<8x196x768xf32, #tpu.memory_space<vmem>>
    tpu.wait_dma2 semaphore(%dma_wait3A_2001 : memref<!tpu.dma_semaphore, #tpu.memory_space<semaphore_mem>>) src(%dma_wait3A_2010 : memref<8x196x768xf32, #tpu.memory_space<vmem>>) dst(%dma_wait3A_2005 : memref<8x196x768xf32, #tpu.memory_space<any>>)
    return
  }
}

</mosaic_0001>

<sc_bundles>
// kernel: kernel.5.cloned.1.call-start
scs
__scs_entry_jumppad:
0x0: {  	(pc) =	sbr.rel $0x88, $3  }
0x1: {  	(tag) =	ssettag $0x0;
	lr =	simm.s32 $0x1  }
0x2: {  	[smem:$0x3F9F] =	sst lr;
	_ =	strace $0xD0000000  }
0x3: {  	_ = 	snop  }
0x4: {  	_ = 	snop  }
0x5: {  	_ = 	snop  }
0x6: {  	_ = 	snop  }
0x7: {  	_ = 	snop  }
__scs_overlays_trampoline_lowered:
0x8: {  	[smem:$0x3FAE] =	sst s0  }
0x9: {  	[smem:$0x3FAF] =	sst s1  }
0xa: {  	[smem:$0x3FB0] =	sst s2  }
0xb: {  	[smem:$0x3FB1] =	sst s3  }
0xc: {  	[smem:$0x3FB2] =	sst s4  }
0xd: {  	[smem:$0x3FB3] =	sst s5  }
0xe: {  	[smem:$0x3FB4] =	sst s6  }
0xf: {  	[smem:$0x3FB5] =	sst s7  }
0x10: {  	[smem:$0x3FB6] =	sst s8  }
0x11: {  	[smem:$0x3FB7] =	sst s9;
	s0 =	simm.s32 @!p0 $0x0  }
0x12: {  	s1 =	sld [smem:$0x3F9D];
	s0 =	simm.s32 @p0 $0x1  }
0x13: {  	[smem:$0x3FB8] =	sst s0;
	s0 =	simm.s32 @!p1 $0x0  }
0x14: {  	s2 =	sld [smem:$0x3F9C];
	s0 =	simm.s32 @p1 $0x1  }
0x15: {  	[smem:$0x3FB9] =	sst s0;
	s0 =	simm.s32 @!p2 $0x0  }
0x16: {  	s3 =	sld [smem:$0x3FDB];
	s0 =	simm.s32 @p2 $0x1  }
0x17: {  	s4 =	simm.s32 $0x1BF5;
	[smem:$0x3FBB] =	sst s0  }
0x18: {  	s0 =	sld [smem:$0x3F9E];
	_ =	swait.ge [sflag:s4], $0x0  }
0x19: {  	s7 =	sld [smem:$0x3F9F]  }
0x1a: {  	s8 =	sadd.s32 $0xFFFFE003, lr  }
0x1b: {  	s9 =	sadd.s32 $0xFFFFFEF7, lr;
	s5 =	simm.s32 $0xFFFFFFFF;
	p2 =	slt.u32 s8, $0xFFFFF086  }
0x1c: {  	p1 =	slt.u32 s9, $0xF7A;
	s5 =	simm.s32 @!p2 $0x0  }
0x1d: {  	s5 =	simm.s32 @p1 $0x1;
	p0 =	seq.s32 s7, s2  }
0x1e: {  	s7 =	smul.u32 @!p0 $0xF7A, s2;
	p2 =	seq.s32 @!p0 s5, $0x0  }
0x1f: {  	s9 =	smul.u32 $0xF7A, s1;
	s8 =	simm.s32 @!p0 $0x1BF5;
	p2 =	por !p2, p0  }
0x20: {  	[sflag:s8] =	ssyncset.s32 @!p0 $0xFFFFF086;
	s6 =	sadd.s32 @!p0 s3, s7;
	s7 =	simm.s32 @!p0 $0x108  }
0x21: {  	s3 =	sadd.s32 s3, s9;
	s6 =	sadd.s32 @!p0 $0x88, s6;
	s7 =	simm.s32 @p2 $0x1082  }
0x22: {  	[simem:s7], [sflag:s8] =	dma.local @!p0 [hbm:s6], $0xF7A  }
0x23: {  	s9 =	sor.u32 $0xD0000000, s2;
	s6 =	simm.s32 $0x108;
	_ =	swait.ge @!p0 [sflag:s8], $0x0  }
0x24: {  	s3 =	sadd.s32 $0x88, s3;
	s6 =	simm.s32 @!p1 $0x1082;
	[sflag:s4] =	ssyncset.s32 $0xFFFFF086  }
0x25: {  	[simem:s6], [sflag:s4] =	dma.local [hbm:s3], $0xF7A  }
0x26: {  	[smem:$0x3F9F] =	sst s1;
	(tag) =	ssettag s2;
	_ =	strace s9  }
0x27: {  	s1 =	sld [smem:$0x3FAF]  }
0x28: {  	s2 =	sld [smem:$0x3FB0]  }
0x29: {  	s4 =	sld [smem:$0x3FB2]  }
0x2a: {  	p0 =	seq.s32 s5, $0x0;
	s5 =	sld [smem:$0x3FB3]  }
0x2b: {  	s6 =	sld [smem:$0x3FB4]  }
0x2c: {  	s7 =	sld [smem:$0x3FB5]  }
0x2d: {  	s3 =	simm.s32 $0x108;
	s8 =	sld [smem:$0x3FB6]  }
0x2e: {  	s3 =	simm.s32 @!p0 $0x1082;
	s9 =	sld [smem:$0x3FB7]  }
0x2f: {  	lr =	sadd.s32 s0, s3;
	s0 =	sld [smem:$0x3FAE]  }
0x30: {  	s3 =	sld [smem:$0x3FB1]  }
0x31: {  	[smem:$0x3FBA] =	sst s10  }
0x32: {  	s10 =	sld [smem:$0x3FB8];
	_ =	sdelay $0x3  }
0x33: {  	p0 =	seq.s32 s10, $0x1;
	s10 =	sld [smem:$0x3FBA];
	_ =	sdelay $0x3  }
0x34: {  	[smem:$0x3FBA] =	sst s10  }
0x35: {  	s10 =	sld [smem:$0x3FB9];
	_ =	sdelay $0x3  }
0x36: {  	p1 =	seq.s32 s10, $0x1;
	s10 =	sld [smem:$0x3FBA];
	_ =	sdelay $0x3  }
0x37: {  	[smem:$0x3FBA] =	sst s10  }
0x38: {  	s10 =	sld [smem:$0x3FBB]  }
0x39: {  	_ = 	snop;
	(pc) =	sbr.ind lr, $3  }
0x3a: {  	_ = 	snop  }
0x3b: {  	_ = 	snop  }
0x3c: {  	p2 =	seq.s32 s10, $0x1;
	s10 =	sld [smem:$0x3FBA]  }
0x3d: {  	_ =	shalt  }
0x3e: {  	_ =	shalt  }
0x3f: {  	_ =	shalt  }
0x40: {  	_ =	shalt  }
0x41: {  	_ =	shalt  }
0x42: {  	_ =	shalt  }
0x43: {  	_ =	shalt  }
0x44: {  	_ =	shalt  }
0x45: {  	_ =	shalt  }
0x46: {  	_ =	shalt  }
0x47: {  	_ =	shalt  }
0x48: {  	_ =	shalt  }
0x49: {  	_ =	shalt  }
0x4a: {  	_ =	shalt  }
0x4b: {  	_ =	shalt  }
0x4c: {  	_ =	shalt  }
0x4d: {  	_ =	shalt  }
0x4e: {  	_ =	shalt  }
0x4f: {  	_ =	shalt  }
0x50: {  	_ =	shalt  }
0x51: {  	_ =	shalt  }
0x52: {  	_ =	shalt  }
0x53: {  	_ =	shalt  }
0x54: {  	_ =	shalt  }
0x55: {  	_ =	shalt  }
0x56: {  	_ =	shalt  }
0x57: {  	_ =	shalt  }
0x58: {  	_ =	shalt  }
0x59: {  	_ =	shalt  }
0x5a: {  	_ =	shalt  }
0x5b: {  	_ =	shalt  }
0x5c: {  	_ =	shalt  }
0x5d: {  	_ =	shalt  }
0x5e: {  	_ =	shalt  }
0x5f: {  	_ =	shalt  }
0x60: {  	_ =	shalt  }
0x61: {  	_ =	shalt  }
0x62: {  	_ =	shalt  }
0x63: {  	_ =	shalt  }
0x64: {  	_ =	shalt  }
0x65: {  	_ =	shalt  }
0x66: {  	_ =	shalt  }
0x67: {  	_ =	shalt  }
0x68: {  	_ =	shalt  }
0x69: {  	_ =	shalt  }
0x6a: {  	_ =	shalt  }
0x6b: {  	_ =	shalt  }
0x6c: {  	_ =	shalt  }
0x6d: {  	_ =	shalt  }
0x6e: {  	_ =	shalt  }
0x6f: {  	_ =	shalt  }
0x70: {  	_ =	shalt  }
0x71: {  	_ =	shalt  }
0x72: {  	_ =	shalt  }
0x73: {  	_ =	shalt  }
0x74: {  	_ =	shalt  }
0x75: {  	_ =	shalt  }
0x76: {  	_ =	shalt  }
0x77: {  	_ =	shalt  }
0x78: {  	_ =	shalt  }
0x79: {  	_ =	shalt  }
0x7a: {  	_ =	shalt  }
0x7b: {  	_ =	shalt  }
0x7c: {  	_ =	shalt  }
0x7d: {  	_ =	shalt  }
0x7e: {  	_ =	shalt  }
0x7f: {  	_ =	shalt  }
0x80: {  	_ =	shalt  }
0x81: {  	_ =	shalt  }
0x82: {  	_ =	shalt  }
0x83: {  	_ =	shalt  }
0x84: {  	_ =	shalt  }
0x85: {  	_ =	shalt  }
0x86: {  	_ =	shalt  }
0x87: {  	_ =	shalt  }
.Lfunc_end0:
.L_simem_size_0:
called_computation_lowered:
.L_overlay_start_0:
0x88: {  	s2 =	sld [smem:$0x3FD9]  }
0x89: {  	s3 =	sld [smem:$0x3FFE];
	_ =	sdelay $0x1  }
0x8a: {  	s1 =	srdreg.scid  }
0x8b: {  	s0 =	sand.u32 $0x1, s1  }
0x8c: {  	s17 =	sshll.u32 s0, $0xA;
	s2 =	sadd.s32 s3, s2  }
0x8d: {  	s2 =	sadd.s32 s2, s17  }
0x8e: {  	[smem:$0x3FC6] =	sst s2  }
0x8f: {  	_ = 	snop  }
0x90: {  	s2 =	sld [smem:$0x3FC8];
	(tm) =	ssettm $0x1  }
0x91: {  	s18 =	sld [smem:$0x3FFB];
	_ =	sdelay $0x3  }
0x92: {  	_ =	strace s18  }
0x93: {  	s3 =	sld [smem:$0x3FFC];
	_ =	sdelay $0x3  }
0x94: {  	_ =	strace s3  }
0x95: {  	s3 =	sld [smem:$0x3FFD];
	_ =	sdelay $0x3  }
0x96: {  	_ =	strace s3  }
0x97: {  	_ =	strace $0x8FFFFFFF  }
0x98: {  	s19 =	sld [smem:$0x3FDB];
	_ =	sdelay $0x1  }
0x99: {  	s4 =	simm.s32 $_scs_section_size  }
0x9a: {  	s5 =	simm.s32 $_size__tile_overlayer_lowered;
	s6 =	simm.s32 $_tile_overlayer_lowered  }
0x9b: {  	s22 =	simm.s32 $0x1BFF;
	s21 =	sshll.u32 s6, $0x1;
	s3 =	sadd.s32 s4, s19  }
0x9c: {  	s7 =	simm.s32 $0x0;
	s20 =	sshll.u32 s5, $0x1;
	s5 =	sadd.s32 s21, s3  }
0x9d: {  	[timem:s7], [sflag:s22] =	dma.local [hbm:s5], s20  }
0x9e: {  	_ =	swait.ge [sflag:s22], s20  }
0x9f: {  	s4 =	ssub.s32 $0x0, s20;
	[sflag:s22] =	ssyncset.done $0x0  }
0xa0: {  	[sflag:s22] =	ssyncadd.s32 s4;
	_ =	sdelay $0x1  }
0xa1: {  	s23 =	simm.s32 $0x1B8B  }
0xa2: {  	_ =	swait.ge [sflag:s23], $0x1  }
0xa3: {  	[sflag:s23] =	ssyncset.done $0x0  }
0xa4: {  	s25 =	simm.s32 $0x1B8E;
	s24 =	sld [smem:$0x3FFE];
	[sflag:s23] =	ssyncadd.s32 $0xFFFFFFFF  }
0xa5: {  	s26 =	simm.s32 $execute0_lowered;
	[smem:$0x3FD2] =	sst s25  }
0xa6: {  	s5 =	sshll.u32 s26, $0x1;
	_ =	strace $0x80000046;
	[dreg:$0x1] =	wrdreg $0xFFFFFFFF  }
0xa7: {  	s28 =	simm.s32 $_size_execute0_lowered;
	s3 =	sadd.s32 s3, s5;
	[dreg:$0x0] =	wrdreg $0x0  }
0xa8: {  	s5 =	sshll.u32 s28, $0x1;
	[dreg:$0x2] =	wrdreg s3  }
0xa9: {  	[dreg:$0x3] =	wrdreg s5  }
0xaa: {  	[dreg:$0x4] =	wrdreg $0xC0  }
0xab: {  	_ =	task [dreg:s7], $0x5FFFF  }
0xac: {  	[dreg:$0x1] =	wrdreg $0xFFFFFFFF  }
0xad: {  	[dreg:$0x0] =	wrdreg $0x60  }
0xae: {  	[dreg:$0x2] =	wrdreg s24  }
0xaf: {  	[dreg:$0x3] =	wrdreg s2  }
0xb0: {  	[dreg:$0x4] =	wrdreg $0x9  }
0xb1: {  	_ =	task.clear_ibuf [dreg:s7], $0x5FFFF;
	_ =	strace $0x90000046  }
0xb2: {  	s29 =	simm.s32 $0x9;
	_ =	strace $0x80000048  }
0xb3: {  	_ =	swait.ge [sflag:s29], $0x1  }
0xb4: {  	[sflag:s29] =	ssyncadd.s32 $0xFFFFFFFF  }
0xb5: {  	_ =	strace $0x90000048  }
0xb6: {  	_ =	sfence  }
0xb7: {  	s30 =	sld [smem:$0x0];
	_ =	sdelay $0x2  }
0xb8: {  	s31 =	sshll.u32 s1, $0xD;
	s1 =	sshrl.u32 s1, $0x2  }
0xb9: {  	s3 =	sand.u32 $0x4000, s31;
	s1 =	sadd.s32 s1, s30  }
0xba: {  	s0 =	sor.u32 s3, s0;
	s1 =	sshll.u32 s1, $0x11  }
0xbb: {  	s0 =	sor.u32 s1, s0  }
0xbc: {  	s0 =	sadd.s32 $0x8F2B, s0  }
0xbd: {  	[sflag:s0] =	ssyncadd.remote.s32 $0x1  }
0xbe: {  	_ =	sfence.sel $0xFFFF  }
0xbf: {  	[dreg:$0x0] =	wrdreg $0xFFFFFFFF;
	(pc) =	sbr.abs _section_cstart, $3  }
0xc0: {  	[dreg:$0x1] =	wrdreg $0xFFFFFFFF  }
0xc1: {  	_ =	task.clear_ibuf [dreg:s7], $0x2FFFF;
	_ =	strace $0x9FFFFFFF  }
0xc2: {  	(tm) =	ssettm $0x7FFFFFFF  }
0xc3: {  	_ =	shalt  }
tec
execute0_lowered:
.L_overlay_start_1:
0x0: {  	(tag) =	ssettag $0x1  }
0x1: {  	s1 =	rddreg [dreg:$0x0];
	s3 =	srdreg.scid  }
0x2: {  	s0 =	stileid.u32;
	s2 =	rddreg [dreg:$0x1];
	s18 =	simm.s32 $0x880  }
0x3: {  	s19 =	simm.s32 $0x1080;
	s20 =	simm.s32 $0x2080;
	s21 =	simm.s32 $0x2880  }
0x4: {  	s22 =	simm.s32 $0x3880;
	s4 =	sand.u32 $0x1, s3;
	s3 =	simm.s32 $0x0  }
0x5: {  	s8 =	simm.s32 $0x80;
	s23 =	simm.s32 $0x4080;
	[smem:$0x7FF] =	sst s3  }
0x6: {  	s9 =	simm.s32 $0x1880;
	_ =	strace $0x80000047;
	[dreg:$0xc] =	wrdreg s18  }
0x7: {  	s24 =	simm.s32 $0x5080;
	s10 =	simm.s32 $0x3080;
	[dreg:$0xd] =	wrdreg s19  }
0x8: {  	s25 =	simm.s32 $0x5880;
	s26 =	simm.s32 $0x6880;
	[dreg:$0xe] =	wrdreg s20  }
0x9: {  	s28 =	simm.s32 $0x6;
	s29 =	simm.s32 $0x7;
	[dreg:$0xf] =	wrdreg s21  }
0xa: {  	s30 =	simm.s32 $0x8;
	s5 =	sshll.u32 s0, $0x1;
	[dreg:$0x10] =	wrdreg s22  }
0xb: {  	s31 =	simm.s32 $0x9;
	s5 =	sor.u32 s4, s5;
	[dreg:$0x11] =	wrdreg s23  }
0xc: {  	s4 =	ssub.s32 $0x2, s4;
	s7 =	smul.u32 $0x138000, s5;
	[dreg:$0x12] =	wrdreg s24  }
0xd: {  	s6 =	sshll.u32 s5, $0x3;
	s5 =	smul.u32 $0x27000, s5;
	[dreg:$0x13] =	wrdreg s25  }
0xe: {  	s17 =	sshrl.u32 s4, $0x1;
	[dreg:$0x14] =	wrdreg s26;
	s18 =	simm.s32 $0x9880  }
0xf: {  	s19 =	simm.s32 $0xA080;
	s20 =	simm.s32 $0xA880;
	s21 =	simm.s32 $0xB080  }
0x10: {  	s22 =	simm.s32 $0xB880;
	s23 =	simm.s32 $0x2;
	s6 =	sadd.s32 s6, s1  }
0x11: {  	s1 =	sadd.s32 $0xC00, s1;
	s6 =	sadd.s32 $0x4E0C00, s6;
	s7 =	sshrl.u32 s7, $0x3  }
0x12: {  	s5 =	sadd.s32 s1, s5;
	[dreg:$0x3] =	wrdreg s6;
	s1 =	sadd.s32 s1, s7  }
0x13: {  	s24 =	simm.s32 $0x3;
	[dreg:$0x4] =	wrdreg s5;
	s11 =	sadd.s32 $0x4E00, s1  }
0x14: {  	s25 =	simm.s32 $0x4;
	s12 =	sadd.s32 $0x9C00, s1;
	[dreg:$0x5] =	wrdreg s11  }
0x15: {  	s26 =	simm.s32 $0x5;
	s13 =	sadd.s32 $0xEA00, s1;
	[dreg:$0x6] =	wrdreg s12  }
0x16: {  	s6 =	ssub.s32 s4, s17;
	s14 =	sadd.s32 $0x13800, s1;
	[dreg:$0x7] =	wrdreg s13  }
0x17: {  	s4 =	sadd.s32 $0x100, s2;
	s15 =	sadd.s32 $0x18600, s1;
	[dreg:$0x8] =	wrdreg s14  }
0x18: {  	s5 =	sadd.s32 $0x200, s2;
	s16 =	sadd.s32 $0x1D400, s1;
	[dreg:$0x9] =	wrdreg s15  }
0x19: {  	s7 =	simm.s32 $0x1;
	s1 =	sadd.s32 $0x22200, s1;
	[dreg:$0xa] =	wrdreg s16  }
0x1a: {  	v2 =	vlaneseq.u32;
	s17 =	simm.s32 $0x9080;
	s6 =	smax.u32 s6, $0x1;
	[dreg:$0xb] =	wrdreg s1  }
0x1b: {  	vm0 =	vmmov $0xffff;
	v1 =	vshrl.u32 v2, $0x3;
	s11 =	simm.s32 $0x4880;
	s12 =	simm.s32 $0x6080;
	s14 =	simm.s32 $0x7880  }
0x1c: {  	v0 =	vand.u32 $0x7, v2;
	v2 =	vor.u32 $0x8, v2;
	v1 =	vmul.u32 $0x8, v1;
	s15 =	simm.s32 $0x8080;
	s16 =	simm.s32 $0x8880;
	s1 =	simm.s32 $0xA  }
.LBB2_1:
0x1d: {  	s0 =	rddreg [dreg:$0x3]  }
0x1e: {  	[tilespmem:s3], [sflag:$0x1] =	stream.linear.gather [hbm4b:s0+s3], $0x40, $0x38;
	[tilespmem:$0xC080] =	vst v63  }
0x1f: {  	_ =	swait.ge [sflag:s7], $0x40  }
0x20: {  	[sflag:s7] =	ssyncset.done $0x0  }
0x21: {  	[sflag:s7] =	ssyncadd.s32 $0xFFFFFFC0  }
0x22: {  	v3 =	vld [tilespmem:$0x0];
	_ =	sdelay $0x4  }
0x23: {  	v4 =	vshrl.u32 v3, $0x3  }
0x24: {  	v4 =	vmul.u32 $0x30, v4  }
0x25: {  	v3 =	vand.u32 $0x7, v3  }
0x26: {  	v3 =	vor.u32 v3, v4  }
0x27: {  	v4 =	vperm.xlane v3, v0;
	_ =	sdelay $0x1  }
0x28: {  	v4 =	vadd.s32 v1, v4;
	_ =	sdelay $0x3  }
0x29: {  	v3 =	vperm.xlane v3, v2  }
0x2a: {  	[tilespmem:s8], [sflag:$0x2] =	stream.indirect_vreg.gather [hbm4b:s2+s3], $0x80, v4, vm0, $0xb8;
	[tilespmem:$0xC080] =	vst v63  }
0x2b: {  	s0 =	rddreg [dreg:$0xc];
	v3 =	vadd.s32 v1, v3  }
0x2c: {  	[tilespmem:s0], [sflag:$0x2] =	stream.indirect_vreg.gather [hbm4b:s4+s3], $0x80, v4, vm0, $0xb8;
	[tilespmem:$0xC080] =	vst v63  }
0x2d: {  	s13 =	rddreg [dreg:$0xd]  }
0x2e: {  	[tilespmem:s13], [sflag:$0x2] =	stream.indirect_vreg.gather [hbm4b:s5+s3], $0x80, v4, vm0, $0xb8;
	[tilespmem:$0xC080] =	vst v63  }
0x2f: {  	_ = 	snop  }
0x30: {  	[tilespmem:s9], [sflag:$0x2] =	stream.indirect_vreg.gather [hbm4b:s2+s3], $0x80, v3, vm0, $0xb8;
	[tilespmem:$0xC080] =	vst v63  }
0x31: {  	s0 =	rddreg [dreg:$0xe]  }
0x32: {  	[tilespmem:s0], [sflag:$0x2] =	stream.indirect_vreg.gather [hbm4b:s4+s3], $0x80, v3, vm0, $0xb8;
	[tilespmem:$0xC080] =	vst v63  }
0x33: {  	s13 =	rddreg [dreg:$0xf]  }
0x34: {  	[tilespmem:s13], [sflag:$0x2] =	stream.indirect_vreg.gather [hbm4b:s5+s3], $0x80, v3, vm0, $0xb8;
	[tilespmem:$0xC080] =	vst v63  }
0x35: {  	v3 =	vld [tilespmem:$0x10];
	_ =	sdelay $0x4  }
0x36: {  	v61 =	vshrl.u32 v3, $0x3  }
0x37: {  	v4 =	vmul.u32 $0x30, v61  }
0x38: {  	v3 =	vand.u32 $0x7, v3  }
0x39: {  	v3 =	vor.u32 v3, v4  }
0x3a: {  	v4 =	vperm.xlane v3, v0;
	_ =	sdelay $0x1  }
0x3b: {  	v4 =	vadd.s32 v1, v4;
	_ =	sdelay $0x3  }
0x3c: {  	v3 =	vperm.xlane v3, v2  }
0x3d: {  	[tilespmem:s10], [sflag:$0x2] =	stream.indirect_vreg.gather [hbm4b:s2+s3], $0x80, v4, vm0, $0xb8;
	[tilespmem:$0xC080] =	vst v63  }
0x3e: {  	s0 =	rddreg [dreg:$0x10];
	v3 =	vadd.s32 v1, v3  }
0x3f: {  	[tilespmem:s0], [sflag:$0x2] =	stream.indirect_vreg.gather [hbm4b:s4+s3], $0x80, v4, vm0, $0xb8;
	[tilespmem:$0xC080] =	vst v63  }
0x40: {  	s13 =	rddreg [dreg:$0x11]  }
0x41: {  	[tilespmem:s13], [sflag:$0x2] =	stream.indirect_vreg.gather [hbm4b:s5+s3], $0x80, v4, vm0, $0xb8;
	[tilespmem:$0xC080] =	vst v63  }
0x42: {  	_ = 	snop  }
0x43: {  	[tilespmem:s11], [sflag:$0x2] =	stream.indirect_vreg.gather [hbm4b:s2+s3], $0x80, v3, vm0, $0xb8;
	[tilespmem:$0xC080] =	vst v63  }
0x44: {  	s0 =	rddreg [dreg:$0x12]  }
0x45: {  	[tilespmem:s0], [sflag:$0x2] =	stream.indirect_vreg.gather [hbm4b:s4+s3], $0x80, v3, vm0, $0xb8;
	[tilespmem:$0xC080] =	vst v63  }
0x46: {  	s13 =	rddreg [dreg:$0x13]  }
0x47: {  	[tilespmem:s13], [sflag:$0x2] =	stream.indirect_vreg.gather [hbm4b:s5+s3], $0x80, v3, vm0, $0xb8;
	[tilespmem:$0xC080] =	vst v63  }
0x48: {  	v3 =	vld [tilespmem:$0x20];
	_ =	sdelay $0x4  }
0x49: {  	v62 =	vshrl.u32 v3, $0x3  }
0x4a: {  	v4 =	vmul.u32 $0x30, v62  }
0x4b: {  	v3 =	vand.u32 $0x7, v3  }
0x4c: {  	v3 =	vor.u32 v3, v4  }
0x4d: {  	v4 =	vperm.xlane v3, v0;
	_ =	sdelay $0x1  }
0x4e: {  	v4 =	vadd.s32 v1, v4;
	_ =	sdelay $0x3  }
0x4f: {  	v3 =	vperm.xlane v3, v2  }
0x50: {  	[tilespmem:s12], [sflag:$0x2] =	stream.indirect_vreg.gather [hbm4b:s2+s3], $0x80, v4, vm0, $0xb8;
	[tilespmem:$0xC080] =	vst v63  }
0x51: {  	s13 =	rddreg [dreg:$0x14];
	v3 =	vadd.s32 v1, v3  }
0x52: {  	[tilespmem:s13], [sflag:$0x2] =	stream.indirect_vreg.gather [hbm4b:s4+s3], $0x80, v4, vm0, $0xb8;
	[tilespmem:$0xC080] =	vst v63  }
0x53: {  	s13 =	simm.s32 $0x7080  }
0x54: {  	[tilespmem:s13], [sflag:$0x2] =	stream.indirect_vreg.gather [hbm4b:s5+s3], $0x80, v4, vm0, $0xb8;
	[tilespmem:$0xC080] =	vst v63  }
0x55: {  	_ = 	snop  }
0x56: {  	[tilespmem:s14], [sflag:$0x2] =	stream.indirect_vreg.gather [hbm4b:s2+s3], $0x80, v3, vm0, $0xb8;
	[tilespmem:$0xC080] =	vst v63  }
0x57: {  	_ = 	snop  }
0x58: {  	[tilespmem:s15], [sflag:$0x2] =	stream.indirect_vreg.gather [hbm4b:s4+s3], $0x80, v3, vm0, $0xb8;
	[tilespmem:$0xC080] =	vst v63  }
0x59: {  	_ = 	snop  }
0x5a: {  	[tilespmem:s16], [sflag:$0x2] =	stream.indirect_vreg.gather [hbm4b:s5+s3], $0x80, v3, vm0, $0xb8;
	[tilespmem:$0xC080] =	vst v63  }
0x5b: {  	v3 =	vld [tilespmem:$0x30];
	_ =	sdelay $0x4  }
0x5c: {  	v63 =	vshrl.u32 v3, $0x3  }
0x5d: {  	v4 =	vmul.u32 $0x30, v63  }
0x5e: {  	v3 =	vand.u32 $0x7, v3  }
0x5f: {  	v3 =	vor.u32 v3, v4  }
0x60: {  	v4 =	vperm.xlane v3, v0;
	_ =	sdelay $0x1  }
0x61: {  	v4 =	vadd.s32 v1, v4;
	_ =	sdelay $0x3  }
0x62: {  	v3 =	vperm.xlane v3, v2  }
0x63: {  	[tilespmem:s17], [sflag:$0x2] =	stream.indirect_vreg.gather [hbm4b:s2+s3], $0x80, v4, vm0, $0xb8;
	[tilespmem:$0xC080] =	vst v63  }
0x64: {  	v3 =	vadd.s32 v1, v3  }
0x65: {  	[tilespmem:s18], [sflag:$0x2] =	stream.indirect_vreg.gather [hbm4b:s4+s3], $0x80, v4, vm0, $0xb8;
	[tilespmem:$0xC080] =	vst v63  }
0x66: {  	_ = 	snop  }
0x67: {  	[tilespmem:s19], [sflag:$0x2] =	stream.indirect_vreg.gather [hbm4b:s5+s3], $0x80, v4, vm0, $0xb8;
	[tilespmem:$0xC080] =	vst v63  }
0x68: {  	_ = 	snop  }
0x69: {  	[tilespmem:s20], [sflag:$0x2] =	stream.indirect_vreg.gather [hbm4b:s2+s3], $0x80, v3, vm0, $0xb8;
	[tilespmem:$0xC080] =	vst v63  }
0x6a: {  	_ = 	snop  }
0x6b: {  	[tilespmem:s21], [sflag:$0x2] =	stream.indirect_vreg.gather [hbm4b:s4+s3], $0x80, v3, vm0, $0xb8;
	[tilespmem:$0xC080] =	vst v63  }
0x6c: {  	_ = 	snop  }
0x6d: {  	[tilespmem:s22], [sflag:$0x2] =	stream.indirect_vreg.gather [hbm4b:s5+s3], $0x80, v3, vm0, $0xb8;
	[tilespmem:$0xC080] =	vst v63  }
0x6e: {  	_ =	swait.ge [sflag:s23], $0xC000  }
0x6f: {  	[sflag:s23] =	ssyncset.done $0x0  }
0x70: {  	s0 =	rddreg [dreg:$0x4];
	[sflag:s23] =	ssyncadd.s32 $0xFFFF4000  }
0x71: {  	[hbm4b:s0+s3] =	stream.linear.scatter [tilespmem:s8], [sflag:$0x3], $0x1800, $0x38;
	[tilespmem:$0xC080] =	vst v63  }
0x72: {  	s13 =	rddreg [dreg:$0x5]  }
0x73: {  	[hbm4b:s13+s3] =	stream.linear.scatter [tilespmem:s9], [sflag:$0x4], $0x1800, $0x38;
	[tilespmem:$0xC080] =	vst v63  }
0x74: {  	s0 =	rddreg [dreg:$0x6]  }
0x75: {  	[hbm4b:s0+s3] =	stream.linear.scatter [tilespmem:s10], [sflag:$0x5], $0x1800, $0x38;
	[tilespmem:$0xC080] =	vst v63  }
0x76: {  	s13 =	rddreg [dreg:$0x7]  }
0x77: {  	[hbm4b:s13+s3] =	stream.linear.scatter [tilespmem:s11], [sflag:$0x6], $0x1800, $0x38;
	[tilespmem:$0xC080] =	vst v63  }
0x78: {  	s0 =	rddreg [dreg:$0x8]  }
0x79: {  	[hbm4b:s0+s3] =	stream.linear.scatter [tilespmem:s12], [sflag:$0x7], $0x1800, $0x38;
	[tilespmem:$0xC080] =	vst v63  }
0x7a: {  	s13 =	rddreg [dreg:$0x9]  }
0x7b: {  	[hbm4b:s13+s3] =	stream.linear.scatter [tilespmem:s14], [sflag:$0x8], $0x1800, $0x38;
	[tilespmem:$0xC080] =	vst v63  }
0x7c: {  	s0 =	rddreg [dreg:$0xa]  }
0x7d: {  	[hbm4b:s0+s3] =	stream.linear.scatter [tilespmem:s17], [sflag:$0x9], $0x1800, $0x38;
	[tilespmem:$0xC080] =	vst v63  }
0x7e: {  	s13 =	rddreg [dreg:$0xb]  }
0x7f: {  	[hbm4b:s13+s3] =	stream.linear.scatter [tilespmem:s20], [sflag:$0xA], $0x1800, $0x38;
	[tilespmem:$0xC080] =	vst v63  }
0x80: {  	_ =	swait.ge [sflag:s24], $0x1800  }
0x81: {  	[sflag:s24] =	ssyncset.done $0x0  }
0x82: {  	[sflag:s24] =	ssyncadd.s32 $0xFFFFE800  }
0x83: {  	_ =	swait.ge [sflag:s25], $0x1800  }
0x84: {  	[sflag:s25] =	ssyncset.done $0x0  }
0x85: {  	[sflag:s25] =	ssyncadd.s32 $0xFFFFE800  }
0x86: {  	_ =	swait.ge [sflag:s26], $0x1800  }
0x87: {  	[sflag:s26] =	ssyncset.done $0x0  }
0x88: {  	[sflag:s26] =	ssyncadd.s32 $0xFFFFE800  }
0x89: {  	_ =	swait.ge [sflag:s28], $0x1800  }
0x8a: {  	[sflag:s28] =	ssyncset.done $0x0  }
0x8b: {  	[sflag:s28] =	ssyncadd.s32 $0xFFFFE800  }
0x8c: {  	_ =	swait.ge [sflag:s29], $0x1800  }
0x8d: {  	[sflag:s29] =	ssyncset.done $0x0  }
0x8e: {  	[sflag:s29] =	ssyncadd.s32 $0xFFFFE800  }
0x8f: {  	_ =	swait.ge [sflag:s30], $0x1800  }
0x90: {  	[sflag:s30] =	ssyncset.done $0x0  }
0x91: {  	[sflag:s30] =	ssyncadd.s32 $0xFFFFE800  }
0x92: {  	p0 =	sne.s32 s6, $0x1;
	_ =	swait.ge [sflag:s31], $0x1800  }
.Ltmp0:
0x93: {  	[sflag:s31] =	ssyncset.done $0x0;
	(pc) =	sbr.rel @p0 .LBB2_1-.Ltmp0, $4  }
0x94: {  	[sflag:s31] =	ssyncadd.s32 $0xFFFFE800  }
0x95: {  	_ =	swait.ge [sflag:s1], $0x1800  }
0x96: {  	[sflag:s1] =	ssyncset.done $0x0  }
0x97: {  	s6 =	sadd.s32 $0xFFFFFFFF, s6;
	[sflag:s1] =	ssyncadd.s32 $0xFFFFE800  }
0x98: {  	_ =	sfence.sel $0x180000  }
0x99: {  	[bflag:$0x0] =	sbarrier.arrive $0xFFFF  }
0x9a: {  	_ =	strace $0x90000047  }
0x9b: {  	s0 =	stileid.u32;
	[bflag:$0x2] =	sbarrier.arrive $0xFFFF  }
0x9c: {  	p0 =	sne.s32 s0, $0x0;
	s0 =	rddreg [dreg:$0x2]  }
0x9d: {  	s0 =	sadd.s32 @!p0 $0x100000, s0  }
0x9e: {  	[sflag:s0] =	ssyncadd.tile.s32 @!p0 $0x1;
	_ =	shalt  }
.Lfunc_end2:
_tile_overlayer_lowered:
.L_overlay_start_2:
0x9f: {  	(tag) =	ssettag $0x2  }
0xa0: {  	s0 =	rddreg [dreg:$0x0];
	s2 =	stileid.u32  }
0xa1: {  	s1 =	rddreg [dreg:$0x1];
	p0 =	sne.s32 s2, $0x0  }
0xa2: {  	s3 =	rddreg [dreg:$0x2];
	[bflag:$0x3] =	sbarrier.arrive $0xFFFF;
	s2 =	simm.s32 @!p0 $0x1C0B  }
0xa3: {  	[timem:s3], [sflag:s2] =	dma.local @!p0 [hbm:s0], s1  }
0xa4: {  	s0 =	simm.s32 @!p0 $0xB  }
0xa5: {  	_ =	swait.ge @!p0 [sflag:s0], s1  }
0xa6: {  	s1 =	ssub.s32 @!p0 $0x0, s1;
	[sflag:s0] =	ssyncset.done @!p0 $0x0  }
0xa7: {  	[sflag:s0] =	ssyncadd.s32 @!p0 s1  }
0xa8: {  	[bflag:$0x3] =	sbarrier.arrive $0xFFFF  }
0xa9: {  	_ =	shalt  }

</sc_bundles>
